<compile_context>
chip_gen: v7x
topology: tpu7x:2x2x1
jax: 0.10.2.dev20260603
libtpu: 0.0.44.dev20260713+nightly
codegen_flags: <defaults>
</compile_context>

<pallas_src>
import functools

import jax
import jax.numpy as jnp
from jax import lax
from jax.experimental import pallas as pl
from jax.experimental.pallas import tpu as pltpu
from jax.experimental.pallas import tpu_sc as plsc

N = 100000
E = 1600000
B = 128
NUM_SHAPES = 16
NUM_COLORS = 16
NUM_CLASSES = 8
EMB = 16
HID = 32

BN = 3584
NPAD = 100352
NB = NPAD // BN
ROWS_PT = NPAD // 16

NSUB = 16
CH = 128
SUP = 8
NSUP = 98
EPT = NSUP * SUP * CH
EP = EPT * NSUB
ER = EP // (SUP * CH)

_F32 = jnp.float32
_I32 = jnp.int32


def _make_edge_pass(with_deg: bool):
    outs = [jax.ShapeDtypeStruct((2, NPAD, 16), _F32)]
    scratch = [
        pltpu.VMEM((3, SUP, CH), _I32),
        pltpu.VMEM((3, SUP, CH), _I32),
        pltpu.VMEM((SUP, CH, 16), _F32),
        pltpu.VMEM_SHARED((NPAD, 16), _F32),
        pltpu.SemaphoreType.DMA,
    ] + [pltpu.SemaphoreType.DMA] * SUP
    if with_deg:
        outs.append(jax.ShapeDtypeStruct((2, NPAD), _F32))
        scratch += [
            pltpu.VMEM((CH,), _F32),
            pltpu.VMEM_SHARED((NPAD,), _F32),
            pltpu.SemaphoreType.DMA,
        ]

    def body(*refs):
        if with_deg:
            (src_h, dst_h, m_h, zc_h, zd_h, s_out, deg_out,
             srcb, dstb, rows, acc_sh, sem_g, *rest) = refs
            sem_s = rest[:SUP]
            ones_v, deg_sh, sem_d = rest[SUP:]
        else:
            (src_h, dst_h, m_h, zc_h, s_out,
             srcb, dstb, rows, acc_sh, sem_g, *sem_s) = refs
        c = lax.axis_index("c")
        s = lax.axis_index("s")
        r0 = s * ROWS_PT

        pltpu.sync_copy(zc_h, acc_sh.at[pl.ds(r0, ROWS_PT)])
        if with_deg:
            pltpu.sync_copy(zd_h, deg_sh.at[pl.ds(r0, ROWS_PT)])
            for j in range(CH // 16):
                ones_v[pl.ds(j * 16, 16)] = jnp.ones((16,), _F32)
        plsc.subcore_barrier()

        crow0 = s * NSUP
        mt = m_h.at[c]
        pltpu.sync_copy(src_h.at[crow0], srcb.at[0])
        pltpu.sync_copy(dst_h.at[crow0], dstb.at[0])

        def sup_body(sup, carry):
            b = lax.rem(sup, 3)
            gs = []
            for j in range(SUP):
                @pl.when(sup > 0)
                def _(j=j):
                    pltpu.make_async_copy(mt.at[pl.ds(j * CH, CH)],
                                          rows.at[j], sem_s[j]).wait()
                gs.append(pltpu.async_copy(mt.at[srcb.at[b, j]], rows.at[j],
                                           sem_g))

            if with_deg:
                @pl.when(sup > 0)
                def _():
                    for _ in range(SUP // 2):
                        pltpu.make_async_copy(zd_h.at[pl.ds(0, CH)],
                                              ones_v, sem_d).wait()

                @pl.when(c == 0)
                def _():
                    for j in range(SUP // 2):
                        pltpu.async_copy(ones_v, deg_sh.at[dstb.at[b, j]],
                                         sem_d, add=True)

                @pl.when(c != 0)
                def _():
                    for j in range(SUP // 2, SUP):
                        pltpu.async_copy(ones_v, deg_sh.at[dstb.at[b, j]],
                                         sem_d, add=True)

            @pl.when(sup + 1 < NSUP)
            def _():
                nb = lax.rem(sup + 1, 3)
                nrow = crow0 + sup + 1
                pltpu.sync_copy(src_h.at[nrow], srcb.at[nb])
                pltpu.sync_copy(dst_h.at[nrow], dstb.at[nb])

            for j in range(SUP):
                gs[j].wait()
                pltpu.async_copy(rows.at[j], acc_sh.at[dstb.at[b, j]],
                                 sem_s[j], add=True)
            return carry

        lax.fori_loop(0, NSUP, sup_body, 0)
        for j in range(SUP):
            pltpu.make_async_copy(mt.at[pl.ds(j * CH, CH)],
                                  rows.at[j], sem_s[j]).wait()
        if with_deg:
            for _ in range(SUP // 2):
                pltpu.make_async_copy(zd_h.at[pl.ds(0, CH)],
                                      ones_v, sem_d).wait()

        plsc.subcore_barrier()
        pltpu.sync_copy(acc_sh.at[pl.ds(r0, ROWS_PT)],
                        s_out.at[c].at[pl.ds(r0, ROWS_PT)])
        if with_deg:
            pltpu.sync_copy(deg_sh.at[pl.ds(r0, ROWS_PT)],
                            deg_out.at[c].at[pl.ds(r0, ROWS_PT)])

    mesh = plsc.VectorSubcoreMesh(core_axis_name="c", subcore_axis_name="s")
    return pl.kernel(body, out_type=tuple(outs), mesh=mesh,
                     scratch_types=scratch,
                     compiler_params=pltpu.CompilerParams(
                         use_tc_tiling_on_sc=False))


def _oh16(idx_col):
    return (idx_col == lax.broadcasted_iota(_I32, (BN, 16), 1)).astype(_F32)


def _matT(a, w):
    return lax.dot_general(a, w, (((1,), (1,)), ((), ())),
                           preferred_element_type=_F32)


def _prep_body(x_ref, se_ref, ce_ref, w1l_ref, w1r_ref, m_ref, p_ref):
    ohs = _oh16(x_ref[:, 0:1])
    ohc = _oh16(x_ref[:, 1:2])
    h0 = jnp.concatenate(
        [jnp.dot(ohs, se_ref[...], preferred_element_type=_F32),
         jnp.dot(ohc, ce_ref[...], preferred_element_type=_F32)], axis=1)
    m = _matT(h0, w1l_ref[...])
    m_ref[0] = m[:, :16]
    m_ref[1] = m[:, 16:]
    p_ref[...] = _matT(h0, w1r_ref[...])


def _mid_body(lo_ref, hi_ref, degt_ref, p0_ref, b1_ref, w2l_ref, w2r_ref,
              m_ref, p1_ref, rdeg_ref):
    deg = degt_ref[:, 0:1] + degt_ref[:, 1:2]
    rdeg = 1.0 / jnp.maximum(deg, 1.0)
    sfull = jnp.concatenate([lo_ref[0], hi_ref[0]], axis=1)
    h1 = jnp.maximum(sfull * rdeg + b1_ref[...] + p0_ref[...], 0.0)
    m1 = _matT(h1, w2l_ref[...])
    m_ref[0] = m1[:, :16]
    m_ref[1] = m1[:, 16:]
    p1_ref[...] = _matT(h1, w2r_ref[...])
    rdeg_ref[...] = rdeg


def _final_body(lo_ref, hi_ref, rdeg_ref, p1_ref, b2_ref, batch_ref,
                clsw_ref, clsb_ref, out_ref, acc):
    i = pl.program_id(0)

    @pl.when(i == 0)
    def _():
        acc[...] = jnp.zeros_like(acc)

    sfull = jnp.concatenate([lo_ref[0], hi_ref[0]], axis=1)
    h2 = jnp.maximum(sfull * rdeg_ref[...] + b2_ref[...] + p1_ref[...], 0.0)
    h2e = jnp.concatenate([h2, jnp.ones((BN, 1), _F32)], axis=1)
    oh = (batch_ref[...] == lax.broadcasted_iota(_I32, (BN, B), 1)).astype(_F32)
    acc[...] += lax.dot_general(oh, h2e, (((0,), (0,)), ((), ())),
                                preferred_element_type=_F32)

    @pl.when(i == NB - 1)
    def _():
        sums = acc[:, :HID]
        cnt = jnp.maximum(acc[:, HID:HID + 1], 1.0)
        hg = sums / cnt
        out_ref[...] = _matT(hg, clsw_ref[...]) + clsb_ref[...]


def _full_spec(shape):
    return pl.BlockSpec(shape, lambda i: tuple(0 for _ in shape))


def _row_spec(width):
    return pl.BlockSpec((BN, width), lambda i: (i, 0))


def _part_spec(p):
    return pl.BlockSpec((1, BN, 16), lambda i, _p=p: (_p, i, 0))


def kernel(x, edge_index, batch, shape_emb, color_emb,
           g1_wl, g1_bl, g1_wr, g2_wl, g2_bl, g2_wr, cls_w, cls_b):
    x = x.astype(_I32)
    edge_index = edge_index.astype(_I32)
    batch = batch.astype(_I32)

    x_p = jnp.concatenate([x, jnp.zeros((NPAD - N, 2), _I32)], axis=0)
    src_p = jnp.concatenate(
        [edge_index[0], jnp.zeros((EP - E,), _I32)]).reshape(ER, SUP, CH)
    dst_p = jnp.concatenate(
        [edge_index[1], jnp.full((EP - E,), N, _I32)]).reshape(ER, SUP, CH)
    batch_p = jnp.concatenate([batch, jnp.full((NPAD - N,), B, _I32)])
    batch_p = batch_p.reshape(NPAD, 1)
    zc = jnp.zeros((ROWS_PT, 16), _F32)
    zd = jnp.zeros((ROWS_PT,), _F32)
    b1 = g1_bl.reshape(1, HID)
    b2 = g2_bl.reshape(1, HID)
    cb = cls_b.reshape(1, NUM_CLASSES)

    m0, p0 = pl.pallas_call(
        _prep_body,
        grid=(NB,),
        in_specs=[_row_spec(2), _full_spec((16, EMB)), _full_spec((16, EMB)),
                  _full_spec((HID, 2 * EMB)), _full_spec((HID, 2 * EMB))],
        out_specs=[pl.BlockSpec((2, BN, 16), lambda i: (0, i, 0)),
                   _row_spec(HID)],
        out_shape=[jax.ShapeDtypeStruct((2, NPAD, 16), _F32),
                   jax.ShapeDtypeStruct((NPAD, HID), _F32)],
    )(x_p, shape_emb, color_emb, g1_wl, g1_wr)

    s1, deg2 = _make_edge_pass(True)(src_p, dst_p, m0, zc, zd)
    degt = jnp.transpose(deg2)

    m1, p1, rdeg = pl.pallas_call(
        _mid_body,
        grid=(NB,),
        in_specs=[_part_spec(0), _part_spec(1), _row_spec(2), _row_spec(HID),
                  _full_spec((1, HID)), _full_spec((HID, HID)),
                  _full_spec((HID, HID))],
        out_specs=[pl.BlockSpec((2, BN, 16), lambda i: (0, i, 0)),
                   _row_spec(HID), _row_spec(1)],
        out_shape=[jax.ShapeDtypeStruct((2, NPAD, 16), _F32),
                   jax.ShapeDtypeStruct((NPAD, HID), _F32),
                   jax.ShapeDtypeStruct((NPAD, 1), _F32)],
    )(s1, s1, degt, p0, b1, g2_wl, g2_wr)

    s2 = _make_edge_pass(False)(src_p, dst_p, m1, zc)
    if isinstance(s2, (tuple, list)):
        s2 = s2[0]

    out = pl.pallas_call(
        _final_body,
        grid=(NB,),
        in_specs=[_part_spec(0), _part_spec(1), _row_spec(1), _row_spec(HID),
                  _full_spec((1, HID)), _row_spec(1),
                  _full_spec((NUM_CLASSES, HID)), _full_spec((1, NUM_CLASSES))],
        out_specs=pl.BlockSpec((B, NUM_CLASSES), lambda i: (0, 0)),
        out_shape=jax.ShapeDtypeStruct((B, NUM_CLASSES), _F32),
        scratch_shapes=[pltpu.VMEM((B, HID + 1), _F32)],
    )(s2, s2, rdeg, p1, b2, batch_p, cls_w, cb)
    return out

# --- scband reference (transcript-rebuilt; emitter-appended) ---
"""Pipeline reference for scband-sprgraph-net-88648124990898 (READ-ONLY COPY).

The authoritative reference and input builder live on the scoring server;
editing this copy changes nothing except your own understanding.
"""

import jax, jax.numpy as jnp
import numpy as np

N = 100000
E = 1600000
B = 128
NUM_SHAPES = 16
NUM_COLORS = 16
NUM_CLASSES = 8
EMB = 16
HID = 32


def setup_inputs(seed: int = 0) -> dict:
    key = jax.random.key(seed)
    ks = jax.random.split(key, 14)
    x = jax.random.randint(ks[0], (N, 2), 0, NUM_SHAPES, dtype=jnp.int64) if jax.config.jax_enable_x64 else jax.random.randint(ks[0], (N, 2), 0, NUM_SHAPES)
    edge_index = jax.random.randint(ks[1], (2, E), 0, N)
    batch = jnp.sort(jax.random.randint(ks[2], (N,), 0, B))
    shape_emb = jax.random.normal(ks[3], (NUM_SHAPES, EMB), dtype=jnp.float32) * 0.1
    color_emb = jax.random.normal(ks[4], (NUM_COLORS, EMB), dtype=jnp.float32) * 0.1
    g1_wl = jax.random.normal(ks[5], (HID, 2 * EMB), dtype=jnp.float32) * 0.1
    g1_bl = jnp.zeros((HID,), dtype=jnp.float32)
    g1_wr = jax.random.normal(ks[6], (HID, 2 * EMB), dtype=jnp.float32) * 0.1
    g2_wl = jax.random.normal(ks[7], (HID, HID), dtype=jnp.float32) * 0.1
    g2_bl = jnp.zeros((HID,), dtype=jnp.float32)
    g2_wr = jax.random.normal(ks[8], (HID, HID), dtype=jnp.float32) * 0.1
    cls_w = jax.random.normal(ks[9], (NUM_CLASSES, HID), dtype=jnp.float32) * 0.1
    cls_b = jnp.zeros((NUM_CLASSES,), dtype=jnp.float32)
    return {"x": x, "edge_index": edge_index, "batch": batch,
            "shape_emb": shape_emb, "color_emb": color_emb,
            "g1_wl": g1_wl, "g1_bl": g1_bl, "g1_wr": g1_wr,
            "g2_wl": g2_wl, "g2_bl": g2_bl, "g2_wr": g2_wr,
            "cls_w": cls_w, "cls_b": cls_b}


def _sage_conv(h, edge_index, w_l, b_l, w_r):
    # PyG SAGEConv (mean aggr): out = lin_l(mean_{j in N(i)} x_j) + lin_r(x_i)
    src = edge_index[0]
    dst = edge_index[1]
    n = h.shape[0]
    msg = jnp.take(h, src, axis=0)
    agg = jax.ops.segment_sum(msg, dst, num_segments=n)
    deg = jax.ops.segment_sum(jnp.ones((edge_index.shape[1],), h.dtype), dst, num_segments=n)
    agg = agg / jnp.clip(deg, 1.0, None)[:, None]
    return agg @ w_l.T + b_l + h @ w_r.T


def reference(x, edge_index, batch, shape_emb, color_emb,
              g1_wl, g1_bl, g1_wr, g2_wl, g2_bl, g2_wr, cls_w, cls_b):
    h = jnp.concatenate([jnp.take(shape_emb, x[:, 0], axis=0),
                         jnp.take(color_emb, x[:, 1], axis=0)], axis=-1)
    h = jax.nn.relu(_sage_conv(h, edge_index, g1_wl, g1_bl, g1_wr))
    h = jax.nn.relu(_sage_conv(h, edge_index, g2_wl, g2_bl, g2_wr))
    sums = jax.ops.segment_sum(h, batch, num_segments=B)
    counts = jax.ops.segment_sum(jnp.ones((h.shape[0],), h.dtype), batch, num_segments=B)
    hg = sums / jnp.clip(counts, 1.0, None)[:, None]
    return hg @ cls_w.T + cls_b

if __name__ == "__main__":
    import jax
    _d = setup_inputs()
    print(jax.jit(kernel)(*tuple(_d.values())))

</pallas_src>

<mosaic_0001>
#map = affine_map<(d0, d1) -> (0, 0, 0)>
#map1 = affine_map<(d0, d1) -> (0, 0)>
module attributes {stable_mosaic.version = 14 : i64} {
  func.func @body(%arg0: i32, %arg1: i32, %arg2: memref<1568x8x128xi32, #tpu.memory_space<hbm>>, %arg3: memref<1568x8x128xi32, #tpu.memory_space<hbm>>, %arg4: memref<2x100352x16xf32, #tpu.memory_space<hbm>>, %arg5: memref<6272x16xf32, #tpu.memory_space<hbm>>, %arg6: memref<2x100352x16xf32, #tpu.memory_space<hbm>>, %arg7: memref<3x8x128xi32, #tpu.memory_space<vmem>>, %arg8: memref<3x8x128xi32, #tpu.memory_space<vmem>>, %arg9: memref<8x128x16xf32, #tpu.memory_space<vmem>>, %arg10: memref<100352x16xf32, #tpu.memory_space<vmem_shared>>, %arg11: memref<!tpu.dma_semaphore, #tpu.memory_space<semaphore_mem>>, %arg12: memref<!tpu.dma_semaphore, #tpu.memory_space<semaphore_mem>>, %arg13: memref<!tpu.dma_semaphore, #tpu.memory_space<semaphore_mem>>, %arg14: memref<!tpu.dma_semaphore, #tpu.memory_space<semaphore_mem>>, %arg15: memref<!tpu.dma_semaphore, #tpu.memory_space<semaphore_mem>>, %arg16: memref<!tpu.dma_semaphore, #tpu.memory_space<semaphore_mem>>, %arg17: memref<!tpu.dma_semaphore, #tpu.memory_space<semaphore_mem>>, %arg18: memref<!tpu.dma_semaphore, #tpu.memory_space<semaphore_mem>>, %arg19: memref<!tpu.dma_semaphore, #tpu.memory_space<semaphore_mem>>) attributes {dimension_semantics = [#tpu.dimension_semantics<core_parallel>, #tpu.dimension_semantics<subcore_parallel>], iteration_bounds = array<i64: 2, 16>, scalar_prefetch = 0 : i64, scratch_operands = 13 : i64, tpu.core_type = #tpu.core_type<sc_vector_subcore>, window_params = [{transform_indices = #map}, {transform_indices = #map}, {transform_indices = #map}, {transform_indices = #map1}, {transform_indices = #map}]} {
    %mul3A = arith.constant 6272 : i32
    %mul3A_0 = arith.muli %arg1, %mul3A : i32
    "tpu.region"() ({
      %run_scoped3A_193 = tpu.sem_alloc : memref<!tpu.dma_semaphore, #tpu.memory_space<semaphore_mem>>
      %dma_start3A = arith.constant 0 : i32
      %dma_start3A_194 = tpu.memref_slice %arg10[%mul3A_0, %dma_start3A] : memref<100352x16xf32, #tpu.memory_space<vmem_shared>> -> memref<6272x16xf32, #tpu.memory_space<vmem_shared>>
      tpu.enqueue_dma source(%arg5 : memref<6272x16xf32, #tpu.memory_space<hbm>>) target(%dma_start3A_194 : memref<6272x16xf32, #tpu.memory_space<vmem_shared>>) target_semaphore(%run_scoped3A_193 : memref<!tpu.dma_semaphore, #tpu.memory_space<semaphore_mem>>)
      %dma_wait3A_195 = arith.constant 0 : i32
      %dma_wait3A_196 = tpu.memref_slice %arg10[%mul3A_0, %dma_wait3A_195] : memref<100352x16xf32, #tpu.memory_space<vmem_shared>> -> memref<6272x16xf32, #tpu.memory_space<vmem_shared>>
      tpu.wait_dma2 semaphore(%run_scoped3A_193 : memref<!tpu.dma_semaphore, #tpu.memory_space<semaphore_mem>>) src(%arg5 : memref<6272x16xf32, #tpu.memory_space<hbm>>) dst(%dma_wait3A_196 : memref<6272x16xf32, #tpu.memory_space<vmem_shared>>)
      tpu.yield
    }) : () -> ()
    %barrier3A = arith.constant 0 : index
    tpu.barrier barrier_id(%barrier3A)
    %mul3A_1 = arith.constant 98 : i32
    %mul3A_2 = arith.muli %arg1, %mul3A_1 : i32
    %run_scoped3A = arith.constant 0 : i32
    "tpu.region"() ({
      %run_scoped3A_193 = tpu.sem_alloc : memref<!tpu.dma_semaphore, #tpu.memory_space<semaphore_mem>>
      %dma_start3A = arith.constant 0 : i32
      %dma_start3A_194 = arith.constant 0 : i32
      %dma_start3A_195 = tpu.memref_slice %arg7[%run_scoped3A, %dma_start3A, %dma_start3A_194] : memref<3x8x128xi32, #tpu.memory_space<vmem>> -> memref<1x8x128xi32, #tpu.memory_space<vmem>>
      %dma_start3A_196 = tpu.memref_squeeze %dma_start3A_195 : memref<1x8x128xi32, #tpu.memory_space<vmem>> -> memref<8x128xi32, #tpu.memory_space<vmem>>
      %dma_start3A_197 = arith.constant 0 : i32
      %dma_start3A_198 = arith.constant 0 : i32
      %dma_start3A_199 = tpu.memref_slice %arg2[%mul3A_2, %dma_start3A_197, %dma_start3A_198] : memref<1568x8x128xi32, #tpu.memory_space<hbm>> -> memref<1x8x128xi32, #tpu.memory_space<hbm>>
      %dma_start3A_200 = tpu.memref_squeeze %dma_start3A_199 : memref<1x8x128xi32, #tpu.memory_space<hbm>> -> memref<8x128xi32, #tpu.memory_space<hbm>>
      %dma_start3A_201 = arith.constant 0 : i32
      %dma_start3A_202 = arith.constant 0 : i32
      %dma_start3A_203 = tpu.memref_slice %arg7[%run_scoped3A, %dma_start3A_201, %dma_start3A_202] : memref<3x8x128xi32, #tpu.memory_space<vmem>> -> memref<1x8x128xi32, #tpu.memory_space<vmem>>
      %dma_start3A_204 = tpu.memref_squeeze %dma_start3A_203 : memref<1x8x128xi32, #tpu.memory_space<vmem>> -> memref<8x128xi32, #tpu.memory_space<vmem>>
      %dma_start3A_205 = arith.constant 0 : i32
      %dma_start3A_206 = arith.constant 0 : i32
      %dma_start3A_207 = tpu.memref_slice %arg2[%mul3A_2, %dma_start3A_205, %dma_start3A_206] : memref<1568x8x128xi32, #tpu.memory_space<hbm>> -> memref<1x8x128xi32, #tpu.memory_space<hbm>>
      %dma_start3A_208 = tpu.memref_squeeze %dma_start3A_207 : memref<1x8x128xi32, #tpu.memory_space<hbm>> -> memref<8x128xi32, #tpu.memory_space<hbm>>
      tpu.enqueue_dma source(%dma_start3A_208 : memref<8x128xi32, #tpu.memory_space<hbm>>) target(%dma_start3A_204 : memref<8x128xi32, #tpu.memory_space<vmem>>) target_semaphore(%run_scoped3A_193 : memref<!tpu.dma_semaphore, #tpu.memory_space<semaphore_mem>>)
      %dma_wait3A_209 = arith.constant 0 : i32
      %dma_wait3A_210 = arith.constant 0 : i32
      %dma_wait3A_211 = tpu.memref_slice %arg7[%run_scoped3A, %dma_wait3A_209, %dma_wait3A_210] : memref<3x8x128xi32, #tpu.memory_space<vmem>> -> memref<1x8x128xi32, #tpu.memory_space<vmem>>
      %dma_wait3A_212 = tpu.memref_squeeze %dma_wait3A_211 : memref<1x8x128xi32, #tpu.memory_space<vmem>> -> memref<8x128xi32, #tpu.memory_space<vmem>>
      %dma_wait3A_213 = arith.constant 0 : i32
      %dma_wait3A_214 = arith.constant 0 : i32
      %dma_wait3A_215 = tpu.memref_slice %arg2[%mul3A_2, %dma_wait3A_213, %dma_wait3A_214] : memref<1568x8x128xi32, #tpu.memory_space<hbm>> -> memref<1x8x128xi32, #tpu.memory_space<hbm>>
      %dma_wait3A_216 = tpu.memref_squeeze %dma_wait3A_215 : memref<1x8x128xi32, #tpu.memory_space<hbm>> -> memref<8x128xi32, #tpu.memory_space<hbm>>
      %dma_wait3A_217 = arith.constant 0 : i32
      %dma_wait3A_218 = arith.constant 0 : i32
      %dma_wait3A_219 = tpu.memref_slice %arg7[%run_scoped3A, %dma_wait3A_217, %dma_wait3A_218] : memref<3x8x128xi32, #tpu.memory_space<vmem>> -> memref<1x8x128xi32, #tpu.memory_space<vmem>>
      %dma_wait3A_220 = tpu.memref_squeeze %dma_wait3A_219 : memref<1x8x128xi32, #tpu.memory_space<vmem>> -> memref<8x128xi32, #tpu.memory_space<vmem>>
      %dma_wait3A_221 = arith.constant 0 : i32
      %dma_wait3A_222 = arith.constant 0 : i32
      %dma_wait3A_223 = tpu.memref_slice %arg2[%mul3A_2, %dma_wait3A_221, %dma_wait3A_222] : memref<1568x8x128xi32, #tpu.memory_space<hbm>> -> memref<1x8x128xi32, #tpu.memory_space<hbm>>
      %dma_wait3A_224 = tpu.memref_squeeze %dma_wait3A_223 : memref<1x8x128xi32, #tpu.memory_space<hbm>> -> memref<8x128xi32, #tpu.memory_space<hbm>>
      tpu.wait_dma2 semaphore(%run_scoped3A_193 : memref<!tpu.dma_semaphore, #tpu.memory_space<semaphore_mem>>) src(%dma_wait3A_224 : memref<8x128xi32, #tpu.memory_space<hbm>>) dst(%dma_wait3A_220 : memref<8x128xi32, #tpu.memory_space<vmem>>)
      tpu.yield
    }) : () -> ()
    %run_scoped3A_3 = arith.constant 0 : i32
    "tpu.region"() ({
      %run_scoped3A_193 = tpu.sem_alloc : memref<!tpu.dma_semaphore, #tpu.memory_space<semaphore_mem>>
      %dma_start3A = arith.constant 0 : i32
      %dma_start3A_194 = arith.constant 0 : i32
      %dma_start3A_195 = tpu.memref_slice %arg8[%run_scoped3A_3, %dma_start3A, %dma_start3A_194] : memref<3x8x128xi32, #tpu.memory_space<vmem>> -> memref<1x8x128xi32, #tpu.memory_space<vmem>>
      %dma_start3A_196 = tpu.memref_squeeze %dma_start3A_195 : memref<1x8x128xi32, #tpu.memory_space<vmem>> -> memref<8x128xi32, #tpu.memory_space<vmem>>
      %dma_start3A_197 = arith.constant 0 : i32
      %dma_start3A_198 = arith.constant 0 : i32
      %dma_start3A_199 = tpu.memref_slice %arg3[%mul3A_2, %dma_start3A_197, %dma_start3A_198] : memref<1568x8x128xi32, #tpu.memory_space<hbm>> -> memref<1x8x128xi32, #tpu.memory_space<hbm>>
      %dma_start3A_200 = tpu.memref_squeeze %dma_start3A_199 : memref<1x8x128xi32, #tpu.memory_space<hbm>> -> memref<8x128xi32, #tpu.memory_space<hbm>>
      %dma_start3A_201 = arith.constant 0 : i32
      %dma_start3A_202 = arith.constant 0 : i32
      %dma_start3A_203 = tpu.memref_slice %arg8[%run_scoped3A_3, %dma_start3A_201, %dma_start3A_202] : memref<3x8x128xi32, #tpu.memory_space<vmem>> -> memref<1x8x128xi32, #tpu.memory_space<vmem>>
      %dma_start3A_204 = tpu.memref_squeeze %dma_start3A_203 : memref<1x8x128xi32, #tpu.memory_space<vmem>> -> memref<8x128xi32, #tpu.memory_space<vmem>>
      %dma_start3A_205 = arith.constant 0 : i32
      %dma_start3A_206 = arith.constant 0 : i32
      %dma_start3A_207 = tpu.memref_slice %arg3[%mul3A_2, %dma_start3A_205, %dma_start3A_206] : memref<1568x8x128xi32, #tpu.memory_space<hbm>> -> memref<1x8x128xi32, #tpu.memory_space<hbm>>
      %dma_start3A_208 = tpu.memref_squeeze %dma_start3A_207 : memref<1x8x128xi32, #tpu.memory_space<hbm>> -> memref<8x128xi32, #tpu.memory_space<hbm>>
      tpu.enqueue_dma source(%dma_start3A_208 : memref<8x128xi32, #tpu.memory_space<hbm>>) target(%dma_start3A_204 : memref<8x128xi32, #tpu.memory_space<vmem>>) target_semaphore(%run_scoped3A_193 : memref<!tpu.dma_semaphore, #tpu.memory_space<semaphore_mem>>)
      %dma_wait3A_209 = arith.constant 0 : i32
      %dma_wait3A_210 = arith.constant 0 : i32
      %dma_wait3A_211 = tpu.memref_slice %arg8[%run_scoped3A_3, %dma_wait3A_209, %dma_wait3A_210] : memref<3x8x128xi32, #tpu.memory_space<vmem>> -> memref<1x8x128xi32, #tpu.memory_space<vmem>>
      %dma_wait3A_212 = tpu.memref_squeeze %dma_wait3A_211 : memref<1x8x128xi32, #tpu.memory_space<vmem>> -> memref<8x128xi32, #tpu.memory_space<vmem>>
      %dma_wait3A_213 = arith.constant 0 : i32
      %dma_wait3A_214 = arith.constant 0 : i32
      %dma_wait3A_215 = tpu.memref_slice %arg3[%mul3A_2, %dma_wait3A_213, %dma_wait3A_214] : memref<1568x8x128xi32, #tpu.memory_space<hbm>> -> memref<1x8x128xi32, #tpu.memory_space<hbm>>
      %dma_wait3A_216 = tpu.memref_squeeze %dma_wait3A_215 : memref<1x8x128xi32, #tpu.memory_space<hbm>> -> memref<8x128xi32, #tpu.memory_space<hbm>>
      %dma_wait3A_217 = arith.constant 0 : i32
      %dma_wait3A_218 = arith.constant 0 : i32
      %dma_wait3A_219 = tpu.memref_slice %arg8[%run_scoped3A_3, %dma_wait3A_217, %dma_wait3A_218] : memref<3x8x128xi32, #tpu.memory_space<vmem>> -> memref<1x8x128xi32, #tpu.memory_space<vmem>>
      %dma_wait3A_220 = tpu.memref_squeeze %dma_wait3A_219 : memref<1x8x128xi32, #tpu.memory_space<vmem>> -> memref<8x128xi32, #tpu.memory_space<vmem>>
      %dma_wait3A_221 = arith.constant 0 : i32
      %dma_wait3A_222 = arith.constant 0 : i32
      %dma_wait3A_223 = tpu.memref_slice %arg3[%mul3A_2, %dma_wait3A_221, %dma_wait3A_222] : memref<1568x8x128xi32, #tpu.memory_space<hbm>> -> memref<1x8x128xi32, #tpu.memory_space<hbm>>
      %dma_wait3A_224 = tpu.memref_squeeze %dma_wait3A_223 : memref<1x8x128xi32, #tpu.memory_space<hbm>> -> memref<8x128xi32, #tpu.memory_space<hbm>>
      tpu.wait_dma2 semaphore(%run_scoped3A_193 : memref<!tpu.dma_semaphore, #tpu.memory_space<semaphore_mem>>) src(%dma_wait3A_224 : memref<8x128xi32, #tpu.memory_space<hbm>>) dst(%dma_wait3A_220 : memref<8x128xi32, #tpu.memory_space<vmem>>)
      tpu.yield
    }) : () -> ()
    %scan3A = arith.constant 0 : i32
    %scan3A_4 = arith.constant 0 : i32
    %scan3A_5 = arith.constant 98 : i32
    %scan3A_6 = arith.addi %scan3A_4, %scan3A_5 : i32
    %scan3A_7 = arith.constant 1 : i32
    scf.for %scan3A_193 = %scan3A_4 to %scan3A_6 step %scan3A_7  : i32 {
      %rem3A = arith.constant 3 : i32
      %rem3A_194 = arith.remsi %scan3A_193, %rem3A : i32
      %gt3A = arith.constant 0 : i32
      %gt3A_195 = arith.cmpi sgt, %scan3A_193, %gt3A : i32
      %convert_element_type3A = arith.extui %gt3A_195 : i1 to i32
      %cond3A = arith.constant 0 : i32
      %cond3A_196 = arith.cmpi ne, %convert_element_type3A, %cond3A : i32
      scf.if %cond3A_196 {
        %dma_wait3A_588 = arith.constant 0 : i32
        %dma_wait3A_589 = arith.constant 0 : i32
        %dma_wait3A_590 = arith.constant 0 : i32
        %dma_wait3A_591 = tpu.memref_slice %arg9[%dma_wait3A_588, %dma_wait3A_589, %dma_wait3A_590] : memref<8x128x16xf32, #tpu.memory_space<vmem>> -> memref<1x128x16xf32, #tpu.memory_space<vmem>>
        %dma_wait3A_592 = tpu.memref_squeeze %dma_wait3A_591 : memref<1x128x16xf32, #tpu.memory_space<vmem>> -> memref<128x16xf32, #tpu.memory_space<vmem>>
        %dma_wait3A_593 = arith.constant 0 : i32
        %dma_wait3A_594 = arith.constant 0 : i32
        %dma_wait3A_595 = tpu.memref_slice %arg4[%arg0, %dma_wait3A_593, %dma_wait3A_594] : memref<2x100352x16xf32, #tpu.memory_space<hbm>> -> memref<1x100352x16xf32, #tpu.memory_space<hbm>>
        %dma_wait3A_596 = tpu.memref_squeeze %dma_wait3A_595 : memref<1x100352x16xf32, #tpu.memory_space<hbm>> -> memref<100352x16xf32, #tpu.memory_space<hbm>>
        %dma_wait3A_597 = arith.constant 0 : i32
        %dma_wait3A_598 = arith.constant 0 : i32
        %dma_wait3A_599 = tpu.memref_slice %dma_wait3A_596[%dma_wait3A_597, %dma_wait3A_598] : memref<100352x16xf32, #tpu.memory_space<hbm>> -> memref<128x16xf32, #tpu.memory_space<hbm>>
        %dma_wait3A_600 = arith.constant 0 : i32
        %dma_wait3A_601 = arith.constant 0 : i32
        %dma_wait3A_602 = tpu.memref_slice %arg9[%dma_wait3A_588, %dma_wait3A_600, %dma_wait3A_601] : memref<8x128x16xf32, #tpu.memory_space<vmem>> -> memref<1x128x16xf32, #tpu.memory_space<vmem>>
        %dma_wait3A_603 = tpu.memref_squeeze %dma_wait3A_602 : memref<1x128x16xf32, #tpu.memory_space<vmem>> -> memref<128x16xf32, #tpu.memory_space<vmem>>
        %dma_wait3A_604 = arith.constant 0 : i32
        %dma_wait3A_605 = arith.constant 0 : i32
        %dma_wait3A_606 = tpu.memref_slice %arg4[%arg0, %dma_wait3A_604, %dma_wait3A_605] : memref<2x100352x16xf32, #tpu.memory_space<hbm>> -> memref<1x100352x16xf32, #tpu.memory_space<hbm>>
        %dma_wait3A_607 = tpu.memref_squeeze %dma_wait3A_606 : memref<1x100352x16xf32, #tpu.memory_space<hbm>> -> memref<100352x16xf32, #tpu.memory_space<hbm>>
        %dma_wait3A_608 = arith.constant 0 : i32
        %dma_wait3A_609 = arith.constant 0 : i32
        %dma_wait3A_610 = tpu.memref_slice %dma_wait3A_607[%dma_wait3A_608, %dma_wait3A_609] : memref<100352x16xf32, #tpu.memory_space<hbm>> -> memref<128x16xf32, #tpu.memory_space<hbm>>
        tpu.wait_dma2 semaphore(%arg12 : memref<!tpu.dma_semaphore, #tpu.memory_space<semaphore_mem>>) src(%dma_wait3A_610 : memref<128x16xf32, #tpu.memory_space<hbm>>) dst(%dma_wait3A_603 : memref<128x16xf32, #tpu.memory_space<vmem>>)
      } else {
      }
      %dma_start3A = arith.constant 0 : i32
      %dma_start3A_197 = arith.constant 0 : i32
      %dma_start3A_198 = arith.constant 0 : i32
      %dma_start3A_199 = arith.constant 0 : i32
      %dma_start3A_200 = tpu.memref_slice %arg9[%dma_start3A_197, %dma_start3A_198, %dma_start3A_199] : memref<8x128x16xf32, #tpu.memory_space<vmem>> -> memref<1x128x16xf32, #tpu.memory_space<vmem>>
      %dma_start3A_201 = tpu.memref_squeeze %dma_start3A_200 : memref<1x128x16xf32, #tpu.memory_space<vmem>> -> memref<128x16xf32, #tpu.memory_space<vmem>>
      %dma_start3A_202 = arith.constant 0 : i32
      %dma_start3A_203 = tpu.memref_slice %arg7[%rem3A_194, %dma_start3A, %dma_start3A_202] : memref<3x8x128xi32, #tpu.memory_space<vmem>> -> memref<1x1x128xi32, #tpu.memory_space<vmem>>
      %dma_start3A_204 = tpu.memref_squeeze %dma_start3A_203 : memref<1x1x128xi32, #tpu.memory_space<vmem>> -> memref<128xi32, #tpu.memory_space<vmem>>
      %dma_start3A_205 = arith.constant 0 : i32
      %dma_start3A_206 = arith.constant 0 : i32
      %dma_start3A_207 = tpu.memref_slice %arg4[%arg0, %dma_start3A_205, %dma_start3A_206] : memref<2x100352x16xf32, #tpu.memory_space<hbm>> -> memref<1x100352x16xf32, #tpu.memory_space<hbm>>
      %dma_start3A_208 = tpu.memref_squeeze %dma_start3A_207 : memref<1x100352x16xf32, #tpu.memory_space<hbm>> -> memref<100352x16xf32, #tpu.memory_space<hbm>>
      %dma_start3A_209 = arith.constant 0 : i32
      %dma_start3A_210 = arith.constant 0 : i32
      %dma_start3A_211 = tpu.memref_slice %dma_start3A_208[%dma_start3A_209, %dma_start3A_210] : memref<100352x16xf32, #tpu.memory_space<hbm>> -> memref<100352x16xf32, #tpu.memory_space<hbm>>
      tpu.enqueue_indirect_dma source(%dma_start3A_211 : memref<100352x16xf32, #tpu.memory_space<hbm>>) target(%dma_start3A_201 : memref<128x16xf32, #tpu.memory_space<vmem>>) offsets(%dma_start3A_204 : memref<128xi32, #tpu.memory_space<vmem>>) semaphore(%arg11 : memref<!tpu.dma_semaphore, #tpu.memory_space<semaphore_mem>>)
      %gt3A_212 = arith.constant 0 : i32
      %gt3A_213 = arith.cmpi sgt, %scan3A_193, %gt3A_212 : i32
      %convert_element_type3A_214 = arith.extui %gt3A_213 : i1 to i32
      %cond3A_215 = arith.constant 0 : i32
      %cond3A_216 = arith.cmpi ne, %convert_element_type3A_214, %cond3A_215 : i32
      scf.if %cond3A_216 {
        %dma_wait3A_588 = arith.constant 1 : i32
        %dma_wait3A_589 = arith.constant 0 : i32
        %dma_wait3A_590 = arith.constant 0 : i32
        %dma_wait3A_591 = tpu.memref_slice %arg9[%dma_wait3A_588, %dma_wait3A_589, %dma_wait3A_590] : memref<8x128x16xf32, #tpu.memory_space<vmem>> -> memref<1x128x16xf32, #tpu.memory_space<vmem>>
        %dma_wait3A_592 = tpu.memref_squeeze %dma_wait3A_591 : memref<1x128x16xf32, #tpu.memory_space<vmem>> -> memref<128x16xf32, #tpu.memory_space<vmem>>
        %dma_wait3A_593 = arith.constant 0 : i32
        %dma_wait3A_594 = arith.constant 0 : i32
        %dma_wait3A_595 = tpu.memref_slice %arg4[%arg0, %dma_wait3A_593, %dma_wait3A_594] : memref<2x100352x16xf32, #tpu.memory_space<hbm>> -> memref<1x100352x16xf32, #tpu.memory_space<hbm>>
        %dma_wait3A_596 = tpu.memref_squeeze %dma_wait3A_595 : memref<1x100352x16xf32, #tpu.memory_space<hbm>> -> memref<100352x16xf32, #tpu.memory_space<hbm>>
        %dma_wait3A_597 = arith.constant 128 : i32
        %dma_wait3A_598 = arith.constant 0 : i32
        %dma_wait3A_599 = tpu.memref_slice %dma_wait3A_596[%dma_wait3A_597, %dma_wait3A_598] : memref<100352x16xf32, #tpu.memory_space<hbm>> -> memref<128x16xf32, #tpu.memory_space<hbm>>
        %dma_wait3A_600 = arith.constant 0 : i32
        %dma_wait3A_601 = arith.constant 0 : i32
        %dma_wait3A_602 = tpu.memref_slice %arg9[%dma_wait3A_588, %dma_wait3A_600, %dma_wait3A_601] : memref<8x128x16xf32, #tpu.memory_space<vmem>> -> memref<1x128x16xf32, #tpu.memory_space<vmem>>
        %dma_wait3A_603 = tpu.memref_squeeze %dma_wait3A_602 : memref<1x128x16xf32, #tpu.memory_space<vmem>> -> memref<128x16xf32, #tpu.memory_space<vmem>>
        %dma_wait3A_604 = arith.constant 0 : i32
        %dma_wait3A_605 = arith.constant 0 : i32
        %dma_wait3A_606 = tpu.memref_slice %arg4[%arg0, %dma_wait3A_604, %dma_wait3A_605] : memref<2x100352x16xf32, #tpu.memory_space<hbm>> -> memref<1x100352x16xf32, #tpu.memory_space<hbm>>
        %dma_wait3A_607 = tpu.memref_squeeze %dma_wait3A_606 : memref<1x100352x16xf32, #tpu.memory_space<hbm>> -> memref<100352x16xf32, #tpu.memory_space<hbm>>
        %dma_wait3A_608 = arith.constant 128 : i32
        %dma_wait3A_609 = arith.constant 0 : i32
        %dma_wait3A_610 = tpu.memref_slice %dma_wait3A_607[%dma_wait3A_608, %dma_wait3A_609] : memref<100352x16xf32, #tpu.memory_space<hbm>> -> memref<128x16xf32, #tpu.memory_space<hbm>>
        tpu.wait_dma2 semaphore(%arg13 : memref<!tpu.dma_semaphore, #tpu.memory_space<semaphore_mem>>) src(%dma_wait3A_610 : memref<128x16xf32, #tpu.memory_space<hbm>>) dst(%dma_wait3A_603 : memref<128x16xf32, #tpu.memory_space<vmem>>)
      } else {
      }
      %dma_start3A_217 = arith.constant 1 : i32
      %dma_start3A_218 = arith.constant 1 : i32
      %dma_start3A_219 = arith.constant 0 : i32
      %dma_start3A_220 = arith.constant 0 : i32
      %dma_start3A_221 = tpu.memref_slice %arg9[%dma_start3A_218, %dma_start3A_219, %dma_start3A_220] : memref<8x128x16xf32, #tpu.memory_space<vmem>> -> memref<1x128x16xf32, #tpu.memory_space<vmem>>
      %dma_start3A_222 = tpu.memref_squeeze %dma_start3A_221 : memref<1x128x16xf32, #tpu.memory_space<vmem>> -> memref<128x16xf32, #tpu.memory_space<vmem>>
      %dma_start3A_223 = arith.constant 0 : i32
      %dma_start3A_224 = tpu.memref_slice %arg7[%rem3A_194, %dma_start3A_217, %dma_start3A_223] : memref<3x8x128xi32, #tpu.memory_space<vmem>> -> memref<1x1x128xi32, #tpu.memory_space<vmem>>
      %dma_start3A_225 = tpu.memref_squeeze %dma_start3A_224 : memref<1x1x128xi32, #tpu.memory_space<vmem>> -> memref<128xi32, #tpu.memory_space<vmem>>
      %dma_start3A_226 = arith.constant 0 : i32
      %dma_start3A_227 = arith.constant 0 : i32
      %dma_start3A_228 = tpu.memref_slice %arg4[%arg0, %dma_start3A_226, %dma_start3A_227] : memref<2x100352x16xf32, #tpu.memory_space<hbm>> -> memref<1x100352x16xf32, #tpu.memory_space<hbm>>
      %dma_start3A_229 = tpu.memref_squeeze %dma_start3A_228 : memref<1x100352x16xf32, #tpu.memory_space<hbm>> -> memref<100352x16xf32, #tpu.memory_space<hbm>>
      %dma_start3A_230 = arith.constant 0 : i32
      %dma_start3A_231 = arith.constant 0 : i32
      %dma_start3A_232 = tpu.memref_slice %dma_start3A_229[%dma_start3A_230, %dma_start3A_231] : memref<100352x16xf32, #tpu.memory_space<hbm>> -> memref<100352x16xf32, #tpu.memory_space<hbm>>
      tpu.enqueue_indirect_dma source(%dma_start3A_232 : memref<100352x16xf32, #tpu.memory_space<hbm>>) target(%dma_start3A_222 : memref<128x16xf32, #tpu.memory_space<vmem>>) offsets(%dma_start3A_225 : memref<128xi32, #tpu.memory_space<vmem>>) semaphore(%arg11 : memref<!tpu.dma_semaphore, #tpu.memory_space<semaphore_mem>>)
      %gt3A_233 = arith.constant 0 : i32
      %gt3A_234 = arith.cmpi sgt, %scan3A_193, %gt3A_233 : i32
      %convert_element_type3A_235 = arith.extui %gt3A_234 : i1 to i32
      %cond3A_236 = arith.constant 0 : i32
      %cond3A_237 = arith.cmpi ne, %convert_element_type3A_235, %cond3A_236 : i32
      scf.if %cond3A_237 {
        %dma_wait3A_588 = arith.constant 2 : i32
        %dma_wait3A_589 = arith.constant 0 : i32
        %dma_wait3A_590 = arith.constant 0 : i32
        %dma_wait3A_591 = tpu.memref_slice %arg9[%dma_wait3A_588, %dma_wait3A_589, %dma_wait3A_590] : memref<8x128x16xf32, #tpu.memory_space<vmem>> -> memref<1x128x16xf32, #tpu.memory_space<vmem>>
        %dma_wait3A_592 = tpu.memref_squeeze %dma_wait3A_591 : memref<1x128x16xf32, #tpu.memory_space<vmem>> -> memref<128x16xf32, #tpu.memory_space<vmem>>
        %dma_wait3A_593 = arith.constant 0 : i32
        %dma_wait3A_594 = arith.constant 0 : i32
        %dma_wait3A_595 = tpu.memref_slice %arg4[%arg0, %dma_wait3A_593, %dma_wait3A_594] : memref<2x100352x16xf32, #tpu.memory_space<hbm>> -> memref<1x100352x16xf32, #tpu.memory_space<hbm>>
        %dma_wait3A_596 = tpu.memref_squeeze %dma_wait3A_595 : memref<1x100352x16xf32, #tpu.memory_space<hbm>> -> memref<100352x16xf32, #tpu.memory_space<hbm>>
        %dma_wait3A_597 = arith.constant 256 : i32
        %dma_wait3A_598 = arith.constant 0 : i32
        %dma_wait3A_599 = tpu.memref_slice %dma_wait3A_596[%dma_wait3A_597, %dma_wait3A_598] : memref<100352x16xf32, #tpu.memory_space<hbm>> -> memref<128x16xf32, #tpu.memory_space<hbm>>
        %dma_wait3A_600 = arith.constant 0 : i32
        %dma_wait3A_601 = arith.constant 0 : i32
        %dma_wait3A_602 = tpu.memref_slice %arg9[%dma_wait3A_588, %dma_wait3A_600, %dma_wait3A_601] : memref<8x128x16xf32, #tpu.memory_space<vmem>> -> memref<1x128x16xf32, #tpu.memory_space<vmem>>
        %dma_wait3A_603 = tpu.memref_squeeze %dma_wait3A_602 : memref<1x128x16xf32, #tpu.memory_space<vmem>> -> memref<128x16xf32, #tpu.memory_space<vmem>>
        %dma_wait3A_604 = arith.constant 0 : i32
        %dma_wait3A_605 = arith.constant 0 : i32
        %dma_wait3A_606 = tpu.memref_slice %arg4[%arg0, %dma_wait3A_604, %dma_wait3A_605] : memref<2x100352x16xf32, #tpu.memory_space<hbm>> -> memref<1x100352x16xf32, #tpu.memory_space<hbm>>
        %dma_wait3A_607 = tpu.memref_squeeze %dma_wait3A_606 : memref<1x100352x16xf32, #tpu.memory_space<hbm>> -> memref<100352x16xf32, #tpu.memory_space<hbm>>
        %dma_wait3A_608 = arith.constant 256 : i32
        %dma_wait3A_609 = arith.constant 0 : i32
        %dma_wait3A_610 = tpu.memref_slice %dma_wait3A_607[%dma_wait3A_608, %dma_wait3A_609] : memref<100352x16xf32, #tpu.memory_space<hbm>> -> memref<128x16xf32, #tpu.memory_space<hbm>>
        tpu.wait_dma2 semaphore(%arg14 : memref<!tpu.dma_semaphore, #tpu.memory_space<semaphore_mem>>) src(%dma_wait3A_610 : memref<128x16xf32, #tpu.memory_space<hbm>>) dst(%dma_wait3A_603 : memref<128x16xf32, #tpu.memory_space<vmem>>)
      } else {
      }
      %dma_start3A_238 = arith.constant 2 : i32
      %dma_start3A_239 = arith.constant 2 : i32
      %dma_start3A_240 = arith.constant 0 : i32
      %dma_start3A_241 = arith.constant 0 : i32
      %dma_start3A_242 = tpu.memref_slice %arg9[%dma_start3A_239, %dma_start3A_240, %dma_start3A_241] : memref<8x128x16xf32, #tpu.memory_space<vmem>> -> memref<1x128x16xf32, #tpu.memory_space<vmem>>
      %dma_start3A_243 = tpu.memref_squeeze %dma_start3A_242 : memref<1x128x16xf32, #tpu.memory_space<vmem>> -> memref<128x16xf32, #tpu.memory_space<vmem>>
      %dma_start3A_244 = arith.constant 0 : i32
      %dma_start3A_245 = tpu.memref_slice %arg7[%rem3A_194, %dma_start3A_238, %dma_start3A_244] : memref<3x8x128xi32, #tpu.memory_space<vmem>> -> memref<1x1x128xi32, #tpu.memory_space<vmem>>
      %dma_start3A_246 = tpu.memref_squeeze %dma_start3A_245 : memref<1x1x128xi32, #tpu.memory_space<vmem>> -> memref<128xi32, #tpu.memory_space<vmem>>
      %dma_start3A_247 = arith.constant 0 : i32
      %dma_start3A_248 = arith.constant 0 : i32
      %dma_start3A_249 = tpu.memref_slice %arg4[%arg0, %dma_start3A_247, %dma_start3A_248] : memref<2x100352x16xf32, #tpu.memory_space<hbm>> -> memref<1x100352x16xf32, #tpu.memory_space<hbm>>
      %dma_start3A_250 = tpu.memref_squeeze %dma_start3A_249 : memref<1x100352x16xf32, #tpu.memory_space<hbm>> -> memref<100352x16xf32, #tpu.memory_space<hbm>>
      %dma_start3A_251 = arith.constant 0 : i32
      %dma_start3A_252 = arith.constant 0 : i32
      %dma_start3A_253 = tpu.memref_slice %dma_start3A_250[%dma_start3A_251, %dma_start3A_252] : memref<100352x16xf32, #tpu.memory_space<hbm>> -> memref<100352x16xf32, #tpu.memory_space<hbm>>
      tpu.enqueue_indirect_dma source(%dma_start3A_253 : memref<100352x16xf32, #tpu.memory_space<hbm>>) target(%dma_start3A_243 : memref<128x16xf32, #tpu.memory_space<vmem>>) offsets(%dma_start3A_246 : memref<128xi32, #tpu.memory_space<vmem>>) semaphore(%arg11 : memref<!tpu.dma_semaphore, #tpu.memory_space<semaphore_mem>>)
      %gt3A_254 = arith.constant 0 : i32
      %gt3A_255 = arith.cmpi sgt, %scan3A_193, %gt3A_254 : i32
      %convert_element_type3A_256 = arith.extui %gt3A_255 : i1 to i32
      %cond3A_257 = arith.constant 0 : i32
      %cond3A_258 = arith.cmpi ne, %convert_element_type3A_256, %cond3A_257 : i32
      scf.if %cond3A_258 {
        %dma_wait3A_588 = arith.constant 3 : i32
        %dma_wait3A_589 = arith.constant 0 : i32
        %dma_wait3A_590 = arith.constant 0 : i32
        %dma_wait3A_591 = tpu.memref_slice %arg9[%dma_wait3A_588, %dma_wait3A_589, %dma_wait3A_590] : memref<8x128x16xf32, #tpu.memory_space<vmem>> -> memref<1x128x16xf32, #tpu.memory_space<vmem>>
        %dma_wait3A_592 = tpu.memref_squeeze %dma_wait3A_591 : memref<1x128x16xf32, #tpu.memory_space<vmem>> -> memref<128x16xf32, #tpu.memory_space<vmem>>
        %dma_wait3A_593 = arith.constant 0 : i32
        %dma_wait3A_594 = arith.constant 0 : i32
        %dma_wait3A_595 = tpu.memref_slice %arg4[%arg0, %dma_wait3A_593, %dma_wait3A_594] : memref<2x100352x16xf32, #tpu.memory_space<hbm>> -> memref<1x100352x16xf32, #tpu.memory_space<hbm>>
        %dma_wait3A_596 = tpu.memref_squeeze %dma_wait3A_595 : memref<1x100352x16xf32, #tpu.memory_space<hbm>> -> memref<100352x16xf32, #tpu.memory_space<hbm>>
        %dma_wait3A_597 = arith.constant 384 : i32
        %dma_wait3A_598 = arith.constant 0 : i32
        %dma_wait3A_599 = tpu.memref_slice %dma_wait3A_596[%dma_wait3A_597, %dma_wait3A_598] : memref<100352x16xf32, #tpu.memory_space<hbm>> -> memref<128x16xf32, #tpu.memory_space<hbm>>
        %dma_wait3A_600 = arith.constant 0 : i32
        %dma_wait3A_601 = arith.constant 0 : i32
        %dma_wait3A_602 = tpu.memref_slice %arg9[%dma_wait3A_588, %dma_wait3A_600, %dma_wait3A_601] : memref<8x128x16xf32, #tpu.memory_space<vmem>> -> memref<1x128x16xf32, #tpu.memory_space<vmem>>
        %dma_wait3A_603 = tpu.memref_squeeze %dma_wait3A_602 : memref<1x128x16xf32, #tpu.memory_space<vmem>> -> memref<128x16xf32, #tpu.memory_space<vmem>>
        %dma_wait3A_604 = arith.constant 0 : i32
        %dma_wait3A_605 = arith.constant 0 : i32
        %dma_wait3A_606 = tpu.memref_slice %arg4[%arg0, %dma_wait3A_604, %dma_wait3A_605] : memref<2x100352x16xf32, #tpu.memory_space<hbm>> -> memref<1x100352x16xf32, #tpu.memory_space<hbm>>
        %dma_wait3A_607 = tpu.memref_squeeze %dma_wait3A_606 : memref<1x100352x16xf32, #tpu.memory_space<hbm>> -> memref<100352x16xf32, #tpu.memory_space<hbm>>
        %dma_wait3A_608 = arith.constant 384 : i32
        %dma_wait3A_609 = arith.constant 0 : i32
        %dma_wait3A_610 = tpu.memref_slice %dma_wait3A_607[%dma_wait3A_608, %dma_wait3A_609] : memref<100352x16xf32, #tpu.memory_space<hbm>> -> memref<128x16xf32, #tpu.memory_space<hbm>>
        tpu.wait_dma2 semaphore(%arg15 : memref<!tpu.dma_semaphore, #tpu.memory_space<semaphore_mem>>) src(%dma_wait3A_610 : memref<128x16xf32, #tpu.memory_space<hbm>>) dst(%dma_wait3A_603 : memref<128x16xf32, #tpu.memory_space<vmem>>)
      } else {
      }
      %dma_start3A_259 = arith.constant 3 : i32
      %dma_start3A_260 = arith.constant 3 : i32
      %dma_start3A_261 = arith.constant 0 : i32
      %dma_start3A_262 = arith.constant 0 : i32
      %dma_start3A_263 = tpu.memref_slice %arg9[%dma_start3A_260, %dma_start3A_261, %dma_start3A_262] : memref<8x128x16xf32, #tpu.memory_space<vmem>> -> memref<1x128x16xf32, #tpu.memory_space<vmem>>
      %dma_start3A_264 = tpu.memref_squeeze %dma_start3A_263 : memref<1x128x16xf32, #tpu.memory_space<vmem>> -> memref<128x16xf32, #tpu.memory_space<vmem>>
      %dma_start3A_265 = arith.constant 0 : i32
      %dma_start3A_266 = tpu.memref_slice %arg7[%rem3A_194, %dma_start3A_259, %dma_start3A_265] : memref<3x8x128xi32, #tpu.memory_space<vmem>> -> memref<1x1x128xi32, #tpu.memory_space<vmem>>
      %dma_start3A_267 = tpu.memref_squeeze %dma_start3A_266 : memref<1x1x128xi32, #tpu.memory_space<vmem>> -> memref<128xi32, #tpu.memory_space<vmem>>
      %dma_start3A_268 = arith.constant 0 : i32
      %dma_start3A_269 = arith.constant 0 : i32
      %dma_start3A_270 = tpu.memref_slice %arg4[%arg0, %dma_start3A_268, %dma_start3A_269] : memref<2x100352x16xf32, #tpu.memory_space<hbm>> -> memref<1x100352x16xf32, #tpu.memory_space<hbm>>
      %dma_start3A_271 = tpu.memref_squeeze %dma_start3A_270 : memref<1x100352x16xf32, #tpu.memory_space<hbm>> -> memref<100352x16xf32, #tpu.memory_space<hbm>>
      %dma_start3A_272 = arith.constant 0 : i32
      %dma_start3A_273 = arith.constant 0 : i32
      %dma_start3A_274 = tpu.memref_slice %dma_start3A_271[%dma_start3A_272, %dma_start3A_273] : memref<100352x16xf32, #tpu.memory_space<hbm>> -> memref<100352x16xf32, #tpu.memory_space<hbm>>
      tpu.enqueue_indirect_dma source(%dma_start3A_274 : memref<100352x16xf32, #tpu.memory_space<hbm>>) target(%dma_start3A_264 : memref<128x16xf32, #tpu.memory_space<vmem>>) offsets(%dma_start3A_267 : memref<128xi32, #tpu.memory_space<vmem>>) semaphore(%arg11 : memref<!tpu.dma_semaphore, #tpu.memory_space<semaphore_mem>>)
      %gt3A_275 = arith.constant 0 : i32
      %gt3A_276 = arith.cmpi sgt, %scan3A_193, %gt3A_275 : i32
      %convert_element_type3A_277 = arith.extui %gt3A_276 : i1 to i32
      %cond3A_278 = arith.constant 0 : i32
      %cond3A_279 = arith.cmpi ne, %convert_element_type3A_277, %cond3A_278 : i32
      scf.if %cond3A_279 {
        %dma_wait3A_588 = arith.constant 4 : i32
        %dma_wait3A_589 = arith.constant 0 : i32
        %dma_wait3A_590 = arith.constant 0 : i32
        %dma_wait3A_591 = tpu.memref_slice %arg9[%dma_wait3A_588, %dma_wait3A_589, %dma_wait3A_590] : memref<8x128x16xf32, #tpu.memory_space<vmem>> -> memref<1x128x16xf32, #tpu.memory_space<vmem>>
        %dma_wait3A_592 = tpu.memref_squeeze %dma_wait3A_591 : memref<1x128x16xf32, #tpu.memory_space<vmem>> -> memref<128x16xf32, #tpu.memory_space<vmem>>
        %dma_wait3A_593 = arith.constant 0 : i32
        %dma_wait3A_594 = arith.constant 0 : i32
        %dma_wait3A_595 = tpu.memref_slice %arg4[%arg0, %dma_wait3A_593, %dma_wait3A_594] : memref<2x100352x16xf32, #tpu.memory_space<hbm>> -> memref<1x100352x16xf32, #tpu.memory_space<hbm>>
        %dma_wait3A_596 = tpu.memref_squeeze %dma_wait3A_595 : memref<1x100352x16xf32, #tpu.memory_space<hbm>> -> memref<100352x16xf32, #tpu.memory_space<hbm>>
        %dma_wait3A_597 = arith.constant 512 : i32
        %dma_wait3A_598 = arith.constant 0 : i32
        %dma_wait3A_599 = tpu.memref_slice %dma_wait3A_596[%dma_wait3A_597, %dma_wait3A_598] : memref<100352x16xf32, #tpu.memory_space<hbm>> -> memref<128x16xf32, #tpu.memory_space<hbm>>
        %dma_wait3A_600 = arith.constant 0 : i32
        %dma_wait3A_601 = arith.constant 0 : i32
        %dma_wait3A_602 = tpu.memref_slice %arg9[%dma_wait3A_588, %dma_wait3A_600, %dma_wait3A_601] : memref<8x128x16xf32, #tpu.memory_space<vmem>> -> memref<1x128x16xf32, #tpu.memory_space<vmem>>
        %dma_wait3A_603 = tpu.memref_squeeze %dma_wait3A_602 : memref<1x128x16xf32, #tpu.memory_space<vmem>> -> memref<128x16xf32, #tpu.memory_space<vmem>>
        %dma_wait3A_604 = arith.constant 0 : i32
        %dma_wait3A_605 = arith.constant 0 : i32
        %dma_wait3A_606 = tpu.memref_slice %arg4[%arg0, %dma_wait3A_604, %dma_wait3A_605] : memref<2x100352x16xf32, #tpu.memory_space<hbm>> -> memref<1x100352x16xf32, #tpu.memory_space<hbm>>
        %dma_wait3A_607 = tpu.memref_squeeze %dma_wait3A_606 : memref<1x100352x16xf32, #tpu.memory_space<hbm>> -> memref<100352x16xf32, #tpu.memory_space<hbm>>
        %dma_wait3A_608 = arith.constant 512 : i32
        %dma_wait3A_609 = arith.constant 0 : i32
        %dma_wait3A_610 = tpu.memref_slice %dma_wait3A_607[%dma_wait3A_608, %dma_wait3A_609] : memref<100352x16xf32, #tpu.memory_space<hbm>> -> memref<128x16xf32, #tpu.memory_space<hbm>>
        tpu.wait_dma2 semaphore(%arg16 : memref<!tpu.dma_semaphore, #tpu.memory_space<semaphore_mem>>) src(%dma_wait3A_610 : memref<128x16xf32, #tpu.memory_space<hbm>>) dst(%dma_wait3A_603 : memref<128x16xf32, #tpu.memory_space<vmem>>)
      } else {
      }
      %dma_start3A_280 = arith.constant 4 : i32
      %dma_start3A_281 = arith.constant 4 : i32
      %dma_start3A_282 = arith.constant 0 : i32
      %dma_start3A_283 = arith.constant 0 : i32
      %dma_start3A_284 = tpu.memref_slice %arg9[%dma_start3A_281, %dma_start3A_282, %dma_start3A_283] : memref<8x128x16xf32, #tpu.memory_space<vmem>> -> memref<1x128x16xf32, #tpu.memory_space<vmem>>
      %dma_start3A_285 = tpu.memref_squeeze %dma_start3A_284 : memref<1x128x16xf32, #tpu.memory_space<vmem>> -> memref<128x16xf32, #tpu.memory_space<vmem>>
      %dma_start3A_286 = arith.constant 0 : i32
      %dma_start3A_287 = tpu.memref_slice %arg7[%rem3A_194, %dma_start3A_280, %dma_start3A_286] : memref<3x8x128xi32, #tpu.memory_space<vmem>> -> memref<1x1x128xi32, #tpu.memory_space<vmem>>
      %dma_start3A_288 = tpu.memref_squeeze %dma_start3A_287 : memref<1x1x128xi32, #tpu.memory_space<vmem>> -> memref<128xi32, #tpu.memory_space<vmem>>
      %dma_start3A_289 = arith.constant 0 : i32
      %dma_start3A_290 = arith.constant 0 : i32
      %dma_start3A_291 = tpu.memref_slice %arg4[%arg0, %dma_start3A_289, %dma_start3A_290] : memref<2x100352x16xf32, #tpu.memory_space<hbm>> -> memref<1x100352x16xf32, #tpu.memory_space<hbm>>
      %dma_start3A_292 = tpu.memref_squeeze %dma_start3A_291 : memref<1x100352x16xf32, #tpu.memory_space<hbm>> -> memref<100352x16xf32, #tpu.memory_space<hbm>>
      %dma_start3A_293 = arith.constant 0 : i32
      %dma_start3A_294 = arith.constant 0 : i32
      %dma_start3A_295 = tpu.memref_slice %dma_start3A_292[%dma_start3A_293, %dma_start3A_294] : memref<100352x16xf32, #tpu.memory_space<hbm>> -> memref<100352x16xf32, #tpu.memory_space<hbm>>
      tpu.enqueue_indirect_dma source(%dma_start3A_295 : memref<100352x16xf32, #tpu.memory_space<hbm>>) target(%dma_start3A_285 : memref<128x16xf32, #tpu.memory_space<vmem>>) offsets(%dma_start3A_288 : memref<128xi32, #tpu.memory_space<vmem>>) semaphore(%arg11 : memref<!tpu.dma_semaphore, #tpu.memory_space<semaphore_mem>>)
      %gt3A_296 = arith.constant 0 : i32
      %gt3A_297 = arith.cmpi sgt, %scan3A_193, %gt3A_296 : i32
      %convert_element_type3A_298 = arith.extui %gt3A_297 : i1 to i32
      %cond3A_299 = arith.constant 0 : i32
      %cond3A_300 = arith.cmpi ne, %convert_element_type3A_298, %cond3A_299 : i32
      scf.if %cond3A_300 {
        %dma_wait3A_588 = arith.constant 5 : i32
        %dma_wait3A_589 = arith.constant 0 : i32
        %dma_wait3A_590 = arith.constant 0 : i32
        %dma_wait3A_591 = tpu.memref_slice %arg9[%dma_wait3A_588, %dma_wait3A_589, %dma_wait3A_590] : memref<8x128x16xf32, #tpu.memory_space<vmem>> -> memref<1x128x16xf32, #tpu.memory_space<vmem>>
        %dma_wait3A_592 = tpu.memref_squeeze %dma_wait3A_591 : memref<1x128x16xf32, #tpu.memory_space<vmem>> -> memref<128x16xf32, #tpu.memory_space<vmem>>
        %dma_wait3A_593 = arith.constant 0 : i32
        %dma_wait3A_594 = arith.constant 0 : i32
        %dma_wait3A_595 = tpu.memref_slice %arg4[%arg0, %dma_wait3A_593, %dma_wait3A_594] : memref<2x100352x16xf32, #tpu.memory_space<hbm>> -> memref<1x100352x16xf32, #tpu.memory_space<hbm>>
        %dma_wait3A_596 = tpu.memref_squeeze %dma_wait3A_595 : memref<1x100352x16xf32, #tpu.memory_space<hbm>> -> memref<100352x16xf32, #tpu.memory_space<hbm>>
        %dma_wait3A_597 = arith.constant 640 : i32
        %dma_wait3A_598 = arith.constant 0 : i32
        %dma_wait3A_599 = tpu.memref_slice %dma_wait3A_596[%dma_wait3A_597, %dma_wait3A_598] : memref<100352x16xf32, #tpu.memory_space<hbm>> -> memref<128x16xf32, #tpu.memory_space<hbm>>
        %dma_wait3A_600 = arith.constant 0 : i32
        %dma_wait3A_601 = arith.constant 0 : i32
        %dma_wait3A_602 = tpu.memref_slice %arg9[%dma_wait3A_588, %dma_wait3A_600, %dma_wait3A_601] : memref<8x128x16xf32, #tpu.memory_space<vmem>> -> memref<1x128x16xf32, #tpu.memory_space<vmem>>
        %dma_wait3A_603 = tpu.memref_squeeze %dma_wait3A_602 : memref<1x128x16xf32, #tpu.memory_space<vmem>> -> memref<128x16xf32, #tpu.memory_space<vmem>>
        %dma_wait3A_604 = arith.constant 0 : i32
        %dma_wait3A_605 = arith.constant 0 : i32
        %dma_wait3A_606 = tpu.memref_slice %arg4[%arg0, %dma_wait3A_604, %dma_wait3A_605] : memref<2x100352x16xf32, #tpu.memory_space<hbm>> -> memref<1x100352x16xf32, #tpu.memory_space<hbm>>
        %dma_wait3A_607 = tpu.memref_squeeze %dma_wait3A_606 : memref<1x100352x16xf32, #tpu.memory_space<hbm>> -> memref<100352x16xf32, #tpu.memory_space<hbm>>
        %dma_wait3A_608 = arith.constant 640 : i32
        %dma_wait3A_609 = arith.constant 0 : i32
        %dma_wait3A_610 = tpu.memref_slice %dma_wait3A_607[%dma_wait3A_608, %dma_wait3A_609] : memref<100352x16xf32, #tpu.memory_space<hbm>> -> memref<128x16xf32, #tpu.memory_space<hbm>>
        tpu.wait_dma2 semaphore(%arg17 : memref<!tpu.dma_semaphore, #tpu.memory_space<semaphore_mem>>) src(%dma_wait3A_610 : memref<128x16xf32, #tpu.memory_space<hbm>>) dst(%dma_wait3A_603 : memref<128x16xf32, #tpu.memory_space<vmem>>)
      } else {
      }
      %dma_start3A_301 = arith.constant 5 : i32
      %dma_start3A_302 = arith.constant 5 : i32
      %dma_start3A_303 = arith.constant 0 : i32
      %dma_start3A_304 = arith.constant 0 : i32
      %dma_start3A_305 = tpu.memref_slice %arg9[%dma_start3A_302, %dma_start3A_303, %dma_start3A_304] : memref<8x128x16xf32, #tpu.memory_space<vmem>> -> memref<1x128x16xf32, #tpu.memory_space<vmem>>
      %dma_start3A_306 = tpu.memref_squeeze %dma_start3A_305 : memref<1x128x16xf32, #tpu.memory_space<vmem>> -> memref<128x16xf32, #tpu.memory_space<vmem>>
      %dma_start3A_307 = arith.constant 0 : i32
      %dma_start3A_308 = tpu.memref_slice %arg7[%rem3A_194, %dma_start3A_301, %dma_start3A_307] : memref<3x8x128xi32, #tpu.memory_space<vmem>> -> memref<1x1x128xi32, #tpu.memory_space<vmem>>
      %dma_start3A_309 = tpu.memref_squeeze %dma_start3A_308 : memref<1x1x128xi32, #tpu.memory_space<vmem>> -> memref<128xi32, #tpu.memory_space<vmem>>
      %dma_start3A_310 = arith.constant 0 : i32
      %dma_start3A_311 = arith.constant 0 : i32
      %dma_start3A_312 = tpu.memref_slice %arg4[%arg0, %dma_start3A_310, %dma_start3A_311] : memref<2x100352x16xf32, #tpu.memory_space<hbm>> -> memref<1x100352x16xf32, #tpu.memory_space<hbm>>
      %dma_start3A_313 = tpu.memref_squeeze %dma_start3A_312 : memref<1x100352x16xf32, #tpu.memory_space<hbm>> -> memref<100352x16xf32, #tpu.memory_space<hbm>>
      %dma_start3A_314 = arith.constant 0 : i32
      %dma_start3A_315 = arith.constant 0 : i32
      %dma_start3A_316 = tpu.memref_slice %dma_start3A_313[%dma_start3A_314, %dma_start3A_315] : memref<100352x16xf32, #tpu.memory_space<hbm>> -> memref<100352x16xf32, #tpu.memory_space<hbm>>
      tpu.enqueue_indirect_dma source(%dma_start3A_316 : memref<100352x16xf32, #tpu.memory_space<hbm>>) target(%dma_start3A_306 : memref<128x16xf32, #tpu.memory_space<vmem>>) offsets(%dma_start3A_309 : memref<128xi32, #tpu.memory_space<vmem>>) semaphore(%arg11 : memref<!tpu.dma_semaphore, #tpu.memory_space<semaphore_mem>>)
      %gt3A_317 = arith.constant 0 : i32
      %gt3A_318 = arith.cmpi sgt, %scan3A_193, %gt3A_317 : i32
      %convert_element_type3A_319 = arith.extui %gt3A_318 : i1 to i32
      %cond3A_320 = arith.constant 0 : i32
      %cond3A_321 = arith.cmpi ne, %convert_element_type3A_319, %cond3A_320 : i32
      scf.if %cond3A_321 {
        %dma_wait3A_588 = arith.constant 6 : i32
        %dma_wait3A_589 = arith.constant 0 : i32
        %dma_wait3A_590 = arith.constant 0 : i32
        %dma_wait3A_591 = tpu.memref_slice %arg9[%dma_wait3A_588, %dma_wait3A_589, %dma_wait3A_590] : memref<8x128x16xf32, #tpu.memory_space<vmem>> -> memref<1x128x16xf32, #tpu.memory_space<vmem>>
        %dma_wait3A_592 = tpu.memref_squeeze %dma_wait3A_591 : memref<1x128x16xf32, #tpu.memory_space<vmem>> -> memref<128x16xf32, #tpu.memory_space<vmem>>
        %dma_wait3A_593 = arith.constant 0 : i32
        %dma_wait3A_594 = arith.constant 0 : i32
        %dma_wait3A_595 = tpu.memref_slice %arg4[%arg0, %dma_wait3A_593, %dma_wait3A_594] : memref<2x100352x16xf32, #tpu.memory_space<hbm>> -> memref<1x100352x16xf32, #tpu.memory_space<hbm>>
        %dma_wait3A_596 = tpu.memref_squeeze %dma_wait3A_595 : memref<1x100352x16xf32, #tpu.memory_space<hbm>> -> memref<100352x16xf32, #tpu.memory_space<hbm>>
        %dma_wait3A_597 = arith.constant 768 : i32
        %dma_wait3A_598 = arith.constant 0 : i32
        %dma_wait3A_599 = tpu.memref_slice %dma_wait3A_596[%dma_wait3A_597, %dma_wait3A_598] : memref<100352x16xf32, #tpu.memory_space<hbm>> -> memref<128x16xf32, #tpu.memory_space<hbm>>
        %dma_wait3A_600 = arith.constant 0 : i32
        %dma_wait3A_601 = arith.constant 0 : i32
        %dma_wait3A_602 = tpu.memref_slice %arg9[%dma_wait3A_588, %dma_wait3A_600, %dma_wait3A_601] : memref<8x128x16xf32, #tpu.memory_space<vmem>> -> memref<1x128x16xf32, #tpu.memory_space<vmem>>
        %dma_wait3A_603 = tpu.memref_squeeze %dma_wait3A_602 : memref<1x128x16xf32, #tpu.memory_space<vmem>> -> memref<128x16xf32, #tpu.memory_space<vmem>>
        %dma_wait3A_604 = arith.constant 0 : i32
        %dma_wait3A_605 = arith.constant 0 : i32
        %dma_wait3A_606 = tpu.memref_slice %arg4[%arg0, %dma_wait3A_604, %dma_wait3A_605] : memref<2x100352x16xf32, #tpu.memory_space<hbm>> -> memref<1x100352x16xf32, #tpu.memory_space<hbm>>
        %dma_wait3A_607 = tpu.memref_squeeze %dma_wait3A_606 : memref<1x100352x16xf32, #tpu.memory_space<hbm>> -> memref<100352x16xf32, #tpu.memory_space<hbm>>
        %dma_wait3A_608 = arith.constant 768 : i32
        %dma_wait3A_609 = arith.constant 0 : i32
        %dma_wait3A_610 = tpu.memref_slice %dma_wait3A_607[%dma_wait3A_608, %dma_wait3A_609] : memref<100352x16xf32, #tpu.memory_space<hbm>> -> memref<128x16xf32, #tpu.memory_space<hbm>>
        tpu.wait_dma2 semaphore(%arg18 : memref<!tpu.dma_semaphore, #tpu.memory_space<semaphore_mem>>) src(%dma_wait3A_610 : memref<128x16xf32, #tpu.memory_space<hbm>>) dst(%dma_wait3A_603 : memref<128x16xf32, #tpu.memory_space<vmem>>)
      } else {
      }
      %dma_start3A_322 = arith.constant 6 : i32
      %dma_start3A_323 = arith.constant 6 : i32
      %dma_start3A_324 = arith.constant 0 : i32
      %dma_start3A_325 = arith.constant 0 : i32
      %dma_start3A_326 = tpu.memref_slice %arg9[%dma_start3A_323, %dma_start3A_324, %dma_start3A_325] : memref<8x128x16xf32, #tpu.memory_space<vmem>> -> memref<1x128x16xf32, #tpu.memory_space<vmem>>
      %dma_start3A_327 = tpu.memref_squeeze %dma_start3A_326 : memref<1x128x16xf32, #tpu.memory_space<vmem>> -> memref<128x16xf32, #tpu.memory_space<vmem>>
      %dma_start3A_328 = arith.constant 0 : i32
      %dma_start3A_329 = tpu.memref_slice %arg7[%rem3A_194, %dma_start3A_322, %dma_start3A_328] : memref<3x8x128xi32, #tpu.memory_space<vmem>> -> memref<1x1x128xi32, #tpu.memory_space<vmem>>
      %dma_start3A_330 = tpu.memref_squeeze %dma_start3A_329 : memref<1x1x128xi32, #tpu.memory_space<vmem>> -> memref<128xi32, #tpu.memory_space<vmem>>
      %dma_start3A_331 = arith.constant 0 : i32
      %dma_start3A_332 = arith.constant 0 : i32
      %dma_start3A_333 = tpu.memref_slice %arg4[%arg0, %dma_start3A_331, %dma_start3A_332] : memref<2x100352x16xf32, #tpu.memory_space<hbm>> -> memref<1x100352x16xf32, #tpu.memory_space<hbm>>
      %dma_start3A_334 = tpu.memref_squeeze %dma_start3A_333 : memref<1x100352x16xf32, #tpu.memory_space<hbm>> -> memref<100352x16xf32, #tpu.memory_space<hbm>>
      %dma_start3A_335 = arith.constant 0 : i32
      %dma_start3A_336 = arith.constant 0 : i32
      %dma_start3A_337 = tpu.memref_slice %dma_start3A_334[%dma_start3A_335, %dma_start3A_336] : memref<100352x16xf32, #tpu.memory_space<hbm>> -> memref<100352x16xf32, #tpu.memory_space<hbm>>
      tpu.enqueue_indirect_dma source(%dma_start3A_337 : memref<100352x16xf32, #tpu.memory_space<hbm>>) target(%dma_start3A_327 : memref<128x16xf32, #tpu.memory_space<vmem>>) offsets(%dma_start3A_330 : memref<128xi32, #tpu.memory_space<vmem>>) semaphore(%arg11 : memref<!tpu.dma_semaphore, #tpu.memory_space<semaphore_mem>>)
      %gt3A_338 = arith.constant 0 : i32
      %gt3A_339 = arith.cmpi sgt, %scan3A_193, %gt3A_338 : i32
      %convert_element_type3A_340 = arith.extui %gt3A_339 : i1 to i32
      %cond3A_341 = arith.constant 0 : i32
      %cond3A_342 = arith.cmpi ne, %convert_element_type3A_340, %cond3A_341 : i32
      scf.if %cond3A_342 {
        %dma_wait3A_588 = arith.constant 7 : i32
        %dma_wait3A_589 = arith.constant 0 : i32
        %dma_wait3A_590 = arith.constant 0 : i32
        %dma_wait3A_591 = tpu.memref_slice %arg9[%dma_wait3A_588, %dma_wait3A_589, %dma_wait3A_590] : memref<8x128x16xf32, #tpu.memory_space<vmem>> -> memref<1x128x16xf32, #tpu.memory_space<vmem>>
        %dma_wait3A_592 = tpu.memref_squeeze %dma_wait3A_591 : memref<1x128x16xf32, #tpu.memory_space<vmem>> -> memref<128x16xf32, #tpu.memory_space<vmem>>
        %dma_wait3A_593 = arith.constant 0 : i32
        %dma_wait3A_594 = arith.constant 0 : i32
        %dma_wait3A_595 = tpu.memref_slice %arg4[%arg0, %dma_wait3A_593, %dma_wait3A_594] : memref<2x100352x16xf32, #tpu.memory_space<hbm>> -> memref<1x100352x16xf32, #tpu.memory_space<hbm>>
        %dma_wait3A_596 = tpu.memref_squeeze %dma_wait3A_595 : memref<1x100352x16xf32, #tpu.memory_space<hbm>> -> memref<100352x16xf32, #tpu.memory_space<hbm>>
        %dma_wait3A_597 = arith.constant 896 : i32
        %dma_wait3A_598 = arith.constant 0 : i32
        %dma_wait3A_599 = tpu.memref_slice %dma_wait3A_596[%dma_wait3A_597, %dma_wait3A_598] : memref<100352x16xf32, #tpu.memory_space<hbm>> -> memref<128x16xf32, #tpu.memory_space<hbm>>
        %dma_wait3A_600 = arith.constant 0 : i32
        %dma_wait3A_601 = arith.constant 0 : i32
        %dma_wait3A_602 = tpu.memref_slice %arg9[%dma_wait3A_588, %dma_wait3A_600, %dma_wait3A_601] : memref<8x128x16xf32, #tpu.memory_space<vmem>> -> memref<1x128x16xf32, #tpu.memory_space<vmem>>
        %dma_wait3A_603 = tpu.memref_squeeze %dma_wait3A_602 : memref<1x128x16xf32, #tpu.memory_space<vmem>> -> memref<128x16xf32, #tpu.memory_space<vmem>>
        %dma_wait3A_604 = arith.constant 0 : i32
        %dma_wait3A_605 = arith.constant 0 : i32
        %dma_wait3A_606 = tpu.memref_slice %arg4[%arg0, %dma_wait3A_604, %dma_wait3A_605] : memref<2x100352x16xf32, #tpu.memory_space<hbm>> -> memref<1x100352x16xf32, #tpu.memory_space<hbm>>
        %dma_wait3A_607 = tpu.memref_squeeze %dma_wait3A_606 : memref<1x100352x16xf32, #tpu.memory_space<hbm>> -> memref<100352x16xf32, #tpu.memory_space<hbm>>
        %dma_wait3A_608 = arith.constant 896 : i32
        %dma_wait3A_609 = arith.constant 0 : i32
        %dma_wait3A_610 = tpu.memref_slice %dma_wait3A_607[%dma_wait3A_608, %dma_wait3A_609] : memref<100352x16xf32, #tpu.memory_space<hbm>> -> memref<128x16xf32, #tpu.memory_space<hbm>>
        tpu.wait_dma2 semaphore(%arg19 : memref<!tpu.dma_semaphore, #tpu.memory_space<semaphore_mem>>) src(%dma_wait3A_610 : memref<128x16xf32, #tpu.memory_space<hbm>>) dst(%dma_wait3A_603 : memref<128x16xf32, #tpu.memory_space<vmem>>)
      } else {
      }
      %dma_start3A_343 = arith.constant 7 : i32
      %dma_start3A_344 = arith.constant 7 : i32
      %dma_start3A_345 = arith.constant 0 : i32
      %dma_start3A_346 = arith.constant 0 : i32
      %dma_start3A_347 = tpu.memref_slice %arg9[%dma_start3A_344, %dma_start3A_345, %dma_start3A_346] : memref<8x128x16xf32, #tpu.memory_space<vmem>> -> memref<1x128x16xf32, #tpu.memory_space<vmem>>
      %dma_start3A_348 = tpu.memref_squeeze %dma_start3A_347 : memref<1x128x16xf32, #tpu.memory_space<vmem>> -> memref<128x16xf32, #tpu.memory_space<vmem>>
      %dma_start3A_349 = arith.constant 0 : i32
      %dma_start3A_350 = tpu.memref_slice %arg7[%rem3A_194, %dma_start3A_343, %dma_start3A_349] : memref<3x8x128xi32, #tpu.memory_space<vmem>> -> memref<1x1x128xi32, #tpu.memory_space<vmem>>
      %dma_start3A_351 = tpu.memref_squeeze %dma_start3A_350 : memref<1x1x128xi32, #tpu.memory_space<vmem>> -> memref<128xi32, #tpu.memory_space<vmem>>
      %dma_start3A_352 = arith.constant 0 : i32
      %dma_start3A_353 = arith.constant 0 : i32
      %dma_start3A_354 = tpu.memref_slice %arg4[%arg0, %dma_start3A_352, %dma_start3A_353] : memref<2x100352x16xf32, #tpu.memory_space<hbm>> -> memref<1x100352x16xf32, #tpu.memory_space<hbm>>
      %dma_start3A_355 = tpu.memref_squeeze %dma_start3A_354 : memref<1x100352x16xf32, #tpu.memory_space<hbm>> -> memref<100352x16xf32, #tpu.memory_space<hbm>>
      %dma_start3A_356 = arith.constant 0 : i32
      %dma_start3A_357 = arith.constant 0 : i32
      %dma_start3A_358 = tpu.memref_slice %dma_start3A_355[%dma_start3A_356, %dma_start3A_357] : memref<100352x16xf32, #tpu.memory_space<hbm>> -> memref<100352x16xf32, #tpu.memory_space<hbm>>
      tpu.enqueue_indirect_dma source(%dma_start3A_358 : memref<100352x16xf32, #tpu.memory_space<hbm>>) target(%dma_start3A_348 : memref<128x16xf32, #tpu.memory_space<vmem>>) offsets(%dma_start3A_351 : memref<128xi32, #tpu.memory_space<vmem>>) semaphore(%arg11 : memref<!tpu.dma_semaphore, #tpu.memory_space<semaphore_mem>>)
      %add3A = arith.constant 1 : i32
      %add3A_359 = arith.addi %scan3A_193, %add3A : i32
      %lt3A = arith.constant 98 : i32
      %lt3A_360 = arith.cmpi slt, %add3A_359, %lt3A : i32
      %convert_element_type3A_361 = arith.extui %lt3A_360 : i1 to i32
      %cond3A_362 = arith.constant 0 : i32
      %cond3A_363 = arith.cmpi ne, %convert_element_type3A_361, %cond3A_362 : i32
      scf.if %cond3A_363 {
        %add3A_588 = arith.constant 1 : i32
        %add3A_589 = arith.addi %scan3A_193, %add3A_588 : i32
        %rem3A_590 = arith.constant 3 : i32
        %rem3A_591 = arith.remsi %add3A_589, %rem3A_590 : i32
        %add3A_592 = arith.addi %mul3A_2, %scan3A_193 : i32
        %add3A_593 = arith.constant 1 : i32
        %add3A_594 = arith.addi %add3A_592, %add3A_593 : i32
        "tpu.region"() ({
          %run_scoped3A_595 = tpu.sem_alloc : memref<!tpu.dma_semaphore, #tpu.memory_space<semaphore_mem>>
          %dma_start3A_596 = arith.constant 0 : i32
          %dma_start3A_597 = arith.constant 0 : i32
          %dma_start3A_598 = tpu.memref_slice %arg7[%rem3A_591, %dma_start3A_596, %dma_start3A_597] : memref<3x8x128xi32, #tpu.memory_space<vmem>> -> memref<1x8x128xi32, #tpu.memory_space<vmem>>
          %dma_start3A_599 = tpu.memref_squeeze %dma_start3A_598 : memref<1x8x128xi32, #tpu.memory_space<vmem>> -> memref<8x128xi32, #tpu.memory_space<vmem>>
          %dma_start3A_600 = arith.constant 0 : i32
          %dma_start3A_601 = arith.constant 0 : i32
          %dma_start3A_602 = tpu.memref_slice %arg2[%add3A_594, %dma_start3A_600, %dma_start3A_601] : memref<1568x8x128xi32, #tpu.memory_space<hbm>> -> memref<1x8x128xi32, #tpu.memory_space<hbm>>
          %dma_start3A_603 = tpu.memref_squeeze %dma_start3A_602 : memref<1x8x128xi32, #tpu.memory_space<hbm>> -> memref<8x128xi32, #tpu.memory_space<hbm>>
          %dma_start3A_604 = arith.constant 0 : i32
          %dma_start3A_605 = arith.constant 0 : i32
          %dma_start3A_606 = tpu.memref_slice %arg7[%rem3A_591, %dma_start3A_604, %dma_start3A_605] : memref<3x8x128xi32, #tpu.memory_space<vmem>> -> memref<1x8x128xi32, #tpu.memory_space<vmem>>
          %dma_start3A_607 = tpu.memref_squeeze %dma_start3A_606 : memref<1x8x128xi32, #tpu.memory_space<vmem>> -> memref<8x128xi32, #tpu.memory_space<vmem>>
          %dma_start3A_608 = arith.constant 0 : i32
          %dma_start3A_609 = arith.constant 0 : i32
          %dma_start3A_610 = tpu.memref_slice %arg2[%add3A_594, %dma_start3A_608, %dma_start3A_609] : memref<1568x8x128xi32, #tpu.memory_space<hbm>> -> memref<1x8x128xi32, #tpu.memory_space<hbm>>
          %dma_start3A_611 = tpu.memref_squeeze %dma_start3A_610 : memref<1x8x128xi32, #tpu.memory_space<hbm>> -> memref<8x128xi32, #tpu.memory_space<hbm>>
          tpu.enqueue_dma source(%dma_start3A_611 : memref<8x128xi32, #tpu.memory_space<hbm>>) target(%dma_start3A_607 : memref<8x128xi32, #tpu.memory_space<vmem>>) target_semaphore(%run_scoped3A_595 : memref<!tpu.dma_semaphore, #tpu.memory_space<semaphore_mem>>)
          %dma_wait3A_612 = arith.constant 0 : i32
          %dma_wait3A_613 = arith.constant 0 : i32
          %dma_wait3A_614 = tpu.memref_slice %arg7[%rem3A_591, %dma_wait3A_612, %dma_wait3A_613] : memref<3x8x128xi32, #tpu.memory_space<vmem>> -> memref<1x8x128xi32, #tpu.memory_space<vmem>>
          %dma_wait3A_615 = tpu.memref_squeeze %dma_wait3A_614 : memref<1x8x128xi32, #tpu.memory_space<vmem>> -> memref<8x128xi32, #tpu.memory_space<vmem>>
          %dma_wait3A_616 = arith.constant 0 : i32
          %dma_wait3A_617 = arith.constant 0 : i32
          %dma_wait3A_618 = tpu.memref_slice %arg2[%add3A_594, %dma_wait3A_616, %dma_wait3A_617] : memref<1568x8x128xi32, #tpu.memory_space<hbm>> -> memref<1x8x128xi32, #tpu.memory_space<hbm>>
          %dma_wait3A_619 = tpu.memref_squeeze %dma_wait3A_618 : memref<1x8x128xi32, #tpu.memory_space<hbm>> -> memref<8x128xi32, #tpu.memory_space<hbm>>
          %dma_wait3A_620 = arith.constant 0 : i32
          %dma_wait3A_621 = arith.constant 0 : i32
          %dma_wait3A_622 = tpu.memref_slice %arg7[%rem3A_591, %dma_wait3A_620, %dma_wait3A_621] : memref<3x8x128xi32, #tpu.memory_space<vmem>> -> memref<1x8x128xi32, #tpu.memory_space<vmem>>
          %dma_wait3A_623 = tpu.memref_squeeze %dma_wait3A_622 : memref<1x8x128xi32, #tpu.memory_space<vmem>> -> memref<8x128xi32, #tpu.memory_space<vmem>>
          %dma_wait3A_624 = arith.constant 0 : i32
          %dma_wait3A_625 = arith.constant 0 : i32
          %dma_wait3A_626 = tpu.memref_slice %arg2[%add3A_594, %dma_wait3A_624, %dma_wait3A_625] : memref<1568x8x128xi32, #tpu.memory_space<hbm>> -> memref<1x8x128xi32, #tpu.memory_space<hbm>>
          %dma_wait3A_627 = tpu.memref_squeeze %dma_wait3A_626 : memref<1x8x128xi32, #tpu.memory_space<hbm>> -> memref<8x128xi32, #tpu.memory_space<hbm>>
          tpu.wait_dma2 semaphore(%run_scoped3A_595 : memref<!tpu.dma_semaphore, #tpu.memory_space<semaphore_mem>>) src(%dma_wait3A_627 : memref<8x128xi32, #tpu.memory_space<hbm>>) dst(%dma_wait3A_623 : memref<8x128xi32, #tpu.memory_space<vmem>>)
          tpu.yield
        }) : () -> ()
        "tpu.region"() ({
          %run_scoped3A_595 = tpu.sem_alloc : memref<!tpu.dma_semaphore, #tpu.memory_space<semaphore_mem>>
          %dma_start3A_596 = arith.constant 0 : i32
          %dma_start3A_597 = arith.constant 0 : i32
          %dma_start3A_598 = tpu.memref_slice %arg8[%rem3A_591, %dma_start3A_596, %dma_start3A_597] : memref<3x8x128xi32, #tpu.memory_space<vmem>> -> memref<1x8x128xi32, #tpu.memory_space<vmem>>
          %dma_start3A_599 = tpu.memref_squeeze %dma_start3A_598 : memref<1x8x128xi32, #tpu.memory_space<vmem>> -> memref<8x128xi32, #tpu.memory_space<vmem>>
          %dma_start3A_600 = arith.constant 0 : i32
          %dma_start3A_601 = arith.constant 0 : i32
          %dma_start3A_602 = tpu.memref_slice %arg3[%add3A_594, %dma_start3A_600, %dma_start3A_601] : memref<1568x8x128xi32, #tpu.memory_space<hbm>> -> memref<1x8x128xi32, #tpu.memory_space<hbm>>
          %dma_start3A_603 = tpu.memref_squeeze %dma_start3A_602 : memref<1x8x128xi32, #tpu.memory_space<hbm>> -> memref<8x128xi32, #tpu.memory_space<hbm>>
          %dma_start3A_604 = arith.constant 0 : i32
          %dma_start3A_605 = arith.constant 0 : i32
          %dma_start3A_606 = tpu.memref_slice %arg8[%rem3A_591, %dma_start3A_604, %dma_start3A_605] : memref<3x8x128xi32, #tpu.memory_space<vmem>> -> memref<1x8x128xi32, #tpu.memory_space<vmem>>
          %dma_start3A_607 = tpu.memref_squeeze %dma_start3A_606 : memref<1x8x128xi32, #tpu.memory_space<vmem>> -> memref<8x128xi32, #tpu.memory_space<vmem>>
          %dma_start3A_608 = arith.constant 0 : i32
          %dma_start3A_609 = arith.constant 0 : i32
          %dma_start3A_610 = tpu.memref_slice %arg3[%add3A_594, %dma_start3A_608, %dma_start3A_609] : memref<1568x8x128xi32, #tpu.memory_space<hbm>> -> memref<1x8x128xi32, #tpu.memory_space<hbm>>
          %dma_start3A_611 = tpu.memref_squeeze %dma_start3A_610 : memref<1x8x128xi32, #tpu.memory_space<hbm>> -> memref<8x128xi32, #tpu.memory_space<hbm>>
          tpu.enqueue_dma source(%dma_start3A_611 : memref<8x128xi32, #tpu.memory_space<hbm>>) target(%dma_start3A_607 : memref<8x128xi32, #tpu.memory_space<vmem>>) target_semaphore(%run_scoped3A_595 : memref<!tpu.dma_semaphore, #tpu.memory_space<semaphore_mem>>)
          %dma_wait3A_612 = arith.constant 0 : i32
          %dma_wait3A_613 = arith.constant 0 : i32
          %dma_wait3A_614 = tpu.memref_slice %arg8[%rem3A_591, %dma_wait3A_612, %dma_wait3A_613] : memref<3x8x128xi32, #tpu.memory_space<vmem>> -> memref<1x8x128xi32, #tpu.memory_space<vmem>>
          %dma_wait3A_615 = tpu.memref_squeeze %dma_wait3A_614 : memref<1x8x128xi32, #tpu.memory_space<vmem>> -> memref<8x128xi32, #tpu.memory_space<vmem>>
          %dma_wait3A_616 = arith.constant 0 : i32
          %dma_wait3A_617 = arith.constant 0 : i32
          %dma_wait3A_618 = tpu.memref_slice %arg3[%add3A_594, %dma_wait3A_616, %dma_wait3A_617] : memref<1568x8x128xi32, #tpu.memory_space<hbm>> -> memref<1x8x128xi32, #tpu.memory_space<hbm>>
          %dma_wait3A_619 = tpu.memref_squeeze %dma_wait3A_618 : memref<1x8x128xi32, #tpu.memory_space<hbm>> -> memref<8x128xi32, #tpu.memory_space<hbm>>
          %dma_wait3A_620 = arith.constant 0 : i32
          %dma_wait3A_621 = arith.constant 0 : i32
          %dma_wait3A_622 = tpu.memref_slice %arg8[%rem3A_591, %dma_wait3A_620, %dma_wait3A_621] : memref<3x8x128xi32, #tpu.memory_space<vmem>> -> memref<1x8x128xi32, #tpu.memory_space<vmem>>
          %dma_wait3A_623 = tpu.memref_squeeze %dma_wait3A_622 : memref<1x8x128xi32, #tpu.memory_space<vmem>> -> memref<8x128xi32, #tpu.memory_space<vmem>>
          %dma_wait3A_624 = arith.constant 0 : i32
          %dma_wait3A_625 = arith.constant 0 : i32
          %dma_wait3A_626 = tpu.memref_slice %arg3[%add3A_594, %dma_wait3A_624, %dma_wait3A_625] : memref<1568x8x128xi32, #tpu.memory_space<hbm>> -> memref<1x8x128xi32, #tpu.memory_space<hbm>>
          %dma_wait3A_627 = tpu.memref_squeeze %dma_wait3A_626 : memref<1x8x128xi32, #tpu.memory_space<hbm>> -> memref<8x128xi32, #tpu.memory_space<hbm>>
          tpu.wait_dma2 semaphore(%run_scoped3A_595 : memref<!tpu.dma_semaphore, #tpu.memory_space<semaphore_mem>>) src(%dma_wait3A_627 : memref<8x128xi32, #tpu.memory_space<hbm>>) dst(%dma_wait3A_623 : memref<8x128xi32, #tpu.memory_space<vmem>>)
          tpu.yield
        }) : () -> ()
      } else {
      }
      %dma_wait3A_364 = arith.constant 0 : i32
      %dma_wait3A_365 = arith.constant 0 : i32
      %dma_wait3A_366 = arith.constant 0 : i32
      %dma_wait3A_367 = arith.constant 0 : i32
      %dma_wait3A_368 = tpu.memref_slice %arg9[%dma_wait3A_365, %dma_wait3A_366, %dma_wait3A_367] : memref<8x128x16xf32, #tpu.memory_space<vmem>> -> memref<1x128x16xf32, #tpu.memory_space<vmem>>
      %dma_wait3A_369 = tpu.memref_squeeze %dma_wait3A_368 : memref<1x128x16xf32, #tpu.memory_space<vmem>> -> memref<128x16xf32, #tpu.memory_space<vmem>>
      %dma_wait3A_370 = arith.constant 0 : i32
      %dma_wait3A_371 = tpu.memref_slice %arg7[%rem3A_194, %dma_wait3A_364, %dma_wait3A_370] : memref<3x8x128xi32, #tpu.memory_space<vmem>> -> memref<1x1x128xi32, #tpu.memory_space<vmem>>
      %dma_wait3A_372 = tpu.memref_squeeze %dma_wait3A_371 : memref<1x1x128xi32, #tpu.memory_space<vmem>> -> memref<128xi32, #tpu.memory_space<vmem>>
      %dma_wait3A_373 = arith.constant 0 : i32
      %dma_wait3A_374 = arith.constant 0 : i32
      %dma_wait3A_375 = tpu.memref_slice %arg4[%arg0, %dma_wait3A_373, %dma_wait3A_374] : memref<2x100352x16xf32, #tpu.memory_space<hbm>> -> memref<1x100352x16xf32, #tpu.memory_space<hbm>>
      %dma_wait3A_376 = tpu.memref_squeeze %dma_wait3A_375 : memref<1x100352x16xf32, #tpu.memory_space<hbm>> -> memref<100352x16xf32, #tpu.memory_space<hbm>>
      %dma_wait3A_377 = arith.constant 0 : i32
      %dma_wait3A_378 = arith.constant 0 : i32
      %dma_wait3A_379 = tpu.memref_slice %dma_wait3A_376[%dma_wait3A_377, %dma_wait3A_378] : memref<100352x16xf32, #tpu.memory_space<hbm>> -> memref<100352x16xf32, #tpu.memory_space<hbm>>
      tpu.wait_indirect_dma semaphore(%arg11 : memref<!tpu.dma_semaphore, #tpu.memory_space<semaphore_mem>>) src(%dma_wait3A_379 : memref<100352x16xf32, #tpu.memory_space<hbm>>) dst(%dma_wait3A_369 : memref<128x16xf32, #tpu.memory_space<vmem>>)
      %dma_start3A_380 = arith.constant 0 : i32
      %dma_start3A_381 = arith.constant 0 : i32
      %dma_start3A_382 = arith.constant 0 : i32
      %dma_start3A_383 = arith.constant 0 : i32
      %dma_start3A_384 = tpu.memref_slice %arg9[%dma_start3A_380, %dma_start3A_382, %dma_start3A_383] : memref<8x128x16xf32, #tpu.memory_space<vmem>> -> memref<1x128x16xf32, #tpu.memory_space<vmem>>
      %dma_start3A_385 = tpu.memref_squeeze %dma_start3A_384 : memref<1x128x16xf32, #tpu.memory_space<vmem>> -> memref<128x16xf32, #tpu.memory_space<vmem>>
      %dma_start3A_386 = arith.constant 0 : i32
      %dma_start3A_387 = tpu.memref_slice %arg8[%rem3A_194, %dma_start3A_381, %dma_start3A_386] : memref<3x8x128xi32, #tpu.memory_space<vmem>> -> memref<1x1x128xi32, #tpu.memory_space<vmem>>
      %dma_start3A_388 = tpu.memref_squeeze %dma_start3A_387 : memref<1x1x128xi32, #tpu.memory_space<vmem>> -> memref<128xi32, #tpu.memory_space<vmem>>
      %dma_start3A_389 = arith.constant 0 : i32
      %dma_start3A_390 = arith.constant 0 : i32
      %dma_start3A_391 = tpu.memref_slice %arg10[%dma_start3A_389, %dma_start3A_390] : memref<100352x16xf32, #tpu.memory_space<vmem_shared>> -> memref<100352x16xf32, #tpu.memory_space<vmem_shared>>
      tpu.enqueue_indirect_dma source(%dma_start3A_385 : memref<128x16xf32, #tpu.memory_space<vmem>>) target(%dma_start3A_391 : memref<100352x16xf32, #tpu.memory_space<vmem_shared>>) offsets(%dma_start3A_388 : memref<128xi32, #tpu.memory_space<vmem>>) semaphore(%arg12 : memref<!tpu.dma_semaphore, #tpu.memory_space<semaphore_mem>>) {add = true}
      %dma_wait3A_392 = arith.constant 1 : i32
      %dma_wait3A_393 = arith.constant 1 : i32
      %dma_wait3A_394 = arith.constant 0 : i32
      %dma_wait3A_395 = arith.constant 0 : i32
      %dma_wait3A_396 = tpu.memref_slice %arg9[%dma_wait3A_393, %dma_wait3A_394, %dma_wait3A_395] : memref<8x128x16xf32, #tpu.memory_space<vmem>> -> memref<1x128x16xf32, #tpu.memory_space<vmem>>
      %dma_wait3A_397 = tpu.memref_squeeze %dma_wait3A_396 : memref<1x128x16xf32, #tpu.memory_space<vmem>> -> memref<128x16xf32, #tpu.memory_space<vmem>>
      %dma_wait3A_398 = arith.constant 0 : i32
      %dma_wait3A_399 = tpu.memref_slice %arg7[%rem3A_194, %dma_wait3A_392, %dma_wait3A_398] : memref<3x8x128xi32, #tpu.memory_space<vmem>> -> memref<1x1x128xi32, #tpu.memory_space<vmem>>
      %dma_wait3A_400 = tpu.memref_squeeze %dma_wait3A_399 : memref<1x1x128xi32, #tpu.memory_space<vmem>> -> memref<128xi32, #tpu.memory_space<vmem>>
      %dma_wait3A_401 = arith.constant 0 : i32
      %dma_wait3A_402 = arith.constant 0 : i32
      %dma_wait3A_403 = tpu.memref_slice %arg4[%arg0, %dma_wait3A_401, %dma_wait3A_402] : memref<2x100352x16xf32, #tpu.memory_space<hbm>> -> memref<1x100352x16xf32, #tpu.memory_space<hbm>>
      %dma_wait3A_404 = tpu.memref_squeeze %dma_wait3A_403 : memref<1x100352x16xf32, #tpu.memory_space<hbm>> -> memref<100352x16xf32, #tpu.memory_space<hbm>>
      %dma_wait3A_405 = arith.constant 0 : i32
      %dma_wait3A_406 = arith.constant 0 : i32
      %dma_wait3A_407 = tpu.memref_slice %dma_wait3A_404[%dma_wait3A_405, %dma_wait3A_406] : memref<100352x16xf32, #tpu.memory_space<hbm>> -> memref<100352x16xf32, #tpu.memory_space<hbm>>
      tpu.wait_indirect_dma semaphore(%arg11 : memref<!tpu.dma_semaphore, #tpu.memory_space<semaphore_mem>>) src(%dma_wait3A_407 : memref<100352x16xf32, #tpu.memory_space<hbm>>) dst(%dma_wait3A_397 : memref<128x16xf32, #tpu.memory_space<vmem>>)
      %dma_start3A_408 = arith.constant 1 : i32
      %dma_start3A_409 = arith.constant 1 : i32
      %dma_start3A_410 = arith.constant 0 : i32
      %dma_start3A_411 = arith.constant 0 : i32
      %dma_start3A_412 = tpu.memref_slice %arg9[%dma_start3A_408, %dma_start3A_410, %dma_start3A_411] : memref<8x128x16xf32, #tpu.memory_space<vmem>> -> memref<1x128x16xf32, #tpu.memory_space<vmem>>
      %dma_start3A_413 = tpu.memref_squeeze %dma_start3A_412 : memref<1x128x16xf32, #tpu.memory_space<vmem>> -> memref<128x16xf32, #tpu.memory_space<vmem>>
      %dma_start3A_414 = arith.constant 0 : i32
      %dma_start3A_415 = tpu.memref_slice %arg8[%rem3A_194, %dma_start3A_409, %dma_start3A_414] : memref<3x8x128xi32, #tpu.memory_space<vmem>> -> memref<1x1x128xi32, #tpu.memory_space<vmem>>
      %dma_start3A_416 = tpu.memref_squeeze %dma_start3A_415 : memref<1x1x128xi32, #tpu.memory_space<vmem>> -> memref<128xi32, #tpu.memory_space<vmem>>
      %dma_start3A_417 = arith.constant 0 : i32
      %dma_start3A_418 = arith.constant 0 : i32
      %dma_start3A_419 = tpu.memref_slice %arg10[%dma_start3A_417, %dma_start3A_418] : memref<100352x16xf32, #tpu.memory_space<vmem_shared>> -> memref<100352x16xf32, #tpu.memory_space<vmem_shared>>
      tpu.enqueue_indirect_dma source(%dma_start3A_413 : memref<128x16xf32, #tpu.memory_space<vmem>>) target(%dma_start3A_419 : memref<100352x16xf32, #tpu.memory_space<vmem_shared>>) offsets(%dma_start3A_416 : memref<128xi32, #tpu.memory_space<vmem>>) semaphore(%arg13 : memref<!tpu.dma_semaphore, #tpu.memory_space<semaphore_mem>>) {add = true}
      %dma_wait3A_420 = arith.constant 2 : i32
      %dma_wait3A_421 = arith.constant 2 : i32
      %dma_wait3A_422 = arith.constant 0 : i32
      %dma_wait3A_423 = arith.constant 0 : i32
      %dma_wait3A_424 = tpu.memref_slice %arg9[%dma_wait3A_421, %dma_wait3A_422, %dma_wait3A_423] : memref<8x128x16xf32, #tpu.memory_space<vmem>> -> memref<1x128x16xf32, #tpu.memory_space<vmem>>
      %dma_wait3A_425 = tpu.memref_squeeze %dma_wait3A_424 : memref<1x128x16xf32, #tpu.memory_space<vmem>> -> memref<128x16xf32, #tpu.memory_space<vmem>>
      %dma_wait3A_426 = arith.constant 0 : i32
      %dma_wait3A_427 = tpu.memref_slice %arg7[%rem3A_194, %dma_wait3A_420, %dma_wait3A_426] : memref<3x8x128xi32, #tpu.memory_space<vmem>> -> memref<1x1x128xi32, #tpu.memory_space<vmem>>
      %dma_wait3A_428 = tpu.memref_squeeze %dma_wait3A_427 : memref<1x1x128xi32, #tpu.memory_space<vmem>> -> memref<128xi32, #tpu.memory_space<vmem>>
      %dma_wait3A_429 = arith.constant 0 : i32
      %dma_wait3A_430 = arith.constant 0 : i32
      %dma_wait3A_431 = tpu.memref_slice %arg4[%arg0, %dma_wait3A_429, %dma_wait3A_430] : memref<2x100352x16xf32, #tpu.memory_space<hbm>> -> memref<1x100352x16xf32, #tpu.memory_space<hbm>>
      %dma_wait3A_432 = tpu.memref_squeeze %dma_wait3A_431 : memref<1x100352x16xf32, #tpu.memory_space<hbm>> -> memref<100352x16xf32, #tpu.memory_space<hbm>>
      %dma_wait3A_433 = arith.constant 0 : i32
      %dma_wait3A_434 = arith.constant 0 : i32
      %dma_wait3A_435 = tpu.memref_slice %dma_wait3A_432[%dma_wait3A_433, %dma_wait3A_434] : memref<100352x16xf32, #tpu.memory_space<hbm>> -> memref<100352x16xf32, #tpu.memory_space<hbm>>
      tpu.wait_indirect_dma semaphore(%arg11 : memref<!tpu.dma_semaphore, #tpu.memory_space<semaphore_mem>>) src(%dma_wait3A_435 : memref<100352x16xf32, #tpu.memory_space<hbm>>) dst(%dma_wait3A_425 : memref<128x16xf32, #tpu.memory_space<vmem>>)
      %dma_start3A_436 = arith.constant 2 : i32
      %dma_start3A_437 = arith.constant 2 : i32
      %dma_start3A_438 = arith.constant 0 : i32
      %dma_start3A_439 = arith.constant 0 : i32
      %dma_start3A_440 = tpu.memref_slice %arg9[%dma_start3A_436, %dma_start3A_438, %dma_start3A_439] : memref<8x128x16xf32, #tpu.memory_space<vmem>> -> memref<1x128x16xf32, #tpu.memory_space<vmem>>
      %dma_start3A_441 = tpu.memref_squeeze %dma_start3A_440 : memref<1x128x16xf32, #tpu.memory_space<vmem>> -> memref<128x16xf32, #tpu.memory_space<vmem>>
      %dma_start3A_442 = arith.constant 0 : i32
      %dma_start3A_443 = tpu.memref_slice %arg8[%rem3A_194, %dma_start3A_437, %dma_start3A_442] : memref<3x8x128xi32, #tpu.memory_space<vmem>> -> memref<1x1x128xi32, #tpu.memory_space<vmem>>
      %dma_start3A_444 = tpu.memref_squeeze %dma_start3A_443 : memref<1x1x128xi32, #tpu.memory_space<vmem>> -> memref<128xi32, #tpu.memory_space<vmem>>
      %dma_start3A_445 = arith.constant 0 : i32
      %dma_start3A_446 = arith.constant 0 : i32
      %dma_start3A_447 = tpu.memref_slice %arg10[%dma_start3A_445, %dma_start3A_446] : memref<100352x16xf32, #tpu.memory_space<vmem_shared>> -> memref<100352x16xf32, #tpu.memory_space<vmem_shared>>
      tpu.enqueue_indirect_dma source(%dma_start3A_441 : memref<128x16xf32, #tpu.memory_space<vmem>>) target(%dma_start3A_447 : memref<100352x16xf32, #tpu.memory_space<vmem_shared>>) offsets(%dma_start3A_444 : memref<128xi32, #tpu.memory_space<vmem>>) semaphore(%arg14 : memref<!tpu.dma_semaphore, #tpu.memory_space<semaphore_mem>>) {add = true}
      %dma_wait3A_448 = arith.constant 3 : i32
      %dma_wait3A_449 = arith.constant 3 : i32
      %dma_wait3A_450 = arith.constant 0 : i32
      %dma_wait3A_451 = arith.constant 0 : i32
      %dma_wait3A_452 = tpu.memref_slice %arg9[%dma_wait3A_449, %dma_wait3A_450, %dma_wait3A_451] : memref<8x128x16xf32, #tpu.memory_space<vmem>> -> memref<1x128x16xf32, #tpu.memory_space<vmem>>
      %dma_wait3A_453 = tpu.memref_squeeze %dma_wait3A_452 : memref<1x128x16xf32, #tpu.memory_space<vmem>> -> memref<128x16xf32, #tpu.memory_space<vmem>>
      %dma_wait3A_454 = arith.constant 0 : i32
      %dma_wait3A_455 = tpu.memref_slice %arg7[%rem3A_194, %dma_wait3A_448, %dma_wait3A_454] : memref<3x8x128xi32, #tpu.memory_space<vmem>> -> memref<1x1x128xi32, #tpu.memory_space<vmem>>
      %dma_wait3A_456 = tpu.memref_squeeze %dma_wait3A_455 : memref<1x1x128xi32, #tpu.memory_space<vmem>> -> memref<128xi32, #tpu.memory_space<vmem>>
      %dma_wait3A_457 = arith.constant 0 : i32
      %dma_wait3A_458 = arith.constant 0 : i32
      %dma_wait3A_459 = tpu.memref_slice %arg4[%arg0, %dma_wait3A_457, %dma_wait3A_458] : memref<2x100352x16xf32, #tpu.memory_space<hbm>> -> memref<1x100352x16xf32, #tpu.memory_space<hbm>>
      %dma_wait3A_460 = tpu.memref_squeeze %dma_wait3A_459 : memref<1x100352x16xf32, #tpu.memory_space<hbm>> -> memref<100352x16xf32, #tpu.memory_space<hbm>>
      %dma_wait3A_461 = arith.constant 0 : i32
      %dma_wait3A_462 = arith.constant 0 : i32
      %dma_wait3A_463 = tpu.memref_slice %dma_wait3A_460[%dma_wait3A_461, %dma_wait3A_462] : memref<100352x16xf32, #tpu.memory_space<hbm>> -> memref<100352x16xf32, #tpu.memory_space<hbm>>
      tpu.wait_indirect_dma semaphore(%arg11 : memref<!tpu.dma_semaphore, #tpu.memory_space<semaphore_mem>>) src(%dma_wait3A_463 : memref<100352x16xf32, #tpu.memory_space<hbm>>) dst(%dma_wait3A_453 : memref<128x16xf32, #tpu.memory_space<vmem>>)
      %dma_start3A_464 = arith.constant 3 : i32
      %dma_start3A_465 = arith.constant 3 : i32
      %dma_start3A_466 = arith.constant 0 : i32
      %dma_start3A_467 = arith.constant 0 : i32
      %dma_start3A_468 = tpu.memref_slice %arg9[%dma_start3A_464, %dma_start3A_466, %dma_start3A_467] : memref<8x128x16xf32, #tpu.memory_space<vmem>> -> memref<1x128x16xf32, #tpu.memory_space<vmem>>
      %dma_start3A_469 = tpu.memref_squeeze %dma_start3A_468 : memref<1x128x16xf32, #tpu.memory_space<vmem>> -> memref<128x16xf32, #tpu.memory_space<vmem>>
      %dma_start3A_470 = arith.constant 0 : i32
      %dma_start3A_471 = tpu.memref_slice %arg8[%rem3A_194, %dma_start3A_465, %dma_start3A_470] : memref<3x8x128xi32, #tpu.memory_space<vmem>> -> memref<1x1x128xi32, #tpu.memory_space<vmem>>
      %dma_start3A_472 = tpu.memref_squeeze %dma_start3A_471 : memref<1x1x128xi32, #tpu.memory_space<vmem>> -> memref<128xi32, #tpu.memory_space<vmem>>
      %dma_start3A_473 = arith.constant 0 : i32
      %dma_start3A_474 = arith.constant 0 : i32
      %dma_start3A_475 = tpu.memref_slice %arg10[%dma_start3A_473, %dma_start3A_474] : memref<100352x16xf32, #tpu.memory_space<vmem_shared>> -> memref<100352x16xf32, #tpu.memory_space<vmem_shared>>
      tpu.enqueue_indirect_dma source(%dma_start3A_469 : memref<128x16xf32, #tpu.memory_space<vmem>>) target(%dma_start3A_475 : memref<100352x16xf32, #tpu.memory_space<vmem_shared>>) offsets(%dma_start3A_472 : memref<128xi32, #tpu.memory_space<vmem>>) semaphore(%arg15 : memref<!tpu.dma_semaphore, #tpu.memory_space<semaphore_mem>>) {add = true}
      %dma_wait3A_476 = arith.constant 4 : i32
      %dma_wait3A_477 = arith.constant 4 : i32
      %dma_wait3A_478 = arith.constant 0 : i32
      %dma_wait3A_479 = arith.constant 0 : i32
      %dma_wait3A_480 = tpu.memref_slice %arg9[%dma_wait3A_477, %dma_wait3A_478, %dma_wait3A_479] : memref<8x128x16xf32, #tpu.memory_space<vmem>> -> memref<1x128x16xf32, #tpu.memory_space<vmem>>
      %dma_wait3A_481 = tpu.memref_squeeze %dma_wait3A_480 : memref<1x128x16xf32, #tpu.memory_space<vmem>> -> memref<128x16xf32, #tpu.memory_space<vmem>>
      %dma_wait3A_482 = arith.constant 0 : i32
      %dma_wait3A_483 = tpu.memref_slice %arg7[%rem3A_194, %dma_wait3A_476, %dma_wait3A_482] : memref<3x8x128xi32, #tpu.memory_space<vmem>> -> memref<1x1x128xi32, #tpu.memory_space<vmem>>
      %dma_wait3A_484 = tpu.memref_squeeze %dma_wait3A_483 : memref<1x1x128xi32, #tpu.memory_space<vmem>> -> memref<128xi32, #tpu.memory_space<vmem>>
      %dma_wait3A_485 = arith.constant 0 : i32
      %dma_wait3A_486 = arith.constant 0 : i32
      %dma_wait3A_487 = tpu.memref_slice %arg4[%arg0, %dma_wait3A_485, %dma_wait3A_486] : memref<2x100352x16xf32, #tpu.memory_space<hbm>> -> memref<1x100352x16xf32, #tpu.memory_space<hbm>>
      %dma_wait3A_488 = tpu.memref_squeeze %dma_wait3A_487 : memref<1x100352x16xf32, #tpu.memory_space<hbm>> -> memref<100352x16xf32, #tpu.memory_space<hbm>>
      %dma_wait3A_489 = arith.constant 0 : i32
      %dma_wait3A_490 = arith.constant 0 : i32
      %dma_wait3A_491 = tpu.memref_slice %dma_wait3A_488[%dma_wait3A_489, %dma_wait3A_490] : memref<100352x16xf32, #tpu.memory_space<hbm>> -> memref<100352x16xf32, #tpu.memory_space<hbm>>
      tpu.wait_indirect_dma semaphore(%arg11 : memref<!tpu.dma_semaphore, #tpu.memory_space<semaphore_mem>>) src(%dma_wait3A_491 : memref<100352x16xf32, #tpu.memory_space<hbm>>) dst(%dma_wait3A_481 : memref<128x16xf32, #tpu.memory_space<vmem>>)
      %dma_start3A_492 = arith.constant 4 : i32
      %dma_start3A_493 = arith.constant 4 : i32
      %dma_start3A_494 = arith.constant 0 : i32
      %dma_start3A_495 = arith.constant 0 : i32
      %dma_start3A_496 = tpu.memref_slice %arg9[%dma_start3A_492, %dma_start3A_494, %dma_start3A_495] : memref<8x128x16xf32, #tpu.memory_space<vmem>> -> memref<1x128x16xf32, #tpu.memory_space<vmem>>
      %dma_start3A_497 = tpu.memref_squeeze %dma_start3A_496 : memref<1x128x16xf32, #tpu.memory_space<vmem>> -> memref<128x16xf32, #tpu.memory_space<vmem>>
      %dma_start3A_498 = arith.constant 0 : i32
      %dma_start3A_499 = tpu.memref_slice %arg8[%rem3A_194, %dma_start3A_493, %dma_start3A_498] : memref<3x8x128xi32, #tpu.memory_space<vmem>> -> memref<1x1x128xi32, #tpu.memory_space<vmem>>
      %dma_start3A_500 = tpu.memref_squeeze %dma_start3A_499 : memref<1x1x128xi32, #tpu.memory_space<vmem>> -> memref<128xi32, #tpu.memory_space<vmem>>
      %dma_start3A_501 = arith.constant 0 : i32
      %dma_start3A_502 = arith.constant 0 : i32
      %dma_start3A_503 = tpu.memref_slice %arg10[%dma_start3A_501, %dma_start3A_502] : memref<100352x16xf32, #tpu.memory_space<vmem_shared>> -> memref<100352x16xf32, #tpu.memory_space<vmem_shared>>
      tpu.enqueue_indirect_dma source(%dma_start3A_497 : memref<128x16xf32, #tpu.memory_space<vmem>>) target(%dma_start3A_503 : memref<100352x16xf32, #tpu.memory_space<vmem_shared>>) offsets(%dma_start3A_500 : memref<128xi32, #tpu.memory_space<vmem>>) semaphore(%arg16 : memref<!tpu.dma_semaphore, #tpu.memory_space<semaphore_mem>>) {add = true}
      %dma_wait3A_504 = arith.constant 5 : i32
      %dma_wait3A_505 = arith.constant 5 : i32
      %dma_wait3A_506 = arith.constant 0 : i32
      %dma_wait3A_507 = arith.constant 0 : i32
      %dma_wait3A_508 = tpu.memref_slice %arg9[%dma_wait3A_505, %dma_wait3A_506, %dma_wait3A_507] : memref<8x128x16xf32, #tpu.memory_space<vmem>> -> memref<1x128x16xf32, #tpu.memory_space<vmem>>
      %dma_wait3A_509 = tpu.memref_squeeze %dma_wait3A_508 : memref<1x128x16xf32, #tpu.memory_space<vmem>> -> memref<128x16xf32, #tpu.memory_space<vmem>>
      %dma_wait3A_510 = arith.constant 0 : i32
      %dma_wait3A_511 = tpu.memref_slice %arg7[%rem3A_194, %dma_wait3A_504, %dma_wait3A_510] : memref<3x8x128xi32, #tpu.memory_space<vmem>> -> memref<1x1x128xi32, #tpu.memory_space<vmem>>
      %dma_wait3A_512 = tpu.memref_squeeze %dma_wait3A_511 : memref<1x1x128xi32, #tpu.memory_space<vmem>> -> memref<128xi32, #tpu.memory_space<vmem>>
      %dma_wait3A_513 = arith.constant 0 : i32
      %dma_wait3A_514 = arith.constant 0 : i32
      %dma_wait3A_515 = tpu.memref_slice %arg4[%arg0, %dma_wait3A_513, %dma_wait3A_514] : memref<2x100352x16xf32, #tpu.memory_space<hbm>> -> memref<1x100352x16xf32, #tpu.memory_space<hbm>>
      %dma_wait3A_516 = tpu.memref_squeeze %dma_wait3A_515 : memref<1x100352x16xf32, #tpu.memory_space<hbm>> -> memref<100352x16xf32, #tpu.memory_space<hbm>>
      %dma_wait3A_517 = arith.constant 0 : i32
      %dma_wait3A_518 = arith.constant 0 : i32
      %dma_wait3A_519 = tpu.memref_slice %dma_wait3A_516[%dma_wait3A_517, %dma_wait3A_518] : memref<100352x16xf32, #tpu.memory_space<hbm>> -> memref<100352x16xf32, #tpu.memory_space<hbm>>
      tpu.wait_indirect_dma semaphore(%arg11 : memref<!tpu.dma_semaphore, #tpu.memory_space<semaphore_mem>>) src(%dma_wait3A_519 : memref<100352x16xf32, #tpu.memory_space<hbm>>) dst(%dma_wait3A_509 : memref<128x16xf32, #tpu.memory_space<vmem>>)
      %dma_start3A_520 = arith.constant 5 : i32
      %dma_start3A_521 = arith.constant 5 : i32
      %dma_start3A_522 = arith.constant 0 : i32
      %dma_start3A_523 = arith.constant 0 : i32
      %dma_start3A_524 = tpu.memref_slice %arg9[%dma_start3A_520, %dma_start3A_522, %dma_start3A_523] : memref<8x128x16xf32, #tpu.memory_space<vmem>> -> memref<1x128x16xf32, #tpu.memory_space<vmem>>
      %dma_start3A_525 = tpu.memref_squeeze %dma_start3A_524 : memref<1x128x16xf32, #tpu.memory_space<vmem>> -> memref<128x16xf32, #tpu.memory_space<vmem>>
      %dma_start3A_526 = arith.constant 0 : i32
      %dma_start3A_527 = tpu.memref_slice %arg8[%rem3A_194, %dma_start3A_521, %dma_start3A_526] : memref<3x8x128xi32, #tpu.memory_space<vmem>> -> memref<1x1x128xi32, #tpu.memory_space<vmem>>
      %dma_start3A_528 = tpu.memref_squeeze %dma_start3A_527 : memref<1x1x128xi32, #tpu.memory_space<vmem>> -> memref<128xi32, #tpu.memory_space<vmem>>
      %dma_start3A_529 = arith.constant 0 : i32
      %dma_start3A_530 = arith.constant 0 : i32
      %dma_start3A_531 = tpu.memref_slice %arg10[%dma_start3A_529, %dma_start3A_530] : memref<100352x16xf32, #tpu.memory_space<vmem_shared>> -> memref<100352x16xf32, #tpu.memory_space<vmem_shared>>
      tpu.enqueue_indirect_dma source(%dma_start3A_525 : memref<128x16xf32, #tpu.memory_space<vmem>>) target(%dma_start3A_531 : memref<100352x16xf32, #tpu.memory_space<vmem_shared>>) offsets(%dma_start3A_528 : memref<128xi32, #tpu.memory_space<vmem>>) semaphore(%arg17 : memref<!tpu.dma_semaphore, #tpu.memory_space<semaphore_mem>>) {add = true}
      %dma_wait3A_532 = arith.constant 6 : i32
      %dma_wait3A_533 = arith.constant 6 : i32
      %dma_wait3A_534 = arith.constant 0 : i32
      %dma_wait3A_535 = arith.constant 0 : i32
      %dma_wait3A_536 = tpu.memref_slice %arg9[%dma_wait3A_533, %dma_wait3A_534, %dma_wait3A_535] : memref<8x128x16xf32, #tpu.memory_space<vmem>> -> memref<1x128x16xf32, #tpu.memory_space<vmem>>
      %dma_wait3A_537 = tpu.memref_squeeze %dma_wait3A_536 : memref<1x128x16xf32, #tpu.memory_space<vmem>> -> memref<128x16xf32, #tpu.memory_space<vmem>>
      %dma_wait3A_538 = arith.constant 0 : i32
      %dma_wait3A_539 = tpu.memref_slice %arg7[%rem3A_194, %dma_wait3A_532, %dma_wait3A_538] : memref<3x8x128xi32, #tpu.memory_space<vmem>> -> memref<1x1x128xi32, #tpu.memory_space<vmem>>
      %dma_wait3A_540 = tpu.memref_squeeze %dma_wait3A_539 : memref<1x1x128xi32, #tpu.memory_space<vmem>> -> memref<128xi32, #tpu.memory_space<vmem>>
      %dma_wait3A_541 = arith.constant 0 : i32
      %dma_wait3A_542 = arith.constant 0 : i32
      %dma_wait3A_543 = tpu.memref_slice %arg4[%arg0, %dma_wait3A_541, %dma_wait3A_542] : memref<2x100352x16xf32, #tpu.memory_space<hbm>> -> memref<1x100352x16xf32, #tpu.memory_space<hbm>>
      %dma_wait3A_544 = tpu.memref_squeeze %dma_wait3A_543 : memref<1x100352x16xf32, #tpu.memory_space<hbm>> -> memref<100352x16xf32, #tpu.memory_space<hbm>>
      %dma_wait3A_545 = arith.constant 0 : i32
      %dma_wait3A_546 = arith.constant 0 : i32
      %dma_wait3A_547 = tpu.memref_slice %dma_wait3A_544[%dma_wait3A_545, %dma_wait3A_546] : memref<100352x16xf32, #tpu.memory_space<hbm>> -> memref<100352x16xf32, #tpu.memory_space<hbm>>
      tpu.wait_indirect_dma semaphore(%arg11 : memref<!tpu.dma_semaphore, #tpu.memory_space<semaphore_mem>>) src(%dma_wait3A_547 : memref<100352x16xf32, #tpu.memory_space<hbm>>) dst(%dma_wait3A_537 : memref<128x16xf32, #tpu.memory_space<vmem>>)
      %dma_start3A_548 = arith.constant 6 : i32
      %dma_start3A_549 = arith.constant 6 : i32
      %dma_start3A_550 = arith.constant 0 : i32
      %dma_start3A_551 = arith.constant 0 : i32
      %dma_start3A_552 = tpu.memref_slice %arg9[%dma_start3A_548, %dma_start3A_550, %dma_start3A_551] : memref<8x128x16xf32, #tpu.memory_space<vmem>> -> memref<1x128x16xf32, #tpu.memory_space<vmem>>
      %dma_start3A_553 = tpu.memref_squeeze %dma_start3A_552 : memref<1x128x16xf32, #tpu.memory_space<vmem>> -> memref<128x16xf32, #tpu.memory_space<vmem>>
      %dma_start3A_554 = arith.constant 0 : i32
      %dma_start3A_555 = tpu.memref_slice %arg8[%rem3A_194, %dma_start3A_549, %dma_start3A_554] : memref<3x8x128xi32, #tpu.memory_space<vmem>> -> memref<1x1x128xi32, #tpu.memory_space<vmem>>
      %dma_start3A_556 = tpu.memref_squeeze %dma_start3A_555 : memref<1x1x128xi32, #tpu.memory_space<vmem>> -> memref<128xi32, #tpu.memory_space<vmem>>
      %dma_start3A_557 = arith.constant 0 : i32
      %dma_start3A_558 = arith.constant 0 : i32
      %dma_start3A_559 = tpu.memref_slice %arg10[%dma_start3A_557, %dma_start3A_558] : memref<100352x16xf32, #tpu.memory_space<vmem_shared>> -> memref<100352x16xf32, #tpu.memory_space<vmem_shared>>
      tpu.enqueue_indirect_dma source(%dma_start3A_553 : memref<128x16xf32, #tpu.memory_space<vmem>>) target(%dma_start3A_559 : memref<100352x16xf32, #tpu.memory_space<vmem_shared>>) offsets(%dma_start3A_556 : memref<128xi32, #tpu.memory_space<vmem>>) semaphore(%arg18 : memref<!tpu.dma_semaphore, #tpu.memory_space<semaphore_mem>>) {add = true}
      %dma_wait3A_560 = arith.constant 7 : i32
      %dma_wait3A_561 = arith.constant 7 : i32
      %dma_wait3A_562 = arith.constant 0 : i32
      %dma_wait3A_563 = arith.constant 0 : i32
      %dma_wait3A_564 = tpu.memref_slice %arg9[%dma_wait3A_561, %dma_wait3A_562, %dma_wait3A_563] : memref<8x128x16xf32, #tpu.memory_space<vmem>> -> memref<1x128x16xf32, #tpu.memory_space<vmem>>
      %dma_wait3A_565 = tpu.memref_squeeze %dma_wait3A_564 : memref<1x128x16xf32, #tpu.memory_space<vmem>> -> memref<128x16xf32, #tpu.memory_space<vmem>>
      %dma_wait3A_566 = arith.constant 0 : i32
      %dma_wait3A_567 = tpu.memref_slice %arg7[%rem3A_194, %dma_wait3A_560, %dma_wait3A_566] : memref<3x8x128xi32, #tpu.memory_space<vmem>> -> memref<1x1x128xi32, #tpu.memory_space<vmem>>
      %dma_wait3A_568 = tpu.memref_squeeze %dma_wait3A_567 : memref<1x1x128xi32, #tpu.memory_space<vmem>> -> memref<128xi32, #tpu.memory_space<vmem>>
      %dma_wait3A_569 = arith.constant 0 : i32
      %dma_wait3A_570 = arith.constant 0 : i32
      %dma_wait3A_571 = tpu.memref_slice %arg4[%arg0, %dma_wait3A_569, %dma_wait3A_570] : memref<2x100352x16xf32, #tpu.memory_space<hbm>> -> memref<1x100352x16xf32, #tpu.memory_space<hbm>>
      %dma_wait3A_572 = tpu.memref_squeeze %dma_wait3A_571 : memref<1x100352x16xf32, #tpu.memory_space<hbm>> -> memref<100352x16xf32, #tpu.memory_space<hbm>>
      %dma_wait3A_573 = arith.constant 0 : i32
      %dma_wait3A_574 = arith.constant 0 : i32
      %dma_wait3A_575 = tpu.memref_slice %dma_wait3A_572[%dma_wait3A_573, %dma_wait3A_574] : memref<100352x16xf32, #tpu.memory_space<hbm>> -> memref<100352x16xf32, #tpu.memory_space<hbm>>
      tpu.wait_indirect_dma semaphore(%arg11 : memref<!tpu.dma_semaphore, #tpu.memory_space<semaphore_mem>>) src(%dma_wait3A_575 : memref<100352x16xf32, #tpu.memory_space<hbm>>) dst(%dma_wait3A_565 : memref<128x16xf32, #tpu.memory_space<vmem>>)
      %dma_start3A_576 = arith.constant 7 : i32
      %dma_start3A_577 = arith.constant 7 : i32
      %dma_start3A_578 = arith.constant 0 : i32
      %dma_start3A_579 = arith.constant 0 : i32
      %dma_start3A_580 = tpu.memref_slice %arg9[%dma_start3A_576, %dma_start3A_578, %dma_start3A_579] : memref<8x128x16xf32, #tpu.memory_space<vmem>> -> memref<1x128x16xf32, #tpu.memory_space<vmem>>
      %dma_start3A_581 = tpu.memref_squeeze %dma_start3A_580 : memref<1x128x16xf32, #tpu.memory_space<vmem>> -> memref<128x16xf32, #tpu.memory_space<vmem>>
      %dma_start3A_582 = arith.constant 0 : i32
      %dma_start3A_583 = tpu.memref_slice %arg8[%rem3A_194, %dma_start3A_577, %dma_start3A_582] : memref<3x8x128xi32, #tpu.memory_space<vmem>> -> memref<1x1x128xi32, #tpu.memory_space<vmem>>
      %dma_start3A_584 = tpu.memref_squeeze %dma_start3A_583 : memref<1x1x128xi32, #tpu.memory_space<vmem>> -> memref<128xi32, #tpu.memory_space<vmem>>
      %dma_start3A_585 = arith.constant 0 : i32
      %dma_start3A_586 = arith.constant 0 : i32
      %dma_start3A_587 = tpu.memref_slice %arg10[%dma_start3A_585, %dma_start3A_586] : memref<100352x16xf32, #tpu.memory_space<vmem_shared>> -> memref<100352x16xf32, #tpu.memory_space<vmem_shared>>
      tpu.enqueue_indirect_dma source(%dma_start3A_581 : memref<128x16xf32, #tpu.memory_space<vmem>>) target(%dma_start3A_587 : memref<100352x16xf32, #tpu.memory_space<vmem_shared>>) offsets(%dma_start3A_584 : memref<128xi32, #tpu.memory_space<vmem>>) semaphore(%arg19 : memref<!tpu.dma_semaphore, #tpu.memory_space<semaphore_mem>>) {add = true}
    }
    %scan3A_8 = arith.constant 98 : i32
    %dma_wait3A = arith.constant 0 : i32
    %dma_wait3A_9 = arith.constant 0 : i32
    %dma_wait3A_10 = arith.constant 0 : i32
    %dma_wait3A_11 = tpu.memref_slice %arg9[%dma_wait3A, %dma_wait3A_9, %dma_wait3A_10] : memref<8x128x16xf32, #tpu.memory_space<vmem>> -> memref<1x128x16xf32, #tpu.memory_space<vmem>>
    %dma_wait3A_12 = tpu.memref_squeeze %dma_wait3A_11 : memref<1x128x16xf32, #tpu.memory_space<vmem>> -> memref<128x16xf32, #tpu.memory_space<vmem>>
    %dma_wait3A_13 = arith.constant 0 : i32
    %dma_wait3A_14 = arith.constant 0 : i32
    %dma_wait3A_15 = tpu.memref_slice %arg4[%arg0, %dma_wait3A_13, %dma_wait3A_14] : memref<2x100352x16xf32, #tpu.memory_space<hbm>> -> memref<1x100352x16xf32, #tpu.memory_space<hbm>>
    %dma_wait3A_16 = tpu.memref_squeeze %dma_wait3A_15 : memref<1x100352x16xf32, #tpu.memory_space<hbm>> -> memref<100352x16xf32, #tpu.memory_space<hbm>>
    %dma_wait3A_17 = arith.constant 0 : i32
    %dma_wait3A_18 = arith.constant 0 : i32
    %dma_wait3A_19 = tpu.memref_slice %dma_wait3A_16[%dma_wait3A_17, %dma_wait3A_18] : memref<100352x16xf32, #tpu.memory_space<hbm>> -> memref<128x16xf32, #tpu.memory_space<hbm>>
    %dma_wait3A_20 = arith.constant 0 : i32
    %dma_wait3A_21 = arith.constant 0 : i32
    %dma_wait3A_22 = tpu.memref_slice %arg9[%dma_wait3A, %dma_wait3A_20, %dma_wait3A_21] : memref<8x128x16xf32, #tpu.memory_space<vmem>> -> memref<1x128x16xf32, #tpu.memory_space<vmem>>
    %dma_wait3A_23 = tpu.memref_squeeze %dma_wait3A_22 : memref<1x128x16xf32, #tpu.memory_space<vmem>> -> memref<128x16xf32, #tpu.memory_space<vmem>>
    %dma_wait3A_24 = arith.constant 0 : i32
    %dma_wait3A_25 = arith.constant 0 : i32
    %dma_wait3A_26 = tpu.memref_slice %arg4[%arg0, %dma_wait3A_24, %dma_wait3A_25] : memref<2x100352x16xf32, #tpu.memory_space<hbm>> -> memref<1x100352x16xf32, #tpu.memory_space<hbm>>
    %dma_wait3A_27 = tpu.memref_squeeze %dma_wait3A_26 : memref<1x100352x16xf32, #tpu.memory_space<hbm>> -> memref<100352x16xf32, #tpu.memory_space<hbm>>
    %dma_wait3A_28 = arith.constant 0 : i32
    %dma_wait3A_29 = arith.constant 0 : i32
    %dma_wait3A_30 = tpu.memref_slice %dma_wait3A_27[%dma_wait3A_28, %dma_wait3A_29] : memref<100352x16xf32, #tpu.memory_space<hbm>> -> memref<128x16xf32, #tpu.memory_space<hbm>>
    tpu.wait_dma2 semaphore(%arg12 : memref<!tpu.dma_semaphore, #tpu.memory_space<semaphore_mem>>) src(%dma_wait3A_30 : memref<128x16xf32, #tpu.memory_space<hbm>>) dst(%dma_wait3A_23 : memref<128x16xf32, #tpu.memory_space<vmem>>)
    %dma_wait3A_31 = arith.constant 1 : i32
    %dma_wait3A_32 = arith.constant 0 : i32
    %dma_wait3A_33 = arith.constant 0 : i32
    %dma_wait3A_34 = tpu.memref_slice %arg9[%dma_wait3A_31, %dma_wait3A_32, %dma_wait3A_33] : memref<8x128x16xf32, #tpu.memory_space<vmem>> -> memref<1x128x16xf32, #tpu.memory_space<vmem>>
    %dma_wait3A_35 = tpu.memref_squeeze %dma_wait3A_34 : memref<1x128x16xf32, #tpu.memory_space<vmem>> -> memref<128x16xf32, #tpu.memory_space<vmem>>
    %dma_wait3A_36 = arith.constant 0 : i32
    %dma_wait3A_37 = arith.constant 0 : i32
    %dma_wait3A_38 = tpu.memref_slice %arg4[%arg0, %dma_wait3A_36, %dma_wait3A_37] : memref<2x100352x16xf32, #tpu.memory_space<hbm>> -> memref<1x100352x16xf32, #tpu.memory_space<hbm>>
    %dma_wait3A_39 = tpu.memref_squeeze %dma_wait3A_38 : memref<1x100352x16xf32, #tpu.memory_space<hbm>> -> memref<100352x16xf32, #tpu.memory_space<hbm>>
    %dma_wait3A_40 = arith.constant 128 : i32
    %dma_wait3A_41 = arith.constant 0 : i32
    %dma_wait3A_42 = tpu.memref_slice %dma_wait3A_39[%dma_wait3A_40, %dma_wait3A_41] : memref<100352x16xf32, #tpu.memory_space<hbm>> -> memref<128x16xf32, #tpu.memory_space<hbm>>
    %dma_wait3A_43 = arith.constant 0 : i32
    %dma_wait3A_44 = arith.constant 0 : i32
    %dma_wait3A_45 = tpu.memref_slice %arg9[%dma_wait3A_31, %dma_wait3A_43, %dma_wait3A_44] : memref<8x128x16xf32, #tpu.memory_space<vmem>> -> memref<1x128x16xf32, #tpu.memory_space<vmem>>
    %dma_wait3A_46 = tpu.memref_squeeze %dma_wait3A_45 : memref<1x128x16xf32, #tpu.memory_space<vmem>> -> memref<128x16xf32, #tpu.memory_space<vmem>>
    %dma_wait3A_47 = arith.constant 0 : i32
    %dma_wait3A_48 = arith.constant 0 : i32
    %dma_wait3A_49 = tpu.memref_slice %arg4[%arg0, %dma_wait3A_47, %dma_wait3A_48] : memref<2x100352x16xf32, #tpu.memory_space<hbm>> -> memref<1x100352x16xf32, #tpu.memory_space<hbm>>
    %dma_wait3A_50 = tpu.memref_squeeze %dma_wait3A_49 : memref<1x100352x16xf32, #tpu.memory_space<hbm>> -> memref<100352x16xf32, #tpu.memory_space<hbm>>
    %dma_wait3A_51 = arith.constant 128 : i32
    %dma_wait3A_52 = arith.constant 0 : i32
    %dma_wait3A_53 = tpu.memref_slice %dma_wait3A_50[%dma_wait3A_51, %dma_wait3A_52] : memref<100352x16xf32, #tpu.memory_space<hbm>> -> memref<128x16xf32, #tpu.memory_space<hbm>>
    tpu.wait_dma2 semaphore(%arg13 : memref<!tpu.dma_semaphore, #tpu.memory_space<semaphore_mem>>) src(%dma_wait3A_53 : memref<128x16xf32, #tpu.memory_space<hbm>>) dst(%dma_wait3A_46 : memref<128x16xf32, #tpu.memory_space<vmem>>)
    %dma_wait3A_54 = arith.constant 2 : i32
    %dma_wait3A_55 = arith.constant 0 : i32
    %dma_wait3A_56 = arith.constant 0 : i32
    %dma_wait3A_57 = tpu.memref_slice %arg9[%dma_wait3A_54, %dma_wait3A_55, %dma_wait3A_56] : memref<8x128x16xf32, #tpu.memory_space<vmem>> -> memref<1x128x16xf32, #tpu.memory_space<vmem>>
    %dma_wait3A_58 = tpu.memref_squeeze %dma_wait3A_57 : memref<1x128x16xf32, #tpu.memory_space<vmem>> -> memref<128x16xf32, #tpu.memory_space<vmem>>
    %dma_wait3A_59 = arith.constant 0 : i32
    %dma_wait3A_60 = arith.constant 0 : i32
    %dma_wait3A_61 = tpu.memref_slice %arg4[%arg0, %dma_wait3A_59, %dma_wait3A_60] : memref<2x100352x16xf32, #tpu.memory_space<hbm>> -> memref<1x100352x16xf32, #tpu.memory_space<hbm>>
    %dma_wait3A_62 = tpu.memref_squeeze %dma_wait3A_61 : memref<1x100352x16xf32, #tpu.memory_space<hbm>> -> memref<100352x16xf32, #tpu.memory_space<hbm>>
    %dma_wait3A_63 = arith.constant 256 : i32
    %dma_wait3A_64 = arith.constant 0 : i32
    %dma_wait3A_65 = tpu.memref_slice %dma_wait3A_62[%dma_wait3A_63, %dma_wait3A_64] : memref<100352x16xf32, #tpu.memory_space<hbm>> -> memref<128x16xf32, #tpu.memory_space<hbm>>
    %dma_wait3A_66 = arith.constant 0 : i32
    %dma_wait3A_67 = arith.constant 0 : i32
    %dma_wait3A_68 = tpu.memref_slice %arg9[%dma_wait3A_54, %dma_wait3A_66, %dma_wait3A_67] : memref<8x128x16xf32, #tpu.memory_space<vmem>> -> memref<1x128x16xf32, #tpu.memory_space<vmem>>
    %dma_wait3A_69 = tpu.memref_squeeze %dma_wait3A_68 : memref<1x128x16xf32, #tpu.memory_space<vmem>> -> memref<128x16xf32, #tpu.memory_space<vmem>>
    %dma_wait3A_70 = arith.constant 0 : i32
    %dma_wait3A_71 = arith.constant 0 : i32
    %dma_wait3A_72 = tpu.memref_slice %arg4[%arg0, %dma_wait3A_70, %dma_wait3A_71] : memref<2x100352x16xf32, #tpu.memory_space<hbm>> -> memref<1x100352x16xf32, #tpu.memory_space<hbm>>
    %dma_wait3A_73 = tpu.memref_squeeze %dma_wait3A_72 : memref<1x100352x16xf32, #tpu.memory_space<hbm>> -> memref<100352x16xf32, #tpu.memory_space<hbm>>
    %dma_wait3A_74 = arith.constant 256 : i32
    %dma_wait3A_75 = arith.constant 0 : i32
    %dma_wait3A_76 = tpu.memref_slice %dma_wait3A_73[%dma_wait3A_74, %dma_wait3A_75] : memref<100352x16xf32, #tpu.memory_space<hbm>> -> memref<128x16xf32, #tpu.memory_space<hbm>>
    tpu.wait_dma2 semaphore(%arg14 : memref<!tpu.dma_semaphore, #tpu.memory_space<semaphore_mem>>) src(%dma_wait3A_76 : memref<128x16xf32, #tpu.memory_space<hbm>>) dst(%dma_wait3A_69 : memref<128x16xf32, #tpu.memory_space<vmem>>)
    %dma_wait3A_77 = arith.constant 3 : i32
    %dma_wait3A_78 = arith.constant 0 : i32
    %dma_wait3A_79 = arith.constant 0 : i32
    %dma_wait3A_80 = tpu.memref_slice %arg9[%dma_wait3A_77, %dma_wait3A_78, %dma_wait3A_79] : memref<8x128x16xf32, #tpu.memory_space<vmem>> -> memref<1x128x16xf32, #tpu.memory_space<vmem>>
    %dma_wait3A_81 = tpu.memref_squeeze %dma_wait3A_80 : memref<1x128x16xf32, #tpu.memory_space<vmem>> -> memref<128x16xf32, #tpu.memory_space<vmem>>
    %dma_wait3A_82 = arith.constant 0 : i32
    %dma_wait3A_83 = arith.constant 0 : i32
    %dma_wait3A_84 = tpu.memref_slice %arg4[%arg0, %dma_wait3A_82, %dma_wait3A_83] : memref<2x100352x16xf32, #tpu.memory_space<hbm>> -> memref<1x100352x16xf32, #tpu.memory_space<hbm>>
    %dma_wait3A_85 = tpu.memref_squeeze %dma_wait3A_84 : memref<1x100352x16xf32, #tpu.memory_space<hbm>> -> memref<100352x16xf32, #tpu.memory_space<hbm>>
    %dma_wait3A_86 = arith.constant 384 : i32
    %dma_wait3A_87 = arith.constant 0 : i32
    %dma_wait3A_88 = tpu.memref_slice %dma_wait3A_85[%dma_wait3A_86, %dma_wait3A_87] : memref<100352x16xf32, #tpu.memory_space<hbm>> -> memref<128x16xf32, #tpu.memory_space<hbm>>
    %dma_wait3A_89 = arith.constant 0 : i32
    %dma_wait3A_90 = arith.constant 0 : i32
    %dma_wait3A_91 = tpu.memref_slice %arg9[%dma_wait3A_77, %dma_wait3A_89, %dma_wait3A_90] : memref<8x128x16xf32, #tpu.memory_space<vmem>> -> memref<1x128x16xf32, #tpu.memory_space<vmem>>
    %dma_wait3A_92 = tpu.memref_squeeze %dma_wait3A_91 : memref<1x128x16xf32, #tpu.memory_space<vmem>> -> memref<128x16xf32, #tpu.memory_space<vmem>>
    %dma_wait3A_93 = arith.constant 0 : i32
    %dma_wait3A_94 = arith.constant 0 : i32
    %dma_wait3A_95 = tpu.memref_slice %arg4[%arg0, %dma_wait3A_93, %dma_wait3A_94] : memref<2x100352x16xf32, #tpu.memory_space<hbm>> -> memref<1x100352x16xf32, #tpu.memory_space<hbm>>
    %dma_wait3A_96 = tpu.memref_squeeze %dma_wait3A_95 : memref<1x100352x16xf32, #tpu.memory_space<hbm>> -> memref<100352x16xf32, #tpu.memory_space<hbm>>
    %dma_wait3A_97 = arith.constant 384 : i32
    %dma_wait3A_98 = arith.constant 0 : i32
    %dma_wait3A_99 = tpu.memref_slice %dma_wait3A_96[%dma_wait3A_97, %dma_wait3A_98] : memref<100352x16xf32, #tpu.memory_space<hbm>> -> memref<128x16xf32, #tpu.memory_space<hbm>>
    tpu.wait_dma2 semaphore(%arg15 : memref<!tpu.dma_semaphore, #tpu.memory_space<semaphore_mem>>) src(%dma_wait3A_99 : memref<128x16xf32, #tpu.memory_space<hbm>>) dst(%dma_wait3A_92 : memref<128x16xf32, #tpu.memory_space<vmem>>)
    %dma_wait3A_100 = arith.constant 4 : i32
    %dma_wait3A_101 = arith.constant 0 : i32
    %dma_wait3A_102 = arith.constant 0 : i32
    %dma_wait3A_103 = tpu.memref_slice %arg9[%dma_wait3A_100, %dma_wait3A_101, %dma_wait3A_102] : memref<8x128x16xf32, #tpu.memory_space<vmem>> -> memref<1x128x16xf32, #tpu.memory_space<vmem>>
    %dma_wait3A_104 = tpu.memref_squeeze %dma_wait3A_103 : memref<1x128x16xf32, #tpu.memory_space<vmem>> -> memref<128x16xf32, #tpu.memory_space<vmem>>
    %dma_wait3A_105 = arith.constant 0 : i32
    %dma_wait3A_106 = arith.constant 0 : i32
    %dma_wait3A_107 = tpu.memref_slice %arg4[%arg0, %dma_wait3A_105, %dma_wait3A_106] : memref<2x100352x16xf32, #tpu.memory_space<hbm>> -> memref<1x100352x16xf32, #tpu.memory_space<hbm>>
    %dma_wait3A_108 = tpu.memref_squeeze %dma_wait3A_107 : memref<1x100352x16xf32, #tpu.memory_space<hbm>> -> memref<100352x16xf32, #tpu.memory_space<hbm>>
    %dma_wait3A_109 = arith.constant 512 : i32
    %dma_wait3A_110 = arith.constant 0 : i32
    %dma_wait3A_111 = tpu.memref_slice %dma_wait3A_108[%dma_wait3A_109, %dma_wait3A_110] : memref<100352x16xf32, #tpu.memory_space<hbm>> -> memref<128x16xf32, #tpu.memory_space<hbm>>
    %dma_wait3A_112 = arith.constant 0 : i32
    %dma_wait3A_113 = arith.constant 0 : i32
    %dma_wait3A_114 = tpu.memref_slice %arg9[%dma_wait3A_100, %dma_wait3A_112, %dma_wait3A_113] : memref<8x128x16xf32, #tpu.memory_space<vmem>> -> memref<1x128x16xf32, #tpu.memory_space<vmem>>
    %dma_wait3A_115 = tpu.memref_squeeze %dma_wait3A_114 : memref<1x128x16xf32, #tpu.memory_space<vmem>> -> memref<128x16xf32, #tpu.memory_space<vmem>>
    %dma_wait3A_116 = arith.constant 0 : i32
    %dma_wait3A_117 = arith.constant 0 : i32
    %dma_wait3A_118 = tpu.memref_slice %arg4[%arg0, %dma_wait3A_116, %dma_wait3A_117] : memref<2x100352x16xf32, #tpu.memory_space<hbm>> -> memref<1x100352x16xf32, #tpu.memory_space<hbm>>
    %dma_wait3A_119 = tpu.memref_squeeze %dma_wait3A_118 : memref<1x100352x16xf32, #tpu.memory_space<hbm>> -> memref<100352x16xf32, #tpu.memory_space<hbm>>
    %dma_wait3A_120 = arith.constant 512 : i32
    %dma_wait3A_121 = arith.constant 0 : i32
    %dma_wait3A_122 = tpu.memref_slice %dma_wait3A_119[%dma_wait3A_120, %dma_wait3A_121] : memref<100352x16xf32, #tpu.memory_space<hbm>> -> memref<128x16xf32, #tpu.memory_space<hbm>>
    tpu.wait_dma2 semaphore(%arg16 : memref<!tpu.dma_semaphore, #tpu.memory_space<semaphore_mem>>) src(%dma_wait3A_122 : memref<128x16xf32, #tpu.memory_space<hbm>>) dst(%dma_wait3A_115 : memref<128x16xf32, #tpu.memory_space<vmem>>)
    %dma_wait3A_123 = arith.constant 5 : i32
    %dma_wait3A_124 = arith.constant 0 : i32
    %dma_wait3A_125 = arith.constant 0 : i32
    %dma_wait3A_126 = tpu.memref_slice %arg9[%dma_wait3A_123, %dma_wait3A_124, %dma_wait3A_125] : memref<8x128x16xf32, #tpu.memory_space<vmem>> -> memref<1x128x16xf32, #tpu.memory_space<vmem>>
    %dma_wait3A_127 = tpu.memref_squeeze %dma_wait3A_126 : memref<1x128x16xf32, #tpu.memory_space<vmem>> -> memref<128x16xf32, #tpu.memory_space<vmem>>
    %dma_wait3A_128 = arith.constant 0 : i32
    %dma_wait3A_129 = arith.constant 0 : i32
    %dma_wait3A_130 = tpu.memref_slice %arg4[%arg0, %dma_wait3A_128, %dma_wait3A_129] : memref<2x100352x16xf32, #tpu.memory_space<hbm>> -> memref<1x100352x16xf32, #tpu.memory_space<hbm>>
    %dma_wait3A_131 = tpu.memref_squeeze %dma_wait3A_130 : memref<1x100352x16xf32, #tpu.memory_space<hbm>> -> memref<100352x16xf32, #tpu.memory_space<hbm>>
    %dma_wait3A_132 = arith.constant 640 : i32
    %dma_wait3A_133 = arith.constant 0 : i32
    %dma_wait3A_134 = tpu.memref_slice %dma_wait3A_131[%dma_wait3A_132, %dma_wait3A_133] : memref<100352x16xf32, #tpu.memory_space<hbm>> -> memref<128x16xf32, #tpu.memory_space<hbm>>
    %dma_wait3A_135 = arith.constant 0 : i32
    %dma_wait3A_136 = arith.constant 0 : i32
    %dma_wait3A_137 = tpu.memref_slice %arg9[%dma_wait3A_123, %dma_wait3A_135, %dma_wait3A_136] : memref<8x128x16xf32, #tpu.memory_space<vmem>> -> memref<1x128x16xf32, #tpu.memory_space<vmem>>
    %dma_wait3A_138 = tpu.memref_squeeze %dma_wait3A_137 : memref<1x128x16xf32, #tpu.memory_space<vmem>> -> memref<128x16xf32, #tpu.memory_space<vmem>>
    %dma_wait3A_139 = arith.constant 0 : i32
    %dma_wait3A_140 = arith.constant 0 : i32
    %dma_wait3A_141 = tpu.memref_slice %arg4[%arg0, %dma_wait3A_139, %dma_wait3A_140] : memref<2x100352x16xf32, #tpu.memory_space<hbm>> -> memref<1x100352x16xf32, #tpu.memory_space<hbm>>
    %dma_wait3A_142 = tpu.memref_squeeze %dma_wait3A_141 : memref<1x100352x16xf32, #tpu.memory_space<hbm>> -> memref<100352x16xf32, #tpu.memory_space<hbm>>
    %dma_wait3A_143 = arith.constant 640 : i32
    %dma_wait3A_144 = arith.constant 0 : i32
    %dma_wait3A_145 = tpu.memref_slice %dma_wait3A_142[%dma_wait3A_143, %dma_wait3A_144] : memref<100352x16xf32, #tpu.memory_space<hbm>> -> memref<128x16xf32, #tpu.memory_space<hbm>>
    tpu.wait_dma2 semaphore(%arg17 : memref<!tpu.dma_semaphore, #tpu.memory_space<semaphore_mem>>) src(%dma_wait3A_145 : memref<128x16xf32, #tpu.memory_space<hbm>>) dst(%dma_wait3A_138 : memref<128x16xf32, #tpu.memory_space<vmem>>)
    %dma_wait3A_146 = arith.constant 6 : i32
    %dma_wait3A_147 = arith.constant 0 : i32
    %dma_wait3A_148 = arith.constant 0 : i32
    %dma_wait3A_149 = tpu.memref_slice %arg9[%dma_wait3A_146, %dma_wait3A_147, %dma_wait3A_148] : memref<8x128x16xf32, #tpu.memory_space<vmem>> -> memref<1x128x16xf32, #tpu.memory_space<vmem>>
    %dma_wait3A_150 = tpu.memref_squeeze %dma_wait3A_149 : memref<1x128x16xf32, #tpu.memory_space<vmem>> -> memref<128x16xf32, #tpu.memory_space<vmem>>
    %dma_wait3A_151 = arith.constant 0 : i32
    %dma_wait3A_152 = arith.constant 0 : i32
    %dma_wait3A_153 = tpu.memref_slice %arg4[%arg0, %dma_wait3A_151, %dma_wait3A_152] : memref<2x100352x16xf32, #tpu.memory_space<hbm>> -> memref<1x100352x16xf32, #tpu.memory_space<hbm>>
    %dma_wait3A_154 = tpu.memref_squeeze %dma_wait3A_153 : memref<1x100352x16xf32, #tpu.memory_space<hbm>> -> memref<100352x16xf32, #tpu.memory_space<hbm>>
    %dma_wait3A_155 = arith.constant 768 : i32
    %dma_wait3A_156 = arith.constant 0 : i32
    %dma_wait3A_157 = tpu.memref_slice %dma_wait3A_154[%dma_wait3A_155, %dma_wait3A_156] : memref<100352x16xf32, #tpu.memory_space<hbm>> -> memref<128x16xf32, #tpu.memory_space<hbm>>
    %dma_wait3A_158 = arith.constant 0 : i32
    %dma_wait3A_159 = arith.constant 0 : i32
    %dma_wait3A_160 = tpu.memref_slice %arg9[%dma_wait3A_146, %dma_wait3A_158, %dma_wait3A_159] : memref<8x128x16xf32, #tpu.memory_space<vmem>> -> memref<1x128x16xf32, #tpu.memory_space<vmem>>
    %dma_wait3A_161 = tpu.memref_squeeze %dma_wait3A_160 : memref<1x128x16xf32, #tpu.memory_space<vmem>> -> memref<128x16xf32, #tpu.memory_space<vmem>>
    %dma_wait3A_162 = arith.constant 0 : i32
    %dma_wait3A_163 = arith.constant 0 : i32
    %dma_wait3A_164 = tpu.memref_slice %arg4[%arg0, %dma_wait3A_162, %dma_wait3A_163] : memref<2x100352x16xf32, #tpu.memory_space<hbm>> -> memref<1x100352x16xf32, #tpu.memory_space<hbm>>
    %dma_wait3A_165 = tpu.memref_squeeze %dma_wait3A_164 : memref<1x100352x16xf32, #tpu.memory_space<hbm>> -> memref<100352x16xf32, #tpu.memory_space<hbm>>
    %dma_wait3A_166 = arith.constant 768 : i32
    %dma_wait3A_167 = arith.constant 0 : i32
    %dma_wait3A_168 = tpu.memref_slice %dma_wait3A_165[%dma_wait3A_166, %dma_wait3A_167] : memref<100352x16xf32, #tpu.memory_space<hbm>> -> memref<128x16xf32, #tpu.memory_space<hbm>>
    tpu.wait_dma2 semaphore(%arg18 : memref<!tpu.dma_semaphore, #tpu.memory_space<semaphore_mem>>) src(%dma_wait3A_168 : memref<128x16xf32, #tpu.memory_space<hbm>>) dst(%dma_wait3A_161 : memref<128x16xf32, #tpu.memory_space<vmem>>)
    %dma_wait3A_169 = arith.constant 7 : i32
    %dma_wait3A_170 = arith.constant 0 : i32
    %dma_wait3A_171 = arith.constant 0 : i32
    %dma_wait3A_172 = tpu.memref_slice %arg9[%dma_wait3A_169, %dma_wait3A_170, %dma_wait3A_171] : memref<8x128x16xf32, #tpu.memory_space<vmem>> -> memref<1x128x16xf32, #tpu.memory_space<vmem>>
    %dma_wait3A_173 = tpu.memref_squeeze %dma_wait3A_172 : memref<1x128x16xf32, #tpu.memory_space<vmem>> -> memref<128x16xf32, #tpu.memory_space<vmem>>
    %dma_wait3A_174 = arith.constant 0 : i32
    %dma_wait3A_175 = arith.constant 0 : i32
    %dma_wait3A_176 = tpu.memref_slice %arg4[%arg0, %dma_wait3A_174, %dma_wait3A_175] : memref<2x100352x16xf32, #tpu.memory_space<hbm>> -> memref<1x100352x16xf32, #tpu.memory_space<hbm>>
    %dma_wait3A_177 = tpu.memref_squeeze %dma_wait3A_176 : memref<1x100352x16xf32, #tpu.memory_space<hbm>> -> memref<100352x16xf32, #tpu.memory_space<hbm>>
    %dma_wait3A_178 = arith.constant 896 : i32
    %dma_wait3A_179 = arith.constant 0 : i32
    %dma_wait3A_180 = tpu.memref_slice %dma_wait3A_177[%dma_wait3A_178, %dma_wait3A_179] : memref<100352x16xf32, #tpu.memory_space<hbm>> -> memref<128x16xf32, #tpu.memory_space<hbm>>
    %dma_wait3A_181 = arith.constant 0 : i32
    %dma_wait3A_182 = arith.constant 0 : i32
    %dma_wait3A_183 = tpu.memref_slice %arg9[%dma_wait3A_169, %dma_wait3A_181, %dma_wait3A_182] : memref<8x128x16xf32, #tpu.memory_space<vmem>> -> memref<1x128x16xf32, #tpu.memory_space<vmem>>
    %dma_wait3A_184 = tpu.memref_squeeze %dma_wait3A_183 : memref<1x128x16xf32, #tpu.memory_space<vmem>> -> memref<128x16xf32, #tpu.memory_space<vmem>>
    %dma_wait3A_185 = arith.constant 0 : i32
    %dma_wait3A_186 = arith.constant 0 : i32
    %dma_wait3A_187 = tpu.memref_slice %arg4[%arg0, %dma_wait3A_185, %dma_wait3A_186] : memref<2x100352x16xf32, #tpu.memory_space<hbm>> -> memref<1x100352x16xf32, #tpu.memory_space<hbm>>
    %dma_wait3A_188 = tpu.memref_squeeze %dma_wait3A_187 : memref<1x100352x16xf32, #tpu.memory_space<hbm>> -> memref<100352x16xf32, #tpu.memory_space<hbm>>
    %dma_wait3A_189 = arith.constant 896 : i32
    %dma_wait3A_190 = arith.constant 0 : i32
    %dma_wait3A_191 = tpu.memref_slice %dma_wait3A_188[%dma_wait3A_189, %dma_wait3A_190] : memref<100352x16xf32, #tpu.memory_space<hbm>> -> memref<128x16xf32, #tpu.memory_space<hbm>>
    tpu.wait_dma2 semaphore(%arg19 : memref<!tpu.dma_semaphore, #tpu.memory_space<semaphore_mem>>) src(%dma_wait3A_191 : memref<128x16xf32, #tpu.memory_space<hbm>>) dst(%dma_wait3A_184 : memref<128x16xf32, #tpu.memory_space<vmem>>)
    %barrier3A_192 = arith.constant 0 : index
    tpu.barrier barrier_id(%barrier3A_192)
    "tpu.region"() ({
      %run_scoped3A_193 = tpu.sem_alloc : memref<!tpu.dma_semaphore, #tpu.memory_space<semaphore_mem>>
      %dma_start3A = arith.constant 0 : i32
      %dma_start3A_194 = arith.constant 0 : i32
      %dma_start3A_195 = tpu.memref_slice %arg6[%arg0, %dma_start3A, %dma_start3A_194] : memref<2x100352x16xf32, #tpu.memory_space<hbm>> -> memref<1x100352x16xf32, #tpu.memory_space<hbm>>
      %dma_start3A_196 = tpu.memref_squeeze %dma_start3A_195 : memref<1x100352x16xf32, #tpu.memory_space<hbm>> -> memref<100352x16xf32, #tpu.memory_space<hbm>>
      %dma_start3A_197 = arith.constant 0 : i32
      %dma_start3A_198 = tpu.memref_slice %dma_start3A_196[%mul3A_0, %dma_start3A_197] : memref<100352x16xf32, #tpu.memory_space<hbm>> -> memref<6272x16xf32, #tpu.memory_space<hbm>>
      %dma_start3A_199 = arith.constant 0 : i32
      %dma_start3A_200 = tpu.memref_slice %arg10[%mul3A_0, %dma_start3A_199] : memref<100352x16xf32, #tpu.memory_space<vmem_shared>> -> memref<6272x16xf32, #tpu.memory_space<vmem_shared>>
      tpu.enqueue_dma source(%dma_start3A_200 : memref<6272x16xf32, #tpu.memory_space<vmem_shared>>) target(%dma_start3A_198 : memref<6272x16xf32, #tpu.memory_space<hbm>>) target_semaphore(%run_scoped3A_193 : memref<!tpu.dma_semaphore, #tpu.memory_space<semaphore_mem>>)
      %dma_wait3A_201 = arith.constant 0 : i32
      %dma_wait3A_202 = arith.constant 0 : i32
      %dma_wait3A_203 = tpu.memref_slice %arg6[%arg0, %dma_wait3A_201, %dma_wait3A_202] : memref<2x100352x16xf32, #tpu.memory_space<hbm>> -> memref<1x100352x16xf32, #tpu.memory_space<hbm>>
      %dma_wait3A_204 = tpu.memref_squeeze %dma_wait3A_203 : memref<1x100352x16xf32, #tpu.memory_space<hbm>> -> memref<100352x16xf32, #tpu.memory_space<hbm>>
      %dma_wait3A_205 = arith.constant 0 : i32
      %dma_wait3A_206 = tpu.memref_slice %dma_wait3A_204[%mul3A_0, %dma_wait3A_205] : memref<100352x16xf32, #tpu.memory_space<hbm>> -> memref<6272x16xf32, #tpu.memory_space<hbm>>
      %dma_wait3A_207 = arith.constant 0 : i32
      %dma_wait3A_208 = tpu.memref_slice %arg10[%mul3A_0, %dma_wait3A_207] : memref<100352x16xf32, #tpu.memory_space<vmem_shared>> -> memref<6272x16xf32, #tpu.memory_space<vmem_shared>>
      tpu.wait_dma2 semaphore(%run_scoped3A_193 : memref<!tpu.dma_semaphore, #tpu.memory_space<semaphore_mem>>) src(%dma_wait3A_208 : memref<6272x16xf32, #tpu.memory_space<vmem_shared>>) dst(%dma_wait3A_206 : memref<6272x16xf32, #tpu.memory_space<hbm>>)
      tpu.yield
    }) : () -> ()
    return
  }
}

#map = affine_map<(d0, d1) -> (0, 0, 0)>
#map1 = affine_map<(d0, d1) -> (0, 0)>
#map2 = affine_map<(d0, d1) -> (0)>
module attributes {stable_mosaic.version = 14 : i64} {
  func.func @body(%arg0: i32, %arg1: i32, %arg2: memref<1568x8x128xi32, #tpu.memory_space<hbm>>, %arg3: memref<1568x8x128xi32, #tpu.memory_space<hbm>>, %arg4: memref<2x100352x16xf32, #tpu.memory_space<hbm>>, %arg5: memref<6272x16xf32, #tpu.memory_space<hbm>>, %arg6: memref<6272xf32, #tpu.memory_space<hbm>>, %arg7: memref<2x100352x16xf32, #tpu.memory_space<hbm>>, %arg8: memref<2x100352xf32, #tpu.memory_space<hbm>>, %arg9: memref<3x8x128xi32, #tpu.memory_space<vmem>>, %arg10: memref<3x8x128xi32, #tpu.memory_space<vmem>>, %arg11: memref<8x128x16xf32, #tpu.memory_space<vmem>>, %arg12: memref<100352x16xf32, #tpu.memory_space<vmem_shared>>, %arg13: memref<!tpu.dma_semaphore, #tpu.memory_space<semaphore_mem>>, %arg14: memref<!tpu.dma_semaphore, #tpu.memory_space<semaphore_mem>>, %arg15: memref<!tpu.dma_semaphore, #tpu.memory_space<semaphore_mem>>, %arg16: memref<!tpu.dma_semaphore, #tpu.memory_space<semaphore_mem>>, %arg17: memref<!tpu.dma_semaphore, #tpu.memory_space<semaphore_mem>>, %arg18: memref<!tpu.dma_semaphore, #tpu.memory_space<semaphore_mem>>, %arg19: memref<!tpu.dma_semaphore, #tpu.memory_space<semaphore_mem>>, %arg20: memref<!tpu.dma_semaphore, #tpu.memory_space<semaphore_mem>>, %arg21: memref<!tpu.dma_semaphore, #tpu.memory_space<semaphore_mem>>, %arg22: memref<128xf32, #tpu.memory_space<vmem>>, %arg23: memref<100352xf32, #tpu.memory_space<vmem_shared>>, %arg24: memref<!tpu.dma_semaphore, #tpu.memory_space<semaphore_mem>>) attributes {dimension_semantics = [#tpu.dimension_semantics<core_parallel>, #tpu.dimension_semantics<subcore_parallel>], iteration_bounds = array<i64: 2, 16>, scalar_prefetch = 0 : i64, scratch_operands = 16 : i64, tpu.core_type = #tpu.core_type<sc_vector_subcore>, window_params = [{transform_indices = #map}, {transform_indices = #map}, {transform_indices = #map}, {transform_indices = #map1}, {transform_indices = #map2}, {transform_indices = #map}, {transform_indices = #map1}]} {
    %mul3A = arith.constant 6272 : i32
    %mul3A_0 = arith.muli %arg1, %mul3A : i32
    "tpu.region"() ({
      %run_scoped3A_255 = tpu.sem_alloc : memref<!tpu.dma_semaphore, #tpu.memory_space<semaphore_mem>>
      %dma_start3A = arith.constant 0 : i32
      %dma_start3A_256 = tpu.memref_slice %arg12[%mul3A_0, %dma_start3A] : memref<100352x16xf32, #tpu.memory_space<vmem_shared>> -> memref<6272x16xf32, #tpu.memory_space<vmem_shared>>
      tpu.enqueue_dma source(%arg5 : memref<6272x16xf32, #tpu.memory_space<hbm>>) target(%dma_start3A_256 : memref<6272x16xf32, #tpu.memory_space<vmem_shared>>) target_semaphore(%run_scoped3A_255 : memref<!tpu.dma_semaphore, #tpu.memory_space<semaphore_mem>>)
      %dma_wait3A_257 = arith.constant 0 : i32
      %dma_wait3A_258 = tpu.memref_slice %arg12[%mul3A_0, %dma_wait3A_257] : memref<100352x16xf32, #tpu.memory_space<vmem_shared>> -> memref<6272x16xf32, #tpu.memory_space<vmem_shared>>
      tpu.wait_dma2 semaphore(%run_scoped3A_255 : memref<!tpu.dma_semaphore, #tpu.memory_space<semaphore_mem>>) src(%arg5 : memref<6272x16xf32, #tpu.memory_space<hbm>>) dst(%dma_wait3A_258 : memref<6272x16xf32, #tpu.memory_space<vmem_shared>>)
      tpu.yield
    }) : () -> ()
    "tpu.region"() ({
      %run_scoped3A_255 = tpu.sem_alloc : memref<!tpu.dma_semaphore, #tpu.memory_space<semaphore_mem>>
      %dma_start3A = tpu.memref_slice %arg23[%mul3A_0] : memref<100352xf32, #tpu.memory_space<vmem_shared>> -> memref<6272xf32, #tpu.memory_space<vmem_shared>>
      tpu.enqueue_dma source(%arg6 : memref<6272xf32, #tpu.memory_space<hbm>>) target(%dma_start3A : memref<6272xf32, #tpu.memory_space<vmem_shared>>) target_semaphore(%run_scoped3A_255 : memref<!tpu.dma_semaphore, #tpu.memory_space<semaphore_mem>>)
      %dma_wait3A_256 = tpu.memref_slice %arg23[%mul3A_0] : memref<100352xf32, #tpu.memory_space<vmem_shared>> -> memref<6272xf32, #tpu.memory_space<vmem_shared>>
      tpu.wait_dma2 semaphore(%run_scoped3A_255 : memref<!tpu.dma_semaphore, #tpu.memory_space<semaphore_mem>>) src(%arg6 : memref<6272xf32, #tpu.memory_space<hbm>>) dst(%dma_wait3A_256 : memref<6272xf32, #tpu.memory_space<vmem_shared>>)
      tpu.yield
    }) : () -> ()
    %broadcast_in_dim3A = arith.constant 1.000000e+00 : f32
    %broadcast_in_dim3A_1 = vector.broadcast %broadcast_in_dim3A : f32 to vector<16xf32>
    %swap3A = arith.constant 0 : index
    %swap3A_2 = tpu.vector_load %arg22[%swap3A] {strides = array<i32>} : memref<128xf32, #tpu.memory_space<vmem>>, vector<16xf32>,
    %swap3A_3 = vector.shape_cast %swap3A_2 : vector<16xf32> to vector<16xf32>
    %swap3A_4 = vector.shape_cast %broadcast_in_dim3A_1 : vector<16xf32> to vector<16xf32>
    tpu.vector_store %arg22[%swap3A], %swap3A_4 {strides = array<i32>} : memref<128xf32, #tpu.memory_space<vmem>>, vector<16xf32>,
    %broadcast_in_dim3A_5 = arith.constant 1.000000e+00 : f32
    %broadcast_in_dim3A_6 = vector.broadcast %broadcast_in_dim3A_5 : f32 to vector<16xf32>
    %swap3A_7 = arith.constant 16 : index
    %swap3A_8 = tpu.vector_load %arg22[%swap3A_7] {strides = array<i32>} : memref<128xf32, #tpu.memory_space<vmem>>, vector<16xf32>,
    %swap3A_9 = vector.shape_cast %swap3A_8 : vector<16xf32> to vector<16xf32>
    %swap3A_10 = vector.shape_cast %broadcast_in_dim3A_6 : vector<16xf32> to vector<16xf32>
    tpu.vector_store %arg22[%swap3A_7], %swap3A_10 {strides = array<i32>} : memref<128xf32, #tpu.memory_space<vmem>>, vector<16xf32>,
    %broadcast_in_dim3A_11 = arith.constant 1.000000e+00 : f32
    %broadcast_in_dim3A_12 = vector.broadcast %broadcast_in_dim3A_11 : f32 to vector<16xf32>
    %swap3A_13 = arith.constant 32 : index
    %swap3A_14 = tpu.vector_load %arg22[%swap3A_13] {strides = array<i32>} : memref<128xf32, #tpu.memory_space<vmem>>, vector<16xf32>,
    %swap3A_15 = vector.shape_cast %swap3A_14 : vector<16xf32> to vector<16xf32>
    %swap3A_16 = vector.shape_cast %broadcast_in_dim3A_12 : vector<16xf32> to vector<16xf32>
    tpu.vector_store %arg22[%swap3A_13], %swap3A_16 {strides = array<i32>} : memref<128xf32, #tpu.memory_space<vmem>>, vector<16xf32>,
    %broadcast_in_dim3A_17 = arith.constant 1.000000e+00 : f32
    %broadcast_in_dim3A_18 = vector.broadcast %broadcast_in_dim3A_17 : f32 to vector<16xf32>
    %swap3A_19 = arith.constant 48 : index
    %swap3A_20 = tpu.vector_load %arg22[%swap3A_19] {strides = array<i32>} : memref<128xf32, #tpu.memory_space<vmem>>, vector<16xf32>,
    %swap3A_21 = vector.shape_cast %swap3A_20 : vector<16xf32> to vector<16xf32>
    %swap3A_22 = vector.shape_cast %broadcast_in_dim3A_18 : vector<16xf32> to vector<16xf32>
    tpu.vector_store %arg22[%swap3A_19], %swap3A_22 {strides = array<i32>} : memref<128xf32, #tpu.memory_space<vmem>>, vector<16xf32>,
    %broadcast_in_dim3A_23 = arith.constant 1.000000e+00 : f32
    %broadcast_in_dim3A_24 = vector.broadcast %broadcast_in_dim3A_23 : f32 to vector<16xf32>
    %swap3A_25 = arith.constant 64 : index
    %swap3A_26 = tpu.vector_load %arg22[%swap3A_25] {strides = array<i32>} : memref<128xf32, #tpu.memory_space<vmem>>, vector<16xf32>,
    %swap3A_27 = vector.shape_cast %swap3A_26 : vector<16xf32> to vector<16xf32>
    %swap3A_28 = vector.shape_cast %broadcast_in_dim3A_24 : vector<16xf32> to vector<16xf32>
    tpu.vector_store %arg22[%swap3A_25], %swap3A_28 {strides = array<i32>} : memref<128xf32, #tpu.memory_space<vmem>>, vector<16xf32>,
    %broadcast_in_dim3A_29 = arith.constant 1.000000e+00 : f32
    %broadcast_in_dim3A_30 = vector.broadcast %broadcast_in_dim3A_29 : f32 to vector<16xf32>
    %swap3A_31 = arith.constant 80 : index
    %swap3A_32 = tpu.vector_load %arg22[%swap3A_31] {strides = array<i32>} : memref<128xf32, #tpu.memory_space<vmem>>, vector<16xf32>,
    %swap3A_33 = vector.shape_cast %swap3A_32 : vector<16xf32> to vector<16xf32>
    %swap3A_34 = vector.shape_cast %broadcast_in_dim3A_30 : vector<16xf32> to vector<16xf32>
    tpu.vector_store %arg22[%swap3A_31], %swap3A_34 {strides = array<i32>} : memref<128xf32, #tpu.memory_space<vmem>>, vector<16xf32>,
    %broadcast_in_dim3A_35 = arith.constant 1.000000e+00 : f32
    %broadcast_in_dim3A_36 = vector.broadcast %broadcast_in_dim3A_35 : f32 to vector<16xf32>
    %swap3A_37 = arith.constant 96 : index
    %swap3A_38 = tpu.vector_load %arg22[%swap3A_37] {strides = array<i32>} : memref<128xf32, #tpu.memory_space<vmem>>, vector<16xf32>,
    %swap3A_39 = vector.shape_cast %swap3A_38 : vector<16xf32> to vector<16xf32>
    %swap3A_40 = vector.shape_cast %broadcast_in_dim3A_36 : vector<16xf32> to vector<16xf32>
    tpu.vector_store %arg22[%swap3A_37], %swap3A_40 {strides = array<i32>} : memref<128xf32, #tpu.memory_space<vmem>>, vector<16xf32>,
    %broadcast_in_dim3A_41 = arith.constant 1.000000e+00 : f32
    %broadcast_in_dim3A_42 = vector.broadcast %broadcast_in_dim3A_41 : f32 to vector<16xf32>
    %swap3A_43 = arith.constant 112 : index
    %swap3A_44 = tpu.vector_load %arg22[%swap3A_43] {strides = array<i32>} : memref<128xf32, #tpu.memory_space<vmem>>, vector<16xf32>,
    %swap3A_45 = vector.shape_cast %swap3A_44 : vector<16xf32> to vector<16xf32>
    %swap3A_46 = vector.shape_cast %broadcast_in_dim3A_42 : vector<16xf32> to vector<16xf32>
    tpu.vector_store %arg22[%swap3A_43], %swap3A_46 {strides = array<i32>} : memref<128xf32, #tpu.memory_space<vmem>>, vector<16xf32>,
    %barrier3A = arith.constant 0 : index
    tpu.barrier barrier_id(%barrier3A)
    %mul3A_47 = arith.constant 98 : i32
    %mul3A_48 = arith.muli %arg1, %mul3A_47 : i32
    %run_scoped3A = arith.constant 0 : i32
    "tpu.region"() ({
      %run_scoped3A_255 = tpu.sem_alloc : memref<!tpu.dma_semaphore, #tpu.memory_space<semaphore_mem>>
      %dma_start3A = arith.constant 0 : i32
      %dma_start3A_256 = arith.constant 0 : i32
      %dma_start3A_257 = tpu.memref_slice %arg9[%run_scoped3A, %dma_start3A, %dma_start3A_256] : memref<3x8x128xi32, #tpu.memory_space<vmem>> -> memref<1x8x128xi32, #tpu.memory_space<vmem>>
      %dma_start3A_258 = tpu.memref_squeeze %dma_start3A_257 : memref<1x8x128xi32, #tpu.memory_space<vmem>> -> memref<8x128xi32, #tpu.memory_space<vmem>>
      %dma_start3A_259 = arith.constant 0 : i32
      %dma_start3A_260 = arith.constant 0 : i32
      %dma_start3A_261 = tpu.memref_slice %arg2[%mul3A_48, %dma_start3A_259, %dma_start3A_260] : memref<1568x8x128xi32, #tpu.memory_space<hbm>> -> memref<1x8x128xi32, #tpu.memory_space<hbm>>
      %dma_start3A_262 = tpu.memref_squeeze %dma_start3A_261 : memref<1x8x128xi32, #tpu.memory_space<hbm>> -> memref<8x128xi32, #tpu.memory_space<hbm>>
      %dma_start3A_263 = arith.constant 0 : i32
      %dma_start3A_264 = arith.constant 0 : i32
      %dma_start3A_265 = tpu.memref_slice %arg9[%run_scoped3A, %dma_start3A_263, %dma_start3A_264] : memref<3x8x128xi32, #tpu.memory_space<vmem>> -> memref<1x8x128xi32, #tpu.memory_space<vmem>>
      %dma_start3A_266 = tpu.memref_squeeze %dma_start3A_265 : memref<1x8x128xi32, #tpu.memory_space<vmem>> -> memref<8x128xi32, #tpu.memory_space<vmem>>
      %dma_start3A_267 = arith.constant 0 : i32
      %dma_start3A_268 = arith.constant 0 : i32
      %dma_start3A_269 = tpu.memref_slice %arg2[%mul3A_48, %dma_start3A_267, %dma_start3A_268] : memref<1568x8x128xi32, #tpu.memory_space<hbm>> -> memref<1x8x128xi32, #tpu.memory_space<hbm>>
      %dma_start3A_270 = tpu.memref_squeeze %dma_start3A_269 : memref<1x8x128xi32, #tpu.memory_space<hbm>> -> memref<8x128xi32, #tpu.memory_space<hbm>>
      tpu.enqueue_dma source(%dma_start3A_270 : memref<8x128xi32, #tpu.memory_space<hbm>>) target(%dma_start3A_266 : memref<8x128xi32, #tpu.memory_space<vmem>>) target_semaphore(%run_scoped3A_255 : memref<!tpu.dma_semaphore, #tpu.memory_space<semaphore_mem>>)
      %dma_wait3A_271 = arith.constant 0 : i32
      %dma_wait3A_272 = arith.constant 0 : i32
      %dma_wait3A_273 = tpu.memref_slice %arg9[%run_scoped3A, %dma_wait3A_271, %dma_wait3A_272] : memref<3x8x128xi32, #tpu.memory_space<vmem>> -> memref<1x8x128xi32, #tpu.memory_space<vmem>>
      %dma_wait3A_274 = tpu.memref_squeeze %dma_wait3A_273 : memref<1x8x128xi32, #tpu.memory_space<vmem>> -> memref<8x128xi32, #tpu.memory_space<vmem>>
      %dma_wait3A_275 = arith.constant 0 : i32
      %dma_wait3A_276 = arith.constant 0 : i32
      %dma_wait3A_277 = tpu.memref_slice %arg2[%mul3A_48, %dma_wait3A_275, %dma_wait3A_276] : memref<1568x8x128xi32, #tpu.memory_space<hbm>> -> memref<1x8x128xi32, #tpu.memory_space<hbm>>
      %dma_wait3A_278 = tpu.memref_squeeze %dma_wait3A_277 : memref<1x8x128xi32, #tpu.memory_space<hbm>> -> memref<8x128xi32, #tpu.memory_space<hbm>>
      %dma_wait3A_279 = arith.constant 0 : i32
      %dma_wait3A_280 = arith.constant 0 : i32
      %dma_wait3A_281 = tpu.memref_slice %arg9[%run_scoped3A, %dma_wait3A_279, %dma_wait3A_280] : memref<3x8x128xi32, #tpu.memory_space<vmem>> -> memref<1x8x128xi32, #tpu.memory_space<vmem>>
      %dma_wait3A_282 = tpu.memref_squeeze %dma_wait3A_281 : memref<1x8x128xi32, #tpu.memory_space<vmem>> -> memref<8x128xi32, #tpu.memory_space<vmem>>
      %dma_wait3A_283 = arith.constant 0 : i32
      %dma_wait3A_284 = arith.constant 0 : i32
      %dma_wait3A_285 = tpu.memref_slice %arg2[%mul3A_48, %dma_wait3A_283, %dma_wait3A_284] : memref<1568x8x128xi32, #tpu.memory_space<hbm>> -> memref<1x8x128xi32, #tpu.memory_space<hbm>>
      %dma_wait3A_286 = tpu.memref_squeeze %dma_wait3A_285 : memref<1x8x128xi32, #tpu.memory_space<hbm>> -> memref<8x128xi32, #tpu.memory_space<hbm>>
      tpu.wait_dma2 semaphore(%run_scoped3A_255 : memref<!tpu.dma_semaphore, #tpu.memory_space<semaphore_mem>>) src(%dma_wait3A_286 : memref<8x128xi32, #tpu.memory_space<hbm>>) dst(%dma_wait3A_282 : memref<8x128xi32, #tpu.memory_space<vmem>>)
      tpu.yield
    }) : () -> ()
    %run_scoped3A_49 = arith.constant 0 : i32
    "tpu.region"() ({
      %run_scoped3A_255 = tpu.sem_alloc : memref<!tpu.dma_semaphore, #tpu.memory_space<semaphore_mem>>
      %dma_start3A = arith.constant 0 : i32
      %dma_start3A_256 = arith.constant 0 : i32
      %dma_start3A_257 = tpu.memref_slice %arg10[%run_scoped3A_49, %dma_start3A, %dma_start3A_256] : memref<3x8x128xi32, #tpu.memory_space<vmem>> -> memref<1x8x128xi32, #tpu.memory_space<vmem>>
      %dma_start3A_258 = tpu.memref_squeeze %dma_start3A_257 : memref<1x8x128xi32, #tpu.memory_space<vmem>> -> memref<8x128xi32, #tpu.memory_space<vmem>>
      %dma_start3A_259 = arith.constant 0 : i32
      %dma_start3A_260 = arith.constant 0 : i32
      %dma_start3A_261 = tpu.memref_slice %arg3[%mul3A_48, %dma_start3A_259, %dma_start3A_260] : memref<1568x8x128xi32, #tpu.memory_space<hbm>> -> memref<1x8x128xi32, #tpu.memory_space<hbm>>
      %dma_start3A_262 = tpu.memref_squeeze %dma_start3A_261 : memref<1x8x128xi32, #tpu.memory_space<hbm>> -> memref<8x128xi32, #tpu.memory_space<hbm>>
      %dma_start3A_263 = arith.constant 0 : i32
      %dma_start3A_264 = arith.constant 0 : i32
      %dma_start3A_265 = tpu.memref_slice %arg10[%run_scoped3A_49, %dma_start3A_263, %dma_start3A_264] : memref<3x8x128xi32, #tpu.memory_space<vmem>> -> memref<1x8x128xi32, #tpu.memory_space<vmem>>
      %dma_start3A_266 = tpu.memref_squeeze %dma_start3A_265 : memref<1x8x128xi32, #tpu.memory_space<vmem>> -> memref<8x128xi32, #tpu.memory_space<vmem>>
      %dma_start3A_267 = arith.constant 0 : i32
      %dma_start3A_268 = arith.constant 0 : i32
      %dma_start3A_269 = tpu.memref_slice %arg3[%mul3A_48, %dma_start3A_267, %dma_start3A_268] : memref<1568x8x128xi32, #tpu.memory_space<hbm>> -> memref<1x8x128xi32, #tpu.memory_space<hbm>>
      %dma_start3A_270 = tpu.memref_squeeze %dma_start3A_269 : memref<1x8x128xi32, #tpu.memory_space<hbm>> -> memref<8x128xi32, #tpu.memory_space<hbm>>
      tpu.enqueue_dma source(%dma_start3A_270 : memref<8x128xi32, #tpu.memory_space<hbm>>) target(%dma_start3A_266 : memref<8x128xi32, #tpu.memory_space<vmem>>) target_semaphore(%run_scoped3A_255 : memref<!tpu.dma_semaphore, #tpu.memory_space<semaphore_mem>>)
      %dma_wait3A_271 = arith.constant 0 : i32
      %dma_wait3A_272 = arith.constant 0 : i32
      %dma_wait3A_273 = tpu.memref_slice %arg10[%run_scoped3A_49, %dma_wait3A_271, %dma_wait3A_272] : memref<3x8x128xi32, #tpu.memory_space<vmem>> -> memref<1x8x128xi32, #tpu.memory_space<vmem>>
      %dma_wait3A_274 = tpu.memref_squeeze %dma_wait3A_273 : memref<1x8x128xi32, #tpu.memory_space<vmem>> -> memref<8x128xi32, #tpu.memory_space<vmem>>
      %dma_wait3A_275 = arith.constant 0 : i32
      %dma_wait3A_276 = arith.constant 0 : i32
      %dma_wait3A_277 = tpu.memref_slice %arg3[%mul3A_48, %dma_wait3A_275, %dma_wait3A_276] : memref<1568x8x128xi32, #tpu.memory_space<hbm>> -> memref<1x8x128xi32, #tpu.memory_space<hbm>>
      %dma_wait3A_278 = tpu.memref_squeeze %dma_wait3A_277 : memref<1x8x128xi32, #tpu.memory_space<hbm>> -> memref<8x128xi32, #tpu.memory_space<hbm>>
      %dma_wait3A_279 = arith.constant 0 : i32
      %dma_wait3A_280 = arith.constant 0 : i32
      %dma_wait3A_281 = tpu.memref_slice %arg10[%run_scoped3A_49, %dma_wait3A_279, %dma_wait3A_280] : memref<3x8x128xi32, #tpu.memory_space<vmem>> -> memref<1x8x128xi32, #tpu.memory_space<vmem>>
      %dma_wait3A_282 = tpu.memref_squeeze %dma_wait3A_281 : memref<1x8x128xi32, #tpu.memory_space<vmem>> -> memref<8x128xi32, #tpu.memory_space<vmem>>
      %dma_wait3A_283 = arith.constant 0 : i32
      %dma_wait3A_284 = arith.constant 0 : i32
      %dma_wait3A_285 = tpu.memref_slice %arg3[%mul3A_48, %dma_wait3A_283, %dma_wait3A_284] : memref<1568x8x128xi32, #tpu.memory_space<hbm>> -> memref<1x8x128xi32, #tpu.memory_space<hbm>>
      %dma_wait3A_286 = tpu.memref_squeeze %dma_wait3A_285 : memref<1x8x128xi32, #tpu.memory_space<hbm>> -> memref<8x128xi32, #tpu.memory_space<hbm>>
      tpu.wait_dma2 semaphore(%run_scoped3A_255 : memref<!tpu.dma_semaphore, #tpu.memory_space<semaphore_mem>>) src(%dma_wait3A_286 : memref<8x128xi32, #tpu.memory_space<hbm>>) dst(%dma_wait3A_282 : memref<8x128xi32, #tpu.memory_space<vmem>>)
      tpu.yield
    }) : () -> ()
    %scan3A = arith.constant 0 : i32
    %scan3A_50 = arith.constant 0 : i32
    %scan3A_51 = arith.constant 98 : i32
    %scan3A_52 = arith.addi %scan3A_50, %scan3A_51 : i32
    %scan3A_53 = arith.constant 1 : i32
    scf.for %scan3A_255 = %scan3A_50 to %scan3A_52 step %scan3A_53  : i32 {
      %rem3A = arith.constant 3 : i32
      %rem3A_256 = arith.remsi %scan3A_255, %rem3A : i32
      %gt3A = arith.constant 0 : i32
      %gt3A_257 = arith.cmpi sgt, %scan3A_255, %gt3A : i32
      %convert_element_type3A = arith.extui %gt3A_257 : i1 to i32
      %cond3A = arith.constant 0 : i32
      %cond3A_258 = arith.cmpi ne, %convert_element_type3A, %cond3A : i32
      scf.if %cond3A_258 {
        %dma_wait3A_663 = arith.constant 0 : i32
        %dma_wait3A_664 = arith.constant 0 : i32
        %dma_wait3A_665 = arith.constant 0 : i32
        %dma_wait3A_666 = tpu.memref_slice %arg11[%dma_wait3A_663, %dma_wait3A_664, %dma_wait3A_665] : memref<8x128x16xf32, #tpu.memory_space<vmem>> -> memref<1x128x16xf32, #tpu.memory_space<vmem>>
        %dma_wait3A_667 = tpu.memref_squeeze %dma_wait3A_666 : memref<1x128x16xf32, #tpu.memory_space<vmem>> -> memref<128x16xf32, #tpu.memory_space<vmem>>
        %dma_wait3A_668 = arith.constant 0 : i32
        %dma_wait3A_669 = arith.constant 0 : i32
        %dma_wait3A_670 = tpu.memref_slice %arg4[%arg0, %dma_wait3A_668, %dma_wait3A_669] : memref<2x100352x16xf32, #tpu.memory_space<hbm>> -> memref<1x100352x16xf32, #tpu.memory_space<hbm>>
        %dma_wait3A_671 = tpu.memref_squeeze %dma_wait3A_670 : memref<1x100352x16xf32, #tpu.memory_space<hbm>> -> memref<100352x16xf32, #tpu.memory_space<hbm>>
        %dma_wait3A_672 = arith.constant 0 : i32
        %dma_wait3A_673 = arith.constant 0 : i32
        %dma_wait3A_674 = tpu.memref_slice %dma_wait3A_671[%dma_wait3A_672, %dma_wait3A_673] : memref<100352x16xf32, #tpu.memory_space<hbm>> -> memref<128x16xf32, #tpu.memory_space<hbm>>
        %dma_wait3A_675 = arith.constant 0 : i32
        %dma_wait3A_676 = arith.constant 0 : i32
        %dma_wait3A_677 = tpu.memref_slice %arg11[%dma_wait3A_663, %dma_wait3A_675, %dma_wait3A_676] : memref<8x128x16xf32, #tpu.memory_space<vmem>> -> memref<1x128x16xf32, #tpu.memory_space<vmem>>
        %dma_wait3A_678 = tpu.memref_squeeze %dma_wait3A_677 : memref<1x128x16xf32, #tpu.memory_space<vmem>> -> memref<128x16xf32, #tpu.memory_space<vmem>>
        %dma_wait3A_679 = arith.constant 0 : i32
        %dma_wait3A_680 = arith.constant 0 : i32
        %dma_wait3A_681 = tpu.memref_slice %arg4[%arg0, %dma_wait3A_679, %dma_wait3A_680] : memref<2x100352x16xf32, #tpu.memory_space<hbm>> -> memref<1x100352x16xf32, #tpu.memory_space<hbm>>
        %dma_wait3A_682 = tpu.memref_squeeze %dma_wait3A_681 : memref<1x100352x16xf32, #tpu.memory_space<hbm>> -> memref<100352x16xf32, #tpu.memory_space<hbm>>
        %dma_wait3A_683 = arith.constant 0 : i32
        %dma_wait3A_684 = arith.constant 0 : i32
        %dma_wait3A_685 = tpu.memref_slice %dma_wait3A_682[%dma_wait3A_683, %dma_wait3A_684] : memref<100352x16xf32, #tpu.memory_space<hbm>> -> memref<128x16xf32, #tpu.memory_space<hbm>>
        tpu.wait_dma2 semaphore(%arg14 : memref<!tpu.dma_semaphore, #tpu.memory_space<semaphore_mem>>) src(%dma_wait3A_685 : memref<128x16xf32, #tpu.memory_space<hbm>>) dst(%dma_wait3A_678 : memref<128x16xf32, #tpu.memory_space<vmem>>)
      } else {
      }
      %dma_start3A = arith.constant 0 : i32
      %dma_start3A_259 = arith.constant 0 : i32
      %dma_start3A_260 = arith.constant 0 : i32
      %dma_start3A_261 = arith.constant 0 : i32
      %dma_start3A_262 = tpu.memref_slice %arg11[%dma_start3A_259, %dma_start3A_260, %dma_start3A_261] : memref<8x128x16xf32, #tpu.memory_space<vmem>> -> memref<1x128x16xf32, #tpu.memory_space<vmem>>
      %dma_start3A_263 = tpu.memref_squeeze %dma_start3A_262 : memref<1x128x16xf32, #tpu.memory_space<vmem>> -> memref<128x16xf32, #tpu.memory_space<vmem>>
      %dma_start3A_264 = arith.constant 0 : i32
      %dma_start3A_265 = tpu.memref_slice %arg9[%rem3A_256, %dma_start3A, %dma_start3A_264] : memref<3x8x128xi32, #tpu.memory_space<vmem>> -> memref<1x1x128xi32, #tpu.memory_space<vmem>>
      %dma_start3A_266 = tpu.memref_squeeze %dma_start3A_265 : memref<1x1x128xi32, #tpu.memory_space<vmem>> -> memref<128xi32, #tpu.memory_space<vmem>>
      %dma_start3A_267 = arith.constant 0 : i32
      %dma_start3A_268 = arith.constant 0 : i32
      %dma_start3A_269 = tpu.memref_slice %arg4[%arg0, %dma_start3A_267, %dma_start3A_268] : memref<2x100352x16xf32, #tpu.memory_space<hbm>> -> memref<1x100352x16xf32, #tpu.memory_space<hbm>>
      %dma_start3A_270 = tpu.memref_squeeze %dma_start3A_269 : memref<1x100352x16xf32, #tpu.memory_space<hbm>> -> memref<100352x16xf32, #tpu.memory_space<hbm>>
      %dma_start3A_271 = arith.constant 0 : i32
      %dma_start3A_272 = arith.constant 0 : i32
      %dma_start3A_273 = tpu.memref_slice %dma_start3A_270[%dma_start3A_271, %dma_start3A_272] : memref<100352x16xf32, #tpu.memory_space<hbm>> -> memref<100352x16xf32, #tpu.memory_space<hbm>>
      tpu.enqueue_indirect_dma source(%dma_start3A_273 : memref<100352x16xf32, #tpu.memory_space<hbm>>) target(%dma_start3A_263 : memref<128x16xf32, #tpu.memory_space<vmem>>) offsets(%dma_start3A_266 : memref<128xi32, #tpu.memory_space<vmem>>) semaphore(%arg13 : memref<!tpu.dma_semaphore, #tpu.memory_space<semaphore_mem>>)
      %gt3A_274 = arith.constant 0 : i32
      %gt3A_275 = arith.cmpi sgt, %scan3A_255, %gt3A_274 : i32
      %convert_element_type3A_276 = arith.extui %gt3A_275 : i1 to i32
      %cond3A_277 = arith.constant 0 : i32
      %cond3A_278 = arith.cmpi ne, %convert_element_type3A_276, %cond3A_277 : i32
      scf.if %cond3A_278 {
        %dma_wait3A_663 = arith.constant 1 : i32
        %dma_wait3A_664 = arith.constant 0 : i32
        %dma_wait3A_665 = arith.constant 0 : i32
        %dma_wait3A_666 = tpu.memref_slice %arg11[%dma_wait3A_663, %dma_wait3A_664, %dma_wait3A_665] : memref<8x128x16xf32, #tpu.memory_space<vmem>> -> memref<1x128x16xf32, #tpu.memory_space<vmem>>
        %dma_wait3A_667 = tpu.memref_squeeze %dma_wait3A_666 : memref<1x128x16xf32, #tpu.memory_space<vmem>> -> memref<128x16xf32, #tpu.memory_space<vmem>>
        %dma_wait3A_668 = arith.constant 0 : i32
        %dma_wait3A_669 = arith.constant 0 : i32
        %dma_wait3A_670 = tpu.memref_slice %arg4[%arg0, %dma_wait3A_668, %dma_wait3A_669] : memref<2x100352x16xf32, #tpu.memory_space<hbm>> -> memref<1x100352x16xf32, #tpu.memory_space<hbm>>
        %dma_wait3A_671 = tpu.memref_squeeze %dma_wait3A_670 : memref<1x100352x16xf32, #tpu.memory_space<hbm>> -> memref<100352x16xf32, #tpu.memory_space<hbm>>
        %dma_wait3A_672 = arith.constant 128 : i32
        %dma_wait3A_673 = arith.constant 0 : i32
        %dma_wait3A_674 = tpu.memref_slice %dma_wait3A_671[%dma_wait3A_672, %dma_wait3A_673] : memref<100352x16xf32, #tpu.memory_space<hbm>> -> memref<128x16xf32, #tpu.memory_space<hbm>>
        %dma_wait3A_675 = arith.constant 0 : i32
        %dma_wait3A_676 = arith.constant 0 : i32
        %dma_wait3A_677 = tpu.memref_slice %arg11[%dma_wait3A_663, %dma_wait3A_675, %dma_wait3A_676] : memref<8x128x16xf32, #tpu.memory_space<vmem>> -> memref<1x128x16xf32, #tpu.memory_space<vmem>>
        %dma_wait3A_678 = tpu.memref_squeeze %dma_wait3A_677 : memref<1x128x16xf32, #tpu.memory_space<vmem>> -> memref<128x16xf32, #tpu.memory_space<vmem>>
        %dma_wait3A_679 = arith.constant 0 : i32
        %dma_wait3A_680 = arith.constant 0 : i32
        %dma_wait3A_681 = tpu.memref_slice %arg4[%arg0, %dma_wait3A_679, %dma_wait3A_680] : memref<2x100352x16xf32, #tpu.memory_space<hbm>> -> memref<1x100352x16xf32, #tpu.memory_space<hbm>>
        %dma_wait3A_682 = tpu.memref_squeeze %dma_wait3A_681 : memref<1x100352x16xf32, #tpu.memory_space<hbm>> -> memref<100352x16xf32, #tpu.memory_space<hbm>>
        %dma_wait3A_683 = arith.constant 128 : i32
        %dma_wait3A_684 = arith.constant 0 : i32
        %dma_wait3A_685 = tpu.memref_slice %dma_wait3A_682[%dma_wait3A_683, %dma_wait3A_684] : memref<100352x16xf32, #tpu.memory_space<hbm>> -> memref<128x16xf32, #tpu.memory_space<hbm>>
        tpu.wait_dma2 semaphore(%arg15 : memref<!tpu.dma_semaphore, #tpu.memory_space<semaphore_mem>>) src(%dma_wait3A_685 : memref<128x16xf32, #tpu.memory_space<hbm>>) dst(%dma_wait3A_678 : memref<128x16xf32, #tpu.memory_space<vmem>>)
      } else {
      }
      %dma_start3A_279 = arith.constant 1 : i32
      %dma_start3A_280 = arith.constant 1 : i32
      %dma_start3A_281 = arith.constant 0 : i32
      %dma_start3A_282 = arith.constant 0 : i32
      %dma_start3A_283 = tpu.memref_slice %arg11[%dma_start3A_280, %dma_start3A_281, %dma_start3A_282] : memref<8x128x16xf32, #tpu.memory_space<vmem>> -> memref<1x128x16xf32, #tpu.memory_space<vmem>>
      %dma_start3A_284 = tpu.memref_squeeze %dma_start3A_283 : memref<1x128x16xf32, #tpu.memory_space<vmem>> -> memref<128x16xf32, #tpu.memory_space<vmem>>
      %dma_start3A_285 = arith.constant 0 : i32
      %dma_start3A_286 = tpu.memref_slice %arg9[%rem3A_256, %dma_start3A_279, %dma_start3A_285] : memref<3x8x128xi32, #tpu.memory_space<vmem>> -> memref<1x1x128xi32, #tpu.memory_space<vmem>>
      %dma_start3A_287 = tpu.memref_squeeze %dma_start3A_286 : memref<1x1x128xi32, #tpu.memory_space<vmem>> -> memref<128xi32, #tpu.memory_space<vmem>>
      %dma_start3A_288 = arith.constant 0 : i32
      %dma_start3A_289 = arith.constant 0 : i32
      %dma_start3A_290 = tpu.memref_slice %arg4[%arg0, %dma_start3A_288, %dma_start3A_289] : memref<2x100352x16xf32, #tpu.memory_space<hbm>> -> memref<1x100352x16xf32, #tpu.memory_space<hbm>>
      %dma_start3A_291 = tpu.memref_squeeze %dma_start3A_290 : memref<1x100352x16xf32, #tpu.memory_space<hbm>> -> memref<100352x16xf32, #tpu.memory_space<hbm>>
      %dma_start3A_292 = arith.constant 0 : i32
      %dma_start3A_293 = arith.constant 0 : i32
      %dma_start3A_294 = tpu.memref_slice %dma_start3A_291[%dma_start3A_292, %dma_start3A_293] : memref<100352x16xf32, #tpu.memory_space<hbm>> -> memref<100352x16xf32, #tpu.memory_space<hbm>>
      tpu.enqueue_indirect_dma source(%dma_start3A_294 : memref<100352x16xf32, #tpu.memory_space<hbm>>) target(%dma_start3A_284 : memref<128x16xf32, #tpu.memory_space<vmem>>) offsets(%dma_start3A_287 : memref<128xi32, #tpu.memory_space<vmem>>) semaphore(%arg13 : memref<!tpu.dma_semaphore, #tpu.memory_space<semaphore_mem>>)
      %gt3A_295 = arith.constant 0 : i32
      %gt3A_296 = arith.cmpi sgt, %scan3A_255, %gt3A_295 : i32
      %convert_element_type3A_297 = arith.extui %gt3A_296 : i1 to i32
      %cond3A_298 = arith.constant 0 : i32
      %cond3A_299 = arith.cmpi ne, %convert_element_type3A_297, %cond3A_298 : i32
      scf.if %cond3A_299 {
        %dma_wait3A_663 = arith.constant 2 : i32
        %dma_wait3A_664 = arith.constant 0 : i32
        %dma_wait3A_665 = arith.constant 0 : i32
        %dma_wait3A_666 = tpu.memref_slice %arg11[%dma_wait3A_663, %dma_wait3A_664, %dma_wait3A_665] : memref<8x128x16xf32, #tpu.memory_space<vmem>> -> memref<1x128x16xf32, #tpu.memory_space<vmem>>
        %dma_wait3A_667 = tpu.memref_squeeze %dma_wait3A_666 : memref<1x128x16xf32, #tpu.memory_space<vmem>> -> memref<128x16xf32, #tpu.memory_space<vmem>>
        %dma_wait3A_668 = arith.constant 0 : i32
        %dma_wait3A_669 = arith.constant 0 : i32
        %dma_wait3A_670 = tpu.memref_slice %arg4[%arg0, %dma_wait3A_668, %dma_wait3A_669] : memref<2x100352x16xf32, #tpu.memory_space<hbm>> -> memref<1x100352x16xf32, #tpu.memory_space<hbm>>
        %dma_wait3A_671 = tpu.memref_squeeze %dma_wait3A_670 : memref<1x100352x16xf32, #tpu.memory_space<hbm>> -> memref<100352x16xf32, #tpu.memory_space<hbm>>
        %dma_wait3A_672 = arith.constant 256 : i32
        %dma_wait3A_673 = arith.constant 0 : i32
        %dma_wait3A_674 = tpu.memref_slice %dma_wait3A_671[%dma_wait3A_672, %dma_wait3A_673] : memref<100352x16xf32, #tpu.memory_space<hbm>> -> memref<128x16xf32, #tpu.memory_space<hbm>>
        %dma_wait3A_675 = arith.constant 0 : i32
        %dma_wait3A_676 = arith.constant 0 : i32
        %dma_wait3A_677 = tpu.memref_slice %arg11[%dma_wait3A_663, %dma_wait3A_675, %dma_wait3A_676] : memref<8x128x16xf32, #tpu.memory_space<vmem>> -> memref<1x128x16xf32, #tpu.memory_space<vmem>>
        %dma_wait3A_678 = tpu.memref_squeeze %dma_wait3A_677 : memref<1x128x16xf32, #tpu.memory_space<vmem>> -> memref<128x16xf32, #tpu.memory_space<vmem>>
        %dma_wait3A_679 = arith.constant 0 : i32
        %dma_wait3A_680 = arith.constant 0 : i32
        %dma_wait3A_681 = tpu.memref_slice %arg4[%arg0, %dma_wait3A_679, %dma_wait3A_680] : memref<2x100352x16xf32, #tpu.memory_space<hbm>> -> memref<1x100352x16xf32, #tpu.memory_space<hbm>>
        %dma_wait3A_682 = tpu.memref_squeeze %dma_wait3A_681 : memref<1x100352x16xf32, #tpu.memory_space<hbm>> -> memref<100352x16xf32, #tpu.memory_space<hbm>>
        %dma_wait3A_683 = arith.constant 256 : i32
        %dma_wait3A_684 = arith.constant 0 : i32
        %dma_wait3A_685 = tpu.memref_slice %dma_wait3A_682[%dma_wait3A_683, %dma_wait3A_684] : memref<100352x16xf32, #tpu.memory_space<hbm>> -> memref<128x16xf32, #tpu.memory_space<hbm>>
        tpu.wait_dma2 semaphore(%arg16 : memref<!tpu.dma_semaphore, #tpu.memory_space<semaphore_mem>>) src(%dma_wait3A_685 : memref<128x16xf32, #tpu.memory_space<hbm>>) dst(%dma_wait3A_678 : memref<128x16xf32, #tpu.memory_space<vmem>>)
      } else {
      }
      %dma_start3A_300 = arith.constant 2 : i32
      %dma_start3A_301 = arith.constant 2 : i32
      %dma_start3A_302 = arith.constant 0 : i32
      %dma_start3A_303 = arith.constant 0 : i32
      %dma_start3A_304 = tpu.memref_slice %arg11[%dma_start3A_301, %dma_start3A_302, %dma_start3A_303] : memref<8x128x16xf32, #tpu.memory_space<vmem>> -> memref<1x128x16xf32, #tpu.memory_space<vmem>>
      %dma_start3A_305 = tpu.memref_squeeze %dma_start3A_304 : memref<1x128x16xf32, #tpu.memory_space<vmem>> -> memref<128x16xf32, #tpu.memory_space<vmem>>
      %dma_start3A_306 = arith.constant 0 : i32
      %dma_start3A_307 = tpu.memref_slice %arg9[%rem3A_256, %dma_start3A_300, %dma_start3A_306] : memref<3x8x128xi32, #tpu.memory_space<vmem>> -> memref<1x1x128xi32, #tpu.memory_space<vmem>>
      %dma_start3A_308 = tpu.memref_squeeze %dma_start3A_307 : memref<1x1x128xi32, #tpu.memory_space<vmem>> -> memref<128xi32, #tpu.memory_space<vmem>>
      %dma_start3A_309 = arith.constant 0 : i32
      %dma_start3A_310 = arith.constant 0 : i32
      %dma_start3A_311 = tpu.memref_slice %arg4[%arg0, %dma_start3A_309, %dma_start3A_310] : memref<2x100352x16xf32, #tpu.memory_space<hbm>> -> memref<1x100352x16xf32, #tpu.memory_space<hbm>>
      %dma_start3A_312 = tpu.memref_squeeze %dma_start3A_311 : memref<1x100352x16xf32, #tpu.memory_space<hbm>> -> memref<100352x16xf32, #tpu.memory_space<hbm>>
      %dma_start3A_313 = arith.constant 0 : i32
      %dma_start3A_314 = arith.constant 0 : i32
      %dma_start3A_315 = tpu.memref_slice %dma_start3A_312[%dma_start3A_313, %dma_start3A_314] : memref<100352x16xf32, #tpu.memory_space<hbm>> -> memref<100352x16xf32, #tpu.memory_space<hbm>>
      tpu.enqueue_indirect_dma source(%dma_start3A_315 : memref<100352x16xf32, #tpu.memory_space<hbm>>) target(%dma_start3A_305 : memref<128x16xf32, #tpu.memory_space<vmem>>) offsets(%dma_start3A_308 : memref<128xi32, #tpu.memory_space<vmem>>) semaphore(%arg13 : memref<!tpu.dma_semaphore, #tpu.memory_space<semaphore_mem>>)
      %gt3A_316 = arith.constant 0 : i32
      %gt3A_317 = arith.cmpi sgt, %scan3A_255, %gt3A_316 : i32
      %convert_element_type3A_318 = arith.extui %gt3A_317 : i1 to i32
      %cond3A_319 = arith.constant 0 : i32
      %cond3A_320 = arith.cmpi ne, %convert_element_type3A_318, %cond3A_319 : i32
      scf.if %cond3A_320 {
        %dma_wait3A_663 = arith.constant 3 : i32
        %dma_wait3A_664 = arith.constant 0 : i32
        %dma_wait3A_665 = arith.constant 0 : i32
        %dma_wait3A_666 = tpu.memref_slice %arg11[%dma_wait3A_663, %dma_wait3A_664, %dma_wait3A_665] : memref<8x128x16xf32, #tpu.memory_space<vmem>> -> memref<1x128x16xf32, #tpu.memory_space<vmem>>
        %dma_wait3A_667 = tpu.memref_squeeze %dma_wait3A_666 : memref<1x128x16xf32, #tpu.memory_space<vmem>> -> memref<128x16xf32, #tpu.memory_space<vmem>>
        %dma_wait3A_668 = arith.constant 0 : i32
        %dma_wait3A_669 = arith.constant 0 : i32
        %dma_wait3A_670 = tpu.memref_slice %arg4[%arg0, %dma_wait3A_668, %dma_wait3A_669] : memref<2x100352x16xf32, #tpu.memory_space<hbm>> -> memref<1x100352x16xf32, #tpu.memory_space<hbm>>
        %dma_wait3A_671 = tpu.memref_squeeze %dma_wait3A_670 : memref<1x100352x16xf32, #tpu.memory_space<hbm>> -> memref<100352x16xf32, #tpu.memory_space<hbm>>
        %dma_wait3A_672 = arith.constant 384 : i32
        %dma_wait3A_673 = arith.constant 0 : i32
        %dma_wait3A_674 = tpu.memref_slice %dma_wait3A_671[%dma_wait3A_672, %dma_wait3A_673] : memref<100352x16xf32, #tpu.memory_space<hbm>> -> memref<128x16xf32, #tpu.memory_space<hbm>>
        %dma_wait3A_675 = arith.constant 0 : i32
        %dma_wait3A_676 = arith.constant 0 : i32
        %dma_wait3A_677 = tpu.memref_slice %arg11[%dma_wait3A_663, %dma_wait3A_675, %dma_wait3A_676] : memref<8x128x16xf32, #tpu.memory_space<vmem>> -> memref<1x128x16xf32, #tpu.memory_space<vmem>>
        %dma_wait3A_678 = tpu.memref_squeeze %dma_wait3A_677 : memref<1x128x16xf32, #tpu.memory_space<vmem>> -> memref<128x16xf32, #tpu.memory_space<vmem>>
        %dma_wait3A_679 = arith.constant 0 : i32
        %dma_wait3A_680 = arith.constant 0 : i32
        %dma_wait3A_681 = tpu.memref_slice %arg4[%arg0, %dma_wait3A_679, %dma_wait3A_680] : memref<2x100352x16xf32, #tpu.memory_space<hbm>> -> memref<1x100352x16xf32, #tpu.memory_space<hbm>>
        %dma_wait3A_682 = tpu.memref_squeeze %dma_wait3A_681 : memref<1x100352x16xf32, #tpu.memory_space<hbm>> -> memref<100352x16xf32, #tpu.memory_space<hbm>>
        %dma_wait3A_683 = arith.constant 384 : i32
        %dma_wait3A_684 = arith.constant 0 : i32
        %dma_wait3A_685 = tpu.memref_slice %dma_wait3A_682[%dma_wait3A_683, %dma_wait3A_684] : memref<100352x16xf32, #tpu.memory_space<hbm>> -> memref<128x16xf32, #tpu.memory_space<hbm>>
        tpu.wait_dma2 semaphore(%arg17 : memref<!tpu.dma_semaphore, #tpu.memory_space<semaphore_mem>>) src(%dma_wait3A_685 : memref<128x16xf32, #tpu.memory_space<hbm>>) dst(%dma_wait3A_678 : memref<128x16xf32, #tpu.memory_space<vmem>>)
      } else {
      }
      %dma_start3A_321 = arith.constant 3 : i32
      %dma_start3A_322 = arith.constant 3 : i32
      %dma_start3A_323 = arith.constant 0 : i32
      %dma_start3A_324 = arith.constant 0 : i32
      %dma_start3A_325 = tpu.memref_slice %arg11[%dma_start3A_322, %dma_start3A_323, %dma_start3A_324] : memref<8x128x16xf32, #tpu.memory_space<vmem>> -> memref<1x128x16xf32, #tpu.memory_space<vmem>>
      %dma_start3A_326 = tpu.memref_squeeze %dma_start3A_325 : memref<1x128x16xf32, #tpu.memory_space<vmem>> -> memref<128x16xf32, #tpu.memory_space<vmem>>
      %dma_start3A_327 = arith.constant 0 : i32
      %dma_start3A_328 = tpu.memref_slice %arg9[%rem3A_256, %dma_start3A_321, %dma_start3A_327] : memref<3x8x128xi32, #tpu.memory_space<vmem>> -> memref<1x1x128xi32, #tpu.memory_space<vmem>>
      %dma_start3A_329 = tpu.memref_squeeze %dma_start3A_328 : memref<1x1x128xi32, #tpu.memory_space<vmem>> -> memref<128xi32, #tpu.memory_space<vmem>>
      %dma_start3A_330 = arith.constant 0 : i32
      %dma_start3A_331 = arith.constant 0 : i32
      %dma_start3A_332 = tpu.memref_slice %arg4[%arg0, %dma_start3A_330, %dma_start3A_331] : memref<2x100352x16xf32, #tpu.memory_space<hbm>> -> memref<1x100352x16xf32, #tpu.memory_space<hbm>>
      %dma_start3A_333 = tpu.memref_squeeze %dma_start3A_332 : memref<1x100352x16xf32, #tpu.memory_space<hbm>> -> memref<100352x16xf32, #tpu.memory_space<hbm>>
      %dma_start3A_334 = arith.constant 0 : i32
      %dma_start3A_335 = arith.constant 0 : i32
      %dma_start3A_336 = tpu.memref_slice %dma_start3A_333[%dma_start3A_334, %dma_start3A_335] : memref<100352x16xf32, #tpu.memory_space<hbm>> -> memref<100352x16xf32, #tpu.memory_space<hbm>>
      tpu.enqueue_indirect_dma source(%dma_start3A_336 : memref<100352x16xf32, #tpu.memory_space<hbm>>) target(%dma_start3A_326 : memref<128x16xf32, #tpu.memory_space<vmem>>) offsets(%dma_start3A_329 : memref<128xi32, #tpu.memory_space<vmem>>) semaphore(%arg13 : memref<!tpu.dma_semaphore, #tpu.memory_space<semaphore_mem>>)
      %gt3A_337 = arith.constant 0 : i32
      %gt3A_338 = arith.cmpi sgt, %scan3A_255, %gt3A_337 : i32
      %convert_element_type3A_339 = arith.extui %gt3A_338 : i1 to i32
      %cond3A_340 = arith.constant 0 : i32
      %cond3A_341 = arith.cmpi ne, %convert_element_type3A_339, %cond3A_340 : i32
      scf.if %cond3A_341 {
        %dma_wait3A_663 = arith.constant 4 : i32
        %dma_wait3A_664 = arith.constant 0 : i32
        %dma_wait3A_665 = arith.constant 0 : i32
        %dma_wait3A_666 = tpu.memref_slice %arg11[%dma_wait3A_663, %dma_wait3A_664, %dma_wait3A_665] : memref<8x128x16xf32, #tpu.memory_space<vmem>> -> memref<1x128x16xf32, #tpu.memory_space<vmem>>
        %dma_wait3A_667 = tpu.memref_squeeze %dma_wait3A_666 : memref<1x128x16xf32, #tpu.memory_space<vmem>> -> memref<128x16xf32, #tpu.memory_space<vmem>>
        %dma_wait3A_668 = arith.constant 0 : i32
        %dma_wait3A_669 = arith.constant 0 : i32
        %dma_wait3A_670 = tpu.memref_slice %arg4[%arg0, %dma_wait3A_668, %dma_wait3A_669] : memref<2x100352x16xf32, #tpu.memory_space<hbm>> -> memref<1x100352x16xf32, #tpu.memory_space<hbm>>
        %dma_wait3A_671 = tpu.memref_squeeze %dma_wait3A_670 : memref<1x100352x16xf32, #tpu.memory_space<hbm>> -> memref<100352x16xf32, #tpu.memory_space<hbm>>
        %dma_wait3A_672 = arith.constant 512 : i32
        %dma_wait3A_673 = arith.constant 0 : i32
        %dma_wait3A_674 = tpu.memref_slice %dma_wait3A_671[%dma_wait3A_672, %dma_wait3A_673] : memref<100352x16xf32, #tpu.memory_space<hbm>> -> memref<128x16xf32, #tpu.memory_space<hbm>>
        %dma_wait3A_675 = arith.constant 0 : i32
        %dma_wait3A_676 = arith.constant 0 : i32
        %dma_wait3A_677 = tpu.memref_slice %arg11[%dma_wait3A_663, %dma_wait3A_675, %dma_wait3A_676] : memref<8x128x16xf32, #tpu.memory_space<vmem>> -> memref<1x128x16xf32, #tpu.memory_space<vmem>>
        %dma_wait3A_678 = tpu.memref_squeeze %dma_wait3A_677 : memref<1x128x16xf32, #tpu.memory_space<vmem>> -> memref<128x16xf32, #tpu.memory_space<vmem>>
        %dma_wait3A_679 = arith.constant 0 : i32
        %dma_wait3A_680 = arith.constant 0 : i32
        %dma_wait3A_681 = tpu.memref_slice %arg4[%arg0, %dma_wait3A_679, %dma_wait3A_680] : memref<2x100352x16xf32, #tpu.memory_space<hbm>> -> memref<1x100352x16xf32, #tpu.memory_space<hbm>>
        %dma_wait3A_682 = tpu.memref_squeeze %dma_wait3A_681 : memref<1x100352x16xf32, #tpu.memory_space<hbm>> -> memref<100352x16xf32, #tpu.memory_space<hbm>>
        %dma_wait3A_683 = arith.constant 512 : i32
        %dma_wait3A_684 = arith.constant 0 : i32
        %dma_wait3A_685 = tpu.memref_slice %dma_wait3A_682[%dma_wait3A_683, %dma_wait3A_684] : memref<100352x16xf32, #tpu.memory_space<hbm>> -> memref<128x16xf32, #tpu.memory_space<hbm>>
        tpu.wait_dma2 semaphore(%arg18 : memref<!tpu.dma_semaphore, #tpu.memory_space<semaphore_mem>>) src(%dma_wait3A_685 : memref<128x16xf32, #tpu.memory_space<hbm>>) dst(%dma_wait3A_678 : memref<128x16xf32, #tpu.memory_space<vmem>>)
      } else {
      }
      %dma_start3A_342 = arith.constant 4 : i32
      %dma_start3A_343 = arith.constant 4 : i32
      %dma_start3A_344 = arith.constant 0 : i32
      %dma_start3A_345 = arith.constant 0 : i32
      %dma_start3A_346 = tpu.memref_slice %arg11[%dma_start3A_343, %dma_start3A_344, %dma_start3A_345] : memref<8x128x16xf32, #tpu.memory_space<vmem>> -> memref<1x128x16xf32, #tpu.memory_space<vmem>>
      %dma_start3A_347 = tpu.memref_squeeze %dma_start3A_346 : memref<1x128x16xf32, #tpu.memory_space<vmem>> -> memref<128x16xf32, #tpu.memory_space<vmem>>
      %dma_start3A_348 = arith.constant 0 : i32
      %dma_start3A_349 = tpu.memref_slice %arg9[%rem3A_256, %dma_start3A_342, %dma_start3A_348] : memref<3x8x128xi32, #tpu.memory_space<vmem>> -> memref<1x1x128xi32, #tpu.memory_space<vmem>>
      %dma_start3A_350 = tpu.memref_squeeze %dma_start3A_349 : memref<1x1x128xi32, #tpu.memory_space<vmem>> -> memref<128xi32, #tpu.memory_space<vmem>>
      %dma_start3A_351 = arith.constant 0 : i32
      %dma_start3A_352 = arith.constant 0 : i32
      %dma_start3A_353 = tpu.memref_slice %arg4[%arg0, %dma_start3A_351, %dma_start3A_352] : memref<2x100352x16xf32, #tpu.memory_space<hbm>> -> memref<1x100352x16xf32, #tpu.memory_space<hbm>>
      %dma_start3A_354 = tpu.memref_squeeze %dma_start3A_353 : memref<1x100352x16xf32, #tpu.memory_space<hbm>> -> memref<100352x16xf32, #tpu.memory_space<hbm>>
      %dma_start3A_355 = arith.constant 0 : i32
      %dma_start3A_356 = arith.constant 0 : i32
      %dma_start3A_357 = tpu.memref_slice %dma_start3A_354[%dma_start3A_355, %dma_start3A_356] : memref<100352x16xf32, #tpu.memory_space<hbm>> -> memref<100352x16xf32, #tpu.memory_space<hbm>>
      tpu.enqueue_indirect_dma source(%dma_start3A_357 : memref<100352x16xf32, #tpu.memory_space<hbm>>) target(%dma_start3A_347 : memref<128x16xf32, #tpu.memory_space<vmem>>) offsets(%dma_start3A_350 : memref<128xi32, #tpu.memory_space<vmem>>) semaphore(%arg13 : memref<!tpu.dma_semaphore, #tpu.memory_space<semaphore_mem>>)
      %gt3A_358 = arith.constant 0 : i32
      %gt3A_359 = arith.cmpi sgt, %scan3A_255, %gt3A_358 : i32
      %convert_element_type3A_360 = arith.extui %gt3A_359 : i1 to i32
      %cond3A_361 = arith.constant 0 : i32
      %cond3A_362 = arith.cmpi ne, %convert_element_type3A_360, %cond3A_361 : i32
      scf.if %cond3A_362 {
        %dma_wait3A_663 = arith.constant 5 : i32
        %dma_wait3A_664 = arith.constant 0 : i32
        %dma_wait3A_665 = arith.constant 0 : i32
        %dma_wait3A_666 = tpu.memref_slice %arg11[%dma_wait3A_663, %dma_wait3A_664, %dma_wait3A_665] : memref<8x128x16xf32, #tpu.memory_space<vmem>> -> memref<1x128x16xf32, #tpu.memory_space<vmem>>
        %dma_wait3A_667 = tpu.memref_squeeze %dma_wait3A_666 : memref<1x128x16xf32, #tpu.memory_space<vmem>> -> memref<128x16xf32, #tpu.memory_space<vmem>>
        %dma_wait3A_668 = arith.constant 0 : i32
        %dma_wait3A_669 = arith.constant 0 : i32
        %dma_wait3A_670 = tpu.memref_slice %arg4[%arg0, %dma_wait3A_668, %dma_wait3A_669] : memref<2x100352x16xf32, #tpu.memory_space<hbm>> -> memref<1x100352x16xf32, #tpu.memory_space<hbm>>
        %dma_wait3A_671 = tpu.memref_squeeze %dma_wait3A_670 : memref<1x100352x16xf32, #tpu.memory_space<hbm>> -> memref<100352x16xf32, #tpu.memory_space<hbm>>
        %dma_wait3A_672 = arith.constant 640 : i32
        %dma_wait3A_673 = arith.constant 0 : i32
        %dma_wait3A_674 = tpu.memref_slice %dma_wait3A_671[%dma_wait3A_672, %dma_wait3A_673] : memref<100352x16xf32, #tpu.memory_space<hbm>> -> memref<128x16xf32, #tpu.memory_space<hbm>>
        %dma_wait3A_675 = arith.constant 0 : i32
        %dma_wait3A_676 = arith.constant 0 : i32
        %dma_wait3A_677 = tpu.memref_slice %arg11[%dma_wait3A_663, %dma_wait3A_675, %dma_wait3A_676] : memref<8x128x16xf32, #tpu.memory_space<vmem>> -> memref<1x128x16xf32, #tpu.memory_space<vmem>>
        %dma_wait3A_678 = tpu.memref_squeeze %dma_wait3A_677 : memref<1x128x16xf32, #tpu.memory_space<vmem>> -> memref<128x16xf32, #tpu.memory_space<vmem>>
        %dma_wait3A_679 = arith.constant 0 : i32
        %dma_wait3A_680 = arith.constant 0 : i32
        %dma_wait3A_681 = tpu.memref_slice %arg4[%arg0, %dma_wait3A_679, %dma_wait3A_680] : memref<2x100352x16xf32, #tpu.memory_space<hbm>> -> memref<1x100352x16xf32, #tpu.memory_space<hbm>>
        %dma_wait3A_682 = tpu.memref_squeeze %dma_wait3A_681 : memref<1x100352x16xf32, #tpu.memory_space<hbm>> -> memref<100352x16xf32, #tpu.memory_space<hbm>>
        %dma_wait3A_683 = arith.constant 640 : i32
        %dma_wait3A_684 = arith.constant 0 : i32
        %dma_wait3A_685 = tpu.memref_slice %dma_wait3A_682[%dma_wait3A_683, %dma_wait3A_684] : memref<100352x16xf32, #tpu.memory_space<hbm>> -> memref<128x16xf32, #tpu.memory_space<hbm>>
        tpu.wait_dma2 semaphore(%arg19 : memref<!tpu.dma_semaphore, #tpu.memory_space<semaphore_mem>>) src(%dma_wait3A_685 : memref<128x16xf32, #tpu.memory_space<hbm>>) dst(%dma_wait3A_678 : memref<128x16xf32, #tpu.memory_space<vmem>>)
      } else {
      }
      %dma_start3A_363 = arith.constant 5 : i32
      %dma_start3A_364 = arith.constant 5 : i32
      %dma_start3A_365 = arith.constant 0 : i32
      %dma_start3A_366 = arith.constant 0 : i32
      %dma_start3A_367 = tpu.memref_slice %arg11[%dma_start3A_364, %dma_start3A_365, %dma_start3A_366] : memref<8x128x16xf32, #tpu.memory_space<vmem>> -> memref<1x128x16xf32, #tpu.memory_space<vmem>>
      %dma_start3A_368 = tpu.memref_squeeze %dma_start3A_367 : memref<1x128x16xf32, #tpu.memory_space<vmem>> -> memref<128x16xf32, #tpu.memory_space<vmem>>
      %dma_start3A_369 = arith.constant 0 : i32
      %dma_start3A_370 = tpu.memref_slice %arg9[%rem3A_256, %dma_start3A_363, %dma_start3A_369] : memref<3x8x128xi32, #tpu.memory_space<vmem>> -> memref<1x1x128xi32, #tpu.memory_space<vmem>>
      %dma_start3A_371 = tpu.memref_squeeze %dma_start3A_370 : memref<1x1x128xi32, #tpu.memory_space<vmem>> -> memref<128xi32, #tpu.memory_space<vmem>>
      %dma_start3A_372 = arith.constant 0 : i32
      %dma_start3A_373 = arith.constant 0 : i32
      %dma_start3A_374 = tpu.memref_slice %arg4[%arg0, %dma_start3A_372, %dma_start3A_373] : memref<2x100352x16xf32, #tpu.memory_space<hbm>> -> memref<1x100352x16xf32, #tpu.memory_space<hbm>>
      %dma_start3A_375 = tpu.memref_squeeze %dma_start3A_374 : memref<1x100352x16xf32, #tpu.memory_space<hbm>> -> memref<100352x16xf32, #tpu.memory_space<hbm>>
      %dma_start3A_376 = arith.constant 0 : i32
      %dma_start3A_377 = arith.constant 0 : i32
      %dma_start3A_378 = tpu.memref_slice %dma_start3A_375[%dma_start3A_376, %dma_start3A_377] : memref<100352x16xf32, #tpu.memory_space<hbm>> -> memref<100352x16xf32, #tpu.memory_space<hbm>>
      tpu.enqueue_indirect_dma source(%dma_start3A_378 : memref<100352x16xf32, #tpu.memory_space<hbm>>) target(%dma_start3A_368 : memref<128x16xf32, #tpu.memory_space<vmem>>) offsets(%dma_start3A_371 : memref<128xi32, #tpu.memory_space<vmem>>) semaphore(%arg13 : memref<!tpu.dma_semaphore, #tpu.memory_space<semaphore_mem>>)
      %gt3A_379 = arith.constant 0 : i32
      %gt3A_380 = arith.cmpi sgt, %scan3A_255, %gt3A_379 : i32
      %convert_element_type3A_381 = arith.extui %gt3A_380 : i1 to i32
      %cond3A_382 = arith.constant 0 : i32
      %cond3A_383 = arith.cmpi ne, %convert_element_type3A_381, %cond3A_382 : i32
      scf.if %cond3A_383 {
        %dma_wait3A_663 = arith.constant 6 : i32
        %dma_wait3A_664 = arith.constant 0 : i32
        %dma_wait3A_665 = arith.constant 0 : i32
        %dma_wait3A_666 = tpu.memref_slice %arg11[%dma_wait3A_663, %dma_wait3A_664, %dma_wait3A_665] : memref<8x128x16xf32, #tpu.memory_space<vmem>> -> memref<1x128x16xf32, #tpu.memory_space<vmem>>
        %dma_wait3A_667 = tpu.memref_squeeze %dma_wait3A_666 : memref<1x128x16xf32, #tpu.memory_space<vmem>> -> memref<128x16xf32, #tpu.memory_space<vmem>>
        %dma_wait3A_668 = arith.constant 0 : i32
        %dma_wait3A_669 = arith.constant 0 : i32
        %dma_wait3A_670 = tpu.memref_slice %arg4[%arg0, %dma_wait3A_668, %dma_wait3A_669] : memref<2x100352x16xf32, #tpu.memory_space<hbm>> -> memref<1x100352x16xf32, #tpu.memory_space<hbm>>
        %dma_wait3A_671 = tpu.memref_squeeze %dma_wait3A_670 : memref<1x100352x16xf32, #tpu.memory_space<hbm>> -> memref<100352x16xf32, #tpu.memory_space<hbm>>
        %dma_wait3A_672 = arith.constant 768 : i32
        %dma_wait3A_673 = arith.constant 0 : i32
        %dma_wait3A_674 = tpu.memref_slice %dma_wait3A_671[%dma_wait3A_672, %dma_wait3A_673] : memref<100352x16xf32, #tpu.memory_space<hbm>> -> memref<128x16xf32, #tpu.memory_space<hbm>>
        %dma_wait3A_675 = arith.constant 0 : i32
        %dma_wait3A_676 = arith.constant 0 : i32
        %dma_wait3A_677 = tpu.memref_slice %arg11[%dma_wait3A_663, %dma_wait3A_675, %dma_wait3A_676] : memref<8x128x16xf32, #tpu.memory_space<vmem>> -> memref<1x128x16xf32, #tpu.memory_space<vmem>>
        %dma_wait3A_678 = tpu.memref_squeeze %dma_wait3A_677 : memref<1x128x16xf32, #tpu.memory_space<vmem>> -> memref<128x16xf32, #tpu.memory_space<vmem>>
        %dma_wait3A_679 = arith.constant 0 : i32
        %dma_wait3A_680 = arith.constant 0 : i32
        %dma_wait3A_681 = tpu.memref_slice %arg4[%arg0, %dma_wait3A_679, %dma_wait3A_680] : memref<2x100352x16xf32, #tpu.memory_space<hbm>> -> memref<1x100352x16xf32, #tpu.memory_space<hbm>>
        %dma_wait3A_682 = tpu.memref_squeeze %dma_wait3A_681 : memref<1x100352x16xf32, #tpu.memory_space<hbm>> -> memref<100352x16xf32, #tpu.memory_space<hbm>>
        %dma_wait3A_683 = arith.constant 768 : i32
        %dma_wait3A_684 = arith.constant 0 : i32
        %dma_wait3A_685 = tpu.memref_slice %dma_wait3A_682[%dma_wait3A_683, %dma_wait3A_684] : memref<100352x16xf32, #tpu.memory_space<hbm>> -> memref<128x16xf32, #tpu.memory_space<hbm>>
        tpu.wait_dma2 semaphore(%arg20 : memref<!tpu.dma_semaphore, #tpu.memory_space<semaphore_mem>>) src(%dma_wait3A_685 : memref<128x16xf32, #tpu.memory_space<hbm>>) dst(%dma_wait3A_678 : memref<128x16xf32, #tpu.memory_space<vmem>>)
      } else {
      }
      %dma_start3A_384 = arith.constant 6 : i32
      %dma_start3A_385 = arith.constant 6 : i32
      %dma_start3A_386 = arith.constant 0 : i32
      %dma_start3A_387 = arith.constant 0 : i32
      %dma_start3A_388 = tpu.memref_slice %arg11[%dma_start3A_385, %dma_start3A_386, %dma_start3A_387] : memref<8x128x16xf32, #tpu.memory_space<vmem>> -> memref<1x128x16xf32, #tpu.memory_space<vmem>>
      %dma_start3A_389 = tpu.memref_squeeze %dma_start3A_388 : memref<1x128x16xf32, #tpu.memory_space<vmem>> -> memref<128x16xf32, #tpu.memory_space<vmem>>
      %dma_start3A_390 = arith.constant 0 : i32
      %dma_start3A_391 = tpu.memref_slice %arg9[%rem3A_256, %dma_start3A_384, %dma_start3A_390] : memref<3x8x128xi32, #tpu.memory_space<vmem>> -> memref<1x1x128xi32, #tpu.memory_space<vmem>>
      %dma_start3A_392 = tpu.memref_squeeze %dma_start3A_391 : memref<1x1x128xi32, #tpu.memory_space<vmem>> -> memref<128xi32, #tpu.memory_space<vmem>>
      %dma_start3A_393 = arith.constant 0 : i32
      %dma_start3A_394 = arith.constant 0 : i32
      %dma_start3A_395 = tpu.memref_slice %arg4[%arg0, %dma_start3A_393, %dma_start3A_394] : memref<2x100352x16xf32, #tpu.memory_space<hbm>> -> memref<1x100352x16xf32, #tpu.memory_space<hbm>>
      %dma_start3A_396 = tpu.memref_squeeze %dma_start3A_395 : memref<1x100352x16xf32, #tpu.memory_space<hbm>> -> memref<100352x16xf32, #tpu.memory_space<hbm>>
      %dma_start3A_397 = arith.constant 0 : i32
      %dma_start3A_398 = arith.constant 0 : i32
      %dma_start3A_399 = tpu.memref_slice %dma_start3A_396[%dma_start3A_397, %dma_start3A_398] : memref<100352x16xf32, #tpu.memory_space<hbm>> -> memref<100352x16xf32, #tpu.memory_space<hbm>>
      tpu.enqueue_indirect_dma source(%dma_start3A_399 : memref<100352x16xf32, #tpu.memory_space<hbm>>) target(%dma_start3A_389 : memref<128x16xf32, #tpu.memory_space<vmem>>) offsets(%dma_start3A_392 : memref<128xi32, #tpu.memory_space<vmem>>) semaphore(%arg13 : memref<!tpu.dma_semaphore, #tpu.memory_space<semaphore_mem>>)
      %gt3A_400 = arith.constant 0 : i32
      %gt3A_401 = arith.cmpi sgt, %scan3A_255, %gt3A_400 : i32
      %convert_element_type3A_402 = arith.extui %gt3A_401 : i1 to i32
      %cond3A_403 = arith.constant 0 : i32
      %cond3A_404 = arith.cmpi ne, %convert_element_type3A_402, %cond3A_403 : i32
      scf.if %cond3A_404 {
        %dma_wait3A_663 = arith.constant 7 : i32
        %dma_wait3A_664 = arith.constant 0 : i32
        %dma_wait3A_665 = arith.constant 0 : i32
        %dma_wait3A_666 = tpu.memref_slice %arg11[%dma_wait3A_663, %dma_wait3A_664, %dma_wait3A_665] : memref<8x128x16xf32, #tpu.memory_space<vmem>> -> memref<1x128x16xf32, #tpu.memory_space<vmem>>
        %dma_wait3A_667 = tpu.memref_squeeze %dma_wait3A_666 : memref<1x128x16xf32, #tpu.memory_space<vmem>> -> memref<128x16xf32, #tpu.memory_space<vmem>>
        %dma_wait3A_668 = arith.constant 0 : i32
        %dma_wait3A_669 = arith.constant 0 : i32
        %dma_wait3A_670 = tpu.memref_slice %arg4[%arg0, %dma_wait3A_668, %dma_wait3A_669] : memref<2x100352x16xf32, #tpu.memory_space<hbm>> -> memref<1x100352x16xf32, #tpu.memory_space<hbm>>
        %dma_wait3A_671 = tpu.memref_squeeze %dma_wait3A_670 : memref<1x100352x16xf32, #tpu.memory_space<hbm>> -> memref<100352x16xf32, #tpu.memory_space<hbm>>
        %dma_wait3A_672 = arith.constant 896 : i32
        %dma_wait3A_673 = arith.constant 0 : i32
        %dma_wait3A_674 = tpu.memref_slice %dma_wait3A_671[%dma_wait3A_672, %dma_wait3A_673] : memref<100352x16xf32, #tpu.memory_space<hbm>> -> memref<128x16xf32, #tpu.memory_space<hbm>>
        %dma_wait3A_675 = arith.constant 0 : i32
        %dma_wait3A_676 = arith.constant 0 : i32
        %dma_wait3A_677 = tpu.memref_slice %arg11[%dma_wait3A_663, %dma_wait3A_675, %dma_wait3A_676] : memref<8x128x16xf32, #tpu.memory_space<vmem>> -> memref<1x128x16xf32, #tpu.memory_space<vmem>>
        %dma_wait3A_678 = tpu.memref_squeeze %dma_wait3A_677 : memref<1x128x16xf32, #tpu.memory_space<vmem>> -> memref<128x16xf32, #tpu.memory_space<vmem>>
        %dma_wait3A_679 = arith.constant 0 : i32
        %dma_wait3A_680 = arith.constant 0 : i32
        %dma_wait3A_681 = tpu.memref_slice %arg4[%arg0, %dma_wait3A_679, %dma_wait3A_680] : memref<2x100352x16xf32, #tpu.memory_space<hbm>> -> memref<1x100352x16xf32, #tpu.memory_space<hbm>>
        %dma_wait3A_682 = tpu.memref_squeeze %dma_wait3A_681 : memref<1x100352x16xf32, #tpu.memory_space<hbm>> -> memref<100352x16xf32, #tpu.memory_space<hbm>>
        %dma_wait3A_683 = arith.constant 896 : i32
        %dma_wait3A_684 = arith.constant 0 : i32
        %dma_wait3A_685 = tpu.memref_slice %dma_wait3A_682[%dma_wait3A_683, %dma_wait3A_684] : memref<100352x16xf32, #tpu.memory_space<hbm>> -> memref<128x16xf32, #tpu.memory_space<hbm>>
        tpu.wait_dma2 semaphore(%arg21 : memref<!tpu.dma_semaphore, #tpu.memory_space<semaphore_mem>>) src(%dma_wait3A_685 : memref<128x16xf32, #tpu.memory_space<hbm>>) dst(%dma_wait3A_678 : memref<128x16xf32, #tpu.memory_space<vmem>>)
      } else {
      }
      %dma_start3A_405 = arith.constant 7 : i32
      %dma_start3A_406 = arith.constant 7 : i32
      %dma_start3A_407 = arith.constant 0 : i32
      %dma_start3A_408 = arith.constant 0 : i32
      %dma_start3A_409 = tpu.memref_slice %arg11[%dma_start3A_406, %dma_start3A_407, %dma_start3A_408] : memref<8x128x16xf32, #tpu.memory_space<vmem>> -> memref<1x128x16xf32, #tpu.memory_space<vmem>>
      %dma_start3A_410 = tpu.memref_squeeze %dma_start3A_409 : memref<1x128x16xf32, #tpu.memory_space<vmem>> -> memref<128x16xf32, #tpu.memory_space<vmem>>
      %dma_start3A_411 = arith.constant 0 : i32
      %dma_start3A_412 = tpu.memref_slice %arg9[%rem3A_256, %dma_start3A_405, %dma_start3A_411] : memref<3x8x128xi32, #tpu.memory_space<vmem>> -> memref<1x1x128xi32, #tpu.memory_space<vmem>>
      %dma_start3A_413 = tpu.memref_squeeze %dma_start3A_412 : memref<1x1x128xi32, #tpu.memory_space<vmem>> -> memref<128xi32, #tpu.memory_space<vmem>>
      %dma_start3A_414 = arith.constant 0 : i32
      %dma_start3A_415 = arith.constant 0 : i32
      %dma_start3A_416 = tpu.memref_slice %arg4[%arg0, %dma_start3A_414, %dma_start3A_415] : memref<2x100352x16xf32, #tpu.memory_space<hbm>> -> memref<1x100352x16xf32, #tpu.memory_space<hbm>>
      %dma_start3A_417 = tpu.memref_squeeze %dma_start3A_416 : memref<1x100352x16xf32, #tpu.memory_space<hbm>> -> memref<100352x16xf32, #tpu.memory_space<hbm>>
      %dma_start3A_418 = arith.constant 0 : i32
      %dma_start3A_419 = arith.constant 0 : i32
      %dma_start3A_420 = tpu.memref_slice %dma_start3A_417[%dma_start3A_418, %dma_start3A_419] : memref<100352x16xf32, #tpu.memory_space<hbm>> -> memref<100352x16xf32, #tpu.memory_space<hbm>>
      tpu.enqueue_indirect_dma source(%dma_start3A_420 : memref<100352x16xf32, #tpu.memory_space<hbm>>) target(%dma_start3A_410 : memref<128x16xf32, #tpu.memory_space<vmem>>) offsets(%dma_start3A_413 : memref<128xi32, #tpu.memory_space<vmem>>) semaphore(%arg13 : memref<!tpu.dma_semaphore, #tpu.memory_space<semaphore_mem>>)
      %gt3A_421 = arith.constant 0 : i32
      %gt3A_422 = arith.cmpi sgt, %scan3A_255, %gt3A_421 : i32
      %convert_element_type3A_423 = arith.extui %gt3A_422 : i1 to i32
      %cond3A_424 = arith.constant 0 : i32
      %cond3A_425 = arith.cmpi ne, %convert_element_type3A_423, %cond3A_424 : i32
      scf.if %cond3A_425 {
        %dma_wait3A_663 = arith.constant 0 : i32
        %dma_wait3A_664 = tpu.memref_slice %arg6[%dma_wait3A_663] : memref<6272xf32, #tpu.memory_space<hbm>> -> memref<128xf32, #tpu.memory_space<hbm>>
        %dma_wait3A_665 = arith.constant 0 : i32
        %dma_wait3A_666 = tpu.memref_slice %arg6[%dma_wait3A_665] : memref<6272xf32, #tpu.memory_space<hbm>> -> memref<128xf32, #tpu.memory_space<hbm>>
        tpu.wait_dma2 semaphore(%arg24 : memref<!tpu.dma_semaphore, #tpu.memory_space<semaphore_mem>>) src(%dma_wait3A_666 : memref<128xf32, #tpu.memory_space<hbm>>) dst(%arg22 : memref<128xf32, #tpu.memory_space<vmem>>)
        %dma_wait3A_667 = arith.constant 0 : i32
        %dma_wait3A_668 = tpu.memref_slice %arg6[%dma_wait3A_667] : memref<6272xf32, #tpu.memory_space<hbm>> -> memref<128xf32, #tpu.memory_space<hbm>>
        %dma_wait3A_669 = arith.constant 0 : i32
        %dma_wait3A_670 = tpu.memref_slice %arg6[%dma_wait3A_669] : memref<6272xf32, #tpu.memory_space<hbm>> -> memref<128xf32, #tpu.memory_space<hbm>>
        tpu.wait_dma2 semaphore(%arg24 : memref<!tpu.dma_semaphore, #tpu.memory_space<semaphore_mem>>) src(%dma_wait3A_670 : memref<128xf32, #tpu.memory_space<hbm>>) dst(%arg22 : memref<128xf32, #tpu.memory_space<vmem>>)
        %dma_wait3A_671 = arith.constant 0 : i32
        %dma_wait3A_672 = tpu.memref_slice %arg6[%dma_wait3A_671] : memref<6272xf32, #tpu.memory_space<hbm>> -> memref<128xf32, #tpu.memory_space<hbm>>
        %dma_wait3A_673 = arith.constant 0 : i32
        %dma_wait3A_674 = tpu.memref_slice %arg6[%dma_wait3A_673] : memref<6272xf32, #tpu.memory_space<hbm>> -> memref<128xf32, #tpu.memory_space<hbm>>
        tpu.wait_dma2 semaphore(%arg24 : memref<!tpu.dma_semaphore, #tpu.memory_space<semaphore_mem>>) src(%dma_wait3A_674 : memref<128xf32, #tpu.memory_space<hbm>>) dst(%arg22 : memref<128xf32, #tpu.memory_space<vmem>>)
        %dma_wait3A_675 = arith.constant 0 : i32
        %dma_wait3A_676 = tpu.memref_slice %arg6[%dma_wait3A_675] : memref<6272xf32, #tpu.memory_space<hbm>> -> memref<128xf32, #tpu.memory_space<hbm>>
        %dma_wait3A_677 = arith.constant 0 : i32
        %dma_wait3A_678 = tpu.memref_slice %arg6[%dma_wait3A_677] : memref<6272xf32, #tpu.memory_space<hbm>> -> memref<128xf32, #tpu.memory_space<hbm>>
        tpu.wait_dma2 semaphore(%arg24 : memref<!tpu.dma_semaphore, #tpu.memory_space<semaphore_mem>>) src(%dma_wait3A_678 : memref<128xf32, #tpu.memory_space<hbm>>) dst(%arg22 : memref<128xf32, #tpu.memory_space<vmem>>)
      } else {
      }
      %eq3A = arith.constant 0 : i32
      %eq3A_426 = arith.cmpi eq, %arg0, %eq3A : i32
      %convert_element_type3A_427 = arith.extui %eq3A_426 : i1 to i32
      %cond3A_428 = arith.constant 0 : i32
      %cond3A_429 = arith.cmpi ne, %convert_element_type3A_427, %cond3A_428 : i32
      scf.if %cond3A_429 {
        %dma_start3A_663 = arith.constant 0 : i32
        %dma_start3A_664 = arith.constant 0 : i32
        %dma_start3A_665 = tpu.memref_slice %arg10[%rem3A_256, %dma_start3A_663, %dma_start3A_664] : memref<3x8x128xi32, #tpu.memory_space<vmem>> -> memref<1x1x128xi32, #tpu.memory_space<vmem>>
        %dma_start3A_666 = tpu.memref_squeeze %dma_start3A_665 : memref<1x1x128xi32, #tpu.memory_space<vmem>> -> memref<128xi32, #tpu.memory_space<vmem>>
        %dma_start3A_667 = arith.constant 0 : i32
        %dma_start3A_668 = tpu.memref_slice %arg23[%dma_start3A_667] : memref<100352xf32, #tpu.memory_space<vmem_shared>> -> memref<100352xf32, #tpu.memory_space<vmem_shared>>
        tpu.enqueue_indirect_dma source(%arg22 : memref<128xf32, #tpu.memory_space<vmem>>) target(%dma_start3A_668 : memref<100352xf32, #tpu.memory_space<vmem_shared>>) offsets(%dma_start3A_666 : memref<128xi32, #tpu.memory_space<vmem>>) semaphore(%arg24 : memref<!tpu.dma_semaphore, #tpu.memory_space<semaphore_mem>>) {add = true}
        %dma_start3A_669 = arith.constant 1 : i32
        %dma_start3A_670 = arith.constant 0 : i32
        %dma_start3A_671 = tpu.memref_slice %arg10[%rem3A_256, %dma_start3A_669, %dma_start3A_670] : memref<3x8x128xi32, #tpu.memory_space<vmem>> -> memref<1x1x128xi32, #tpu.memory_space<vmem>>
        %dma_start3A_672 = tpu.memref_squeeze %dma_start3A_671 : memref<1x1x128xi32, #tpu.memory_space<vmem>> -> memref<128xi32, #tpu.memory_space<vmem>>
        %dma_start3A_673 = arith.constant 0 : i32
        %dma_start3A_674 = tpu.memref_slice %arg23[%dma_start3A_673] : memref<100352xf32, #tpu.memory_space<vmem_shared>> -> memref<100352xf32, #tpu.memory_space<vmem_shared>>
        tpu.enqueue_indirect_dma source(%arg22 : memref<128xf32, #tpu.memory_space<vmem>>) target(%dma_start3A_674 : memref<100352xf32, #tpu.memory_space<vmem_shared>>) offsets(%dma_start3A_672 : memref<128xi32, #tpu.memory_space<vmem>>) semaphore(%arg24 : memref<!tpu.dma_semaphore, #tpu.memory_space<semaphore_mem>>) {add = true}
        %dma_start3A_675 = arith.constant 2 : i32
        %dma_start3A_676 = arith.constant 0 : i32
        %dma_start3A_677 = tpu.memref_slice %arg10[%rem3A_256, %dma_start3A_675, %dma_start3A_676] : memref<3x8x128xi32, #tpu.memory_space<vmem>> -> memref<1x1x128xi32, #tpu.memory_space<vmem>>
        %dma_start3A_678 = tpu.memref_squeeze %dma_start3A_677 : memref<1x1x128xi32, #tpu.memory_space<vmem>> -> memref<128xi32, #tpu.memory_space<vmem>>
        %dma_start3A_679 = arith.constant 0 : i32
        %dma_start3A_680 = tpu.memref_slice %arg23[%dma_start3A_679] : memref<100352xf32, #tpu.memory_space<vmem_shared>> -> memref<100352xf32, #tpu.memory_space<vmem_shared>>
        tpu.enqueue_indirect_dma source(%arg22 : memref<128xf32, #tpu.memory_space<vmem>>) target(%dma_start3A_680 : memref<100352xf32, #tpu.memory_space<vmem_shared>>) offsets(%dma_start3A_678 : memref<128xi32, #tpu.memory_space<vmem>>) semaphore(%arg24 : memref<!tpu.dma_semaphore, #tpu.memory_space<semaphore_mem>>) {add = true}
        %dma_start3A_681 = arith.constant 3 : i32
        %dma_start3A_682 = arith.constant 0 : i32
        %dma_start3A_683 = tpu.memref_slice %arg10[%rem3A_256, %dma_start3A_681, %dma_start3A_682] : memref<3x8x128xi32, #tpu.memory_space<vmem>> -> memref<1x1x128xi32, #tpu.memory_space<vmem>>
        %dma_start3A_684 = tpu.memref_squeeze %dma_start3A_683 : memref<1x1x128xi32, #tpu.memory_space<vmem>> -> memref<128xi32, #tpu.memory_space<vmem>>
        %dma_start3A_685 = arith.constant 0 : i32
        %dma_start3A_686 = tpu.memref_slice %arg23[%dma_start3A_685] : memref<100352xf32, #tpu.memory_space<vmem_shared>> -> memref<100352xf32, #tpu.memory_space<vmem_shared>>
        tpu.enqueue_indirect_dma source(%arg22 : memref<128xf32, #tpu.memory_space<vmem>>) target(%dma_start3A_686 : memref<100352xf32, #tpu.memory_space<vmem_shared>>) offsets(%dma_start3A_684 : memref<128xi32, #tpu.memory_space<vmem>>) semaphore(%arg24 : memref<!tpu.dma_semaphore, #tpu.memory_space<semaphore_mem>>) {add = true}
      } else {
      }
      %ne3A = arith.constant 0 : i32
      %ne3A_430 = arith.cmpi ne, %arg0, %ne3A : i32
      %convert_element_type3A_431 = arith.extui %ne3A_430 : i1 to i32
      %cond3A_432 = arith.constant 0 : i32
      %cond3A_433 = arith.cmpi ne, %convert_element_type3A_431, %cond3A_432 : i32
      scf.if %cond3A_433 {
        %dma_start3A_663 = arith.constant 4 : i32
        %dma_start3A_664 = arith.constant 0 : i32
        %dma_start3A_665 = tpu.memref_slice %arg10[%rem3A_256, %dma_start3A_663, %dma_start3A_664] : memref<3x8x128xi32, #tpu.memory_space<vmem>> -> memref<1x1x128xi32, #tpu.memory_space<vmem>>
        %dma_start3A_666 = tpu.memref_squeeze %dma_start3A_665 : memref<1x1x128xi32, #tpu.memory_space<vmem>> -> memref<128xi32, #tpu.memory_space<vmem>>
        %dma_start3A_667 = arith.constant 0 : i32
        %dma_start3A_668 = tpu.memref_slice %arg23[%dma_start3A_667] : memref<100352xf32, #tpu.memory_space<vmem_shared>> -> memref<100352xf32, #tpu.memory_space<vmem_shared>>
        tpu.enqueue_indirect_dma source(%arg22 : memref<128xf32, #tpu.memory_space<vmem>>) target(%dma_start3A_668 : memref<100352xf32, #tpu.memory_space<vmem_shared>>) offsets(%dma_start3A_666 : memref<128xi32, #tpu.memory_space<vmem>>) semaphore(%arg24 : memref<!tpu.dma_semaphore, #tpu.memory_space<semaphore_mem>>) {add = true}
        %dma_start3A_669 = arith.constant 5 : i32
        %dma_start3A_670 = arith.constant 0 : i32
        %dma_start3A_671 = tpu.memref_slice %arg10[%rem3A_256, %dma_start3A_669, %dma_start3A_670] : memref<3x8x128xi32, #tpu.memory_space<vmem>> -> memref<1x1x128xi32, #tpu.memory_space<vmem>>
        %dma_start3A_672 = tpu.memref_squeeze %dma_start3A_671 : memref<1x1x128xi32, #tpu.memory_space<vmem>> -> memref<128xi32, #tpu.memory_space<vmem>>
        %dma_start3A_673 = arith.constant 0 : i32
        %dma_start3A_674 = tpu.memref_slice %arg23[%dma_start3A_673] : memref<100352xf32, #tpu.memory_space<vmem_shared>> -> memref<100352xf32, #tpu.memory_space<vmem_shared>>
        tpu.enqueue_indirect_dma source(%arg22 : memref<128xf32, #tpu.memory_space<vmem>>) target(%dma_start3A_674 : memref<100352xf32, #tpu.memory_space<vmem_shared>>) offsets(%dma_start3A_672 : memref<128xi32, #tpu.memory_space<vmem>>) semaphore(%arg24 : memref<!tpu.dma_semaphore, #tpu.memory_space<semaphore_mem>>) {add = true}
        %dma_start3A_675 = arith.constant 6 : i32
        %dma_start3A_676 = arith.constant 0 : i32
        %dma_start3A_677 = tpu.memref_slice %arg10[%rem3A_256, %dma_start3A_675, %dma_start3A_676] : memref<3x8x128xi32, #tpu.memory_space<vmem>> -> memref<1x1x128xi32, #tpu.memory_space<vmem>>
        %dma_start3A_678 = tpu.memref_squeeze %dma_start3A_677 : memref<1x1x128xi32, #tpu.memory_space<vmem>> -> memref<128xi32, #tpu.memory_space<vmem>>
        %dma_start3A_679 = arith.constant 0 : i32
        %dma_start3A_680 = tpu.memref_slice %arg23[%dma_start3A_679] : memref<100352xf32, #tpu.memory_space<vmem_shared>> -> memref<100352xf32, #tpu.memory_space<vmem_shared>>
        tpu.enqueue_indirect_dma source(%arg22 : memref<128xf32, #tpu.memory_space<vmem>>) target(%dma_start3A_680 : memref<100352xf32, #tpu.memory_space<vmem_shared>>) offsets(%dma_start3A_678 : memref<128xi32, #tpu.memory_space<vmem>>) semaphore(%arg24 : memref<!tpu.dma_semaphore, #tpu.memory_space<semaphore_mem>>) {add = true}
        %dma_start3A_681 = arith.constant 7 : i32
        %dma_start3A_682 = arith.constant 0 : i32
        %dma_start3A_683 = tpu.memref_slice %arg10[%rem3A_256, %dma_start3A_681, %dma_start3A_682] : memref<3x8x128xi32, #tpu.memory_space<vmem>> -> memref<1x1x128xi32, #tpu.memory_space<vmem>>
        %dma_start3A_684 = tpu.memref_squeeze %dma_start3A_683 : memref<1x1x128xi32, #tpu.memory_space<vmem>> -> memref<128xi32, #tpu.memory_space<vmem>>
        %dma_start3A_685 = arith.constant 0 : i32
        %dma_start3A_686 = tpu.memref_slice %arg23[%dma_start3A_685] : memref<100352xf32, #tpu.memory_space<vmem_shared>> -> memref<100352xf32, #tpu.memory_space<vmem_shared>>
        tpu.enqueue_indirect_dma source(%arg22 : memref<128xf32, #tpu.memory_space<vmem>>) target(%dma_start3A_686 : memref<100352xf32, #tpu.memory_space<vmem_shared>>) offsets(%dma_start3A_684 : memref<128xi32, #tpu.memory_space<vmem>>) semaphore(%arg24 : memref<!tpu.dma_semaphore, #tpu.memory_space<semaphore_mem>>) {add = true}
      } else {
      }
      %add3A = arith.constant 1 : i32
      %add3A_434 = arith.addi %scan3A_255, %add3A : i32
      %lt3A = arith.constant 98 : i32
      %lt3A_435 = arith.cmpi slt, %add3A_434, %lt3A : i32
      %convert_element_type3A_436 = arith.extui %lt3A_435 : i1 to i32
      %cond3A_437 = arith.constant 0 : i32
      %cond3A_438 = arith.cmpi ne, %convert_element_type3A_436, %cond3A_437 : i32
      scf.if %cond3A_438 {
        %add3A_663 = arith.constant 1 : i32
        %add3A_664 = arith.addi %scan3A_255, %add3A_663 : i32
        %rem3A_665 = arith.constant 3 : i32
        %rem3A_666 = arith.remsi %add3A_664, %rem3A_665 : i32
        %add3A_667 = arith.addi %mul3A_48, %scan3A_255 : i32
        %add3A_668 = arith.constant 1 : i32
        %add3A_669 = arith.addi %add3A_667, %add3A_668 : i32
        "tpu.region"() ({
          %run_scoped3A_670 = tpu.sem_alloc : memref<!tpu.dma_semaphore, #tpu.memory_space<semaphore_mem>>
          %dma_start3A_671 = arith.constant 0 : i32
          %dma_start3A_672 = arith.constant 0 : i32
          %dma_start3A_673 = tpu.memref_slice %arg9[%rem3A_666, %dma_start3A_671, %dma_start3A_672] : memref<3x8x128xi32, #tpu.memory_space<vmem>> -> memref<1x8x128xi32, #tpu.memory_space<vmem>>
          %dma_start3A_674 = tpu.memref_squeeze %dma_start3A_673 : memref<1x8x128xi32, #tpu.memory_space<vmem>> -> memref<8x128xi32, #tpu.memory_space<vmem>>
          %dma_start3A_675 = arith.constant 0 : i32
          %dma_start3A_676 = arith.constant 0 : i32
          %dma_start3A_677 = tpu.memref_slice %arg2[%add3A_669, %dma_start3A_675, %dma_start3A_676] : memref<1568x8x128xi32, #tpu.memory_space<hbm>> -> memref<1x8x128xi32, #tpu.memory_space<hbm>>
          %dma_start3A_678 = tpu.memref_squeeze %dma_start3A_677 : memref<1x8x128xi32, #tpu.memory_space<hbm>> -> memref<8x128xi32, #tpu.memory_space<hbm>>
          %dma_start3A_679 = arith.constant 0 : i32
          %dma_start3A_680 = arith.constant 0 : i32
          %dma_start3A_681 = tpu.memref_slice %arg9[%rem3A_666, %dma_start3A_679, %dma_start3A_680] : memref<3x8x128xi32, #tpu.memory_space<vmem>> -> memref<1x8x128xi32, #tpu.memory_space<vmem>>
          %dma_start3A_682 = tpu.memref_squeeze %dma_start3A_681 : memref<1x8x128xi32, #tpu.memory_space<vmem>> -> memref<8x128xi32, #tpu.memory_space<vmem>>
          %dma_start3A_683 = arith.constant 0 : i32
          %dma_start3A_684 = arith.constant 0 : i32
          %dma_start3A_685 = tpu.memref_slice %arg2[%add3A_669, %dma_start3A_683, %dma_start3A_684] : memref<1568x8x128xi32, #tpu.memory_space<hbm>> -> memref<1x8x128xi32, #tpu.memory_space<hbm>>
          %dma_start3A_686 = tpu.memref_squeeze %dma_start3A_685 : memref<1x8x128xi32, #tpu.memory_space<hbm>> -> memref<8x128xi32, #tpu.memory_space<hbm>>
          tpu.enqueue_dma source(%dma_start3A_686 : memref<8x128xi32, #tpu.memory_space<hbm>>) target(%dma_start3A_682 : memref<8x128xi32, #tpu.memory_space<vmem>>) target_semaphore(%run_scoped3A_670 : memref<!tpu.dma_semaphore, #tpu.memory_space<semaphore_mem>>)
          %dma_wait3A_687 = arith.constant 0 : i32
          %dma_wait3A_688 = arith.constant 0 : i32
          %dma_wait3A_689 = tpu.memref_slice %arg9[%rem3A_666, %dma_wait3A_687, %dma_wait3A_688] : memref<3x8x128xi32, #tpu.memory_space<vmem>> -> memref<1x8x128xi32, #tpu.memory_space<vmem>>
          %dma_wait3A_690 = tpu.memref_squeeze %dma_wait3A_689 : memref<1x8x128xi32, #tpu.memory_space<vmem>> -> memref<8x128xi32, #tpu.memory_space<vmem>>
          %dma_wait3A_691 = arith.constant 0 : i32
          %dma_wait3A_692 = arith.constant 0 : i32
          %dma_wait3A_693 = tpu.memref_slice %arg2[%add3A_669, %dma_wait3A_691, %dma_wait3A_692] : memref<1568x8x128xi32, #tpu.memory_space<hbm>> -> memref<1x8x128xi32, #tpu.memory_space<hbm>>
          %dma_wait3A_694 = tpu.memref_squeeze %dma_wait3A_693 : memref<1x8x128xi32, #tpu.memory_space<hbm>> -> memref<8x128xi32, #tpu.memory_space<hbm>>
          %dma_wait3A_695 = arith.constant 0 : i32
          %dma_wait3A_696 = arith.constant 0 : i32
          %dma_wait3A_697 = tpu.memref_slice %arg9[%rem3A_666, %dma_wait3A_695, %dma_wait3A_696] : memref<3x8x128xi32, #tpu.memory_space<vmem>> -> memref<1x8x128xi32, #tpu.memory_space<vmem>>
          %dma_wait3A_698 = tpu.memref_squeeze %dma_wait3A_697 : memref<1x8x128xi32, #tpu.memory_space<vmem>> -> memref<8x128xi32, #tpu.memory_space<vmem>>
          %dma_wait3A_699 = arith.constant 0 : i32
          %dma_wait3A_700 = arith.constant 0 : i32
          %dma_wait3A_701 = tpu.memref_slice %arg2[%add3A_669, %dma_wait3A_699, %dma_wait3A_700] : memref<1568x8x128xi32, #tpu.memory_space<hbm>> -> memref<1x8x128xi32, #tpu.memory_space<hbm>>
          %dma_wait3A_702 = tpu.memref_squeeze %dma_wait3A_701 : memref<1x8x128xi32, #tpu.memory_space<hbm>> -> memref<8x128xi32, #tpu.memory_space<hbm>>
          tpu.wait_dma2 semaphore(%run_scoped3A_670 : memref<!tpu.dma_semaphore, #tpu.memory_space<semaphore_mem>>) src(%dma_wait3A_702 : memref<8x128xi32, #tpu.memory_space<hbm>>) dst(%dma_wait3A_698 : memref<8x128xi32, #tpu.memory_space<vmem>>)
          tpu.yield
        }) : () -> ()
        "tpu.region"() ({
          %run_scoped3A_670 = tpu.sem_alloc : memref<!tpu.dma_semaphore, #tpu.memory_space<semaphore_mem>>
          %dma_start3A_671 = arith.constant 0 : i32
          %dma_start3A_672 = arith.constant 0 : i32
          %dma_start3A_673 = tpu.memref_slice %arg10[%rem3A_666, %dma_start3A_671, %dma_start3A_672] : memref<3x8x128xi32, #tpu.memory_space<vmem>> -> memref<1x8x128xi32, #tpu.memory_space<vmem>>
          %dma_start3A_674 = tpu.memref_squeeze %dma_start3A_673 : memref<1x8x128xi32, #tpu.memory_space<vmem>> -> memref<8x128xi32, #tpu.memory_space<vmem>>
          %dma_start3A_675 = arith.constant 0 : i32
          %dma_start3A_676 = arith.constant 0 : i32
          %dma_start3A_677 = tpu.memref_slice %arg3[%add3A_669, %dma_start3A_675, %dma_start3A_676] : memref<1568x8x128xi32, #tpu.memory_space<hbm>> -> memref<1x8x128xi32, #tpu.memory_space<hbm>>
          %dma_start3A_678 = tpu.memref_squeeze %dma_start3A_677 : memref<1x8x128xi32, #tpu.memory_space<hbm>> -> memref<8x128xi32, #tpu.memory_space<hbm>>
          %dma_start3A_679 = arith.constant 0 : i32
          %dma_start3A_680 = arith.constant 0 : i32
          %dma_start3A_681 = tpu.memref_slice %arg10[%rem3A_666, %dma_start3A_679, %dma_start3A_680] : memref<3x8x128xi32, #tpu.memory_space<vmem>> -> memref<1x8x128xi32, #tpu.memory_space<vmem>>
          %dma_start3A_682 = tpu.memref_squeeze %dma_start3A_681 : memref<1x8x128xi32, #tpu.memory_space<vmem>> -> memref<8x128xi32, #tpu.memory_space<vmem>>
          %dma_start3A_683 = arith.constant 0 : i32
          %dma_start3A_684 = arith.constant 0 : i32
          %dma_start3A_685 = tpu.memref_slice %arg3[%add3A_669, %dma_start3A_683, %dma_start3A_684] : memref<1568x8x128xi32, #tpu.memory_space<hbm>> -> memref<1x8x128xi32, #tpu.memory_space<hbm>>
          %dma_start3A_686 = tpu.memref_squeeze %dma_start3A_685 : memref<1x8x128xi32, #tpu.memory_space<hbm>> -> memref<8x128xi32, #tpu.memory_space<hbm>>
          tpu.enqueue_dma source(%dma_start3A_686 : memref<8x128xi32, #tpu.memory_space<hbm>>) target(%dma_start3A_682 : memref<8x128xi32, #tpu.memory_space<vmem>>) target_semaphore(%run_scoped3A_670 : memref<!tpu.dma_semaphore, #tpu.memory_space<semaphore_mem>>)
          %dma_wait3A_687 = arith.constant 0 : i32
          %dma_wait3A_688 = arith.constant 0 : i32
          %dma_wait3A_689 = tpu.memref_slice %arg10[%rem3A_666, %dma_wait3A_687, %dma_wait3A_688] : memref<3x8x128xi32, #tpu.memory_space<vmem>> -> memref<1x8x128xi32, #tpu.memory_space<vmem>>
          %dma_wait3A_690 = tpu.memref_squeeze %dma_wait3A_689 : memref<1x8x128xi32, #tpu.memory_space<vmem>> -> memref<8x128xi32, #tpu.memory_space<vmem>>
          %dma_wait3A_691 = arith.constant 0 : i32
          %dma_wait3A_692 = arith.constant 0 : i32
          %dma_wait3A_693 = tpu.memref_slice %arg3[%add3A_669, %dma_wait3A_691, %dma_wait3A_692] : memref<1568x8x128xi32, #tpu.memory_space<hbm>> -> memref<1x8x128xi32, #tpu.memory_space<hbm>>
          %dma_wait3A_694 = tpu.memref_squeeze %dma_wait3A_693 : memref<1x8x128xi32, #tpu.memory_space<hbm>> -> memref<8x128xi32, #tpu.memory_space<hbm>>
          %dma_wait3A_695 = arith.constant 0 : i32
          %dma_wait3A_696 = arith.constant 0 : i32
          %dma_wait3A_697 = tpu.memref_slice %arg10[%rem3A_666, %dma_wait3A_695, %dma_wait3A_696] : memref<3x8x128xi32, #tpu.memory_space<vmem>> -> memref<1x8x128xi32, #tpu.memory_space<vmem>>
          %dma_wait3A_698 = tpu.memref_squeeze %dma_wait3A_697 : memref<1x8x128xi32, #tpu.memory_space<vmem>> -> memref<8x128xi32, #tpu.memory_space<vmem>>
          %dma_wait3A_699 = arith.constant 0 : i32
          %dma_wait3A_700 = arith.constant 0 : i32
          %dma_wait3A_701 = tpu.memref_slice %arg3[%add3A_669, %dma_wait3A_699, %dma_wait3A_700] : memref<1568x8x128xi32, #tpu.memory_space<hbm>> -> memref<1x8x128xi32, #tpu.memory_space<hbm>>
          %dma_wait3A_702 = tpu.memref_squeeze %dma_wait3A_701 : memref<1x8x128xi32, #tpu.memory_space<hbm>> -> memref<8x128xi32, #tpu.memory_space<hbm>>
          tpu.wait_dma2 semaphore(%run_scoped3A_670 : memref<!tpu.dma_semaphore, #tpu.memory_space<semaphore_mem>>) src(%dma_wait3A_702 : memref<8x128xi32, #tpu.memory_space<hbm>>) dst(%dma_wait3A_698 : memref<8x128xi32, #tpu.memory_space<vmem>>)
          tpu.yield
        }) : () -> ()
      } else {
      }
      %dma_wait3A_439 = arith.constant 0 : i32
      %dma_wait3A_440 = arith.constant 0 : i32
      %dma_wait3A_441 = arith.constant 0 : i32
      %dma_wait3A_442 = arith.constant 0 : i32
      %dma_wait3A_443 = tpu.memref_slice %arg11[%dma_wait3A_440, %dma_wait3A_441, %dma_wait3A_442] : memref<8x128x16xf32, #tpu.memory_space<vmem>> -> memref<1x128x16xf32, #tpu.memory_space<vmem>>
      %dma_wait3A_444 = tpu.memref_squeeze %dma_wait3A_443 : memref<1x128x16xf32, #tpu.memory_space<vmem>> -> memref<128x16xf32, #tpu.memory_space<vmem>>
      %dma_wait3A_445 = arith.constant 0 : i32
      %dma_wait3A_446 = tpu.memref_slice %arg9[%rem3A_256, %dma_wait3A_439, %dma_wait3A_445] : memref<3x8x128xi32, #tpu.memory_space<vmem>> -> memref<1x1x128xi32, #tpu.memory_space<vmem>>
      %dma_wait3A_447 = tpu.memref_squeeze %dma_wait3A_446 : memref<1x1x128xi32, #tpu.memory_space<vmem>> -> memref<128xi32, #tpu.memory_space<vmem>>
      %dma_wait3A_448 = arith.constant 0 : i32
      %dma_wait3A_449 = arith.constant 0 : i32
      %dma_wait3A_450 = tpu.memref_slice %arg4[%arg0, %dma_wait3A_448, %dma_wait3A_449] : memref<2x100352x16xf32, #tpu.memory_space<hbm>> -> memref<1x100352x16xf32, #tpu.memory_space<hbm>>
      %dma_wait3A_451 = tpu.memref_squeeze %dma_wait3A_450 : memref<1x100352x16xf32, #tpu.memory_space<hbm>> -> memref<100352x16xf32, #tpu.memory_space<hbm>>
      %dma_wait3A_452 = arith.constant 0 : i32
      %dma_wait3A_453 = arith.constant 0 : i32
      %dma_wait3A_454 = tpu.memref_slice %dma_wait3A_451[%dma_wait3A_452, %dma_wait3A_453] : memref<100352x16xf32, #tpu.memory_space<hbm>> -> memref<100352x16xf32, #tpu.memory_space<hbm>>
      tpu.wait_indirect_dma semaphore(%arg13 : memref<!tpu.dma_semaphore, #tpu.memory_space<semaphore_mem>>) src(%dma_wait3A_454 : memref<100352x16xf32, #tpu.memory_space<hbm>>) dst(%dma_wait3A_444 : memref<128x16xf32, #tpu.memory_space<vmem>>)
      %dma_start3A_455 = arith.constant 0 : i32
      %dma_start3A_456 = arith.constant 0 : i32
      %dma_start3A_457 = arith.constant 0 : i32
      %dma_start3A_458 = arith.constant 0 : i32
      %dma_start3A_459 = tpu.memref_slice %arg11[%dma_start3A_455, %dma_start3A_457, %dma_start3A_458] : memref<8x128x16xf32, #tpu.memory_space<vmem>> -> memref<1x128x16xf32, #tpu.memory_space<vmem>>
      %dma_start3A_460 = tpu.memref_squeeze %dma_start3A_459 : memref<1x128x16xf32, #tpu.memory_space<vmem>> -> memref<128x16xf32, #tpu.memory_space<vmem>>
      %dma_start3A_461 = arith.constant 0 : i32
      %dma_start3A_462 = tpu.memref_slice %arg10[%rem3A_256, %dma_start3A_456, %dma_start3A_461] : memref<3x8x128xi32, #tpu.memory_space<vmem>> -> memref<1x1x128xi32, #tpu.memory_space<vmem>>
      %dma_start3A_463 = tpu.memref_squeeze %dma_start3A_462 : memref<1x1x128xi32, #tpu.memory_space<vmem>> -> memref<128xi32, #tpu.memory_space<vmem>>
      %dma_start3A_464 = arith.constant 0 : i32
      %dma_start3A_465 = arith.constant 0 : i32
      %dma_start3A_466 = tpu.memref_slice %arg12[%dma_start3A_464, %dma_start3A_465] : memref<100352x16xf32, #tpu.memory_space<vmem_shared>> -> memref<100352x16xf32, #tpu.memory_space<vmem_shared>>
      tpu.enqueue_indirect_dma source(%dma_start3A_460 : memref<128x16xf32, #tpu.memory_space<vmem>>) target(%dma_start3A_466 : memref<100352x16xf32, #tpu.memory_space<vmem_shared>>) offsets(%dma_start3A_463 : memref<128xi32, #tpu.memory_space<vmem>>) semaphore(%arg14 : memref<!tpu.dma_semaphore, #tpu.memory_space<semaphore_mem>>) {add = true}
      %dma_wait3A_467 = arith.constant 1 : i32
      %dma_wait3A_468 = arith.constant 1 : i32
      %dma_wait3A_469 = arith.constant 0 : i32
      %dma_wait3A_470 = arith.constant 0 : i32
      %dma_wait3A_471 = tpu.memref_slice %arg11[%dma_wait3A_468, %dma_wait3A_469, %dma_wait3A_470] : memref<8x128x16xf32, #tpu.memory_space<vmem>> -> memref<1x128x16xf32, #tpu.memory_space<vmem>>
      %dma_wait3A_472 = tpu.memref_squeeze %dma_wait3A_471 : memref<1x128x16xf32, #tpu.memory_space<vmem>> -> memref<128x16xf32, #tpu.memory_space<vmem>>
      %dma_wait3A_473 = arith.constant 0 : i32
      %dma_wait3A_474 = tpu.memref_slice %arg9[%rem3A_256, %dma_wait3A_467, %dma_wait3A_473] : memref<3x8x128xi32, #tpu.memory_space<vmem>> -> memref<1x1x128xi32, #tpu.memory_space<vmem>>
      %dma_wait3A_475 = tpu.memref_squeeze %dma_wait3A_474 : memref<1x1x128xi32, #tpu.memory_space<vmem>> -> memref<128xi32, #tpu.memory_space<vmem>>
      %dma_wait3A_476 = arith.constant 0 : i32
      %dma_wait3A_477 = arith.constant 0 : i32
      %dma_wait3A_478 = tpu.memref_slice %arg4[%arg0, %dma_wait3A_476, %dma_wait3A_477] : memref<2x100352x16xf32, #tpu.memory_space<hbm>> -> memref<1x100352x16xf32, #tpu.memory_space<hbm>>
      %dma_wait3A_479 = tpu.memref_squeeze %dma_wait3A_478 : memref<1x100352x16xf32, #tpu.memory_space<hbm>> -> memref<100352x16xf32, #tpu.memory_space<hbm>>
      %dma_wait3A_480 = arith.constant 0 : i32
      %dma_wait3A_481 = arith.constant 0 : i32
      %dma_wait3A_482 = tpu.memref_slice %dma_wait3A_479[%dma_wait3A_480, %dma_wait3A_481] : memref<100352x16xf32, #tpu.memory_space<hbm>> -> memref<100352x16xf32, #tpu.memory_space<hbm>>
      tpu.wait_indirect_dma semaphore(%arg13 : memref<!tpu.dma_semaphore, #tpu.memory_space<semaphore_mem>>) src(%dma_wait3A_482 : memref<100352x16xf32, #tpu.memory_space<hbm>>) dst(%dma_wait3A_472 : memref<128x16xf32, #tpu.memory_space<vmem>>)
      %dma_start3A_483 = arith.constant 1 : i32
      %dma_start3A_484 = arith.constant 1 : i32
      %dma_start3A_485 = arith.constant 0 : i32
      %dma_start3A_486 = arith.constant 0 : i32
      %dma_start3A_487 = tpu.memref_slice %arg11[%dma_start3A_483, %dma_start3A_485, %dma_start3A_486] : memref<8x128x16xf32, #tpu.memory_space<vmem>> -> memref<1x128x16xf32, #tpu.memory_space<vmem>>
      %dma_start3A_488 = tpu.memref_squeeze %dma_start3A_487 : memref<1x128x16xf32, #tpu.memory_space<vmem>> -> memref<128x16xf32, #tpu.memory_space<vmem>>
      %dma_start3A_489 = arith.constant 0 : i32
      %dma_start3A_490 = tpu.memref_slice %arg10[%rem3A_256, %dma_start3A_484, %dma_start3A_489] : memref<3x8x128xi32, #tpu.memory_space<vmem>> -> memref<1x1x128xi32, #tpu.memory_space<vmem>>
      %dma_start3A_491 = tpu.memref_squeeze %dma_start3A_490 : memref<1x1x128xi32, #tpu.memory_space<vmem>> -> memref<128xi32, #tpu.memory_space<vmem>>
      %dma_start3A_492 = arith.constant 0 : i32
      %dma_start3A_493 = arith.constant 0 : i32
      %dma_start3A_494 = tpu.memref_slice %arg12[%dma_start3A_492, %dma_start3A_493] : memref<100352x16xf32, #tpu.memory_space<vmem_shared>> -> memref<100352x16xf32, #tpu.memory_space<vmem_shared>>
      tpu.enqueue_indirect_dma source(%dma_start3A_488 : memref<128x16xf32, #tpu.memory_space<vmem>>) target(%dma_start3A_494 : memref<100352x16xf32, #tpu.memory_space<vmem_shared>>) offsets(%dma_start3A_491 : memref<128xi32, #tpu.memory_space<vmem>>) semaphore(%arg15 : memref<!tpu.dma_semaphore, #tpu.memory_space<semaphore_mem>>) {add = true}
      %dma_wait3A_495 = arith.constant 2 : i32
      %dma_wait3A_496 = arith.constant 2 : i32
      %dma_wait3A_497 = arith.constant 0 : i32
      %dma_wait3A_498 = arith.constant 0 : i32
      %dma_wait3A_499 = tpu.memref_slice %arg11[%dma_wait3A_496, %dma_wait3A_497, %dma_wait3A_498] : memref<8x128x16xf32, #tpu.memory_space<vmem>> -> memref<1x128x16xf32, #tpu.memory_space<vmem>>
      %dma_wait3A_500 = tpu.memref_squeeze %dma_wait3A_499 : memref<1x128x16xf32, #tpu.memory_space<vmem>> -> memref<128x16xf32, #tpu.memory_space<vmem>>
      %dma_wait3A_501 = arith.constant 0 : i32
      %dma_wait3A_502 = tpu.memref_slice %arg9[%rem3A_256, %dma_wait3A_495, %dma_wait3A_501] : memref<3x8x128xi32, #tpu.memory_space<vmem>> -> memref<1x1x128xi32, #tpu.memory_space<vmem>>
      %dma_wait3A_503 = tpu.memref_squeeze %dma_wait3A_502 : memref<1x1x128xi32, #tpu.memory_space<vmem>> -> memref<128xi32, #tpu.memory_space<vmem>>
      %dma_wait3A_504 = arith.constant 0 : i32
      %dma_wait3A_505 = arith.constant 0 : i32
      %dma_wait3A_506 = tpu.memref_slice %arg4[%arg0, %dma_wait3A_504, %dma_wait3A_505] : memref<2x100352x16xf32, #tpu.memory_space<hbm>> -> memref<1x100352x16xf32, #tpu.memory_space<hbm>>
      %dma_wait3A_507 = tpu.memref_squeeze %dma_wait3A_506 : memref<1x100352x16xf32, #tpu.memory_space<hbm>> -> memref<100352x16xf32, #tpu.memory_space<hbm>>
      %dma_wait3A_508 = arith.constant 0 : i32
      %dma_wait3A_509 = arith.constant 0 : i32
      %dma_wait3A_510 = tpu.memref_slice %dma_wait3A_507[%dma_wait3A_508, %dma_wait3A_509] : memref<100352x16xf32, #tpu.memory_space<hbm>> -> memref<100352x16xf32, #tpu.memory_space<hbm>>
      tpu.wait_indirect_dma semaphore(%arg13 : memref<!tpu.dma_semaphore, #tpu.memory_space<semaphore_mem>>) src(%dma_wait3A_510 : memref<100352x16xf32, #tpu.memory_space<hbm>>) dst(%dma_wait3A_500 : memref<128x16xf32, #tpu.memory_space<vmem>>)
      %dma_start3A_511 = arith.constant 2 : i32
      %dma_start3A_512 = arith.constant 2 : i32
      %dma_start3A_513 = arith.constant 0 : i32
      %dma_start3A_514 = arith.constant 0 : i32
      %dma_start3A_515 = tpu.memref_slice %arg11[%dma_start3A_511, %dma_start3A_513, %dma_start3A_514] : memref<8x128x16xf32, #tpu.memory_space<vmem>> -> memref<1x128x16xf32, #tpu.memory_space<vmem>>
      %dma_start3A_516 = tpu.memref_squeeze %dma_start3A_515 : memref<1x128x16xf32, #tpu.memory_space<vmem>> -> memref<128x16xf32, #tpu.memory_space<vmem>>
      %dma_start3A_517 = arith.constant 0 : i32
      %dma_start3A_518 = tpu.memref_slice %arg10[%rem3A_256, %dma_start3A_512, %dma_start3A_517] : memref<3x8x128xi32, #tpu.memory_space<vmem>> -> memref<1x1x128xi32, #tpu.memory_space<vmem>>
      %dma_start3A_519 = tpu.memref_squeeze %dma_start3A_518 : memref<1x1x128xi32, #tpu.memory_space<vmem>> -> memref<128xi32, #tpu.memory_space<vmem>>
      %dma_start3A_520 = arith.constant 0 : i32
      %dma_start3A_521 = arith.constant 0 : i32
      %dma_start3A_522 = tpu.memref_slice %arg12[%dma_start3A_520, %dma_start3A_521] : memref<100352x16xf32, #tpu.memory_space<vmem_shared>> -> memref<100352x16xf32, #tpu.memory_space<vmem_shared>>
      tpu.enqueue_indirect_dma source(%dma_start3A_516 : memref<128x16xf32, #tpu.memory_space<vmem>>) target(%dma_start3A_522 : memref<100352x16xf32, #tpu.memory_space<vmem_shared>>) offsets(%dma_start3A_519 : memref<128xi32, #tpu.memory_space<vmem>>) semaphore(%arg16 : memref<!tpu.dma_semaphore, #tpu.memory_space<semaphore_mem>>) {add = true}
      %dma_wait3A_523 = arith.constant 3 : i32
      %dma_wait3A_524 = arith.constant 3 : i32
      %dma_wait3A_525 = arith.constant 0 : i32
      %dma_wait3A_526 = arith.constant 0 : i32
      %dma_wait3A_527 = tpu.memref_slice %arg11[%dma_wait3A_524, %dma_wait3A_525, %dma_wait3A_526] : memref<8x128x16xf32, #tpu.memory_space<vmem>> -> memref<1x128x16xf32, #tpu.memory_space<vmem>>
      %dma_wait3A_528 = tpu.memref_squeeze %dma_wait3A_527 : memref<1x128x16xf32, #tpu.memory_space<vmem>> -> memref<128x16xf32, #tpu.memory_space<vmem>>
      %dma_wait3A_529 = arith.constant 0 : i32
      %dma_wait3A_530 = tpu.memref_slice %arg9[%rem3A_256, %dma_wait3A_523, %dma_wait3A_529] : memref<3x8x128xi32, #tpu.memory_space<vmem>> -> memref<1x1x128xi32, #tpu.memory_space<vmem>>
      %dma_wait3A_531 = tpu.memref_squeeze %dma_wait3A_530 : memref<1x1x128xi32, #tpu.memory_space<vmem>> -> memref<128xi32, #tpu.memory_space<vmem>>
      %dma_wait3A_532 = arith.constant 0 : i32
      %dma_wait3A_533 = arith.constant 0 : i32
      %dma_wait3A_534 = tpu.memref_slice %arg4[%arg0, %dma_wait3A_532, %dma_wait3A_533] : memref<2x100352x16xf32, #tpu.memory_space<hbm>> -> memref<1x100352x16xf32, #tpu.memory_space<hbm>>
      %dma_wait3A_535 = tpu.memref_squeeze %dma_wait3A_534 : memref<1x100352x16xf32, #tpu.memory_space<hbm>> -> memref<100352x16xf32, #tpu.memory_space<hbm>>
      %dma_wait3A_536 = arith.constant 0 : i32
      %dma_wait3A_537 = arith.constant 0 : i32
      %dma_wait3A_538 = tpu.memref_slice %dma_wait3A_535[%dma_wait3A_536, %dma_wait3A_537] : memref<100352x16xf32, #tpu.memory_space<hbm>> -> memref<100352x16xf32, #tpu.memory_space<hbm>>
      tpu.wait_indirect_dma semaphore(%arg13 : memref<!tpu.dma_semaphore, #tpu.memory_space<semaphore_mem>>) src(%dma_wait3A_538 : memref<100352x16xf32, #tpu.memory_space<hbm>>) dst(%dma_wait3A_528 : memref<128x16xf32, #tpu.memory_space<vmem>>)
      %dma_start3A_539 = arith.constant 3 : i32
      %dma_start3A_540 = arith.constant 3 : i32
      %dma_start3A_541 = arith.constant 0 : i32
      %dma_start3A_542 = arith.constant 0 : i32
      %dma_start3A_543 = tpu.memref_slice %arg11[%dma_start3A_539, %dma_start3A_541, %dma_start3A_542] : memref<8x128x16xf32, #tpu.memory_space<vmem>> -> memref<1x128x16xf32, #tpu.memory_space<vmem>>
      %dma_start3A_544 = tpu.memref_squeeze %dma_start3A_543 : memref<1x128x16xf32, #tpu.memory_space<vmem>> -> memref<128x16xf32, #tpu.memory_space<vmem>>
      %dma_start3A_545 = arith.constant 0 : i32
      %dma_start3A_546 = tpu.memref_slice %arg10[%rem3A_256, %dma_start3A_540, %dma_start3A_545] : memref<3x8x128xi32, #tpu.memory_space<vmem>> -> memref<1x1x128xi32, #tpu.memory_space<vmem>>
      %dma_start3A_547 = tpu.memref_squeeze %dma_start3A_546 : memref<1x1x128xi32, #tpu.memory_space<vmem>> -> memref<128xi32, #tpu.memory_space<vmem>>
      %dma_start3A_548 = arith.constant 0 : i32
      %dma_start3A_549 = arith.constant 0 : i32
      %dma_start3A_550 = tpu.memref_slice %arg12[%dma_start3A_548, %dma_start3A_549] : memref<100352x16xf32, #tpu.memory_space<vmem_shared>> -> memref<100352x16xf32, #tpu.memory_space<vmem_shared>>
      tpu.enqueue_indirect_dma source(%dma_start3A_544 : memref<128x16xf32, #tpu.memory_space<vmem>>) target(%dma_start3A_550 : memref<100352x16xf32, #tpu.memory_space<vmem_shared>>) offsets(%dma_start3A_547 : memref<128xi32, #tpu.memory_space<vmem>>) semaphore(%arg17 : memref<!tpu.dma_semaphore, #tpu.memory_space<semaphore_mem>>) {add = true}
      %dma_wait3A_551 = arith.constant 4 : i32
      %dma_wait3A_552 = arith.constant 4 : i32
      %dma_wait3A_553 = arith.constant 0 : i32
      %dma_wait3A_554 = arith.constant 0 : i32
      %dma_wait3A_555 = tpu.memref_slice %arg11[%dma_wait3A_552, %dma_wait3A_553, %dma_wait3A_554] : memref<8x128x16xf32, #tpu.memory_space<vmem>> -> memref<1x128x16xf32, #tpu.memory_space<vmem>>
      %dma_wait3A_556 = tpu.memref_squeeze %dma_wait3A_555 : memref<1x128x16xf32, #tpu.memory_space<vmem>> -> memref<128x16xf32, #tpu.memory_space<vmem>>
      %dma_wait3A_557 = arith.constant 0 : i32
      %dma_wait3A_558 = tpu.memref_slice %arg9[%rem3A_256, %dma_wait3A_551, %dma_wait3A_557] : memref<3x8x128xi32, #tpu.memory_space<vmem>> -> memref<1x1x128xi32, #tpu.memory_space<vmem>>
      %dma_wait3A_559 = tpu.memref_squeeze %dma_wait3A_558 : memref<1x1x128xi32, #tpu.memory_space<vmem>> -> memref<128xi32, #tpu.memory_space<vmem>>
      %dma_wait3A_560 = arith.constant 0 : i32
      %dma_wait3A_561 = arith.constant 0 : i32
      %dma_wait3A_562 = tpu.memref_slice %arg4[%arg0, %dma_wait3A_560, %dma_wait3A_561] : memref<2x100352x16xf32, #tpu.memory_space<hbm>> -> memref<1x100352x16xf32, #tpu.memory_space<hbm>>
      %dma_wait3A_563 = tpu.memref_squeeze %dma_wait3A_562 : memref<1x100352x16xf32, #tpu.memory_space<hbm>> -> memref<100352x16xf32, #tpu.memory_space<hbm>>
      %dma_wait3A_564 = arith.constant 0 : i32
      %dma_wait3A_565 = arith.constant 0 : i32
      %dma_wait3A_566 = tpu.memref_slice %dma_wait3A_563[%dma_wait3A_564, %dma_wait3A_565] : memref<100352x16xf32, #tpu.memory_space<hbm>> -> memref<100352x16xf32, #tpu.memory_space<hbm>>
      tpu.wait_indirect_dma semaphore(%arg13 : memref<!tpu.dma_semaphore, #tpu.memory_space<semaphore_mem>>) src(%dma_wait3A_566 : memref<100352x16xf32, #tpu.memory_space<hbm>>) dst(%dma_wait3A_556 : memref<128x16xf32, #tpu.memory_space<vmem>>)
      %dma_start3A_567 = arith.constant 4 : i32
      %dma_start3A_568 = arith.constant 4 : i32
      %dma_start3A_569 = arith.constant 0 : i32
      %dma_start3A_570 = arith.constant 0 : i32
      %dma_start3A_571 = tpu.memref_slice %arg11[%dma_start3A_567, %dma_start3A_569, %dma_start3A_570] : memref<8x128x16xf32, #tpu.memory_space<vmem>> -> memref<1x128x16xf32, #tpu.memory_space<vmem>>
      %dma_start3A_572 = tpu.memref_squeeze %dma_start3A_571 : memref<1x128x16xf32, #tpu.memory_space<vmem>> -> memref<128x16xf32, #tpu.memory_space<vmem>>
      %dma_start3A_573 = arith.constant 0 : i32
      %dma_start3A_574 = tpu.memref_slice %arg10[%rem3A_256, %dma_start3A_568, %dma_start3A_573] : memref<3x8x128xi32, #tpu.memory_space<vmem>> -> memref<1x1x128xi32, #tpu.memory_space<vmem>>
      %dma_start3A_575 = tpu.memref_squeeze %dma_start3A_574 : memref<1x1x128xi32, #tpu.memory_space<vmem>> -> memref<128xi32, #tpu.memory_space<vmem>>
      %dma_start3A_576 = arith.constant 0 : i32
      %dma_start3A_577 = arith.constant 0 : i32
      %dma_start3A_578 = tpu.memref_slice %arg12[%dma_start3A_576, %dma_start3A_577] : memref<100352x16xf32, #tpu.memory_space<vmem_shared>> -> memref<100352x16xf32, #tpu.memory_space<vmem_shared>>
      tpu.enqueue_indirect_dma source(%dma_start3A_572 : memref<128x16xf32, #tpu.memory_space<vmem>>) target(%dma_start3A_578 : memref<100352x16xf32, #tpu.memory_space<vmem_shared>>) offsets(%dma_start3A_575 : memref<128xi32, #tpu.memory_space<vmem>>) semaphore(%arg18 : memref<!tpu.dma_semaphore, #tpu.memory_space<semaphore_mem>>) {add = true}
      %dma_wait3A_579 = arith.constant 5 : i32
      %dma_wait3A_580 = arith.constant 5 : i32
      %dma_wait3A_581 = arith.constant 0 : i32
      %dma_wait3A_582 = arith.constant 0 : i32
      %dma_wait3A_583 = tpu.memref_slice %arg11[%dma_wait3A_580, %dma_wait3A_581, %dma_wait3A_582] : memref<8x128x16xf32, #tpu.memory_space<vmem>> -> memref<1x128x16xf32, #tpu.memory_space<vmem>>
      %dma_wait3A_584 = tpu.memref_squeeze %dma_wait3A_583 : memref<1x128x16xf32, #tpu.memory_space<vmem>> -> memref<128x16xf32, #tpu.memory_space<vmem>>
      %dma_wait3A_585 = arith.constant 0 : i32
      %dma_wait3A_586 = tpu.memref_slice %arg9[%rem3A_256, %dma_wait3A_579, %dma_wait3A_585] : memref<3x8x128xi32, #tpu.memory_space<vmem>> -> memref<1x1x128xi32, #tpu.memory_space<vmem>>
      %dma_wait3A_587 = tpu.memref_squeeze %dma_wait3A_586 : memref<1x1x128xi32, #tpu.memory_space<vmem>> -> memref<128xi32, #tpu.memory_space<vmem>>
      %dma_wait3A_588 = arith.constant 0 : i32
      %dma_wait3A_589 = arith.constant 0 : i32
      %dma_wait3A_590 = tpu.memref_slice %arg4[%arg0, %dma_wait3A_588, %dma_wait3A_589] : memref<2x100352x16xf32, #tpu.memory_space<hbm>> -> memref<1x100352x16xf32, #tpu.memory_space<hbm>>
      %dma_wait3A_591 = tpu.memref_squeeze %dma_wait3A_590 : memref<1x100352x16xf32, #tpu.memory_space<hbm>> -> memref<100352x16xf32, #tpu.memory_space<hbm>>
      %dma_wait3A_592 = arith.constant 0 : i32
      %dma_wait3A_593 = arith.constant 0 : i32
      %dma_wait3A_594 = tpu.memref_slice %dma_wait3A_591[%dma_wait3A_592, %dma_wait3A_593] : memref<100352x16xf32, #tpu.memory_space<hbm>> -> memref<100352x16xf32, #tpu.memory_space<hbm>>
      tpu.wait_indirect_dma semaphore(%arg13 : memref<!tpu.dma_semaphore, #tpu.memory_space<semaphore_mem>>) src(%dma_wait3A_594 : memref<100352x16xf32, #tpu.memory_space<hbm>>) dst(%dma_wait3A_584 : memref<128x16xf32, #tpu.memory_space<vmem>>)
      %dma_start3A_595 = arith.constant 5 : i32
      %dma_start3A_596 = arith.constant 5 : i32
      %dma_start3A_597 = arith.constant 0 : i32
      %dma_start3A_598 = arith.constant 0 : i32
      %dma_start3A_599 = tpu.memref_slice %arg11[%dma_start3A_595, %dma_start3A_597, %dma_start3A_598] : memref<8x128x16xf32, #tpu.memory_space<vmem>> -> memref<1x128x16xf32, #tpu.memory_space<vmem>>
      %dma_start3A_600 = tpu.memref_squeeze %dma_start3A_599 : memref<1x128x16xf32, #tpu.memory_space<vmem>> -> memref<128x16xf32, #tpu.memory_space<vmem>>
      %dma_start3A_601 = arith.constant 0 : i32
      %dma_start3A_602 = tpu.memref_slice %arg10[%rem3A_256, %dma_start3A_596, %dma_start3A_601] : memref<3x8x128xi32, #tpu.memory_space<vmem>> -> memref<1x1x128xi32, #tpu.memory_space<vmem>>
      %dma_start3A_603 = tpu.memref_squeeze %dma_start3A_602 : memref<1x1x128xi32, #tpu.memory_space<vmem>> -> memref<128xi32, #tpu.memory_space<vmem>>
      %dma_start3A_604 = arith.constant 0 : i32
      %dma_start3A_605 = arith.constant 0 : i32
      %dma_start3A_606 = tpu.memref_slice %arg12[%dma_start3A_604, %dma_start3A_605] : memref<100352x16xf32, #tpu.memory_space<vmem_shared>> -> memref<100352x16xf32, #tpu.memory_space<vmem_shared>>
      tpu.enqueue_indirect_dma source(%dma_start3A_600 : memref<128x16xf32, #tpu.memory_space<vmem>>) target(%dma_start3A_606 : memref<100352x16xf32, #tpu.memory_space<vmem_shared>>) offsets(%dma_start3A_603 : memref<128xi32, #tpu.memory_space<vmem>>) semaphore(%arg19 : memref<!tpu.dma_semaphore, #tpu.memory_space<semaphore_mem>>) {add = true}
      %dma_wait3A_607 = arith.constant 6 : i32
      %dma_wait3A_608 = arith.constant 6 : i32
      %dma_wait3A_609 = arith.constant 0 : i32
      %dma_wait3A_610 = arith.constant 0 : i32
      %dma_wait3A_611 = tpu.memref_slice %arg11[%dma_wait3A_608, %dma_wait3A_609, %dma_wait3A_610] : memref<8x128x16xf32, #tpu.memory_space<vmem>> -> memref<1x128x16xf32, #tpu.memory_space<vmem>>
      %dma_wait3A_612 = tpu.memref_squeeze %dma_wait3A_611 : memref<1x128x16xf32, #tpu.memory_space<vmem>> -> memref<128x16xf32, #tpu.memory_space<vmem>>
      %dma_wait3A_613 = arith.constant 0 : i32
      %dma_wait3A_614 = tpu.memref_slice %arg9[%rem3A_256, %dma_wait3A_607, %dma_wait3A_613] : memref<3x8x128xi32, #tpu.memory_space<vmem>> -> memref<1x1x128xi32, #tpu.memory_space<vmem>>
      %dma_wait3A_615 = tpu.memref_squeeze %dma_wait3A_614 : memref<1x1x128xi32, #tpu.memory_space<vmem>> -> memref<128xi32, #tpu.memory_space<vmem>>
      %dma_wait3A_616 = arith.constant 0 : i32
      %dma_wait3A_617 = arith.constant 0 : i32
      %dma_wait3A_618 = tpu.memref_slice %arg4[%arg0, %dma_wait3A_616, %dma_wait3A_617] : memref<2x100352x16xf32, #tpu.memory_space<hbm>> -> memref<1x100352x16xf32, #tpu.memory_space<hbm>>
      %dma_wait3A_619 = tpu.memref_squeeze %dma_wait3A_618 : memref<1x100352x16xf32, #tpu.memory_space<hbm>> -> memref<100352x16xf32, #tpu.memory_space<hbm>>
      %dma_wait3A_620 = arith.constant 0 : i32
      %dma_wait3A_621 = arith.constant 0 : i32
      %dma_wait3A_622 = tpu.memref_slice %dma_wait3A_619[%dma_wait3A_620, %dma_wait3A_621] : memref<100352x16xf32, #tpu.memory_space<hbm>> -> memref<100352x16xf32, #tpu.memory_space<hbm>>
      tpu.wait_indirect_dma semaphore(%arg13 : memref<!tpu.dma_semaphore, #tpu.memory_space<semaphore_mem>>) src(%dma_wait3A_622 : memref<100352x16xf32, #tpu.memory_space<hbm>>) dst(%dma_wait3A_612 : memref<128x16xf32, #tpu.memory_space<vmem>>)
      %dma_start3A_623 = arith.constant 6 : i32
      %dma_start3A_624 = arith.constant 6 : i32
      %dma_start3A_625 = arith.constant 0 : i32
      %dma_start3A_626 = arith.constant 0 : i32
      %dma_start3A_627 = tpu.memref_slice %arg11[%dma_start3A_623, %dma_start3A_625, %dma_start3A_626] : memref<8x128x16xf32, #tpu.memory_space<vmem>> -> memref<1x128x16xf32, #tpu.memory_space<vmem>>
      %dma_start3A_628 = tpu.memref_squeeze %dma_start3A_627 : memref<1x128x16xf32, #tpu.memory_space<vmem>> -> memref<128x16xf32, #tpu.memory_space<vmem>>
      %dma_start3A_629 = arith.constant 0 : i32
      %dma_start3A_630 = tpu.memref_slice %arg10[%rem3A_256, %dma_start3A_624, %dma_start3A_629] : memref<3x8x128xi32, #tpu.memory_space<vmem>> -> memref<1x1x128xi32, #tpu.memory_space<vmem>>
      %dma_start3A_631 = tpu.memref_squeeze %dma_start3A_630 : memref<1x1x128xi32, #tpu.memory_space<vmem>> -> memref<128xi32, #tpu.memory_space<vmem>>
      %dma_start3A_632 = arith.constant 0 : i32
      %dma_start3A_633 = arith.constant 0 : i32
      %dma_start3A_634 = tpu.memref_slice %arg12[%dma_start3A_632, %dma_start3A_633] : memref<100352x16xf32, #tpu.memory_space<vmem_shared>> -> memref<100352x16xf32, #tpu.memory_space<vmem_shared>>
      tpu.enqueue_indirect_dma source(%dma_start3A_628 : memref<128x16xf32, #tpu.memory_space<vmem>>) target(%dma_start3A_634 : memref<100352x16xf32, #tpu.memory_space<vmem_shared>>) offsets(%dma_start3A_631 : memref<128xi32, #tpu.memory_space<vmem>>) semaphore(%arg20 : memref<!tpu.dma_semaphore, #tpu.memory_space<semaphore_mem>>) {add = true}
      %dma_wait3A_635 = arith.constant 7 : i32
      %dma_wait3A_636 = arith.constant 7 : i32
      %dma_wait3A_637 = arith.constant 0 : i32
      %dma_wait3A_638 = arith.constant 0 : i32
      %dma_wait3A_639 = tpu.memref_slice %arg11[%dma_wait3A_636, %dma_wait3A_637, %dma_wait3A_638] : memref<8x128x16xf32, #tpu.memory_space<vmem>> -> memref<1x128x16xf32, #tpu.memory_space<vmem>>
      %dma_wait3A_640 = tpu.memref_squeeze %dma_wait3A_639 : memref<1x128x16xf32, #tpu.memory_space<vmem>> -> memref<128x16xf32, #tpu.memory_space<vmem>>
      %dma_wait3A_641 = arith.constant 0 : i32
      %dma_wait3A_642 = tpu.memref_slice %arg9[%rem3A_256, %dma_wait3A_635, %dma_wait3A_641] : memref<3x8x128xi32, #tpu.memory_space<vmem>> -> memref<1x1x128xi32, #tpu.memory_space<vmem>>
      %dma_wait3A_643 = tpu.memref_squeeze %dma_wait3A_642 : memref<1x1x128xi32, #tpu.memory_space<vmem>> -> memref<128xi32, #tpu.memory_space<vmem>>
      %dma_wait3A_644 = arith.constant 0 : i32
      %dma_wait3A_645 = arith.constant 0 : i32
      %dma_wait3A_646 = tpu.memref_slice %arg4[%arg0, %dma_wait3A_644, %dma_wait3A_645] : memref<2x100352x16xf32, #tpu.memory_space<hbm>> -> memref<1x100352x16xf32, #tpu.memory_space<hbm>>
      %dma_wait3A_647 = tpu.memref_squeeze %dma_wait3A_646 : memref<1x100352x16xf32, #tpu.memory_space<hbm>> -> memref<100352x16xf32, #tpu.memory_space<hbm>>
      %dma_wait3A_648 = arith.constant 0 : i32
      %dma_wait3A_649 = arith.constant 0 : i32
      %dma_wait3A_650 = tpu.memref_slice %dma_wait3A_647[%dma_wait3A_648, %dma_wait3A_649] : memref<100352x16xf32, #tpu.memory_space<hbm>> -> memref<100352x16xf32, #tpu.memory_space<hbm>>
      tpu.wait_indirect_dma semaphore(%arg13 : memref<!tpu.dma_semaphore, #tpu.memory_space<semaphore_mem>>) src(%dma_wait3A_650 : memref<100352x16xf32, #tpu.memory_space<hbm>>) dst(%dma_wait3A_640 : memref<128x16xf32, #tpu.memory_space<vmem>>)
      %dma_start3A_651 = arith.constant 7 : i32
      %dma_start3A_652 = arith.constant 7 : i32
      %dma_start3A_653 = arith.constant 0 : i32
      %dma_start3A_654 = arith.constant 0 : i32
      %dma_start3A_655 = tpu.memref_slice %arg11[%dma_start3A_651, %dma_start3A_653, %dma_start3A_654] : memref<8x128x16xf32, #tpu.memory_space<vmem>> -> memref<1x128x16xf32, #tpu.memory_space<vmem>>
      %dma_start3A_656 = tpu.memref_squeeze %dma_start3A_655 : memref<1x128x16xf32, #tpu.memory_space<vmem>> -> memref<128x16xf32, #tpu.memory_space<vmem>>
      %dma_start3A_657 = arith.constant 0 : i32
      %dma_start3A_658 = tpu.memref_slice %arg10[%rem3A_256, %dma_start3A_652, %dma_start3A_657] : memref<3x8x128xi32, #tpu.memory_space<vmem>> -> memref<1x1x128xi32, #tpu.memory_space<vmem>>
      %dma_start3A_659 = tpu.memref_squeeze %dma_start3A_658 : memref<1x1x128xi32, #tpu.memory_space<vmem>> -> memref<128xi32, #tpu.memory_space<vmem>>
      %dma_start3A_660 = arith.constant 0 : i32
      %dma_start3A_661 = arith.constant 0 : i32
      %dma_start3A_662 = tpu.memref_slice %arg12[%dma_start3A_660, %dma_start3A_661] : memref<100352x16xf32, #tpu.memory_space<vmem_shared>> -> memref<100352x16xf32, #tpu.memory_space<vmem_shared>>
      tpu.enqueue_indirect_dma source(%dma_start3A_656 : memref<128x16xf32, #tpu.memory_space<vmem>>) target(%dma_start3A_662 : memref<100352x16xf32, #tpu.memory_space<vmem_shared>>) offsets(%dma_start3A_659 : memref<128xi32, #tpu.memory_space<vmem>>) semaphore(%arg21 : memref<!tpu.dma_semaphore, #tpu.memory_space<semaphore_mem>>) {add = true}
    }
    %scan3A_54 = arith.constant 98 : i32
    %dma_wait3A = arith.constant 0 : i32
    %dma_wait3A_55 = arith.constant 0 : i32
    %dma_wait3A_56 = arith.constant 0 : i32
    %dma_wait3A_57 = tpu.memref_slice %arg11[%dma_wait3A, %dma_wait3A_55, %dma_wait3A_56] : memref<8x128x16xf32, #tpu.memory_space<vmem>> -> memref<1x128x16xf32, #tpu.memory_space<vmem>>
    %dma_wait3A_58 = tpu.memref_squeeze %dma_wait3A_57 : memref<1x128x16xf32, #tpu.memory_space<vmem>> -> memref<128x16xf32, #tpu.memory_space<vmem>>
    %dma_wait3A_59 = arith.constant 0 : i32
    %dma_wait3A_60 = arith.constant 0 : i32
    %dma_wait3A_61 = tpu.memref_slice %arg4[%arg0, %dma_wait3A_59, %dma_wait3A_60] : memref<2x100352x16xf32, #tpu.memory_space<hbm>> -> memref<1x100352x16xf32, #tpu.memory_space<hbm>>
    %dma_wait3A_62 = tpu.memref_squeeze %dma_wait3A_61 : memref<1x100352x16xf32, #tpu.memory_space<hbm>> -> memref<100352x16xf32, #tpu.memory_space<hbm>>
    %dma_wait3A_63 = arith.constant 0 : i32
    %dma_wait3A_64 = arith.constant 0 : i32
    %dma_wait3A_65 = tpu.memref_slice %dma_wait3A_62[%dma_wait3A_63, %dma_wait3A_64] : memref<100352x16xf32, #tpu.memory_space<hbm>> -> memref<128x16xf32, #tpu.memory_space<hbm>>
    %dma_wait3A_66 = arith.constant 0 : i32
    %dma_wait3A_67 = arith.constant 0 : i32
    %dma_wait3A_68 = tpu.memref_slice %arg11[%dma_wait3A, %dma_wait3A_66, %dma_wait3A_67] : memref<8x128x16xf32, #tpu.memory_space<vmem>> -> memref<1x128x16xf32, #tpu.memory_space<vmem>>
    %dma_wait3A_69 = tpu.memref_squeeze %dma_wait3A_68 : memref<1x128x16xf32, #tpu.memory_space<vmem>> -> memref<128x16xf32, #tpu.memory_space<vmem>>
    %dma_wait3A_70 = arith.constant 0 : i32
    %dma_wait3A_71 = arith.constant 0 : i32
    %dma_wait3A_72 = tpu.memref_slice %arg4[%arg0, %dma_wait3A_70, %dma_wait3A_71] : memref<2x100352x16xf32, #tpu.memory_space<hbm>> -> memref<1x100352x16xf32, #tpu.memory_space<hbm>>
    %dma_wait3A_73 = tpu.memref_squeeze %dma_wait3A_72 : memref<1x100352x16xf32, #tpu.memory_space<hbm>> -> memref<100352x16xf32, #tpu.memory_space<hbm>>
    %dma_wait3A_74 = arith.constant 0 : i32
    %dma_wait3A_75 = arith.constant 0 : i32
    %dma_wait3A_76 = tpu.memref_slice %dma_wait3A_73[%dma_wait3A_74, %dma_wait3A_75] : memref<100352x16xf32, #tpu.memory_space<hbm>> -> memref<128x16xf32, #tpu.memory_space<hbm>>
    tpu.wait_dma2 semaphore(%arg14 : memref<!tpu.dma_semaphore, #tpu.memory_space<semaphore_mem>>) src(%dma_wait3A_76 : memref<128x16xf32, #tpu.memory_space<hbm>>) dst(%dma_wait3A_69 : memref<128x16xf32, #tpu.memory_space<vmem>>)
    %dma_wait3A_77 = arith.constant 1 : i32
    %dma_wait3A_78 = arith.constant 0 : i32
    %dma_wait3A_79 = arith.constant 0 : i32
    %dma_wait3A_80 = tpu.memref_slice %arg11[%dma_wait3A_77, %dma_wait3A_78, %dma_wait3A_79] : memref<8x128x16xf32, #tpu.memory_space<vmem>> -> memref<1x128x16xf32, #tpu.memory_space<vmem>>
    %dma_wait3A_81 = tpu.memref_squeeze %dma_wait3A_80 : memref<1x128x16xf32, #tpu.memory_space<vmem>> -> memref<128x16xf32, #tpu.memory_space<vmem>>
    %dma_wait3A_82 = arith.constant 0 : i32
    %dma_wait3A_83 = arith.constant 0 : i32
    %dma_wait3A_84 = tpu.memref_slice %arg4[%arg0, %dma_wait3A_82, %dma_wait3A_83] : memref<2x100352x16xf32, #tpu.memory_space<hbm>> -> memref<1x100352x16xf32, #tpu.memory_space<hbm>>
    %dma_wait3A_85 = tpu.memref_squeeze %dma_wait3A_84 : memref<1x100352x16xf32, #tpu.memory_space<hbm>> -> memref<100352x16xf32, #tpu.memory_space<hbm>>
    %dma_wait3A_86 = arith.constant 128 : i32
    %dma_wait3A_87 = arith.constant 0 : i32
    %dma_wait3A_88 = tpu.memref_slice %dma_wait3A_85[%dma_wait3A_86, %dma_wait3A_87] : memref<100352x16xf32, #tpu.memory_space<hbm>> -> memref<128x16xf32, #tpu.memory_space<hbm>>
    %dma_wait3A_89 = arith.constant 0 : i32
    %dma_wait3A_90 = arith.constant 0 : i32
    %dma_wait3A_91 = tpu.memref_slice %arg11[%dma_wait3A_77, %dma_wait3A_89, %dma_wait3A_90] : memref<8x128x16xf32, #tpu.memory_space<vmem>> -> memref<1x128x16xf32, #tpu.memory_space<vmem>>
    %dma_wait3A_92 = tpu.memref_squeeze %dma_wait3A_91 : memref<1x128x16xf32, #tpu.memory_space<vmem>> -> memref<128x16xf32, #tpu.memory_space<vmem>>
    %dma_wait3A_93 = arith.constant 0 : i32
    %dma_wait3A_94 = arith.constant 0 : i32
    %dma_wait3A_95 = tpu.memref_slice %arg4[%arg0, %dma_wait3A_93, %dma_wait3A_94] : memref<2x100352x16xf32, #tpu.memory_space<hbm>> -> memref<1x100352x16xf32, #tpu.memory_space<hbm>>
    %dma_wait3A_96 = tpu.memref_squeeze %dma_wait3A_95 : memref<1x100352x16xf32, #tpu.memory_space<hbm>> -> memref<100352x16xf32, #tpu.memory_space<hbm>>
    %dma_wait3A_97 = arith.constant 128 : i32
    %dma_wait3A_98 = arith.constant 0 : i32
    %dma_wait3A_99 = tpu.memref_slice %dma_wait3A_96[%dma_wait3A_97, %dma_wait3A_98] : memref<100352x16xf32, #tpu.memory_space<hbm>> -> memref<128x16xf32, #tpu.memory_space<hbm>>
    tpu.wait_dma2 semaphore(%arg15 : memref<!tpu.dma_semaphore, #tpu.memory_space<semaphore_mem>>) src(%dma_wait3A_99 : memref<128x16xf32, #tpu.memory_space<hbm>>) dst(%dma_wait3A_92 : memref<128x16xf32, #tpu.memory_space<vmem>>)
    %dma_wait3A_100 = arith.constant 2 : i32
    %dma_wait3A_101 = arith.constant 0 : i32
    %dma_wait3A_102 = arith.constant 0 : i32
    %dma_wait3A_103 = tpu.memref_slice %arg11[%dma_wait3A_100, %dma_wait3A_101, %dma_wait3A_102] : memref<8x128x16xf32, #tpu.memory_space<vmem>> -> memref<1x128x16xf32, #tpu.memory_space<vmem>>
    %dma_wait3A_104 = tpu.memref_squeeze %dma_wait3A_103 : memref<1x128x16xf32, #tpu.memory_space<vmem>> -> memref<128x16xf32, #tpu.memory_space<vmem>>
    %dma_wait3A_105 = arith.constant 0 : i32
    %dma_wait3A_106 = arith.constant 0 : i32
    %dma_wait3A_107 = tpu.memref_slice %arg4[%arg0, %dma_wait3A_105, %dma_wait3A_106] : memref<2x100352x16xf32, #tpu.memory_space<hbm>> -> memref<1x100352x16xf32, #tpu.memory_space<hbm>>
    %dma_wait3A_108 = tpu.memref_squeeze %dma_wait3A_107 : memref<1x100352x16xf32, #tpu.memory_space<hbm>> -> memref<100352x16xf32, #tpu.memory_space<hbm>>
    %dma_wait3A_109 = arith.constant 256 : i32
    %dma_wait3A_110 = arith.constant 0 : i32
    %dma_wait3A_111 = tpu.memref_slice %dma_wait3A_108[%dma_wait3A_109, %dma_wait3A_110] : memref<100352x16xf32, #tpu.memory_space<hbm>> -> memref<128x16xf32, #tpu.memory_space<hbm>>
    %dma_wait3A_112 = arith.constant 0 : i32
    %dma_wait3A_113 = arith.constant 0 : i32
    %dma_wait3A_114 = tpu.memref_slice %arg11[%dma_wait3A_100, %dma_wait3A_112, %dma_wait3A_113] : memref<8x128x16xf32, #tpu.memory_space<vmem>> -> memref<1x128x16xf32, #tpu.memory_space<vmem>>
    %dma_wait3A_115 = tpu.memref_squeeze %dma_wait3A_114 : memref<1x128x16xf32, #tpu.memory_space<vmem>> -> memref<128x16xf32, #tpu.memory_space<vmem>>
    %dma_wait3A_116 = arith.constant 0 : i32
    %dma_wait3A_117 = arith.constant 0 : i32
    %dma_wait3A_118 = tpu.memref_slice %arg4[%arg0, %dma_wait3A_116, %dma_wait3A_117] : memref<2x100352x16xf32, #tpu.memory_space<hbm>> -> memref<1x100352x16xf32, #tpu.memory_space<hbm>>
    %dma_wait3A_119 = tpu.memref_squeeze %dma_wait3A_118 : memref<1x100352x16xf32, #tpu.memory_space<hbm>> -> memref<100352x16xf32, #tpu.memory_space<hbm>>
    %dma_wait3A_120 = arith.constant 256 : i32
    %dma_wait3A_121 = arith.constant 0 : i32
    %dma_wait3A_122 = tpu.memref_slice %dma_wait3A_119[%dma_wait3A_120, %dma_wait3A_121] : memref<100352x16xf32, #tpu.memory_space<hbm>> -> memref<128x16xf32, #tpu.memory_space<hbm>>
    tpu.wait_dma2 semaphore(%arg16 : memref<!tpu.dma_semaphore, #tpu.memory_space<semaphore_mem>>) src(%dma_wait3A_122 : memref<128x16xf32, #tpu.memory_space<hbm>>) dst(%dma_wait3A_115 : memref<128x16xf32, #tpu.memory_space<vmem>>)
    %dma_wait3A_123 = arith.constant 3 : i32
    %dma_wait3A_124 = arith.constant 0 : i32
    %dma_wait3A_125 = arith.constant 0 : i32
    %dma_wait3A_126 = tpu.memref_slice %arg11[%dma_wait3A_123, %dma_wait3A_124, %dma_wait3A_125] : memref<8x128x16xf32, #tpu.memory_space<vmem>> -> memref<1x128x16xf32, #tpu.memory_space<vmem>>
    %dma_wait3A_127 = tpu.memref_squeeze %dma_wait3A_126 : memref<1x128x16xf32, #tpu.memory_space<vmem>> -> memref<128x16xf32, #tpu.memory_space<vmem>>
    %dma_wait3A_128 = arith.constant 0 : i32
    %dma_wait3A_129 = arith.constant 0 : i32
    %dma_wait3A_130 = tpu.memref_slice %arg4[%arg0, %dma_wait3A_128, %dma_wait3A_129] : memref<2x100352x16xf32, #tpu.memory_space<hbm>> -> memref<1x100352x16xf32, #tpu.memory_space<hbm>>
    %dma_wait3A_131 = tpu.memref_squeeze %dma_wait3A_130 : memref<1x100352x16xf32, #tpu.memory_space<hbm>> -> memref<100352x16xf32, #tpu.memory_space<hbm>>
    %dma_wait3A_132 = arith.constant 384 : i32
    %dma_wait3A_133 = arith.constant 0 : i32
    %dma_wait3A_134 = tpu.memref_slice %dma_wait3A_131[%dma_wait3A_132, %dma_wait3A_133] : memref<100352x16xf32, #tpu.memory_space<hbm>> -> memref<128x16xf32, #tpu.memory_space<hbm>>
    %dma_wait3A_135 = arith.constant 0 : i32
    %dma_wait3A_136 = arith.constant 0 : i32
    %dma_wait3A_137 = tpu.memref_slice %arg11[%dma_wait3A_123, %dma_wait3A_135, %dma_wait3A_136] : memref<8x128x16xf32, #tpu.memory_space<vmem>> -> memref<1x128x16xf32, #tpu.memory_space<vmem>>
    %dma_wait3A_138 = tpu.memref_squeeze %dma_wait3A_137 : memref<1x128x16xf32, #tpu.memory_space<vmem>> -> memref<128x16xf32, #tpu.memory_space<vmem>>
    %dma_wait3A_139 = arith.constant 0 : i32
    %dma_wait3A_140 = arith.constant 0 : i32
    %dma_wait3A_141 = tpu.memref_slice %arg4[%arg0, %dma_wait3A_139, %dma_wait3A_140] : memref<2x100352x16xf32, #tpu.memory_space<hbm>> -> memref<1x100352x16xf32, #tpu.memory_space<hbm>>
    %dma_wait3A_142 = tpu.memref_squeeze %dma_wait3A_141 : memref<1x100352x16xf32, #tpu.memory_space<hbm>> -> memref<100352x16xf32, #tpu.memory_space<hbm>>
    %dma_wait3A_143 = arith.constant 384 : i32
    %dma_wait3A_144 = arith.constant 0 : i32
    %dma_wait3A_145 = tpu.memref_slice %dma_wait3A_142[%dma_wait3A_143, %dma_wait3A_144] : memref<100352x16xf32, #tpu.memory_space<hbm>> -> memref<128x16xf32, #tpu.memory_space<hbm>>
    tpu.wait_dma2 semaphore(%arg17 : memref<!tpu.dma_semaphore, #tpu.memory_space<semaphore_mem>>) src(%dma_wait3A_145 : memref<128x16xf32, #tpu.memory_space<hbm>>) dst(%dma_wait3A_138 : memref<128x16xf32, #tpu.memory_space<vmem>>)
    %dma_wait3A_146 = arith.constant 4 : i32
    %dma_wait3A_147 = arith.constant 0 : i32
    %dma_wait3A_148 = arith.constant 0 : i32
    %dma_wait3A_149 = tpu.memref_slice %arg11[%dma_wait3A_146, %dma_wait3A_147, %dma_wait3A_148] : memref<8x128x16xf32, #tpu.memory_space<vmem>> -> memref<1x128x16xf32, #tpu.memory_space<vmem>>
    %dma_wait3A_150 = tpu.memref_squeeze %dma_wait3A_149 : memref<1x128x16xf32, #tpu.memory_space<vmem>> -> memref<128x16xf32, #tpu.memory_space<vmem>>
    %dma_wait3A_151 = arith.constant 0 : i32
    %dma_wait3A_152 = arith.constant 0 : i32
    %dma_wait3A_153 = tpu.memref_slice %arg4[%arg0, %dma_wait3A_151, %dma_wait3A_152] : memref<2x100352x16xf32, #tpu.memory_space<hbm>> -> memref<1x100352x16xf32, #tpu.memory_space<hbm>>
    %dma_wait3A_154 = tpu.memref_squeeze %dma_wait3A_153 : memref<1x100352x16xf32, #tpu.memory_space<hbm>> -> memref<100352x16xf32, #tpu.memory_space<hbm>>
    %dma_wait3A_155 = arith.constant 512 : i32
    %dma_wait3A_156 = arith.constant 0 : i32
    %dma_wait3A_157 = tpu.memref_slice %dma_wait3A_154[%dma_wait3A_155, %dma_wait3A_156] : memref<100352x16xf32, #tpu.memory_space<hbm>> -> memref<128x16xf32, #tpu.memory_space<hbm>>
    %dma_wait3A_158 = arith.constant 0 : i32
    %dma_wait3A_159 = arith.constant 0 : i32
    %dma_wait3A_160 = tpu.memref_slice %arg11[%dma_wait3A_146, %dma_wait3A_158, %dma_wait3A_159] : memref<8x128x16xf32, #tpu.memory_space<vmem>> -> memref<1x128x16xf32, #tpu.memory_space<vmem>>
    %dma_wait3A_161 = tpu.memref_squeeze %dma_wait3A_160 : memref<1x128x16xf32, #tpu.memory_space<vmem>> -> memref<128x16xf32, #tpu.memory_space<vmem>>
    %dma_wait3A_162 = arith.constant 0 : i32
    %dma_wait3A_163 = arith.constant 0 : i32
    %dma_wait3A_164 = tpu.memref_slice %arg4[%arg0, %dma_wait3A_162, %dma_wait3A_163] : memref<2x100352x16xf32, #tpu.memory_space<hbm>> -> memref<1x100352x16xf32, #tpu.memory_space<hbm>>
    %dma_wait3A_165 = tpu.memref_squeeze %dma_wait3A_164 : memref<1x100352x16xf32, #tpu.memory_space<hbm>> -> memref<100352x16xf32, #tpu.memory_space<hbm>>
    %dma_wait3A_166 = arith.constant 512 : i32
    %dma_wait3A_167 = arith.constant 0 : i32
    %dma_wait3A_168 = tpu.memref_slice %dma_wait3A_165[%dma_wait3A_166, %dma_wait3A_167] : memref<100352x16xf32, #tpu.memory_space<hbm>> -> memref<128x16xf32, #tpu.memory_space<hbm>>
    tpu.wait_dma2 semaphore(%arg18 : memref<!tpu.dma_semaphore, #tpu.memory_space<semaphore_mem>>) src(%dma_wait3A_168 : memref<128x16xf32, #tpu.memory_space<hbm>>) dst(%dma_wait3A_161 : memref<128x16xf32, #tpu.memory_space<vmem>>)
    %dma_wait3A_169 = arith.constant 5 : i32
    %dma_wait3A_170 = arith.constant 0 : i32
    %dma_wait3A_171 = arith.constant 0 : i32
    %dma_wait3A_172 = tpu.memref_slice %arg11[%dma_wait3A_169, %dma_wait3A_170, %dma_wait3A_171] : memref<8x128x16xf32, #tpu.memory_space<vmem>> -> memref<1x128x16xf32, #tpu.memory_space<vmem>>
    %dma_wait3A_173 = tpu.memref_squeeze %dma_wait3A_172 : memref<1x128x16xf32, #tpu.memory_space<vmem>> -> memref<128x16xf32, #tpu.memory_space<vmem>>
    %dma_wait3A_174 = arith.constant 0 : i32
    %dma_wait3A_175 = arith.constant 0 : i32
    %dma_wait3A_176 = tpu.memref_slice %arg4[%arg0, %dma_wait3A_174, %dma_wait3A_175] : memref<2x100352x16xf32, #tpu.memory_space<hbm>> -> memref<1x100352x16xf32, #tpu.memory_space<hbm>>
    %dma_wait3A_177 = tpu.memref_squeeze %dma_wait3A_176 : memref<1x100352x16xf32, #tpu.memory_space<hbm>> -> memref<100352x16xf32, #tpu.memory_space<hbm>>
    %dma_wait3A_178 = arith.constant 640 : i32
    %dma_wait3A_179 = arith.constant 0 : i32
    %dma_wait3A_180 = tpu.memref_slice %dma_wait3A_177[%dma_wait3A_178, %dma_wait3A_179] : memref<100352x16xf32, #tpu.memory_space<hbm>> -> memref<128x16xf32, #tpu.memory_space<hbm>>
    %dma_wait3A_181 = arith.constant 0 : i32
    %dma_wait3A_182 = arith.constant 0 : i32
    %dma_wait3A_183 = tpu.memref_slice %arg11[%dma_wait3A_169, %dma_wait3A_181, %dma_wait3A_182] : memref<8x128x16xf32, #tpu.memory_space<vmem>> -> memref<1x128x16xf32, #tpu.memory_space<vmem>>
    %dma_wait3A_184 = tpu.memref_squeeze %dma_wait3A_183 : memref<1x128x16xf32, #tpu.memory_space<vmem>> -> memref<128x16xf32, #tpu.memory_space<vmem>>
    %dma_wait3A_185 = arith.constant 0 : i32
    %dma_wait3A_186 = arith.constant 0 : i32
    %dma_wait3A_187 = tpu.memref_slice %arg4[%arg0, %dma_wait3A_185, %dma_wait3A_186] : memref<2x100352x16xf32, #tpu.memory_space<hbm>> -> memref<1x100352x16xf32, #tpu.memory_space<hbm>>
    %dma_wait3A_188 = tpu.memref_squeeze %dma_wait3A_187 : memref<1x100352x16xf32, #tpu.memory_space<hbm>> -> memref<100352x16xf32, #tpu.memory_space<hbm>>
    %dma_wait3A_189 = arith.constant 640 : i32
    %dma_wait3A_190 = arith.constant 0 : i32
    %dma_wait3A_191 = tpu.memref_slice %dma_wait3A_188[%dma_wait3A_189, %dma_wait3A_190] : memref<100352x16xf32, #tpu.memory_space<hbm>> -> memref<128x16xf32, #tpu.memory_space<hbm>>
    tpu.wait_dma2 semaphore(%arg19 : memref<!tpu.dma_semaphore, #tpu.memory_space<semaphore_mem>>) src(%dma_wait3A_191 : memref<128x16xf32, #tpu.memory_space<hbm>>) dst(%dma_wait3A_184 : memref<128x16xf32, #tpu.memory_space<vmem>>)
    %dma_wait3A_192 = arith.constant 6 : i32
    %dma_wait3A_193 = arith.constant 0 : i32
    %dma_wait3A_194 = arith.constant 0 : i32
    %dma_wait3A_195 = tpu.memref_slice %arg11[%dma_wait3A_192, %dma_wait3A_193, %dma_wait3A_194] : memref<8x128x16xf32, #tpu.memory_space<vmem>> -> memref<1x128x16xf32, #tpu.memory_space<vmem>>
    %dma_wait3A_196 = tpu.memref_squeeze %dma_wait3A_195 : memref<1x128x16xf32, #tpu.memory_space<vmem>> -> memref<128x16xf32, #tpu.memory_space<vmem>>
    %dma_wait3A_197 = arith.constant 0 : i32
    %dma_wait3A_198 = arith.constant 0 : i32
    %dma_wait3A_199 = tpu.memref_slice %arg4[%arg0, %dma_wait3A_197, %dma_wait3A_198] : memref<2x100352x16xf32, #tpu.memory_space<hbm>> -> memref<1x100352x16xf32, #tpu.memory_space<hbm>>
    %dma_wait3A_200 = tpu.memref_squeeze %dma_wait3A_199 : memref<1x100352x16xf32, #tpu.memory_space<hbm>> -> memref<100352x16xf32, #tpu.memory_space<hbm>>
    %dma_wait3A_201 = arith.constant 768 : i32
    %dma_wait3A_202 = arith.constant 0 : i32
    %dma_wait3A_203 = tpu.memref_slice %dma_wait3A_200[%dma_wait3A_201, %dma_wait3A_202] : memref<100352x16xf32, #tpu.memory_space<hbm>> -> memref<128x16xf32, #tpu.memory_space<hbm>>
    %dma_wait3A_204 = arith.constant 0 : i32
    %dma_wait3A_205 = arith.constant 0 : i32
    %dma_wait3A_206 = tpu.memref_slice %arg11[%dma_wait3A_192, %dma_wait3A_204, %dma_wait3A_205] : memref<8x128x16xf32, #tpu.memory_space<vmem>> -> memref<1x128x16xf32, #tpu.memory_space<vmem>>
    %dma_wait3A_207 = tpu.memref_squeeze %dma_wait3A_206 : memref<1x128x16xf32, #tpu.memory_space<vmem>> -> memref<128x16xf32, #tpu.memory_space<vmem>>
    %dma_wait3A_208 = arith.constant 0 : i32
    %dma_wait3A_209 = arith.constant 0 : i32
    %dma_wait3A_210 = tpu.memref_slice %arg4[%arg0, %dma_wait3A_208, %dma_wait3A_209] : memref<2x100352x16xf32, #tpu.memory_space<hbm>> -> memref<1x100352x16xf32, #tpu.memory_space<hbm>>
    %dma_wait3A_211 = tpu.memref_squeeze %dma_wait3A_210 : memref<1x100352x16xf32, #tpu.memory_space<hbm>> -> memref<100352x16xf32, #tpu.memory_space<hbm>>
    %dma_wait3A_212 = arith.constant 768 : i32
    %dma_wait3A_213 = arith.constant 0 : i32
    %dma_wait3A_214 = tpu.memref_slice %dma_wait3A_211[%dma_wait3A_212, %dma_wait3A_213] : memref<100352x16xf32, #tpu.memory_space<hbm>> -> memref<128x16xf32, #tpu.memory_space<hbm>>
    tpu.wait_dma2 semaphore(%arg20 : memref<!tpu.dma_semaphore, #tpu.memory_space<semaphore_mem>>) src(%dma_wait3A_214 : memref<128x16xf32, #tpu.memory_space<hbm>>) dst(%dma_wait3A_207 : memref<128x16xf32, #tpu.memory_space<vmem>>)
    %dma_wait3A_215 = arith.constant 7 : i32
    %dma_wait3A_216 = arith.constant 0 : i32
    %dma_wait3A_217 = arith.constant 0 : i32
    %dma_wait3A_218 = tpu.memref_slice %arg11[%dma_wait3A_215, %dma_wait3A_216, %dma_wait3A_217] : memref<8x128x16xf32, #tpu.memory_space<vmem>> -> memref<1x128x16xf32, #tpu.memory_space<vmem>>
    %dma_wait3A_219 = tpu.memref_squeeze %dma_wait3A_218 : memref<1x128x16xf32, #tpu.memory_space<vmem>> -> memref<128x16xf32, #tpu.memory_space<vmem>>
    %dma_wait3A_220 = arith.constant 0 : i32
    %dma_wait3A_221 = arith.constant 0 : i32
    %dma_wait3A_222 = tpu.memref_slice %arg4[%arg0, %dma_wait3A_220, %dma_wait3A_221] : memref<2x100352x16xf32, #tpu.memory_space<hbm>> -> memref<1x100352x16xf32, #tpu.memory_space<hbm>>
    %dma_wait3A_223 = tpu.memref_squeeze %dma_wait3A_222 : memref<1x100352x16xf32, #tpu.memory_space<hbm>> -> memref<100352x16xf32, #tpu.memory_space<hbm>>
    %dma_wait3A_224 = arith.constant 896 : i32
    %dma_wait3A_225 = arith.constant 0 : i32
    %dma_wait3A_226 = tpu.memref_slice %dma_wait3A_223[%dma_wait3A_224, %dma_wait3A_225] : memref<100352x16xf32, #tpu.memory_space<hbm>> -> memref<128x16xf32, #tpu.memory_space<hbm>>
    %dma_wait3A_227 = arith.constant 0 : i32
    %dma_wait3A_228 = arith.constant 0 : i32
    %dma_wait3A_229 = tpu.memref_slice %arg11[%dma_wait3A_215, %dma_wait3A_227, %dma_wait3A_228] : memref<8x128x16xf32, #tpu.memory_space<vmem>> -> memref<1x128x16xf32, #tpu.memory_space<vmem>>
    %dma_wait3A_230 = tpu.memref_squeeze %dma_wait3A_229 : memref<1x128x16xf32, #tpu.memory_space<vmem>> -> memref<128x16xf32, #tpu.memory_space<vmem>>
    %dma_wait3A_231 = arith.constant 0 : i32
    %dma_wait3A_232 = arith.constant 0 : i32
    %dma_wait3A_233 = tpu.memref_slice %arg4[%arg0, %dma_wait3A_231, %dma_wait3A_232] : memref<2x100352x16xf32, #tpu.memory_space<hbm>> -> memref<1x100352x16xf32, #tpu.memory_space<hbm>>
    %dma_wait3A_234 = tpu.memref_squeeze %dma_wait3A_233 : memref<1x100352x16xf32, #tpu.memory_space<hbm>> -> memref<100352x16xf32, #tpu.memory_space<hbm>>
    %dma_wait3A_235 = arith.constant 896 : i32
    %dma_wait3A_236 = arith.constant 0 : i32
    %dma_wait3A_237 = tpu.memref_slice %dma_wait3A_234[%dma_wait3A_235, %dma_wait3A_236] : memref<100352x16xf32, #tpu.memory_space<hbm>> -> memref<128x16xf32, #tpu.memory_space<hbm>>
    tpu.wait_dma2 semaphore(%arg21 : memref<!tpu.dma_semaphore, #tpu.memory_space<semaphore_mem>>) src(%dma_wait3A_237 : memref<128x16xf32, #tpu.memory_space<hbm>>) dst(%dma_wait3A_230 : memref<128x16xf32, #tpu.memory_space<vmem>>)
    %dma_wait3A_238 = arith.constant 0 : i32
    %dma_wait3A_239 = tpu.memref_slice %arg6[%dma_wait3A_238] : memref<6272xf32, #tpu.memory_space<hbm>> -> memref<128xf32, #tpu.memory_space<hbm>>
    %dma_wait3A_240 = arith.constant 0 : i32
    %dma_wait3A_241 = tpu.memref_slice %arg6[%dma_wait3A_240] : memref<6272xf32, #tpu.memory_space<hbm>> -> memref<128xf32, #tpu.memory_space<hbm>>
    tpu.wait_dma2 semaphore(%arg24 : memref<!tpu.dma_semaphore, #tpu.memory_space<semaphore_mem>>) src(%dma_wait3A_241 : memref<128xf32, #tpu.memory_space<hbm>>) dst(%arg22 : memref<128xf32, #tpu.memory_space<vmem>>)
    %dma_wait3A_242 = arith.constant 0 : i32
    %dma_wait3A_243 = tpu.memref_slice %arg6[%dma_wait3A_242] : memref<6272xf32, #tpu.memory_space<hbm>> -> memref<128xf32, #tpu.memory_space<hbm>>
    %dma_wait3A_244 = arith.constant 0 : i32
    %dma_wait3A_245 = tpu.memref_slice %arg6[%dma_wait3A_244] : memref<6272xf32, #tpu.memory_space<hbm>> -> memref<128xf32, #tpu.memory_space<hbm>>
    tpu.wait_dma2 semaphore(%arg24 : memref<!tpu.dma_semaphore, #tpu.memory_space<semaphore_mem>>) src(%dma_wait3A_245 : memref<128xf32, #tpu.memory_space<hbm>>) dst(%arg22 : memref<128xf32, #tpu.memory_space<vmem>>)
    %dma_wait3A_246 = arith.constant 0 : i32
    %dma_wait3A_247 = tpu.memref_slice %arg6[%dma_wait3A_246] : memref<6272xf32, #tpu.memory_space<hbm>> -> memref<128xf32, #tpu.memory_space<hbm>>
    %dma_wait3A_248 = arith.constant 0 : i32
    %dma_wait3A_249 = tpu.memref_slice %arg6[%dma_wait3A_248] : memref<6272xf32, #tpu.memory_space<hbm>> -> memref<128xf32, #tpu.memory_space<hbm>>
    tpu.wait_dma2 semaphore(%arg24 : memref<!tpu.dma_semaphore, #tpu.memory_space<semaphore_mem>>) src(%dma_wait3A_249 : memref<128xf32, #tpu.memory_space<hbm>>) dst(%arg22 : memref<128xf32, #tpu.memory_space<vmem>>)
    %dma_wait3A_250 = arith.constant 0 : i32
    %dma_wait3A_251 = tpu.memref_slice %arg6[%dma_wait3A_250] : memref<6272xf32, #tpu.memory_space<hbm>> -> memref<128xf32, #tpu.memory_space<hbm>>
    %dma_wait3A_252 = arith.constant 0 : i32
    %dma_wait3A_253 = tpu.memref_slice %arg6[%dma_wait3A_252] : memref<6272xf32, #tpu.memory_space<hbm>> -> memref<128xf32, #tpu.memory_space<hbm>>
    tpu.wait_dma2 semaphore(%arg24 : memref<!tpu.dma_semaphore, #tpu.memory_space<semaphore_mem>>) src(%dma_wait3A_253 : memref<128xf32, #tpu.memory_space<hbm>>) dst(%arg22 : memref<128xf32, #tpu.memory_space<vmem>>)
    %barrier3A_254 = arith.constant 0 : index
    tpu.barrier barrier_id(%barrier3A_254)
    "tpu.region"() ({
      %run_scoped3A_255 = tpu.sem_alloc : memref<!tpu.dma_semaphore, #tpu.memory_space<semaphore_mem>>
      %dma_start3A = arith.constant 0 : i32
      %dma_start3A_256 = arith.constant 0 : i32
      %dma_start3A_257 = tpu.memref_slice %arg7[%arg0, %dma_start3A, %dma_start3A_256] : memref<2x100352x16xf32, #tpu.memory_space<hbm>> -> memref<1x100352x16xf32, #tpu.memory_space<hbm>>
      %dma_start3A_258 = tpu.memref_squeeze %dma_start3A_257 : memref<1x100352x16xf32, #tpu.memory_space<hbm>> -> memref<100352x16xf32, #tpu.memory_space<hbm>>
      %dma_start3A_259 = arith.constant 0 : i32
      %dma_start3A_260 = tpu.memref_slice %dma_start3A_258[%mul3A_0, %dma_start3A_259] : memref<100352x16xf32, #tpu.memory_space<hbm>> -> memref<6272x16xf32, #tpu.memory_space<hbm>>
      %dma_start3A_261 = arith.constant 0 : i32
      %dma_start3A_262 = tpu.memref_slice %arg12[%mul3A_0, %dma_start3A_261] : memref<100352x16xf32, #tpu.memory_space<vmem_shared>> -> memref<6272x16xf32, #tpu.memory_space<vmem_shared>>
      tpu.enqueue_dma source(%dma_start3A_262 : memref<6272x16xf32, #tpu.memory_space<vmem_shared>>) target(%dma_start3A_260 : memref<6272x16xf32, #tpu.memory_space<hbm>>) target_semaphore(%run_scoped3A_255 : memref<!tpu.dma_semaphore, #tpu.memory_space<semaphore_mem>>)
      %dma_wait3A_263 = arith.constant 0 : i32
      %dma_wait3A_264 = arith.constant 0 : i32
      %dma_wait3A_265 = tpu.memref_slice %arg7[%arg0, %dma_wait3A_263, %dma_wait3A_264] : memref<2x100352x16xf32, #tpu.memory_space<hbm>> -> memref<1x100352x16xf32, #tpu.memory_space<hbm>>
      %dma_wait3A_266 = tpu.memref_squeeze %dma_wait3A_265 : memref<1x100352x16xf32, #tpu.memory_space<hbm>> -> memref<100352x16xf32, #tpu.memory_space<hbm>>
      %dma_wait3A_267 = arith.constant 0 : i32
      %dma_wait3A_268 = tpu.memref_slice %dma_wait3A_266[%mul3A_0, %dma_wait3A_267] : memref<100352x16xf32, #tpu.memory_space<hbm>> -> memref<6272x16xf32, #tpu.memory_space<hbm>>
      %dma_wait3A_269 = arith.constant 0 : i32
      %dma_wait3A_270 = tpu.memref_slice %arg12[%mul3A_0, %dma_wait3A_269] : memref<100352x16xf32, #tpu.memory_space<vmem_shared>> -> memref<6272x16xf32, #tpu.memory_space<vmem_shared>>
      tpu.wait_dma2 semaphore(%run_scoped3A_255 : memref<!tpu.dma_semaphore, #tpu.memory_space<semaphore_mem>>) src(%dma_wait3A_270 : memref<6272x16xf32, #tpu.memory_space<vmem_shared>>) dst(%dma_wait3A_268 : memref<6272x16xf32, #tpu.memory_space<hbm>>)
      tpu.yield
    }) : () -> ()
    "tpu.region"() ({
      %run_scoped3A_255 = tpu.sem_alloc : memref<!tpu.dma_semaphore, #tpu.memory_space<semaphore_mem>>
      %dma_start3A = arith.constant 0 : i32
      %dma_start3A_256 = tpu.memref_slice %arg8[%arg0, %dma_start3A] : memref<2x100352xf32, #tpu.memory_space<hbm>> -> memref<1x100352xf32, #tpu.memory_space<hbm>>
      %dma_start3A_257 = tpu.memref_squeeze %dma_start3A_256 : memref<1x100352xf32, #tpu.memory_space<hbm>> -> memref<100352xf32, #tpu.memory_space<hbm>>
      %dma_start3A_258 = tpu.memref_slice %dma_start3A_257[%mul3A_0] : memref<100352xf32, #tpu.memory_space<hbm>> -> memref<6272xf32, #tpu.memory_space<hbm>>
      %dma_start3A_259 = tpu.memref_slice %arg23[%mul3A_0] : memref<100352xf32, #tpu.memory_space<vmem_shared>> -> memref<6272xf32, #tpu.memory_space<vmem_shared>>
      tpu.enqueue_dma source(%dma_start3A_259 : memref<6272xf32, #tpu.memory_space<vmem_shared>>) target(%dma_start3A_258 : memref<6272xf32, #tpu.memory_space<hbm>>) target_semaphore(%run_scoped3A_255 : memref<!tpu.dma_semaphore, #tpu.memory_space<semaphore_mem>>)
      %dma_wait3A_260 = arith.constant 0 : i32
      %dma_wait3A_261 = tpu.memref_slice %arg8[%arg0, %dma_wait3A_260] : memref<2x100352xf32, #tpu.memory_space<hbm>> -> memref<1x100352xf32, #tpu.memory_space<hbm>>
      %dma_wait3A_262 = tpu.memref_squeeze %dma_wait3A_261 : memref<1x100352xf32, #tpu.memory_space<hbm>> -> memref<100352xf32, #tpu.memory_space<hbm>>
      %dma_wait3A_263 = tpu.memref_slice %dma_wait3A_262[%mul3A_0] : memref<100352xf32, #tpu.memory_space<hbm>> -> memref<6272xf32, #tpu.memory_space<hbm>>
      %dma_wait3A_264 = tpu.memref_slice %arg23[%mul3A_0] : memref<100352xf32, #tpu.memory_space<vmem_shared>> -> memref<6272xf32, #tpu.memory_space<vmem_shared>>
      tpu.wait_dma2 semaphore(%run_scoped3A_255 : memref<!tpu.dma_semaphore, #tpu.memory_space<semaphore_mem>>) src(%dma_wait3A_264 : memref<6272xf32, #tpu.memory_space<vmem_shared>>) dst(%dma_wait3A_263 : memref<6272xf32, #tpu.memory_space<hbm>>)
      tpu.yield
    }) : () -> ()
    return
  }
}

module attributes {stable_mosaic.version = 14 : i64} {
  func.func @_prep_body(%arg0: i32, %arg1: memref<3584x2xi32, #tpu.memory_space<vmem>>, %arg2: memref<16x16xf32, #tpu.memory_space<vmem>>, %arg3: memref<16x16xf32, #tpu.memory_space<vmem>>, %arg4: memref<32x32xf32, #tpu.memory_space<vmem>>, %arg5: memref<32x32xf32, #tpu.memory_space<vmem>>, %arg6: memref<2x3584x16xf32, #tpu.memory_space<vmem>>, %arg7: memref<3584x32xf32, #tpu.memory_space<vmem>>) attributes {dimension_semantics = [#tpu.dimension_semantics<arbitrary>], iteration_bounds = array<i64: 28>, scalar_prefetch = 0 : i64, scratch_operands = 0 : i64, tpu.core_type = #tpu.core_type<tc>, window_params = [{transform_indices = @transform_0, window_bounds = array<i64: 3584, 2>}, {pipeline_mode = #tpu.pipeline_mode<synchronous>, transform_indices = @transform_1, window_bounds = array<i64: 16, 16>}, {pipeline_mode = #tpu.pipeline_mode<synchronous>, transform_indices = @transform_2, window_bounds = array<i64: 16, 16>}, {pipeline_mode = #tpu.pipeline_mode<synchronous>, transform_indices = @transform_3, window_bounds = array<i64: 32, 32>}, {pipeline_mode = #tpu.pipeline_mode<synchronous>, transform_indices = @transform_4, window_bounds = array<i64: 32, 32>}, {transform_indices = @transform_5, window_bounds = array<i64: 2, 3584, 16>}, {transform_indices = @transform_6, window_bounds = array<i64: 3584, 32>}]} {
    %get3A = arith.constant 0 : index
    %get3A_0 = arith.constant 0 : index
    %get3A_1 = vector.load %arg1[%get3A, %get3A_0] : memref<3584x2xi32, #tpu.memory_space<vmem>>, vector<3584x1xi32>
    %iota3A = tpu.iota {dimensions = array<i32: 1>} : vector<3584x16xi32>
    %eq3A = vector.broadcast %get3A_1 : vector<3584x1xi32> to vector<3584x16xi32>
    %eq3A_2 = arith.cmpi eq, %eq3A, %iota3A : vector<3584x16xi32>
    %convert_element_type3A = arith.extui %eq3A_2 : vector<3584x16xi1> to vector<3584x16xi32>
    %convert_element_type3A_3 = arith.sitofp %convert_element_type3A : vector<3584x16xi32> to vector<3584x16xf32>
    %get3A_4 = arith.constant 0 : index
    %get3A_5 = arith.constant 1 : index
    %get3A_6 = vector.load %arg1[%get3A_4, %get3A_5] : memref<3584x2xi32, #tpu.memory_space<vmem>>, vector<3584x1xi32>
    %iota3A_7 = tpu.iota {dimensions = array<i32: 1>} : vector<3584x16xi32>
    %eq3A_8 = vector.broadcast %get3A_6 : vector<3584x1xi32> to vector<3584x16xi32>
    %eq3A_9 = arith.cmpi eq, %eq3A_8, %iota3A_7 : vector<3584x16xi32>
    %convert_element_type3A_10 = arith.extui %eq3A_9 : vector<3584x16xi1> to vector<3584x16xi32>
    %convert_element_type3A_11 = arith.sitofp %convert_element_type3A_10 : vector<3584x16xi32> to vector<3584x16xf32>
    %get3A_12 = arith.constant 0 : index
    %get3A_13 = arith.constant 0 : index
    %get3A_14 = vector.load %arg2[%get3A_12, %get3A_13] : memref<16x16xf32, #tpu.memory_space<vmem>>, vector<16x16xf32>
    %dot_general3A = arith.constant dense<0.000000e+00> : vector<3584x16xf32>
    %dot_general3A_15 = tpu.matmul %convert_element_type3A_3, %get3A_14, %dot_general3A {dimension_numbers = #tpu.dot_dimension_numbers<[1], [0], [0], [1], [0, 0, 1, 1], [], []>, transpose_lhs_hint = false} : vector<3584x16xf32>, vector<16x16xf32>, vector<3584x16xf32> -> vector<3584x16xf32>
    %get3A_16 = arith.constant 0 : index
    %get3A_17 = arith.constant 0 : index
    %get3A_18 = vector.load %arg3[%get3A_16, %get3A_17] : memref<16x16xf32, #tpu.memory_space<vmem>>, vector<16x16xf32>
    %dot_general3A_19 = arith.constant dense<0.000000e+00> : vector<3584x16xf32>
    %dot_general3A_20 = tpu.matmul %convert_element_type3A_11, %get3A_18, %dot_general3A_19 {dimension_numbers = #tpu.dot_dimension_numbers<[1], [0], [0], [1], [0, 0, 1, 1], [], []>, transpose_lhs_hint = false} : vector<3584x16xf32>, vector<16x16xf32>, vector<3584x16xf32> -> vector<3584x16xf32>
    %concatenate3A = tpu.concatenate %dot_general3A_15, %dot_general3A_20 in 1 : vector<3584x16xf32>, vector<3584x16xf32> -> vector<3584x32xf32>
    %get3A_21 = arith.constant 0 : index
    %get3A_22 = arith.constant 0 : index
    %get3A_23 = vector.load %arg4[%get3A_21, %get3A_22] : memref<32x32xf32, #tpu.memory_space<vmem>>, vector<32x32xf32>
    %dot_general3A_24 = arith.constant dense<0.000000e+00> : vector<3584x32xf32>
    %dot_general3A_25 = tpu.matmul %concatenate3A, %get3A_23, %dot_general3A_24 {dimension_numbers = #tpu.dot_dimension_numbers<[1], [1], [0], [0], [0, 0, 1, 0], [], []>, transpose_lhs_hint = false} : vector<3584x32xf32>, vector<32x32xf32>, vector<3584x32xf32> -> vector<3584x32xf32>
    %slice3A = vector.extract_strided_slice %dot_general3A_25 {offsets = [0, 0], sizes = [3584, 16], strides = [1, 1]} : vector<3584x32xf32> to vector<3584x16xf32>
    %swap3A = arith.constant 0 : index
    %swap3A_26 = arith.constant 0 : index
    %swap3A_27 = arith.constant 0 : index
    %swap3A_28 = vector.load %arg6[%swap3A, %swap3A_26, %swap3A_27] : memref<2x3584x16xf32, #tpu.memory_space<vmem>>, vector<1x3584x16xf32>
    %swap3A_29 = vector.shape_cast %swap3A_28 : vector<1x3584x16xf32> to vector<3584x16xf32>
    %swap3A_30 = vector.shape_cast %slice3A : vector<3584x16xf32> to vector<1x3584x16xf32>
    tpu.vector_store %arg6[%swap3A, %swap3A_26, %swap3A_27], %swap3A_30 {strides = array<i32>} : memref<2x3584x16xf32, #tpu.memory_space<vmem>>, vector<1x3584x16xf32>,
    %slice3A_31 = vector.extract_strided_slice %dot_general3A_25 {offsets = [0, 16], sizes = [3584, 16], strides = [1, 1]} : vector<3584x32xf32> to vector<3584x16xf32>
    %swap3A_32 = arith.constant 1 : index
    %swap3A_33 = arith.constant 0 : index
    %swap3A_34 = arith.constant 0 : index
    %swap3A_35 = vector.load %arg6[%swap3A_32, %swap3A_33, %swap3A_34] : memref<2x3584x16xf32, #tpu.memory_space<vmem>>, vector<1x3584x16xf32>
    %swap3A_36 = vector.shape_cast %swap3A_35 : vector<1x3584x16xf32> to vector<3584x16xf32>
    %swap3A_37 = vector.shape_cast %slice3A_31 : vector<3584x16xf32> to vector<1x3584x16xf32>
    tpu.vector_store %arg6[%swap3A_32, %swap3A_33, %swap3A_34], %swap3A_37 {strides = array<i32>} : memref<2x3584x16xf32, #tpu.memory_space<vmem>>, vector<1x3584x16xf32>,
    %get3A_38 = arith.constant 0 : index
    %get3A_39 = arith.constant 0 : index
    %get3A_40 = vector.load %arg5[%get3A_38, %get3A_39] : memref<32x32xf32, #tpu.memory_space<vmem>>, vector<32x32xf32>
    %dot_general3A_41 = arith.constant dense<0.000000e+00> : vector<3584x32xf32>
    %dot_general3A_42 = tpu.matmul %concatenate3A, %get3A_40, %dot_general3A_41 {dimension_numbers = #tpu.dot_dimension_numbers<[1], [1], [0], [0], [0, 0, 1, 0], [], []>, transpose_lhs_hint = false} : vector<3584x32xf32>, vector<32x32xf32>, vector<3584x32xf32> -> vector<3584x32xf32>
    %swap3A_43 = arith.constant 0 : index
    %swap3A_44 = arith.constant 0 : index
    %swap3A_45 = vector.load %arg7[%swap3A_43, %swap3A_44] : memref<3584x32xf32, #tpu.memory_space<vmem>>, vector<3584x32xf32>
    tpu.vector_store %arg7[%swap3A_43, %swap3A_44], %dot_general3A_42 {strides = array<i32>} : memref<3584x32xf32, #tpu.memory_space<vmem>>, vector<3584x32xf32>,
    return
  }
  func.func @transform_0(%arg0: i32) -> (i32, i32) {
    %c0_i32 = arith.constant 0 : i32
    %c0_i32_0 = arith.constant 0 : i32
    return %arg0, %c0_i32 : i32, i32
  }
  func.func @transform_1(%arg0: i32) -> (i32, i32) {
    %c0_i32 = arith.constant 0 : i32
    %c0_i32_0 = arith.constant 0 : i32
    %c0_i32_1 = arith.constant 0 : i32
    return %c0_i32, %c0_i32_0 : i32, i32
  }
  func.func @transform_2(%arg0: i32) -> (i32, i32) {
    %c0_i32 = arith.constant 0 : i32
    %c0_i32_0 = arith.constant 0 : i32
    %c0_i32_1 = arith.constant 0 : i32
    return %c0_i32, %c0_i32_0 : i32, i32
  }
  func.func @transform_3(%arg0: i32) -> (i32, i32) {
    %c0_i32 = arith.constant 0 : i32
    %c0_i32_0 = arith.constant 0 : i32
    %c0_i32_1 = arith.constant 0 : i32
    return %c0_i32, %c0_i32_0 : i32, i32
  }
  func.func @transform_4(%arg0: i32) -> (i32, i32) {
    %c0_i32 = arith.constant 0 : i32
    %c0_i32_0 = arith.constant 0 : i32
    %c0_i32_1 = arith.constant 0 : i32
    return %c0_i32, %c0_i32_0 : i32, i32
  }
  func.func @transform_5(%arg0: i32) -> (i32, i32, i32) {
    %c0_i32 = arith.constant 0 : i32
    %c0_i32_0 = arith.constant 0 : i32
    %c0_i32_1 = arith.constant 0 : i32
    return %c0_i32, %arg0, %c0_i32_0 : i32, i32, i32
  }
  func.func @transform_6(%arg0: i32) -> (i32, i32) {
    %c0_i32 = arith.constant 0 : i32
    %c0_i32_0 = arith.constant 0 : i32
    return %arg0, %c0_i32 : i32, i32
  }
}

module attributes {stable_mosaic.version = 14 : i64} {
  func.func @_mid_body(%arg0: i32, %arg1: memref<1x3584x16xf32, #tpu.memory_space<vmem>>, %arg2: memref<1x3584x16xf32, #tpu.memory_space<vmem>>, %arg3: memref<3584x2xf32, #tpu.memory_space<vmem>>, %arg4: memref<3584x32xf32, #tpu.memory_space<vmem>>, %arg5: memref<1x32xf32, #tpu.memory_space<vmem>>, %arg6: memref<32x32xf32, #tpu.memory_space<vmem>>, %arg7: memref<32x32xf32, #tpu.memory_space<vmem>>, %arg8: memref<2x3584x16xf32, #tpu.memory_space<vmem>>, %arg9: memref<3584x32xf32, #tpu.memory_space<vmem>>, %arg10: memref<3584x1xf32, #tpu.memory_space<vmem>>) attributes {dimension_semantics = [#tpu.dimension_semantics<arbitrary>], iteration_bounds = array<i64: 28>, scalar_prefetch = 0 : i64, scratch_operands = 0 : i64, tpu.core_type = #tpu.core_type<tc>, window_params = [{transform_indices = @transform_0, window_bounds = array<i64: 1, 3584, 16>}, {transform_indices = @transform_1, window_bounds = array<i64: 1, 3584, 16>}, {transform_indices = @transform_2, window_bounds = array<i64: 3584, 2>}, {transform_indices = @transform_3, window_bounds = array<i64: 3584, 32>}, {pipeline_mode = #tpu.pipeline_mode<synchronous>, transform_indices = @transform_4, window_bounds = array<i64: 1, 32>}, {pipeline_mode = #tpu.pipeline_mode<synchronous>, transform_indices = @transform_5, window_bounds = array<i64: 32, 32>}, {pipeline_mode = #tpu.pipeline_mode<synchronous>, transform_indices = @transform_6, window_bounds = array<i64: 32, 32>}, {transform_indices = @transform_7, window_bounds = array<i64: 2, 3584, 16>}, {transform_indices = @transform_8, window_bounds = array<i64: 3584, 32>}, {transform_indices = @transform_9, window_bounds = array<i64: 3584, 1>}]} {
    %get3A = arith.constant 0 : index
    %get3A_0 = arith.constant 0 : index
    %get3A_1 = vector.load %arg3[%get3A, %get3A_0] : memref<3584x2xf32, #tpu.memory_space<vmem>>, vector<3584x1xf32>
    %get3A_2 = arith.constant 0 : index
    %get3A_3 = arith.constant 1 : index
    %get3A_4 = vector.load %arg3[%get3A_2, %get3A_3] : memref<3584x2xf32, #tpu.memory_space<vmem>>, vector<3584x1xf32>
    %add3A = arith.addf %get3A_1, %get3A_4 : vector<3584x1xf32>
    %max3A = arith.constant 1.000000e+00 : f32
    %max3A_5 = vector.broadcast %max3A : f32 to vector<3584x1xf32>
    %max3A_6 = arith.maximumf %add3A, %max3A_5 : vector<3584x1xf32>
    %div3A = arith.constant 1.000000e+00 : f32
    %div3A_7 = vector.broadcast %div3A : f32 to vector<3584x1xf32>
    %div3A_8 = arith.divf %div3A_7, %max3A_6 : vector<3584x1xf32>
    %get3A_9 = arith.constant 0 : index
    %get3A_10 = arith.constant 0 : index
    %get3A_11 = arith.constant 0 : index
    %get3A_12 = vector.load %arg1[%get3A_9, %get3A_10, %get3A_11] : memref<1x3584x16xf32, #tpu.memory_space<vmem>>, vector<1x3584x16xf32>
    %get3A_13 = vector.shape_cast %get3A_12 : vector<1x3584x16xf32> to vector<3584x16xf32>
    %get3A_14 = arith.constant 0 : index
    %get3A_15 = arith.constant 0 : index
    %get3A_16 = arith.constant 0 : index
    %get3A_17 = vector.load %arg2[%get3A_14, %get3A_15, %get3A_16] : memref<1x3584x16xf32, #tpu.memory_space<vmem>>, vector<1x3584x16xf32>
    %get3A_18 = vector.shape_cast %get3A_17 : vector<1x3584x16xf32> to vector<3584x16xf32>
    %concatenate3A = tpu.concatenate %get3A_13, %get3A_18 in 1 : vector<3584x16xf32>, vector<3584x16xf32> -> vector<3584x32xf32>
    %mul3A = vector.broadcast %div3A_8 : vector<3584x1xf32> to vector<3584x32xf32>
    %mul3A_19 = arith.mulf %concatenate3A, %mul3A : vector<3584x32xf32>
    %get3A_20 = arith.constant 0 : index
    %get3A_21 = arith.constant 0 : index
    %get3A_22 = vector.load %arg5[%get3A_20, %get3A_21] : memref<1x32xf32, #tpu.memory_space<vmem>>, vector<1x32xf32>
    %add3A_23 = vector.broadcast %get3A_22 : vector<1x32xf32> to vector<3584x32xf32>
    %add3A_24 = arith.addf %mul3A_19, %add3A_23 : vector<3584x32xf32>
    %get3A_25 = arith.constant 0 : index
    %get3A_26 = arith.constant 0 : index
    %get3A_27 = vector.load %arg4[%get3A_25, %get3A_26] : memref<3584x32xf32, #tpu.memory_space<vmem>>, vector<3584x32xf32>
    %add3A_28 = arith.addf %add3A_24, %get3A_27 : vector<3584x32xf32>
    %max3A_29 = arith.constant 0.000000e+00 : f32
    %max3A_30 = vector.broadcast %max3A_29 : f32 to vector<3584x32xf32>
    %max3A_31 = arith.maximumf %add3A_28, %max3A_30 : vector<3584x32xf32>
    %get3A_32 = arith.constant 0 : index
    %get3A_33 = arith.constant 0 : index
    %get3A_34 = vector.load %arg6[%get3A_32, %get3A_33] : memref<32x32xf32, #tpu.memory_space<vmem>>, vector<32x32xf32>
    %dot_general3A = arith.constant dense<0.000000e+00> : vector<3584x32xf32>
    %dot_general3A_35 = tpu.matmul %max3A_31, %get3A_34, %dot_general3A {dimension_numbers = #tpu.dot_dimension_numbers<[1], [1], [0], [0], [0, 0, 1, 0], [], []>, transpose_lhs_hint = false} : vector<3584x32xf32>, vector<32x32xf32>, vector<3584x32xf32> -> vector<3584x32xf32>
    %slice3A = vector.extract_strided_slice %dot_general3A_35 {offsets = [0, 0], sizes = [3584, 16], strides = [1, 1]} : vector<3584x32xf32> to vector<3584x16xf32>
    %swap3A = arith.constant 0 : index
    %swap3A_36 = arith.constant 0 : index
    %swap3A_37 = arith.constant 0 : index
    %swap3A_38 = vector.load %arg8[%swap3A, %swap3A_36, %swap3A_37] : memref<2x3584x16xf32, #tpu.memory_space<vmem>>, vector<1x3584x16xf32>
    %swap3A_39 = vector.shape_cast %swap3A_38 : vector<1x3584x16xf32> to vector<3584x16xf32>
    %swap3A_40 = vector.shape_cast %slice3A : vector<3584x16xf32> to vector<1x3584x16xf32>
    tpu.vector_store %arg8[%swap3A, %swap3A_36, %swap3A_37], %swap3A_40 {strides = array<i32>} : memref<2x3584x16xf32, #tpu.memory_space<vmem>>, vector<1x3584x16xf32>,
    %slice3A_41 = vector.extract_strided_slice %dot_general3A_35 {offsets = [0, 16], sizes = [3584, 16], strides = [1, 1]} : vector<3584x32xf32> to vector<3584x16xf32>
    %swap3A_42 = arith.constant 1 : index
    %swap3A_43 = arith.constant 0 : index
    %swap3A_44 = arith.constant 0 : index
    %swap3A_45 = vector.load %arg8[%swap3A_42, %swap3A_43, %swap3A_44] : memref<2x3584x16xf32, #tpu.memory_space<vmem>>, vector<1x3584x16xf32>
    %swap3A_46 = vector.shape_cast %swap3A_45 : vector<1x3584x16xf32> to vector<3584x16xf32>
    %swap3A_47 = vector.shape_cast %slice3A_41 : vector<3584x16xf32> to vector<1x3584x16xf32>
    tpu.vector_store %arg8[%swap3A_42, %swap3A_43, %swap3A_44], %swap3A_47 {strides = array<i32>} : memref<2x3584x16xf32, #tpu.memory_space<vmem>>, vector<1x3584x16xf32>,
    %get3A_48 = arith.constant 0 : index
    %get3A_49 = arith.constant 0 : index
    %get3A_50 = vector.load %arg7[%get3A_48, %get3A_49] : memref<32x32xf32, #tpu.memory_space<vmem>>, vector<32x32xf32>
    %dot_general3A_51 = arith.constant dense<0.000000e+00> : vector<3584x32xf32>
    %dot_general3A_52 = tpu.matmul %max3A_31, %get3A_50, %dot_general3A_51 {dimension_numbers = #tpu.dot_dimension_numbers<[1], [1], [0], [0], [0, 0, 1, 0], [], []>, transpose_lhs_hint = false} : vector<3584x32xf32>, vector<32x32xf32>, vector<3584x32xf32> -> vector<3584x32xf32>
    %swap3A_53 = arith.constant 0 : index
    %swap3A_54 = arith.constant 0 : index
    %swap3A_55 = vector.load %arg9[%swap3A_53, %swap3A_54] : memref<3584x32xf32, #tpu.memory_space<vmem>>, vector<3584x32xf32>
    tpu.vector_store %arg9[%swap3A_53, %swap3A_54], %dot_general3A_52 {strides = array<i32>} : memref<3584x32xf32, #tpu.memory_space<vmem>>, vector<3584x32xf32>,
    %swap3A_56 = arith.constant 0 : index
    %swap3A_57 = arith.constant 0 : index
    %swap3A_58 = vector.load %arg10[%swap3A_56, %swap3A_57] : memref<3584x1xf32, #tpu.memory_space<vmem>>, vector<3584x1xf32>
    tpu.vector_store %arg10[%swap3A_56, %swap3A_57], %div3A_8 {strides = array<i32>} : memref<3584x1xf32, #tpu.memory_space<vmem>>, vector<3584x1xf32>,
    return
  }
  func.func @transform_0(%arg0: i32) -> (i32, i32, i32) {
    %c0_i32 = arith.constant 0 : i32
    %c0_i32_0 = arith.constant 0 : i32
    %c0_i32_1 = arith.constant 0 : i32
    return %c0_i32, %arg0, %c0_i32_0 : i32, i32, i32
  }
  func.func @transform_1(%arg0: i32) -> (i32, i32, i32) {
    %c1_i32 = arith.constant 1 : i32
    %c0_i32 = arith.constant 0 : i32
    %c0_i32_0 = arith.constant 0 : i32
    return %c1_i32, %arg0, %c0_i32 : i32, i32, i32
  }
  func.func @transform_2(%arg0: i32) -> (i32, i32) {
    %c0_i32 = arith.constant 0 : i32
    %c0_i32_0 = arith.constant 0 : i32
    return %arg0, %c0_i32 : i32, i32
  }
  func.func @transform_3(%arg0: i32) -> (i32, i32) {
    %c0_i32 = arith.constant 0 : i32
    %c0_i32_0 = arith.constant 0 : i32
    return %arg0, %c0_i32 : i32, i32
  }
  func.func @transform_4(%arg0: i32) -> (i32, i32) {
    %c0_i32 = arith.constant 0 : i32
    %c0_i32_0 = arith.constant 0 : i32
    %c0_i32_1 = arith.constant 0 : i32
    return %c0_i32, %c0_i32_0 : i32, i32
  }
  func.func @transform_5(%arg0: i32) -> (i32, i32) {
    %c0_i32 = arith.constant 0 : i32
    %c0_i32_0 = arith.constant 0 : i32
    %c0_i32_1 = arith.constant 0 : i32
    return %c0_i32, %c0_i32_0 : i32, i32
  }
  func.func @transform_6(%arg0: i32) -> (i32, i32) {
    %c0_i32 = arith.constant 0 : i32
    %c0_i32_0 = arith.constant 0 : i32
    %c0_i32_1 = arith.constant 0 : i32
    return %c0_i32, %c0_i32_0 : i32, i32
  }
  func.func @transform_7(%arg0: i32) -> (i32, i32, i32) {
    %c0_i32 = arith.constant 0 : i32
    %c0_i32_0 = arith.constant 0 : i32
    %c0_i32_1 = arith.constant 0 : i32
    return %c0_i32, %arg0, %c0_i32_0 : i32, i32, i32
  }
  func.func @transform_8(%arg0: i32) -> (i32, i32) {
    %c0_i32 = arith.constant 0 : i32
    %c0_i32_0 = arith.constant 0 : i32
    return %arg0, %c0_i32 : i32, i32
  }
  func.func @transform_9(%arg0: i32) -> (i32, i32) {
    %c0_i32 = arith.constant 0 : i32
    %c0_i32_0 = arith.constant 0 : i32
    return %arg0, %c0_i32 : i32, i32
  }
}

module attributes {stable_mosaic.version = 14 : i64} {
  func.func @_final_body(%arg0: i32, %arg1: memref<1x3584x16xf32, #tpu.memory_space<vmem>>, %arg2: memref<1x3584x16xf32, #tpu.memory_space<vmem>>, %arg3: memref<3584x1xf32, #tpu.memory_space<vmem>>, %arg4: memref<3584x32xf32, #tpu.memory_space<vmem>>, %arg5: memref<1x32xf32, #tpu.memory_space<vmem>>, %arg6: memref<3584x1xi32, #tpu.memory_space<vmem>>, %arg7: memref<8x32xf32, #tpu.memory_space<vmem>>, %arg8: memref<1x8xf32, #tpu.memory_space<vmem>>, %arg9: memref<128x8xf32, #tpu.memory_space<vmem>>, %arg10: memref<128x33xf32, #tpu.memory_space<vmem>>) attributes {dimension_semantics = [#tpu.dimension_semantics<arbitrary>], iteration_bounds = array<i64: 28>, scalar_prefetch = 0 : i64, scratch_operands = 1 : i64, tpu.core_type = #tpu.core_type<tc>, window_params = [{transform_indices = @transform_0, window_bounds = array<i64: 1, 3584, 16>}, {transform_indices = @transform_1, window_bounds = array<i64: 1, 3584, 16>}, {transform_indices = @transform_2, window_bounds = array<i64: 3584, 1>}, {transform_indices = @transform_3, window_bounds = array<i64: 3584, 32>}, {pipeline_mode = #tpu.pipeline_mode<synchronous>, transform_indices = @transform_4, window_bounds = array<i64: 1, 32>}, {transform_indices = @transform_5, window_bounds = array<i64: 3584, 1>}, {pipeline_mode = #tpu.pipeline_mode<synchronous>, transform_indices = @transform_6, window_bounds = array<i64: 8, 32>}, {pipeline_mode = #tpu.pipeline_mode<synchronous>, transform_indices = @transform_7, window_bounds = array<i64: 1, 8>}, {pipeline_mode = #tpu.pipeline_mode<synchronous>, transform_indices = @transform_8, window_bounds = array<i64: 128, 8>}]} {
    %eq3A = arith.constant 0 : i32
    %eq3A_0 = arith.cmpi eq, %arg0, %eq3A : i32
    %convert_element_type3A = arith.extui %eq3A_0 : i1 to i32
    %cond3A = arith.constant 0 : i32
    %cond3A_1 = arith.cmpi ne, %convert_element_type3A, %cond3A : i32
    scf.if %cond3A_1 {
      %broadcast_in_dim3A_46 = arith.constant 0.000000e+00 : f32
      %broadcast_in_dim3A_47 = vector.broadcast %broadcast_in_dim3A_46 : f32 to vector<128x33xf32>
      %swap3A_48 = arith.constant 0 : index
      %swap3A_49 = arith.constant 0 : index
      %swap3A_50 = vector.load %arg10[%swap3A_48, %swap3A_49] : memref<128x33xf32, #tpu.memory_space<vmem>>, vector<128x33xf32>
      tpu.vector_store %arg10[%swap3A_48, %swap3A_49], %broadcast_in_dim3A_47 {strides = array<i32>} : memref<128x33xf32, #tpu.memory_space<vmem>>, vector<128x33xf32>,
    } else {
    }
    %get3A = arith.constant 0 : index
    %get3A_2 = arith.constant 0 : index
    %get3A_3 = arith.constant 0 : index
    %get3A_4 = vector.load %arg1[%get3A, %get3A_2, %get3A_3] : memref<1x3584x16xf32, #tpu.memory_space<vmem>>, vector<1x3584x16xf32>
    %get3A_5 = vector.shape_cast %get3A_4 : vector<1x3584x16xf32> to vector<3584x16xf32>
    %get3A_6 = arith.constant 0 : index
    %get3A_7 = arith.constant 0 : index
    %get3A_8 = arith.constant 0 : index
    %get3A_9 = vector.load %arg2[%get3A_6, %get3A_7, %get3A_8] : memref<1x3584x16xf32, #tpu.memory_space<vmem>>, vector<1x3584x16xf32>
    %get3A_10 = vector.shape_cast %get3A_9 : vector<1x3584x16xf32> to vector<3584x16xf32>
    %concatenate3A = tpu.concatenate %get3A_5, %get3A_10 in 1 : vector<3584x16xf32>, vector<3584x16xf32> -> vector<3584x32xf32>
    %get3A_11 = arith.constant 0 : index
    %get3A_12 = arith.constant 0 : index
    %get3A_13 = vector.load %arg3[%get3A_11, %get3A_12] : memref<3584x1xf32, #tpu.memory_space<vmem>>, vector<3584x1xf32>
    %mul3A = vector.broadcast %get3A_13 : vector<3584x1xf32> to vector<3584x32xf32>
    %mul3A_14 = arith.mulf %concatenate3A, %mul3A : vector<3584x32xf32>
    %get3A_15 = arith.constant 0 : index
    %get3A_16 = arith.constant 0 : index
    %get3A_17 = vector.load %arg5[%get3A_15, %get3A_16] : memref<1x32xf32, #tpu.memory_space<vmem>>, vector<1x32xf32>
    %add3A = vector.broadcast %get3A_17 : vector<1x32xf32> to vector<3584x32xf32>
    %add3A_18 = arith.addf %mul3A_14, %add3A : vector<3584x32xf32>
    %get3A_19 = arith.constant 0 : index
    %get3A_20 = arith.constant 0 : index
    %get3A_21 = vector.load %arg4[%get3A_19, %get3A_20] : memref<3584x32xf32, #tpu.memory_space<vmem>>, vector<3584x32xf32>
    %add3A_22 = arith.addf %add3A_18, %get3A_21 : vector<3584x32xf32>
    %max3A = arith.constant 0.000000e+00 : f32
    %max3A_23 = vector.broadcast %max3A : f32 to vector<3584x32xf32>
    %max3A_24 = arith.maximumf %add3A_22, %max3A_23 : vector<3584x32xf32>
    %broadcast_in_dim3A = arith.constant 1.000000e+00 : f32
    %broadcast_in_dim3A_25 = vector.broadcast %broadcast_in_dim3A : f32 to vector<3584x1xf32>
    %concatenate3A_26 = tpu.concatenate %max3A_24, %broadcast_in_dim3A_25 in 1 : vector<3584x32xf32>, vector<3584x1xf32> -> vector<3584x33xf32>
    %get3A_27 = arith.constant 0 : index
    %get3A_28 = arith.constant 0 : index
    %get3A_29 = vector.load %arg6[%get3A_27, %get3A_28] : memref<3584x1xi32, #tpu.memory_space<vmem>>, vector<3584x1xi32>
    %iota3A = tpu.iota {dimensions = array<i32: 1>} : vector<3584x128xi32>
    %eq3A_30 = vector.broadcast %get3A_29 : vector<3584x1xi32> to vector<3584x128xi32>
    %eq3A_31 = arith.cmpi eq, %eq3A_30, %iota3A : vector<3584x128xi32>
    %convert_element_type3A_32 = arith.extui %eq3A_31 : vector<3584x128xi1> to vector<3584x128xi32>
    %convert_element_type3A_33 = arith.sitofp %convert_element_type3A_32 : vector<3584x128xi32> to vector<3584x128xf32>
    %get3A_34 = arith.constant 0 : index
    %get3A_35 = arith.constant 0 : index
    %get3A_36 = vector.load %arg10[%get3A_34, %get3A_35] : memref<128x33xf32, #tpu.memory_space<vmem>>, vector<128x33xf32>
    %dot_general3A = arith.constant dense<0.000000e+00> : vector<128x33xf32>
    %dot_general3A_37 = tpu.matmul %convert_element_type3A_33, %concatenate3A_26, %dot_general3A {dimension_numbers = #tpu.dot_dimension_numbers<[0], [0], [1], [1], [0, 1, 1, 1], [], []>, transpose_lhs_hint = false} : vector<3584x128xf32>, vector<3584x33xf32>, vector<128x33xf32> -> vector<128x33xf32>
    %add3A_38 = arith.addf %get3A_36, %dot_general3A_37 : vector<128x33xf32>
    %swap3A = arith.constant 0 : index
    %swap3A_39 = arith.constant 0 : index
    %swap3A_40 = vector.load %arg10[%swap3A, %swap3A_39] : memref<128x33xf32, #tpu.memory_space<vmem>>, vector<128x33xf32>
    tpu.vector_store %arg10[%swap3A, %swap3A_39], %add3A_38 {strides = array<i32>} : memref<128x33xf32, #tpu.memory_space<vmem>>, vector<128x33xf32>,
    %eq3A_41 = arith.constant 27 : i32
    %eq3A_42 = arith.cmpi eq, %arg0, %eq3A_41 : i32
    %convert_element_type3A_43 = arith.extui %eq3A_42 : i1 to i32
    %cond3A_44 = arith.constant 0 : i32
    %cond3A_45 = arith.cmpi ne, %convert_element_type3A_43, %cond3A_44 : i32
    scf.if %cond3A_45 {
      %get3A_46 = arith.constant 0 : index
      %get3A_47 = arith.constant 0 : index
      %get3A_48 = vector.load %arg10[%get3A_46, %get3A_47] : memref<128x33xf32, #tpu.memory_space<vmem>>, vector<128x32xf32>
      %get3A_49 = arith.constant 0 : index
      %get3A_50 = arith.constant 32 : index
      %get3A_51 = vector.load %arg10[%get3A_49, %get3A_50] : memref<128x33xf32, #tpu.memory_space<vmem>>, vector<128x1xf32>
      %max3A_52 = arith.constant 1.000000e+00 : f32
      %max3A_53 = vector.broadcast %max3A_52 : f32 to vector<128x1xf32>
      %max3A_54 = arith.maximumf %get3A_51, %max3A_53 : vector<128x1xf32>
      %div3A = vector.broadcast %max3A_54 : vector<128x1xf32> to vector<128x32xf32>
      %div3A_55 = arith.divf %get3A_48, %div3A : vector<128x32xf32>
      %get3A_56 = arith.constant 0 : index
      %get3A_57 = arith.constant 0 : index
      %get3A_58 = vector.load %arg7[%get3A_56, %get3A_57] : memref<8x32xf32, #tpu.memory_space<vmem>>, vector<8x32xf32>
      %dot_general3A_59 = arith.constant dense<0.000000e+00> : vector<128x8xf32>
      %dot_general3A_60 = tpu.matmul %div3A_55, %get3A_58, %dot_general3A_59 {dimension_numbers = #tpu.dot_dimension_numbers<[1], [1], [0], [0], [0, 0, 1, 0], [], []>, transpose_lhs_hint = false} : vector<128x32xf32>, vector<8x32xf32>, vector<128x8xf32> -> vector<128x8xf32>
      %get3A_61 = arith.constant 0 : index
      %get3A_62 = arith.constant 0 : index
      %get3A_63 = vector.load %arg8[%get3A_61, %get3A_62] : memref<1x8xf32, #tpu.memory_space<vmem>>, vector<1x8xf32>
      %add3A_64 = vector.broadcast %get3A_63 : vector<1x8xf32> to vector<128x8xf32>
      %add3A_65 = arith.addf %dot_general3A_60, %add3A_64 : vector<128x8xf32>
      %swap3A_66 = arith.constant 0 : index
      %swap3A_67 = arith.constant 0 : index
      %swap3A_68 = vector.load %arg9[%swap3A_66, %swap3A_67] : memref<128x8xf32, #tpu.memory_space<vmem>>, vector<128x8xf32>
      tpu.vector_store %arg9[%swap3A_66, %swap3A_67], %add3A_65 {strides = array<i32>} : memref<128x8xf32, #tpu.memory_space<vmem>>, vector<128x8xf32>,
    } else {
    }
    return
  }
  func.func @transform_0(%arg0: i32) -> (i32, i32, i32) {
    %c0_i32 = arith.constant 0 : i32
    %c0_i32_0 = arith.constant 0 : i32
    %c0_i32_1 = arith.constant 0 : i32
    return %c0_i32, %arg0, %c0_i32_0 : i32, i32, i32
  }
  func.func @transform_1(%arg0: i32) -> (i32, i32, i32) {
    %c1_i32 = arith.constant 1 : i32
    %c0_i32 = arith.constant 0 : i32
    %c0_i32_0 = arith.constant 0 : i32
    return %c1_i32, %arg0, %c0_i32 : i32, i32, i32
  }
  func.func @transform_2(%arg0: i32) -> (i32, i32) {
    %c0_i32 = arith.constant 0 : i32
    %c0_i32_0 = arith.constant 0 : i32
    return %arg0, %c0_i32 : i32, i32
  }
  func.func @transform_3(%arg0: i32) -> (i32, i32) {
    %c0_i32 = arith.constant 0 : i32
    %c0_i32_0 = arith.constant 0 : i32
    return %arg0, %c0_i32 : i32, i32
  }
  func.func @transform_4(%arg0: i32) -> (i32, i32) {
    %c0_i32 = arith.constant 0 : i32
    %c0_i32_0 = arith.constant 0 : i32
    %c0_i32_1 = arith.constant 0 : i32
    return %c0_i32, %c0_i32_0 : i32, i32
  }
  func.func @transform_5(%arg0: i32) -> (i32, i32) {
    %c0_i32 = arith.constant 0 : i32
    %c0_i32_0 = arith.constant 0 : i32
    return %arg0, %c0_i32 : i32, i32
  }
  func.func @transform_6(%arg0: i32) -> (i32, i32) {
    %c0_i32 = arith.constant 0 : i32
    %c0_i32_0 = arith.constant 0 : i32
    %c0_i32_1 = arith.constant 0 : i32
    return %c0_i32, %c0_i32_0 : i32, i32
  }
  func.func @transform_7(%arg0: i32) -> (i32, i32) {
    %c0_i32 = arith.constant 0 : i32
    %c0_i32_0 = arith.constant 0 : i32
    %c0_i32_1 = arith.constant 0 : i32
    return %c0_i32, %c0_i32_0 : i32, i32
  }
  func.func @transform_8(%arg0: i32) -> (i32, i32) {
    %c0_i32 = arith.constant 0 : i32
    %c0_i32_0 = arith.constant 0 : i32
    %c0_i32_1 = arith.constant 0 : i32
    return %c0_i32, %c0_i32_0 : i32, i32
  }
}

</mosaic_0001>

<sc_bundles>
// kernel: kernel.10.cloned.1.call-start
scs
__scs_entry_jumppad:
0x0: {  	(pc) =	sbr.rel $0x88, $3  }
0x1: {  	(tag) =	ssettag $0x0;
	lr =	simm.s32 $0x1  }
0x2: {  	[smem:$0x3F94] =	sst lr;
	_ =	strace $0xD0000000  }
0x3: {  	_ = 	snop  }
0x4: {  	_ = 	snop  }
0x5: {  	_ = 	snop  }
0x6: {  	_ = 	snop  }
0x7: {  	_ = 	snop  }
__scs_overlays_trampoline_lowered:
0x8: {  	[smem:$0x3FA3] =	sst s0  }
0x9: {  	[smem:$0x3FA4] =	sst s1  }
0xa: {  	[smem:$0x3FA5] =	sst s2  }
0xb: {  	[smem:$0x3FA6] =	sst s3  }
0xc: {  	[smem:$0x3FA7] =	sst s4  }
0xd: {  	[smem:$0x3FA8] =	sst s5  }
0xe: {  	[smem:$0x3FA9] =	sst s6  }
0xf: {  	[smem:$0x3FAA] =	sst s7  }
0x10: {  	[smem:$0x3FAB] =	sst s8  }
0x11: {  	[smem:$0x3FAC] =	sst s9;
	s0 =	simm.s32 @!p0 $0x0  }
0x12: {  	s1 =	sld [smem:$0x3F92];
	s0 =	simm.s32 @p0 $0x1  }
0x13: {  	[smem:$0x3FAD] =	sst s0;
	s0 =	simm.s32 @!p1 $0x0  }
0x14: {  	s2 =	sld [smem:$0x3F91];
	s0 =	simm.s32 @p1 $0x1  }
0x15: {  	[smem:$0x3FAE] =	sst s0;
	s0 =	simm.s32 @!p2 $0x0  }
0x16: {  	s3 =	sld [smem:$0x3FDB];
	s0 =	simm.s32 @p2 $0x1  }
0x17: {  	s4 =	simm.s32 $0x1BF5;
	[smem:$0x3FB0] =	sst s0  }
0x18: {  	s0 =	sld [smem:$0x3F93];
	_ =	swait.ge [sflag:s4], $0x0  }
0x19: {  	s7 =	sld [smem:$0x3F94]  }
0x1a: {  	s8 =	sadd.s32 $0xFFFFE003, lr  }
0x1b: {  	s9 =	sadd.s32 $0xFFFFFEF7, lr;
	s5 =	simm.s32 $0xFFFFFFFF;
	p2 =	slt.u32 s8, $0xFFFFF086  }
0x1c: {  	p1 =	slt.u32 s9, $0xF7A;
	s5 =	simm.s32 @!p2 $0x0  }
0x1d: {  	s5 =	simm.s32 @p1 $0x1;
	p0 =	seq.s32 s7, s2  }
0x1e: {  	s7 =	smul.u32 @!p0 $0xF7A, s2;
	p2 =	seq.s32 @!p0 s5, $0x0  }
0x1f: {  	s9 =	smul.u32 $0xF7A, s1;
	s8 =	simm.s32 @!p0 $0x1BF5;
	p2 =	por !p2, p0  }
0x20: {  	[sflag:s8] =	ssyncset.s32 @!p0 $0xFFFFF086;
	s6 =	sadd.s32 @!p0 s3, s7;
	s7 =	simm.s32 @!p0 $0x108  }
0x21: {  	s3 =	sadd.s32 s3, s9;
	s6 =	sadd.s32 @!p0 $0x88, s6;
	s7 =	simm.s32 @p2 $0x1082  }
0x22: {  	[simem:s7], [sflag:s8] =	dma.local @!p0 [hbm:s6], $0xF7A  }
0x23: {  	s9 =	sor.u32 $0xD0000000, s2;
	s6 =	simm.s32 $0x108;
	_ =	swait.ge @!p0 [sflag:s8], $0x0  }
0x24: {  	s3 =	sadd.s32 $0x88, s3;
	s6 =	simm.s32 @!p1 $0x1082;
	[sflag:s4] =	ssyncset.s32 $0xFFFFF086  }
0x25: {  	[simem:s6], [sflag:s4] =	dma.local [hbm:s3], $0xF7A  }
0x26: {  	[smem:$0x3F94] =	sst s1;
	(tag) =	ssettag s2;
	_ =	strace s9  }
0x27: {  	s1 =	sld [smem:$0x3FA4]  }
0x28: {  	s2 =	sld [smem:$0x3FA5]  }
0x29: {  	s4 =	sld [smem:$0x3FA7]  }
0x2a: {  	p0 =	seq.s32 s5, $0x0;
	s5 =	sld [smem:$0x3FA8]  }
0x2b: {  	s6 =	sld [smem:$0x3FA9]  }
0x2c: {  	s7 =	sld [smem:$0x3FAA]  }
0x2d: {  	s3 =	simm.s32 $0x108;
	s8 =	sld [smem:$0x3FAB]  }
0x2e: {  	s3 =	simm.s32 @!p0 $0x1082;
	s9 =	sld [smem:$0x3FAC]  }
0x2f: {  	lr =	sadd.s32 s0, s3;
	s0 =	sld [smem:$0x3FA3]  }
0x30: {  	s3 =	sld [smem:$0x3FA6]  }
0x31: {  	[smem:$0x3FAF] =	sst s10  }
0x32: {  	s10 =	sld [smem:$0x3FAD];
	_ =	sdelay $0x3  }
0x33: {  	p0 =	seq.s32 s10, $0x1;
	s10 =	sld [smem:$0x3FAF];
	_ =	sdelay $0x3  }
0x34: {  	[smem:$0x3FAF] =	sst s10  }
0x35: {  	s10 =	sld [smem:$0x3FAE];
	_ =	sdelay $0x3  }
0x36: {  	p1 =	seq.s32 s10, $0x1;
	s10 =	sld [smem:$0x3FAF];
	_ =	sdelay $0x3  }
0x37: {  	[smem:$0x3FAF] =	sst s10  }
0x38: {  	s10 =	sld [smem:$0x3FB0]  }
0x39: {  	_ = 	snop;
	(pc) =	sbr.ind lr, $3  }
0x3a: {  	_ = 	snop  }
0x3b: {  	_ = 	snop  }
0x3c: {  	p2 =	seq.s32 s10, $0x1;
	s10 =	sld [smem:$0x3FAF]  }
0x3d: {  	_ =	shalt  }
0x3e: {  	_ =	shalt  }
0x3f: {  	_ =	shalt  }
0x40: {  	_ =	shalt  }
0x41: {  	_ =	shalt  }
0x42: {  	_ =	shalt  }
0x43: {  	_ =	shalt  }
0x44: {  	_ =	shalt  }
0x45: {  	_ =	shalt  }
0x46: {  	_ =	shalt  }
0x47: {  	_ =	shalt  }
0x48: {  	_ =	shalt  }
0x49: {  	_ =	shalt  }
0x4a: {  	_ =	shalt  }
0x4b: {  	_ =	shalt  }
0x4c: {  	_ =	shalt  }
0x4d: {  	_ =	shalt  }
0x4e: {  	_ =	shalt  }
0x4f: {  	_ =	shalt  }
0x50: {  	_ =	shalt  }
0x51: {  	_ =	shalt  }
0x52: {  	_ =	shalt  }
0x53: {  	_ =	shalt  }
0x54: {  	_ =	shalt  }
0x55: {  	_ =	shalt  }
0x56: {  	_ =	shalt  }
0x57: {  	_ =	shalt  }
0x58: {  	_ =	shalt  }
0x59: {  	_ =	shalt  }
0x5a: {  	_ =	shalt  }
0x5b: {  	_ =	shalt  }
0x5c: {  	_ =	shalt  }
0x5d: {  	_ =	shalt  }
0x5e: {  	_ =	shalt  }
0x5f: {  	_ =	shalt  }
0x60: {  	_ =	shalt  }
0x61: {  	_ =	shalt  }
0x62: {  	_ =	shalt  }
0x63: {  	_ =	shalt  }
0x64: {  	_ =	shalt  }
0x65: {  	_ =	shalt  }
0x66: {  	_ =	shalt  }
0x67: {  	_ =	shalt  }
0x68: {  	_ =	shalt  }
0x69: {  	_ =	shalt  }
0x6a: {  	_ =	shalt  }
0x6b: {  	_ =	shalt  }
0x6c: {  	_ =	shalt  }
0x6d: {  	_ =	shalt  }
0x6e: {  	_ =	shalt  }
0x6f: {  	_ =	shalt  }
0x70: {  	_ =	shalt  }
0x71: {  	_ =	shalt  }
0x72: {  	_ =	shalt  }
0x73: {  	_ =	shalt  }
0x74: {  	_ =	shalt  }
0x75: {  	_ =	shalt  }
0x76: {  	_ =	shalt  }
0x77: {  	_ =	shalt  }
0x78: {  	_ =	shalt  }
0x79: {  	_ =	shalt  }
0x7a: {  	_ =	shalt  }
0x7b: {  	_ =	shalt  }
0x7c: {  	_ =	shalt  }
0x7d: {  	_ =	shalt  }
0x7e: {  	_ =	shalt  }
0x7f: {  	_ =	shalt  }
0x80: {  	_ =	shalt  }
0x81: {  	_ =	shalt  }
0x82: {  	_ =	shalt  }
0x83: {  	_ =	shalt  }
0x84: {  	_ =	shalt  }
0x85: {  	_ =	shalt  }
0x86: {  	_ =	shalt  }
0x87: {  	_ =	shalt  }
.Lfunc_end0:
.L_simem_size_0:
called_computation.1_lowered:
.L_overlay_start_0:
0x88: {  	s2 =	sld [smem:$0x3FD9]  }
0x89: {  	s3 =	sld [smem:$0x3FFE];
	_ =	sdelay $0x1  }
0x8a: {  	s1 =	srdreg.scid  }
0x8b: {  	s0 =	sand.u32 $0x1, s1  }
0x8c: {  	s16 =	sshll.u32 s0, $0xA;
	s2 =	sadd.s32 s3, s2  }
0x8d: {  	s2 =	sadd.s32 s2, s16  }
0x8e: {  	[smem:$0x3FBB] =	sst s2  }
0x8f: {  	_ = 	snop  }
0x90: {  	(tm) =	ssettm $0x1  }
0x91: {  	s17 =	sld [smem:$0x3FFB];
	_ =	sdelay $0x3  }
0x92: {  	_ =	strace s17  }
0x93: {  	s2 =	sld [smem:$0x3FFC];
	_ =	sdelay $0x3  }
0x94: {  	_ =	strace s2  }
0x95: {  	s2 =	sld [smem:$0x3FFD];
	_ =	sdelay $0x3  }
0x96: {  	_ =	strace s2  }
0x97: {  	_ =	strace $0x8FFFFFFF  }
0x98: {  	s18 =	sld [smem:$0x3FDB];
	_ =	sdelay $0x1  }
0x99: {  	s19 =	simm.s32 $_scs_section_size  }
0x9a: {  	s4 =	simm.s32 $_size__tile_overlayer_lowered;
	s5 =	simm.s32 $_tile_overlayer_lowered  }
0x9b: {  	s22 =	simm.s32 $0x1BFF;
	s21 =	sshll.u32 s5, $0x1;
	s2 =	sadd.s32 s19, s18  }
0x9c: {  	s6 =	simm.s32 $0x0;
	s20 =	sshll.u32 s4, $0x1;
	s4 =	sadd.s32 s21, s2  }
0x9d: {  	[timem:s6], [sflag:s22] =	dma.local [hbm:s4], s20  }
0x9e: {  	_ =	swait.ge [sflag:s22], s20  }
0x9f: {  	s3 =	ssub.s32 $0x0, s20;
	[sflag:s22] =	ssyncset.done $0x0  }
0xa0: {  	[sflag:s22] =	ssyncadd.s32 s3;
	_ =	sdelay $0x1  }
0xa1: {  	s23 =	simm.s32 $0x1B8B  }
0xa2: {  	_ =	swait.ge [sflag:s23], $0x1  }
0xa3: {  	[sflag:s23] =	ssyncset.done $0x0  }
0xa4: {  	s25 =	simm.s32 $0x1B8E;
	s24 =	sld [smem:$0x3FFE];
	[sflag:s23] =	ssyncadd.s32 $0xFFFFFFFF  }
0xa5: {  	s26 =	simm.s32 $execute0_lowered;
	[smem:$0x3FD2] =	sst s25  }
0xa6: {  	s4 =	sshll.u32 s26, $0x1;
	_ =	strace $0x80000049;
	[dreg:$0x1] =	wrdreg $0xFFFFFFFF  }
0xa7: {  	s28 =	simm.s32 $_size_execute0_lowered;
	s2 =	sadd.s32 s2, s4;
	[dreg:$0x0] =	wrdreg $0x0  }
0xa8: {  	s4 =	sshll.u32 s28, $0x1;
	[dreg:$0x2] =	wrdreg s2  }
0xa9: {  	[dreg:$0x3] =	wrdreg s4  }
0xaa: {  	[dreg:$0x4] =	wrdreg $0xC0  }
0xab: {  	_ =	task [dreg:s6], $0x5FFFF  }
0xac: {  	[dreg:$0x1] =	wrdreg $0xFFFFFFFF  }
0xad: {  	[dreg:$0x0] =	wrdreg $0x60  }
0xae: {  	[dreg:$0x2] =	wrdreg s24  }
0xaf: {  	[dreg:$0x3] =	wrdreg $0x58000  }
0xb0: {  	[dreg:$0x4] =	wrdreg $0x9  }
0xb1: {  	_ =	task.clear_ibuf [dreg:s6], $0x5FFFF;
	_ =	strace $0x90000049  }
0xb2: {  	s29 =	simm.s32 $0x9;
	_ =	strace $0x8000004B  }
0xb3: {  	_ =	swait.ge [sflag:s29], $0x1  }
0xb4: {  	[sflag:s29] =	ssyncadd.s32 $0xFFFFFFFF  }
0xb5: {  	_ =	strace $0x9000004B  }
0xb6: {  	_ =	sfence  }
0xb7: {  	s30 =	sld [smem:$0x0];
	_ =	sdelay $0x2  }
0xb8: {  	s31 =	sshll.u32 s1, $0xD;
	s1 =	sshrl.u32 s1, $0x2  }
0xb9: {  	s3 =	sand.u32 $0x4000, s31;
	s1 =	sadd.s32 s1, s30  }
0xba: {  	s0 =	sor.u32 s3, s0;
	s1 =	sshll.u32 s1, $0x11  }
0xbb: {  	s0 =	sor.u32 s1, s0  }
0xbc: {  	s0 =	sadd.s32 $0x8F2B, s0  }
0xbd: {  	[sflag:s0] =	ssyncadd.remote.s32 $0x1  }
0xbe: {  	_ =	sfence.sel $0xFFFF  }
0xbf: {  	[dreg:$0x0] =	wrdreg $0xFFFFFFFF;
	(pc) =	sbr.abs _section_cstart, $3  }
0xc0: {  	[dreg:$0x1] =	wrdreg $0xFFFFFFFF  }
0xc1: {  	_ =	task.clear_ibuf [dreg:s6], $0x2FFFF;
	_ =	strace $0x9FFFFFFF  }
0xc2: {  	(tm) =	ssettm $0x7FFFFFFF  }
0xc3: {  	_ =	shalt  }
tec
execute0_lowered:
.L_overlay_start_1:
0x0: {  	(tag) =	ssettag $0x1  }
0x1: {  	s0 =	rddreg [dreg:$0x0]  }
0x2: {  	s1 =	rddreg [dreg:$0x1];
	s2 =	simm.s32 $0x0  }
0x3: {  	s23 =	srdreg.scid;
	s7 =	stileid.u32;
	s14 =	simm.s32 $0xA  }
0x4: {  	s16 =	simm.s32 $0x80;
	s17 =	simm.s32 $0x1800;
	s18 =	simm.s32 $0x2000  }
0x5: {  	s19 =	simm.s32 $0x2800;
	s20 =	simm.s32 $0x3000;
	s21 =	simm.s32 $0x3800  }
0x6: {  	s22 =	simm.s32 $0x4000;
	s29 =	simm.s32 $0x3;
	s30 =	simm.s32 $0x4  }
0x7: {  	s31 =	simm.s32 $0x5;
	s15 =	simm.s32 $0x8;
	[smem:$0x7FF] =	sst s2  }
0x8: {  	s2 =	sand.u32 $0x1, s23;
	s8 =	sadd.s32 $0x188C00, s0;
	s9 =	sadd.s32 $0x64200, s0  }
0x9: {  	s4 =	sadd.s32 $0x95200, s0;
	s24 =	smul.u32 $0x18800, s7;
	s5 =	sshll.u32 s7, $0x6  }
0xa: {  	s6 =	smul.u32 $0x3100, s7;
	_ =	strace $0x8000004A;
	[dreg:$0x5] =	wrdreg s4  }
0xb: {  	s7 =	smul.u32 $0x62, s7;
	s23 =	simm.s32 $0x4800;
	[dreg:$0x3] =	wrdreg s8  }
0xc: {  	s3 =	smul.u32 $0x31000, s2;
	s2 =	ssub.s32 $0x2, s2;
	[dreg:$0x4] =	wrdreg s9  }
0xd: {  	s5 =	sor.u32 $0x1C0A, s5;
	s25 =	sshrl.u32 s2, $0x1;
	[dreg:$0x7] =	wrdreg s7  }
0xe: {  	s26 =	sadd.s32 s24, s1;
	s28 =	sadd.s32 s8, s6;
	[dreg:$0x6] =	wrdreg s5  }
0xf: {  	s6 =	sadd.s32 s9, s6;
	s7 =	simm.s32 $0x0;
	[dreg:$0x8] =	wrdreg s28  }
0x10: {  	s0 =	sadd.s32 s3, s0;
	s2 =	ssub.s32 s2, s25;
	[dreg:$0x9] =	wrdreg s6  }
.Ltmp0:
0x11: {  	s3 =	sshrl.u32 s24, $0x3;
	s4 =	sshrl.u32 s26, $0x3;
	(pc) =	sbr.rel .LBB2_1-.Ltmp0, $4  }
0x12: {  	s25 =	simm.s32 $0x5000;
	s26 =	simm.s32 $0x1;
	s11 =	sadd.s32 $0x2200, s0  }
0x13: {  	s0 =	sadd.s32 $0x98400, s0;
	s2 =	smax.u32 s2, $0x1;
	[dreg:$0xb] =	wrdreg s4  }
0x14: {  	s6 =	simm.s32 $0x9;
	[dreg:$0xa] =	wrdreg s2;
	s0 =	sadd.s32 s3, s0  }
0x15: {  	s3 =	simm.s32 $0x7;
	[dreg:$0xc] =	wrdreg s0;
	s0 =	simm.s32 $0x6  }
.LBB2_8:
0x16: {  	s2 =	simm.s32 $0x2  }
0x17: {  	_ =	swait.ge [sflag:s2], $0x800  }
0x18: {  	[sflag:s2] =	ssyncset.done $0x0  }
0x19: {  	[sflag:s2] =	ssyncadd.s32 $0xFFFFF800  }
0x1a: {  	_ =	swait.ge [sflag:s29], $0x800  }
0x1b: {  	[sflag:s29] =	ssyncset.done $0x0  }
0x1c: {  	[sflag:s29] =	ssyncadd.s32 $0xFFFFF800  }
0x1d: {  	_ =	swait.ge [sflag:s30], $0x800  }
0x1e: {  	[sflag:s30] =	ssyncset.done $0x0  }
0x1f: {  	[sflag:s30] =	ssyncadd.s32 $0xFFFFF800  }
0x20: {  	_ =	swait.ge [sflag:s31], $0x800  }
0x21: {  	[sflag:s31] =	ssyncset.done $0x0  }
0x22: {  	[sflag:s31] =	ssyncadd.s32 $0xFFFFF800  }
0x23: {  	_ =	swait.ge [sflag:s0], $0x800  }
0x24: {  	[sflag:s0] =	ssyncset.done $0x0  }
0x25: {  	[sflag:s0] =	ssyncadd.s32 $0xFFFFF800  }
0x26: {  	_ =	swait.ge [sflag:s3], $0x800  }
0x27: {  	[sflag:s3] =	ssyncset.done $0x0  }
0x28: {  	[sflag:s3] =	ssyncadd.s32 $0xFFFFF800  }
0x29: {  	_ =	swait.ge [sflag:s15], $0x800  }
0x2a: {  	[sflag:s15] =	ssyncset.done $0x0  }
0x2b: {  	[sflag:s15] =	ssyncadd.s32 $0xFFFFF800  }
0x2c: {  	_ =	swait.ge [sflag:s6], $0x800  }
0x2d: {  	[sflag:s6] =	ssyncset.done $0x0  }
0x2e: {  	[sflag:s6] =	ssyncadd.s32 $0xFFFFF800  }
0x2f: {  	[bflag:$0x0] =	sbarrier.arrive $0xFFFF  }
0x30: {  	s5 =	rddreg [dreg:$0x6]  }
0x31: {  	s4 =	rddreg [dreg:$0xb]  }
0x32: {  	s24 =	rddreg [dreg:$0xc]  }
0x33: {  	[hbm:s24], [sflag:s5] =	dma.local [spmem:s4], $0x3100  }
0x34: {  	_ =	swait.ge [sflag:s14], $0x3100  }
0x35: {  	s7 =	rddreg [dreg:$0xd]  }
0x36: {  	s28 =	rddreg [dreg:$0xa];
	s7 =	sadd.s32 $0x1, s7  }
0x37: {  	p0 =	sne.s32 s7, s28  }
.Ltmp1:
0x38: {  	_ = 	snop;
	(pc) =	sbr.rel @!p0 .LBB2_9-.Ltmp1, $3  }
0x39: {  	_ =	sdelay $0x1  }
0x3a: {  	[sflag:s14] =	ssyncset.done $0x0  }
0x3b: {  	[sflag:s14] =	ssyncadd.s32 $0xFFFFCF00  }
.LBB2_1:
0x3c: {  	[dreg:$0xd] =	wrdreg s7  }
0x3d: {  	s2 =	rddreg [dreg:$0x5]  }
0x3e: {  	[spmem:s4], [sflag:s5] =	dma.local [hbm:s2], $0x3100  }
0x3f: {  	_ =	swait.ge [sflag:s14], $0x3100  }
0x40: {  	[sflag:s14] =	ssyncset.done $0x0  }
0x41: {  	[sflag:s14] =	ssyncadd.s32 $0xFFFFCF00  }
0x42: {  	[bflag:$0x0] =	sbarrier.arrive $0xFFFF  }
0x43: {  	s12 =	simm.s32 $0x0;
	s13 =	rddreg [dreg:$0x8]  }
0x44: {  	[tilespmem:s12], [sflag:$0xA] =	stream.linear.gather [hbm4b:s13+s12], $0x400, $0x38;
	[tilespmem:$0x1E000] =	vst v63  }
0x45: {  	_ =	swait.ge [sflag:s14], $0x400  }
0x46: {  	s28 =	simm.s32 $0xC00;
	[sflag:s14] =	ssyncset.done $0x0  }
.Ltmp2:
0x47: {  	s24 =	rddreg [dreg:$0x9];
	[sflag:s14] =	ssyncadd.s32 $0xFFFFFC00;
	(pc) =	sbr.rel .LBB2_2-.Ltmp2, $4  }
0x48: {  	[tilespmem:s28], [sflag:$0xA] =	stream.linear.gather [hbm4b:s24+s12], $0x400, $0x38;
	[tilespmem:$0x1E000] =	vst v63  }
0x49: {  	_ =	swait.ge [sflag:s14], $0x400  }
0x4a: {  	[sflag:s14] =	ssyncset.done $0x0  }
0x4b: {  	s24 =	simm.s32 $0x0;
	[sflag:s14] =	ssyncadd.s32 $0xFFFFFC00  }
.LBB2_3:
0x4c: {  	s12 =	simm.s32 $0x80  }
0x4d: {  	[tilespmem:s18], [sflag:$0x1] =	stream.indirect.gather [hbm4b:s11+s12], $0x10, s12, s12, $0xb8;
	[tilespmem:$0x1E000] =	vst v63  }
0x4e: {  	s28 =	simm.s32 $0x100  }
0x4f: {  	[tilespmem:s19], [sflag:$0x1] =	stream.indirect.gather [hbm4b:s11+s12], $0x10, s28, s12, $0xb8;
	[tilespmem:$0x1E000] =	vst v63  }
0x50: {  	s7 =	simm.s32 $0x180  }
0x51: {  	[tilespmem:s20], [sflag:$0x1] =	stream.indirect.gather [hbm4b:s11+s12], $0x10, s7, s12, $0xb8;
	[tilespmem:$0x1E000] =	vst v63  }
0x52: {  	s13 =	simm.s32 $0x200  }
0x53: {  	[tilespmem:s21], [sflag:$0x1] =	stream.indirect.gather [hbm4b:s11+s12], $0x10, s13, s12, $0xb8;
	[tilespmem:$0x1E000] =	vst v63  }
0x54: {  	s9 =	simm.s32 $0x280  }
0x55: {  	[tilespmem:s22], [sflag:$0x1] =	stream.indirect.gather [hbm4b:s11+s12], $0x10, s9, s12, $0xb8;
	[tilespmem:$0x1E000] =	vst v63  }
0x56: {  	s4 =	simm.s32 $0x300  }
0x57: {  	[tilespmem:s23], [sflag:$0x1] =	stream.indirect.gather [hbm4b:s11+s12], $0x10, s4, s12, $0xb8;
	[tilespmem:$0x1E000] =	vst v63  }
0x58: {  	s5 =	simm.s32 $0x380;
	s2 =	simm.s32 $0x1  }
0x59: {  	[tilespmem:s25], [sflag:$0x1] =	stream.indirect.gather [hbm4b:s11+s12], $0x10, s5, s12, $0xb8;
	[tilespmem:$0x1E000] =	vst v63  }
.LBB2_6:
0x5a: {  	s8 =	smul.u32 $0xAB, s2;
	_ =	sdelay $0x1  }
0x5b: {  	s8 =	sshrl.u32 s8, $0x9  }
0x5c: {  	s8 =	sand.u32 $0x7F, s8  }
0x5d: {  	s17 =	rddreg [dreg:$0x7];
	s8 =	smul.u32 $0x3, s8  }
0x5e: {  	s24 =	sadd.s32 s17, s24  }
0x5f: {  	s24 =	sshll.u32 s24, $0x7;
	s8 =	ssub.s32 s2, s8  }
0x60: {  	s18 =	rddreg [dreg:$0x3];
	s24 =	sadd.s32 $0x80, s24;
	s8 =	sand.u32 $0xFF, s8  }
0x61: {  	s17 =	sadd.s32 s18, s24;
	s18 =	simm.s32 $0x0;
	s8 =	sshll.u32 s8, $0xA  }
0x62: {  	[tilespmem:s8], [sflag:$0xA] =	stream.linear.gather [hbm4b:s17+s18], $0x400, $0x38;
	[tilespmem:$0x1E000] =	vst v63  }
0x63: {  	_ =	swait.ge [sflag:s14], $0x400  }
0x64: {  	[sflag:s14] =	ssyncset.done $0x0;
	s17 =	rddreg [dreg:$0x4]  }
0x65: {  	s8 =	sadd.s32 $0xC00, s8;
	[sflag:s14] =	ssyncadd.s32 $0xFFFFFC00;
	s17 =	sadd.s32 s17, s24  }
0x66: {  	[tilespmem:s8], [sflag:$0xA] =	stream.linear.gather [hbm4b:s17+s18], $0x400, $0x38;
	[tilespmem:$0x1E000] =	vst v63  }
0x67: {  	_ =	swait.ge [sflag:s14], $0x400  }
0x68: {  	[sflag:s14] =	ssyncset.done $0x0  }
0x69: {  	s17 =	simm.s32 $0x1800;
	s18 =	simm.s32 $0x2000;
	[sflag:s14] =	ssyncadd.s32 $0xFFFFFC00  }
.LBB2_7:
0x6a: {  	_ =	swait.ge [sflag:s26], $0x800  }
0x6b: {  	[sflag:s26] =	ssyncset.done $0x0  }
0x6c: {  	s8 =	sadd.s32 $0xC00, s10;
	[sflag:s26] =	ssyncadd.s32 $0xFFFFF800  }
0x6d: {  	[spmem:s1] =	stream.indirect.scatter.add.f32 [tilespmem:s17], [sflag:$0x2], $0x10, s8, s16, $0xb8;
	[tilespmem:$0x1E000] =	vst v63  }
0x6e: {  	_ =	swait.ge [sflag:s26], $0x800  }
0x6f: {  	[sflag:s26] =	ssyncset.done $0x0  }
0x70: {  	s10 =	sadd.s32 $0xC00, s12;
	[sflag:s26] =	ssyncadd.s32 $0xFFFFF800  }
0x71: {  	[spmem:s1] =	stream.indirect.scatter.add.f32 [tilespmem:s18], [sflag:$0x3], $0x10, s10, s16, $0xb8;
	[tilespmem:$0x1E000] =	vst v63  }
0x72: {  	_ =	swait.ge [sflag:s26], $0x800  }
0x73: {  	[sflag:s26] =	ssyncset.done $0x0  }
0x74: {  	s12 =	sadd.s32 $0xC00, s28;
	[sflag:s26] =	ssyncadd.s32 $0xFFFFF800  }
0x75: {  	[spmem:s1] =	stream.indirect.scatter.add.f32 [tilespmem:s19], [sflag:$0x4], $0x10, s12, s16, $0xb8;
	[tilespmem:$0x1E000] =	vst v63  }
0x76: {  	_ =	swait.ge [sflag:s26], $0x800  }
0x77: {  	[sflag:s26] =	ssyncset.done $0x0  }
0x78: {  	s7 =	sadd.s32 $0xC00, s7;
	[sflag:s26] =	ssyncadd.s32 $0xFFFFF800  }
0x79: {  	[spmem:s1] =	stream.indirect.scatter.add.f32 [tilespmem:s20], [sflag:$0x5], $0x10, s7, s16, $0xb8;
	[tilespmem:$0x1E000] =	vst v63  }
0x7a: {  	_ =	swait.ge [sflag:s26], $0x800  }
0x7b: {  	[sflag:s26] =	ssyncset.done $0x0  }
0x7c: {  	s13 =	sadd.s32 $0xC00, s13;
	[sflag:s26] =	ssyncadd.s32 $0xFFFFF800  }
0x7d: {  	[spmem:s1] =	stream.indirect.scatter.add.f32 [tilespmem:s21], [sflag:$0x6], $0x10, s13, s16, $0xb8;
	[tilespmem:$0x1E000] =	vst v63  }
0x7e: {  	_ =	swait.ge [sflag:s26], $0x800  }
0x7f: {  	[sflag:s26] =	ssyncset.done $0x0  }
0x80: {  	s24 =	sadd.s32 $0xC00, s9;
	[sflag:s26] =	ssyncadd.s32 $0xFFFFF800  }
0x81: {  	[spmem:s1] =	stream.indirect.scatter.add.f32 [tilespmem:s22], [sflag:$0x7], $0x10, s24, s16, $0xb8;
	[tilespmem:$0x1E000] =	vst v63  }
0x82: {  	_ =	swait.ge [sflag:s26], $0x800  }
0x83: {  	[sflag:s26] =	ssyncset.done $0x0  }
0x84: {  	s4 =	sadd.s32 $0xC00, s4;
	p0 =	slt.u32 s2, $0x62;
	[sflag:s26] =	ssyncadd.s32 $0xFFFFF800  }
0x85: {  	[spmem:s1] =	stream.indirect.scatter.add.f32 [tilespmem:s23], [sflag:$0x8], $0x10, s4, s16, $0xb8;
	[tilespmem:$0x1E000] =	vst v63  }
.Ltmp3:
0x86: {  	_ = 	snop;
	(pc) =	sbr.rel @!p0 .LBB2_8-.Ltmp3, $4  }
0x87: {  	_ =	swait.ge [sflag:s26], $0x800  }
0x88: {  	[sflag:s26] =	ssyncset.done $0x0  }
0x89: {  	s28 =	sadd.s32 $0xC00, s5;
	s24 =	smov.u32 s2;
	[sflag:s26] =	ssyncadd.s32 $0xFFFFF800  }
0x8a: {  	[spmem:s1] =	stream.indirect.scatter.add.f32 [tilespmem:s25], [sflag:$0x9], $0x10, s28, s16, $0xb8;
	[tilespmem:$0x1E000] =	vst v63  }
.LBB2_2:
0x8b: {  	s2 =	smul.u32 $0xAB, s24;
	p0 =	seq.s32 s24, $0x0  }
0x8c: {  	s4 =	simm.s32 @!p0 $0x2  }
0x8d: {  	s2 =	sshrl.u32 s2, $0x9;
	_ =	swait.ge @!p0 [sflag:s4], $0x800  }
0x8e: {  	s2 =	sand.u32 $0x7F, s2;
	[sflag:s4] =	ssyncset.done @!p0 $0x0  }
0x8f: {  	s2 =	smul.u32 $0x3, s2;
	[sflag:s4] =	ssyncadd.s32 @!p0 $0xFFFFF800;
	p0 =	sne.s32 s24, $0x0  }
.Ltmp4:
0x90: {  	_ = 	snop;
	(pc) =	sbr.rel @!p0 .LBB2_3-.Ltmp4, $4  }
0x91: {  	s2 =	ssub.s32 s24, s2  }
0x92: {  	s2 =	sand.u32 $0xFF, s2  }
0x93: {  	s10 =	sshll.u32 s2, $0xA  }
0x94: {  	[tilespmem:s17], [sflag:$0x1] =	stream.indirect.gather [hbm4b:s11+s16], $0x10, s10, s16, $0xb8;
	[tilespmem:$0x1E000] =	vst v63  }
0x95: {  	_ =	swait.ge [sflag:s29], $0x800  }
0x96: {  	[sflag:s29] =	ssyncset.done $0x0  }
0x97: {  	s12 =	sor.u32 $0x80, s10;
	[sflag:s29] =	ssyncadd.s32 $0xFFFFF800  }
0x98: {  	[tilespmem:s18], [sflag:$0x1] =	stream.indirect.gather [hbm4b:s11+s16], $0x10, s12, s16, $0xb8;
	[tilespmem:$0x1E000] =	vst v63  }
0x99: {  	_ =	swait.ge [sflag:s30], $0x800  }
0x9a: {  	[sflag:s30] =	ssyncset.done $0x0  }
0x9b: {  	s28 =	sor.u32 $0x100, s10;
	[sflag:s30] =	ssyncadd.s32 $0xFFFFF800  }
0x9c: {  	[tilespmem:s19], [sflag:$0x1] =	stream.indirect.gather [hbm4b:s11+s16], $0x10, s28, s16, $0xb8;
	[tilespmem:$0x1E000] =	vst v63  }
0x9d: {  	_ =	swait.ge [sflag:s31], $0x800  }
0x9e: {  	[sflag:s31] =	ssyncset.done $0x0  }
0x9f: {  	s7 =	sor.u32 $0x180, s10;
	[sflag:s31] =	ssyncadd.s32 $0xFFFFF800  }
0xa0: {  	[tilespmem:s20], [sflag:$0x1] =	stream.indirect.gather [hbm4b:s11+s16], $0x10, s7, s16, $0xb8;
	[tilespmem:$0x1E000] =	vst v63  }
0xa1: {  	_ =	swait.ge [sflag:s0], $0x800  }
0xa2: {  	[sflag:s0] =	ssyncset.done $0x0  }
0xa3: {  	s13 =	sor.u32 $0x200, s10;
	[sflag:s0] =	ssyncadd.s32 $0xFFFFF800  }
0xa4: {  	[tilespmem:s21], [sflag:$0x1] =	stream.indirect.gather [hbm4b:s11+s16], $0x10, s13, s16, $0xb8;
	[tilespmem:$0x1E000] =	vst v63  }
0xa5: {  	_ =	swait.ge [sflag:s3], $0x800  }
0xa6: {  	[sflag:s3] =	ssyncset.done $0x0  }
0xa7: {  	s9 =	sor.u32 $0x280, s10;
	[sflag:s3] =	ssyncadd.s32 $0xFFFFF800  }
0xa8: {  	[tilespmem:s22], [sflag:$0x1] =	stream.indirect.gather [hbm4b:s11+s16], $0x10, s9, s16, $0xb8;
	[tilespmem:$0x1E000] =	vst v63  }
0xa9: {  	_ =	swait.ge [sflag:s15], $0x800  }
0xaa: {  	[sflag:s15] =	ssyncset.done $0x0  }
0xab: {  	s4 =	sor.u32 $0x300, s10;
	p0 =	seq.s32 s24, $0x61;
	[sflag:s15] =	ssyncadd.s32 $0xFFFFF800  }
0xac: {  	[tilespmem:s23], [sflag:$0x1] =	stream.indirect.gather [hbm4b:s11+s16], $0x10, s4, s16, $0xb8;
	[tilespmem:$0x1E000] =	vst v63  }
.Ltmp5:
0xad: {  	_ = 	snop;
	(pc) =	sbr.rel @p0 .LBB2_7-.Ltmp5, $4  }
0xae: {  	_ =	swait.ge [sflag:s6], $0x800  }
0xaf: {  	[sflag:s6] =	ssyncset.done $0x0  }
0xb0: {  	s5 =	sor.u32 $0x380, s10;
	s2 =	simm.s32 $0x62;
	[sflag:s6] =	ssyncadd.s32 $0xFFFFF800  }
0xb1: {  	[tilespmem:s25], [sflag:$0x1] =	stream.indirect.gather [hbm4b:s11+s16], $0x10, s5, s16, $0xb8;
	[tilespmem:$0x1E000] =	vst v63  }
.Ltmp6:
0xb2: {  	(pc) =	sbr.rel .LBB2_6-.Ltmp6, $2  }
0xb3: {  	_ =	sdelay $0x2  }
0xb4: {  	s2 =	sadd.s32 $0x1, s24  }
.LBB2_9:
0xb5: {  	_ =	sfence.sel $0x180000  }
0xb6: {  	[bflag:$0x0] =	sbarrier.arrive $0xFFFF  }
0xb7: {  	_ =	strace $0x9000004A  }
0xb8: {  	s0 =	stileid.u32;
	[bflag:$0x2] =	sbarrier.arrive $0xFFFF  }
0xb9: {  	p0 =	sne.s32 s0, $0x0;
	s0 =	rddreg [dreg:$0x2]  }
0xba: {  	s0 =	sadd.s32 @!p0 $0x100000, s0  }
0xbb: {  	[sflag:s0] =	ssyncadd.tile.s32 @!p0 $0x1;
	_ =	shalt  }
.Lfunc_end2:
_tile_overlayer_lowered:
.L_overlay_start_2:
0xbc: {  	(tag) =	ssettag $0x2  }
0xbd: {  	s0 =	rddreg [dreg:$0x0];
	s2 =	stileid.u32  }
0xbe: {  	s1 =	rddreg [dreg:$0x1];
	p0 =	sne.s32 s2, $0x0  }
0xbf: {  	s3 =	rddreg [dreg:$0x2];
	[bflag:$0x3] =	sbarrier.arrive $0xFFFF;
	s2 =	simm.s32 @!p0 $0x1C0A  }
0xc0: {  	[timem:s3], [sflag:s2] =	dma.local @!p0 [hbm:s0], s1  }
0xc1: {  	s0 =	simm.s32 @!p0 $0xA  }
0xc2: {  	_ =	swait.ge @!p0 [sflag:s0], s1  }
0xc3: {  	s1 =	ssub.s32 @!p0 $0x0, s1;
	[sflag:s0] =	ssyncset.done @!p0 $0x0  }
0xc4: {  	[sflag:s0] =	ssyncadd.s32 @!p0 s1  }
0xc5: {  	[bflag:$0x3] =	sbarrier.arrive $0xFFFF  }
0xc6: {  	_ =	shalt  }

// kernel: kernel.7.cloned.1.call-start
scs
__scs_entry_jumppad:
0x0: {  	(pc) =	sbr.rel $0x88, $3  }
0x1: {  	(tag) =	ssettag $0x0;
	lr =	simm.s32 $0x1  }
0x2: {  	[smem:$0x3F94] =	sst lr;
	_ =	strace $0xD0000000  }
0x3: {  	_ = 	snop  }
0x4: {  	_ = 	snop  }
0x5: {  	_ = 	snop  }
0x6: {  	_ = 	snop  }
0x7: {  	_ = 	snop  }
__scs_overlays_trampoline_lowered:
0x8: {  	[smem:$0x3FA3] =	sst s0  }
0x9: {  	[smem:$0x3FA4] =	sst s1  }
0xa: {  	[smem:$0x3FA5] =	sst s2  }
0xb: {  	[smem:$0x3FA6] =	sst s3  }
0xc: {  	[smem:$0x3FA7] =	sst s4  }
0xd: {  	[smem:$0x3FA8] =	sst s5  }
0xe: {  	[smem:$0x3FA9] =	sst s6  }
0xf: {  	[smem:$0x3FAA] =	sst s7  }
0x10: {  	[smem:$0x3FAB] =	sst s8  }
0x11: {  	[smem:$0x3FAC] =	sst s9;
	s0 =	simm.s32 @!p0 $0x0  }
0x12: {  	s1 =	sld [smem:$0x3F92];
	s0 =	simm.s32 @p0 $0x1  }
0x13: {  	[smem:$0x3FAD] =	sst s0;
	s0 =	simm.s32 @!p1 $0x0  }
0x14: {  	s2 =	sld [smem:$0x3F91];
	s0 =	simm.s32 @p1 $0x1  }
0x15: {  	[smem:$0x3FAE] =	sst s0;
	s0 =	simm.s32 @!p2 $0x0  }
0x16: {  	s3 =	sld [smem:$0x3FDB];
	s0 =	simm.s32 @p2 $0x1  }
0x17: {  	s4 =	simm.s32 $0x1BF5;
	[smem:$0x3FB0] =	sst s0  }
0x18: {  	s0 =	sld [smem:$0x3F93];
	_ =	swait.ge [sflag:s4], $0x0  }
0x19: {  	s7 =	sld [smem:$0x3F94]  }
0x1a: {  	s8 =	sadd.s32 $0xFFFFE003, lr  }
0x1b: {  	s9 =	sadd.s32 $0xFFFFFEF7, lr;
	s5 =	simm.s32 $0xFFFFFFFF;
	p2 =	slt.u32 s8, $0xFFFFF086  }
0x1c: {  	p1 =	slt.u32 s9, $0xF7A;
	s5 =	simm.s32 @!p2 $0x0  }
0x1d: {  	s5 =	simm.s32 @p1 $0x1;
	p0 =	seq.s32 s7, s2  }
0x1e: {  	s7 =	smul.u32 @!p0 $0xF7A, s2;
	p2 =	seq.s32 @!p0 s5, $0x0  }
0x1f: {  	s9 =	smul.u32 $0xF7A, s1;
	s8 =	simm.s32 @!p0 $0x1BF5;
	p2 =	por !p2, p0  }
0x20: {  	[sflag:s8] =	ssyncset.s32 @!p0 $0xFFFFF086;
	s6 =	sadd.s32 @!p0 s3, s7;
	s7 =	simm.s32 @!p0 $0x108  }
0x21: {  	s3 =	sadd.s32 s3, s9;
	s6 =	sadd.s32 @!p0 $0x88, s6;
	s7 =	simm.s32 @p2 $0x1082  }
0x22: {  	[simem:s7], [sflag:s8] =	dma.local @!p0 [hbm:s6], $0xF7A  }
0x23: {  	s9 =	sor.u32 $0xD0000000, s2;
	s6 =	simm.s32 $0x108;
	_ =	swait.ge @!p0 [sflag:s8], $0x0  }
0x24: {  	s3 =	sadd.s32 $0x88, s3;
	s6 =	simm.s32 @!p1 $0x1082;
	[sflag:s4] =	ssyncset.s32 $0xFFFFF086  }
0x25: {  	[simem:s6], [sflag:s4] =	dma.local [hbm:s3], $0xF7A  }
0x26: {  	[smem:$0x3F94] =	sst s1;
	(tag) =	ssettag s2;
	_ =	strace s9  }
0x27: {  	s1 =	sld [smem:$0x3FA4]  }
0x28: {  	s2 =	sld [smem:$0x3FA5]  }
0x29: {  	s4 =	sld [smem:$0x3FA7]  }
0x2a: {  	p0 =	seq.s32 s5, $0x0;
	s5 =	sld [smem:$0x3FA8]  }
0x2b: {  	s6 =	sld [smem:$0x3FA9]  }
0x2c: {  	s7 =	sld [smem:$0x3FAA]  }
0x2d: {  	s3 =	simm.s32 $0x108;
	s8 =	sld [smem:$0x3FAB]  }
0x2e: {  	s3 =	simm.s32 @!p0 $0x1082;
	s9 =	sld [smem:$0x3FAC]  }
0x2f: {  	lr =	sadd.s32 s0, s3;
	s0 =	sld [smem:$0x3FA3]  }
0x30: {  	s3 =	sld [smem:$0x3FA6]  }
0x31: {  	[smem:$0x3FAF] =	sst s10  }
0x32: {  	s10 =	sld [smem:$0x3FAD];
	_ =	sdelay $0x3  }
0x33: {  	p0 =	seq.s32 s10, $0x1;
	s10 =	sld [smem:$0x3FAF];
	_ =	sdelay $0x3  }
0x34: {  	[smem:$0x3FAF] =	sst s10  }
0x35: {  	s10 =	sld [smem:$0x3FAE];
	_ =	sdelay $0x3  }
0x36: {  	p1 =	seq.s32 s10, $0x1;
	s10 =	sld [smem:$0x3FAF];
	_ =	sdelay $0x3  }
0x37: {  	[smem:$0x3FAF] =	sst s10  }
0x38: {  	s10 =	sld [smem:$0x3FB0]  }
0x39: {  	_ = 	snop;
	(pc) =	sbr.ind lr, $3  }
0x3a: {  	_ = 	snop  }
0x3b: {  	_ = 	snop  }
0x3c: {  	p2 =	seq.s32 s10, $0x1;
	s10 =	sld [smem:$0x3FAF]  }
0x3d: {  	_ =	shalt  }
0x3e: {  	_ =	shalt  }
0x3f: {  	_ =	shalt  }
0x40: {  	_ =	shalt  }
0x41: {  	_ =	shalt  }
0x42: {  	_ =	shalt  }
0x43: {  	_ =	shalt  }
0x44: {  	_ =	shalt  }
0x45: {  	_ =	shalt  }
0x46: {  	_ =	shalt  }
0x47: {  	_ =	shalt  }
0x48: {  	_ =	shalt  }
0x49: {  	_ =	shalt  }
0x4a: {  	_ =	shalt  }
0x4b: {  	_ =	shalt  }
0x4c: {  	_ =	shalt  }
0x4d: {  	_ =	shalt  }
0x4e: {  	_ =	shalt  }
0x4f: {  	_ =	shalt  }
0x50: {  	_ =	shalt  }
0x51: {  	_ =	shalt  }
0x52: {  	_ =	shalt  }
0x53: {  	_ =	shalt  }
0x54: {  	_ =	shalt  }
0x55: {  	_ =	shalt  }
0x56: {  	_ =	shalt  }
0x57: {  	_ =	shalt  }
0x58: {  	_ =	shalt  }
0x59: {  	_ =	shalt  }
0x5a: {  	_ =	shalt  }
0x5b: {  	_ =	shalt  }
0x5c: {  	_ =	shalt  }
0x5d: {  	_ =	shalt  }
0x5e: {  	_ =	shalt  }
0x5f: {  	_ =	shalt  }
0x60: {  	_ =	shalt  }
0x61: {  	_ =	shalt  }
0x62: {  	_ =	shalt  }
0x63: {  	_ =	shalt  }
0x64: {  	_ =	shalt  }
0x65: {  	_ =	shalt  }
0x66: {  	_ =	shalt  }
0x67: {  	_ =	shalt  }
0x68: {  	_ =	shalt  }
0x69: {  	_ =	shalt  }
0x6a: {  	_ =	shalt  }
0x6b: {  	_ =	shalt  }
0x6c: {  	_ =	shalt  }
0x6d: {  	_ =	shalt  }
0x6e: {  	_ =	shalt  }
0x6f: {  	_ =	shalt  }
0x70: {  	_ =	shalt  }
0x71: {  	_ =	shalt  }
0x72: {  	_ =	shalt  }
0x73: {  	_ =	shalt  }
0x74: {  	_ =	shalt  }
0x75: {  	_ =	shalt  }
0x76: {  	_ =	shalt  }
0x77: {  	_ =	shalt  }
0x78: {  	_ =	shalt  }
0x79: {  	_ =	shalt  }
0x7a: {  	_ =	shalt  }
0x7b: {  	_ =	shalt  }
0x7c: {  	_ =	shalt  }
0x7d: {  	_ =	shalt  }
0x7e: {  	_ =	shalt  }
0x7f: {  	_ =	shalt  }
0x80: {  	_ =	shalt  }
0x81: {  	_ =	shalt  }
0x82: {  	_ =	shalt  }
0x83: {  	_ =	shalt  }
0x84: {  	_ =	shalt  }
0x85: {  	_ =	shalt  }
0x86: {  	_ =	shalt  }
0x87: {  	_ =	shalt  }
.Lfunc_end0:
.L_simem_size_0:
called_computation_lowered:
.L_overlay_start_0:
0x88: {  	s2 =	sld [smem:$0x3FD9]  }
0x89: {  	s3 =	sld [smem:$0x3FFE];
	_ =	sdelay $0x1  }
0x8a: {  	s1 =	srdreg.scid  }
0x8b: {  	s0 =	sand.u32 $0x1, s1  }
0x8c: {  	s16 =	sshll.u32 s0, $0xA;
	s2 =	sadd.s32 s3, s2  }
0x8d: {  	s2 =	sadd.s32 s2, s16  }
0x8e: {  	[smem:$0x3FBB] =	sst s2  }
0x8f: {  	_ = 	snop  }
0x90: {  	(tm) =	ssettm $0x1  }
0x91: {  	s17 =	sld [smem:$0x3FFB];
	_ =	sdelay $0x3  }
0x92: {  	_ =	strace s17  }
0x93: {  	s2 =	sld [smem:$0x3FFC];
	_ =	sdelay $0x3  }
0x94: {  	_ =	strace s2  }
0x95: {  	s2 =	sld [smem:$0x3FFD];
	_ =	sdelay $0x3  }
0x96: {  	_ =	strace s2  }
0x97: {  	_ =	strace $0x8FFFFFFF  }
0x98: {  	s18 =	sld [smem:$0x3FDB];
	_ =	sdelay $0x1  }
0x99: {  	s19 =	simm.s32 $_scs_section_size  }
0x9a: {  	s4 =	simm.s32 $_size__tile_overlayer_lowered;
	s5 =	simm.s32 $_tile_overlayer_lowered  }
0x9b: {  	s22 =	simm.s32 $0x1BFF;
	s21 =	sshll.u32 s5, $0x1;
	s2 =	sadd.s32 s19, s18  }
0x9c: {  	s6 =	simm.s32 $0x0;
	s20 =	sshll.u32 s4, $0x1;
	s4 =	sadd.s32 s21, s2  }
0x9d: {  	[timem:s6], [sflag:s22] =	dma.local [hbm:s4], s20  }
0x9e: {  	_ =	swait.ge [sflag:s22], s20  }
0x9f: {  	s3 =	ssub.s32 $0x0, s20;
	[sflag:s22] =	ssyncset.done $0x0  }
0xa0: {  	[sflag:s22] =	ssyncadd.s32 s3;
	_ =	sdelay $0x1  }
0xa1: {  	s23 =	simm.s32 $0x1B8B  }
0xa2: {  	_ =	swait.ge [sflag:s23], $0x1  }
0xa3: {  	[sflag:s23] =	ssyncset.done $0x0  }
0xa4: {  	s25 =	simm.s32 $0x1B8E;
	s24 =	sld [smem:$0x3FFE];
	[sflag:s23] =	ssyncadd.s32 $0xFFFFFFFF  }
0xa5: {  	s26 =	simm.s32 $execute0_lowered;
	[smem:$0x3FD2] =	sst s25  }
0xa6: {  	s4 =	sshll.u32 s26, $0x1;
	_ =	strace $0x80000046;
	[dreg:$0x1] =	wrdreg $0xFFFFFFFF  }
0xa7: {  	s28 =	simm.s32 $_size_execute0_lowered;
	s2 =	sadd.s32 s2, s4;
	[dreg:$0x0] =	wrdreg $0x0  }
0xa8: {  	s4 =	sshll.u32 s28, $0x1;
	[dreg:$0x2] =	wrdreg s2  }
0xa9: {  	[dreg:$0x3] =	wrdreg s4  }
0xaa: {  	[dreg:$0x4] =	wrdreg $0xC0  }
0xab: {  	_ =	task [dreg:s6], $0x5FFFF  }
0xac: {  	[dreg:$0x1] =	wrdreg $0xFFFFFFFF  }
0xad: {  	[dreg:$0x0] =	wrdreg $0x60  }
0xae: {  	[dreg:$0x2] =	wrdreg s24  }
0xaf: {  	[dreg:$0x3] =	wrdreg $0x58000  }
0xb0: {  	[dreg:$0x4] =	wrdreg $0x1E0800  }
0xb1: {  	[dreg:$0x5] =	wrdreg $0x9  }
0xb2: {  	_ =	task.clear_ibuf [dreg:s6], $0x6FFFF;
	_ =	strace $0x90000046  }
0xb3: {  	s29 =	simm.s32 $0x9;
	_ =	strace $0x80000048  }
0xb4: {  	_ =	swait.ge [sflag:s29], $0x1  }
0xb5: {  	[sflag:s29] =	ssyncadd.s32 $0xFFFFFFFF  }
0xb6: {  	_ =	strace $0x90000048  }
0xb7: {  	_ =	sfence  }
0xb8: {  	s30 =	sld [smem:$0x0];
	_ =	sdelay $0x2  }
0xb9: {  	s31 =	sshll.u32 s1, $0xD;
	s1 =	sshrl.u32 s1, $0x2  }
0xba: {  	s3 =	sand.u32 $0x4000, s31;
	s1 =	sadd.s32 s1, s30  }
0xbb: {  	s0 =	sor.u32 s3, s0;
	s1 =	sshll.u32 s1, $0x11  }
0xbc: {  	s0 =	sor.u32 s1, s0  }
0xbd: {  	s0 =	sadd.s32 $0x8F2B, s0  }
0xbe: {  	[sflag:s0] =	ssyncadd.remote.s32 $0x1  }
0xbf: {  	_ =	sfence.sel $0xFFFF  }
0xc0: {  	[dreg:$0x0] =	wrdreg $0xFFFFFFFF;
	(pc) =	sbr.abs _section_cstart, $3  }
0xc1: {  	[dreg:$0x1] =	wrdreg $0xFFFFFFFF  }
0xc2: {  	_ =	task.clear_ibuf [dreg:s6], $0x2FFFF;
	_ =	strace $0x9FFFFFFF  }
0xc3: {  	(tm) =	ssettm $0x7FFFFFFF  }
tec
execute0_lowered:
.L_overlay_start_1:
0x0: {  	(tag) =	ssettag $0x1  }
0x1: {  	s0 =	rddreg [dreg:$0x0]  }
0x2: {  	s2 =	rddreg [dreg:$0x1]  }
0x3: {  	s3 =	rddreg [dreg:$0x2];
	s4 =	simm.s32 $0x0  }
0x4: {  	s10 =	stileid.u32;
	s1 =	srdreg.scid;
	s23 =	simm.s32 $0x2000  }
0x5: {  	s24 =	simm.s32 $0x2800;
	[smem:$0x7FF] =	sst s4;
	s6 =	sadd.s32 $0x95200, s0  }
0x6: {  	s7 =	sadd.s32 $0x98400, s0;
	_ =	strace $0x80000047;
	[dreg:$0xb] =	wrdreg s6  }
0x7: {  	s25 =	simm.s32 $0x3000;
	s26 =	simm.s32 $0x3800;
	[dreg:$0xc] =	wrdreg s7  }
0x8: {  	s28 =	simm.s32 $0x4000;
	s13 =	smul.u32 $0x3100, s10;
	[dreg:$0x4] =	wrdreg s23  }
0x9: {  	s29 =	simm.s32 $0x4800;
	s8 =	smul.u32 $0x1880, s10;
	[dreg:$0x5] =	wrdreg s24  }
0xa: {  	s1 =	sand.u32 $0x1, s1;
	s11 =	smul.u32 $0x18800, s10;
	[dreg:$0x6] =	wrdreg s25  }
0xb: {  	s30 =	simm.s32 $0x5000;
	s5 =	smul.u32 $0x31000, s1;
	[dreg:$0x7] =	wrdreg s26  }
0xc: {  	s17 =	sshll.u32 s10, $0x6;
	s14 =	smul.u32 $0x3100, s1;
	[dreg:$0x8] =	wrdreg s28  }
0xd: {  	s15 =	ssub.s32 $0x2, s1;
	s12 =	sor.u32 $0x1C0B, s17;
	[dreg:$0x9] =	wrdreg s29  }
0xe: {  	p0 =	seq.s32 s1, $0x0;
	[dreg:$0xa] =	wrdreg s30;
	s1 =	simm.s32 $0x0  }
0xf: {  	s4 =	sadd.s32 s13, s0;
	s9 =	sshrl.u32 s15, $0x1;
	s18 =	sadd.s32 s11, s2  }
0x10: {  	s19 =	sadd.s32 s8, s3;
	s11 =	sshrl.u32 s11, $0x3;
	s8 =	sshrl.u32 s8, $0x3  }
0x11: {  	[dreg:$0xd] =	wrdreg s12;
	s5 =	sadd.s32 s5, s0;
	s20 =	sadd.s32 $0x188C00, s4  }
0x12: {  	s0 =	sadd.s32 s14, s0;
	s21 =	sadd.s32 $0x64200, s4;
	[dreg:$0xe] =	wrdreg s20  }
0x13: {  	s16 =	ssub.s32 s15, s9;
	s22 =	sadd.s32 $0x188C80, s4;
	[dreg:$0xf] =	wrdreg s21  }
0x14: {  	s4 =	sadd.s32 $0x64280, s4;
	s9 =	simm.s32 $0xB;
	[dreg:$0x11] =	wrdreg s22  }
0x15: {  	s7 =	sshrl.u32 s19, $0x3;
	s10 =	sadd.s32 $0x2200, s5;
	[dreg:$0x12] =	wrdreg s4  }
0x16: {  	s5 =	sadd.s32 $0x98800, s5;
	s6 =	smax.u32 s16, $0x1;
	[dreg:$0x14] =	wrdreg s7  }
0x17: {  	s0 =	sadd.s32 $0xFA800, s0;
	[dreg:$0x10] =	wrdreg s6;
	s31 =	sadd.s32 s11, s5  }
0x18: {  	s19 =	simm.s32 $0x1800;
	s0 =	sadd.s32 s8, s0;
	[dreg:$0x15] =	wrdreg s31  }
0x19: {  	s20 =	simm.s32 $0x1E000;
	s6 =	sshrl.u32 s18, $0x3;
	[dreg:$0x16] =	wrdreg s0  }
0x1a: {  	v0 =	vimm.f32 $1.000000000e+00;
	s21 =	simm.s32 $0x1;
	s18 =	simm.s32 $0x80;
	[dreg:$0x13] =	wrdreg s6  }
.LBB2_1:
0x1b: {  	[dreg:$0x17] =	wrdreg s1  }
0x1c: {  	s0 =	rddreg [dreg:$0xb]  }
0x1d: {  	[spmem:s6], [sflag:s12] =	dma.local [hbm:s0], $0x3100  }
0x1e: {  	_ =	swait.ge [sflag:s9], $0x3100  }
0x1f: {  	[sflag:s9] =	ssyncset.done $0x0  }
0x20: {  	s28 =	rddreg [dreg:$0xc];
	[sflag:s9] =	ssyncadd.s32 $0xFFFFCF00  }
0x21: {  	[spmem:s7], [sflag:s12] =	dma.local [hbm:s28], $0x310  }
0x22: {  	_ =	swait.ge [sflag:s9], $0x310  }
0x23: {  	[sflag:s9] =	ssyncset.done $0x0  }
0x24: {  	[sflag:s9] =	ssyncadd.s32 $0xFFFFFCF0  }
0x25: {  	[tilespmem:$0x1E000] =	vst v0  }
0x26: {  	[tilespmem:$0x1E010] =	vst v0  }
0x27: {  	[tilespmem:$0x1E020] =	vst v0  }
0x28: {  	[tilespmem:$0x1E030] =	vst v0  }
0x29: {  	[tilespmem:$0x1E040] =	vst v0  }
0x2a: {  	[tilespmem:$0x1E050] =	vst v0  }
0x2b: {  	[tilespmem:$0x1E060] =	vst v0  }
0x2c: {  	[tilespmem:$0x1E070] =	vst v0  }
0x2d: {  	[bflag:$0x0] =	sbarrier.arrive $0xFFFF  }
0x2e: {  	s29 =	simm.s32 $0x0;
	s30 =	rddreg [dreg:$0xe]  }
0x2f: {  	[tilespmem:s29], [sflag:$0xB] =	stream.linear.gather [hbm4b:s30+s29], $0x400, $0x38;
	[tilespmem:$0x1F900] =	vst v63  }
0x30: {  	s31 =	smul.u32 $0xAB, s29;
	_ =	swait.ge [sflag:s9], $0x400  }
0x31: {  	s5 =	simm.s32 $0xC00;
	[sflag:s9] =	ssyncset.done $0x0  }
0x32: {  	s0 =	sshrl.u32 s31, $0x9;
	s4 =	rddreg [dreg:$0xf];
	[sflag:s9] =	ssyncadd.s32 $0xFFFFFC00  }
0x33: {  	[tilespmem:s5], [sflag:$0xB] =	stream.linear.gather [hbm4b:s4+s29], $0x400, $0x38;
	[tilespmem:$0x1F900] =	vst v63  }
0x34: {  	p1 =	por $0x1, $0x1;
	s0 =	sand.u32 $0x7F, s0;
	_ =	swait.ge [sflag:s9], $0x400  }
0x35: {  	p2 =	por p1, p1;
	s0 =	smul.u32 $0x3, s0;
	[sflag:s9] =	ssyncset.done $0x0  }
0x36: {  	s4 =	simm.s32 @!p2 $0x2;
	[sflag:s9] =	ssyncadd.s32 $0xFFFFFC00  }
0x37: {  	s0 =	ssub.s32 $0x0, s0;
	_ =	swait.ge @!p2 [sflag:s4], $0x800  }
0x38: {  	p1 =	por $0x0, $0x0;
	s0 =	sand.u32 $0xFF, s0;
	[sflag:s4] =	ssyncset.done @!p2 $0x0  }
0x39: {  	s0 =	sshll.u32 s0, $0xA;
	s5 =	simm.s32 @p1 $0x3;
	[sflag:s4] =	ssyncadd.s32 @!p2 $0xFFFFF800  }
0x3a: {  	[tilespmem:s19], [sflag:$0x1] =	stream.indirect.gather [hbm4b:s10+s18], $0x10, s0, s18, $0xb8;
	[tilespmem:$0x1F900] =	vst v63  }
0x3b: {  	_ =	swait.ge @p1 [sflag:s5], $0x800  }
0x3c: {  	s8 =	simm.s32 @p1 $0x80;
	s6 =	simm.s32 @p1 $0x2000;
	[sflag:s5] =	ssyncset.done @p1 $0x0  }
0x3d: {  	s4 =	sor.u32 @p1 $0x80, s0;
	[sflag:s5] =	ssyncadd.s32 @p1 $0xFFFFF800;
	s5 =	simm.s32 @p1 $0x4  }
0x3e: {  	[tilespmem:s6], [sflag:$0x1] =	stream.indirect.gather @p1 [hbm4b:s10+s8], $0x10, s4, s8, $0xb8;
	[tilespmem:$0x1F900] =	vst v63  }
0x3f: {  	_ =	swait.ge @p1 [sflag:s5], $0x800  }
0x40: {  	s7 =	simm.s32 @p1 $0x5;
	[sflag:s5] =	ssyncset.done @p1 $0x0  }
0x41: {  	s6 =	simm.s32 @p1 $0x2800;
	[sflag:s5] =	ssyncadd.s32 @p1 $0xFFFFF800;
	s5 =	sor.u32 @p1 $0x100, s0  }
0x42: {  	[tilespmem:s6], [sflag:$0x1] =	stream.indirect.gather @p1 [hbm4b:s10+s8], $0x10, s5, s8, $0xb8;
	[tilespmem:$0x1F900] =	vst v63  }
0x43: {  	_ =	swait.ge @p1 [sflag:s7], $0x800  }
0x44: {  	s11 =	simm.s32 @p1 $0x6;
	[sflag:s7] =	ssyncset.done @p1 $0x0  }
0x45: {  	s9 =	simm.s32 @p1 $0x3000;
	s6 =	sor.u32 @p1 $0x180, s0;
	[sflag:s7] =	ssyncadd.s32 @p1 $0xFFFFF800  }
0x46: {  	[tilespmem:s9], [sflag:$0x1] =	stream.indirect.gather @p1 [hbm4b:s10+s8], $0x10, s6, s8, $0xb8;
	[tilespmem:$0x1F900] =	vst v63  }
0x47: {  	_ =	swait.ge @p1 [sflag:s11], $0x800  }
0x48: {  	s12 =	simm.s32 @p1 $0x7;
	[sflag:s11] =	ssyncset.done @p1 $0x0  }
0x49: {  	s7 =	simm.s32 @p1 $0x3800;
	s9 =	sor.u32 @p1 $0x200, s0;
	[sflag:s11] =	ssyncadd.s32 @p1 $0xFFFFF800  }
0x4a: {  	[tilespmem:s7], [sflag:$0x1] =	stream.indirect.gather @p1 [hbm4b:s10+s8], $0x10, s9, s8, $0xb8;
	[tilespmem:$0x1F900] =	vst v63  }
0x4b: {  	_ =	swait.ge @p1 [sflag:s12], $0x800  }
0x4c: {  	s11 =	simm.s32 @p1 $0x4000;
	[sflag:s12] =	ssyncset.done @p1 $0x0  }
0x4d: {  	s7 =	sor.u32 @p1 $0x280, s0;
	[sflag:s12] =	ssyncadd.s32 @p1 $0xFFFFF800;
	s12 =	simm.s32 @p1 $0x8  }
0x4e: {  	[tilespmem:s11], [sflag:$0x1] =	stream.indirect.gather @p1 [hbm4b:s10+s8], $0x10, s7, s8, $0xb8;
	[tilespmem:$0x1F900] =	vst v63  }
0x4f: {  	_ =	swait.ge @p1 [sflag:s12], $0x800  }
0x50: {  	s13 =	sor.u32 @p1 $0x300, s0;
	[sflag:s12] =	ssyncset.done @p1 $0x0  }
0x51: {  	s11 =	simm.s32 @p1 $0x9;
	[sflag:s12] =	ssyncadd.s32 @p1 $0xFFFFF800;
	s12 =	simm.s32 @p1 $0x4800  }
0x52: {  	[tilespmem:s12], [sflag:$0x1] =	stream.indirect.gather @p1 [hbm4b:s10+s8], $0x10, s13, s8, $0xb8;
	[tilespmem:$0x1F900] =	vst v63  }
0x53: {  	_ =	swait.ge @p1 [sflag:s11], $0x800  }
0x54: {  	s14 =	simm.s32 @p1 $0xA;
	[sflag:s11] =	ssyncset.done @p1 $0x0  }
0x55: {  	s12 =	sor.u32 @p1 $0x380, s0;
	[sflag:s11] =	ssyncadd.s32 @p1 $0xFFFFF800;
	s11 =	simm.s32 @p1 $0x5000  }
0x56: {  	[tilespmem:s11], [sflag:$0x1] =	stream.indirect.gather @p1 [hbm4b:s10+s8], $0x10, s12, s8, $0xb8;
	[tilespmem:$0x1F900] =	vst v63  }
0x57: {  	_ =	swait.ge @p1 [sflag:s14], $0x80  }
0x58: {  	[sflag:s14] =	ssyncset.done @p1 $0x0  }
0x59: {  	[sflag:s14] =	ssyncadd.s32 @p1 $0xFFFFFF80  }
0x5a: {  	_ =	swait.ge @p1 [sflag:s14], $0x80  }
0x5b: {  	[sflag:s14] =	ssyncset.done @p1 $0x0  }
0x5c: {  	[sflag:s14] =	ssyncadd.s32 @p1 $0xFFFFFF80  }
0x5d: {  	_ =	swait.ge @p1 [sflag:s14], $0x80  }
0x5e: {  	[sflag:s14] =	ssyncset.done @p1 $0x0  }
0x5f: {  	[sflag:s14] =	ssyncadd.s32 @p1 $0xFFFFFF80  }
0x60: {  	_ =	swait.ge @p1 [sflag:s14], $0x80  }
0x61: {  	[sflag:s14] =	ssyncset.done @p1 $0x0  }
0x62: {  	s8 =	simm.s32 @!p1 $0x80;
	s11 =	simm.s32 @!p1 $0x2000;
	[sflag:s14] =	ssyncadd.s32 @p1 $0xFFFFFF80  }
0x63: {  	[tilespmem:s11], [sflag:$0x1] =	stream.indirect.gather @!p1 [hbm4b:s10+s8], $0x10, s8, s8, $0xb8;
	[tilespmem:$0x1F900] =	vst v63  }
0x64: {  	s14 =	simm.s32 @!p1 $0x2800;
	s11 =	simm.s32 @!p1 $0x100  }
0x65: {  	[tilespmem:s14], [sflag:$0x1] =	stream.indirect.gather @!p1 [hbm4b:s10+s8], $0x10, s11, s8, $0xb8;
	[tilespmem:$0x1F900] =	vst v63  }
0x66: {  	s11 =	simm.s32 @!p1 $0x180;
	s14 =	simm.s32 @!p1 $0x3000  }
0x67: {  	[tilespmem:s14], [sflag:$0x1] =	stream.indirect.gather @!p1 [hbm4b:s10+s8], $0x10, s11, s8, $0xb8;
	[tilespmem:$0x1F900] =	vst v63  }
0x68: {  	s11 =	simm.s32 @!p1 $0x200;
	s14 =	simm.s32 @!p1 $0x3800  }
0x69: {  	[tilespmem:s14], [sflag:$0x1] =	stream.indirect.gather @!p1 [hbm4b:s10+s8], $0x10, s11, s8, $0xb8;
	[tilespmem:$0x1F900] =	vst v63  }
0x6a: {  	s16 =	simm.s32 @!p1 $0x4800;
	s11 =	simm.s32 @!p1 $0x280;
	s14 =	simm.s32 @!p1 $0x4000  }
0x6b: {  	[tilespmem:s14], [sflag:$0x1] =	stream.indirect.gather @!p1 [hbm4b:s10+s8], $0x10, s11, s8, $0xb8;
	[tilespmem:$0x1F900] =	vst v63  }
0x6c: {  	p2 =	por $0x0, $0x0;
	s11 =	simm.s32 $0x1;
	s14 =	simm.s32 @!p1 $0x300  }
0x6d: {  	[tilespmem:s16], [sflag:$0x1] =	stream.indirect.gather @!p1 [hbm4b:s10+s8], $0x10, s14, s8, $0xb8;
	[tilespmem:$0x1F900] =	vst v63  }
0x6e: {  	s22 =	simm.s32 @!p1 $0x5000;
	s14 =	smul.u32 @!p2 $0xAB, s11;
	s16 =	simm.s32 @!p1 $0x380  }
0x6f: {  	[tilespmem:s22], [sflag:$0x1] =	stream.indirect.gather @!p1 [hbm4b:s10+s8], $0x10, s16, s8, $0xb8;
	[tilespmem:$0x1F900] =	vst v63  }
0x70: {  	s4 =	simm.s32 @!p1 $0x80;
	s9 =	simm.s32 @!p1 $0x200;
	s8 =	sshrl.u32 @!p2 s14, $0x9  }
0x71: {  	s5 =	simm.s32 @!p1 $0x100;
	s14 =	smov.u32 s9;
	s8 =	sand.u32 @!p2 $0x7F, s8  }
0x72: {  	s7 =	simm.s32 @!p1 $0x280;
	s14 =	smov.u32 @p0 s0;
	s16 =	smul.u32 @!p2 $0x3, s8  }
0x73: {  	s8 =	smov.u32 s13;
	s1 =	sadd.s32 $0xC00, s14;
	s14 =	smov.u32 s7  }
0x74: {  	[spmem:s3] =	stream.indirect.scatter.add.f32 [tilespmem:s20], [sflag:$0xA], $0x1, s1, s18, $0xb8;
	[tilespmem:$0x1F900] =	vst v63  }
0x75: {  	s6 =	simm.s32 @!p1 $0x180;
	s8 =	simm.s32 @!p1 $0x300;
	s14 =	smov.u32 @p0 s4  }
0x76: {  	s12 =	simm.s32 @!p1 $0x380;
	s13 =	smov.u32 s8;
	s14 =	sadd.s32 $0xC00, s14  }
0x77: {  	[spmem:s3] =	stream.indirect.scatter.add.f32 [tilespmem:s20], [sflag:$0xA], $0x1, s14, s18, $0xb8;
	[tilespmem:$0x1F900] =	vst v63  }
0x78: {  	p1 =	por p2, p2;
	s13 =	smov.u32 @p0 s5;
	s14 =	smov.u32 s12  }
0x79: {  	s16 =	ssub.s32 @!p2 $0x1, s16;
	s14 =	smov.u32 @p0 s6;
	s13 =	sadd.s32 $0xC00, s13  }
0x7a: {  	[spmem:s3] =	stream.indirect.scatter.add.f32 [tilespmem:s20], [sflag:$0xA], $0x1, s13, s18, $0xb8;
	[tilespmem:$0x1F900] =	vst v63  }
0x7b: {  	s1 =	rddreg [dreg:$0x11];
	s13 =	sand.u32 @!p2 $0xFF, s16;
	s14 =	sadd.s32 $0xC00, s14  }
0x7c: {  	[spmem:s3] =	stream.indirect.scatter.add.f32 [tilespmem:s20], [sflag:$0xA], $0x1, s14, s18, $0xb8;
	[tilespmem:$0x1F900] =	vst v63  }
0x7d: {  	s16 =	simm.s32 @!p1 $0xB;
	s13 =	sshll.u32 @!p2 s13, $0xA;
	s14 =	simm.s32 @!p1 $0x0  }
0x7e: {  	[tilespmem:s13], [sflag:$0xB] =	stream.linear.gather @!p1 [hbm4b:s1+s14], $0x400, $0x38;
	[tilespmem:$0x1F900] =	vst v63  }
0x7f: {  	_ =	swait.ge @!p1 [sflag:s16], $0x400  }
0x80: {  	[sflag:s16] =	ssyncset.done @!p1 $0x0  }
0x81: {  	s13 =	sadd.s32 @!p2 $0xC00, s13;
	s15 =	rddreg [dreg:$0x12];
	[sflag:s16] =	ssyncadd.s32 @!p1 $0xFFFFFC00  }
0x82: {  	[tilespmem:s13], [sflag:$0xB] =	stream.linear.gather @!p1 [hbm4b:s15+s14], $0x400, $0x38;
	[tilespmem:$0x1F900] =	vst v63  }
0x83: {  	_ =	swait.ge @!p1 [sflag:s16], $0x400  }
0x84: {  	[sflag:s16] =	ssyncset.done @!p1 $0x0  }
0x85: {  	[sflag:s16] =	ssyncadd.s32 @!p1 $0xFFFFFC00  }
0x86: {  	_ =	swait.ge [sflag:s21], $0x800  }
0x87: {  	[sflag:s21] =	ssyncset.done $0x0  }
0x88: {  	s0 =	sadd.s32 $0xC00, s0;
	[sflag:s21] =	ssyncadd.s32 $0xFFFFF800  }
0x89: {  	[spmem:s2] =	stream.indirect.scatter.add.f32 [tilespmem:s19], [sflag:$0x2], $0x10, s0, s18, $0xb8;
	[tilespmem:$0x1F900] =	vst v63  }
0x8a: {  	_ =	swait.ge [sflag:s21], $0x800  }
0x8b: {  	[sflag:s21] =	ssyncset.done $0x0  }
0x8c: {  	s4 =	sadd.s32 $0xC00, s4;
	s13 =	rddreg [dreg:$0x4];
	[sflag:s21] =	ssyncadd.s32 $0xFFFFF800  }
0x8d: {  	[spmem:s2] =	stream.indirect.scatter.add.f32 [tilespmem:s13], [sflag:$0x3], $0x10, s4, s18, $0xb8;
	[tilespmem:$0x1F900] =	vst v63  }
0x8e: {  	_ =	swait.ge [sflag:s21], $0x800  }
0x8f: {  	[sflag:s21] =	ssyncset.done $0x0  }
0x90: {  	s16 =	sadd.s32 $0xC00, s5;
	s14 =	rddreg [dreg:$0x5];
	[sflag:s21] =	ssyncadd.s32 $0xFFFFF800  }
0x91: {  	[spmem:s2] =	stream.indirect.scatter.add.f32 [tilespmem:s14], [sflag:$0x4], $0x10, s16, s18, $0xb8;
	[tilespmem:$0x1F900] =	vst v63  }
0x92: {  	_ =	swait.ge [sflag:s21], $0x800  }
0x93: {  	[sflag:s21] =	ssyncset.done $0x0  }
0x94: {  	s22 =	sadd.s32 $0xC00, s6;
	s17 =	rddreg [dreg:$0x6];
	[sflag:s21] =	ssyncadd.s32 $0xFFFFF800  }
0x95: {  	[spmem:s2] =	stream.indirect.scatter.add.f32 [tilespmem:s17], [sflag:$0x5], $0x10, s22, s18, $0xb8;
	[tilespmem:$0x1F900] =	vst v63  }
0x96: {  	p1 =	por $0x0, $0x0;
	s22 =	simm.s32 $0x2  }
0x97: {  	p6 =	por $0x0, $0x0;
	_ =	swait.ge [sflag:s21], $0x800;
	s0 =	smul.u32 @!p1 $0xAB, s22  }
0x98: {  	s24 =	sadd.s32 $0xC00, s9;
	s30 =	smul.u32 $0xAB, s11;
	[sflag:s21] =	ssyncset.done $0x0  }
0x99: {  	s23 =	rddreg [dreg:$0x7];
	s0 =	sshrl.u32 @!p1 s0, $0x9;
	[sflag:s21] =	ssyncadd.s32 $0xFFFFF800  }
0x9a: {  	[spmem:s2] =	stream.indirect.scatter.add.f32 [tilespmem:s23], [sflag:$0x6], $0x10, s24, s18, $0xb8;
	[tilespmem:$0x1F900] =	vst v63  }
0x9b: {  	s26 =	sadd.s32 $0xC00, s7;
	s31 =	sshrl.u32 s30, $0x9;
	s0 =	sand.u32 @!p1 $0x7F, s0  }
0x9c: {  	s29 =	sadd.s32 $0xC00, s8;
	_ =	swait.ge [sflag:s21], $0x800;
	s0 =	smul.u32 @!p1 $0x3, s0  }
0x9d: {  	s9 =	sadd.s32 $0x80, s1;
	p2 =	por p6, p6;
	[sflag:s21] =	ssyncset.done $0x0  }
0x9e: {  	s25 =	rddreg [dreg:$0x8];
	s0 =	ssub.s32 @!p1 $0x2, s0;
	[sflag:s21] =	ssyncadd.s32 $0xFFFFF800  }
0x9f: {  	[spmem:s2] =	stream.indirect.scatter.add.f32 [tilespmem:s25], [sflag:$0x7], $0x10, s26, s18, $0xb8;
	[tilespmem:$0x1F900] =	vst v63  }
0xa0: {  	s8 =	sadd.s32 $0x80, s15;
	s0 =	sand.u32 @!p1 $0xFF, s0;
	_ =	swait.ge [sflag:s21], $0x800  }
0xa1: {  	s4 =	sand.u32 $0x7F, s31;
	s6 =	sshll.u32 @!p1 s0, $0xA;
	[sflag:s21] =	ssyncset.done $0x0  }
0xa2: {  	s0 =	sadd.s32 $0xC00, s12;
	s28 =	rddreg [dreg:$0x9];
	[sflag:s21] =	ssyncadd.s32 $0xFFFFF800  }
0xa3: {  	[spmem:s2] =	stream.indirect.scatter.add.f32 [tilespmem:s28], [sflag:$0x8], $0x10, s29, s18, $0xb8;
	[tilespmem:$0x1F900] =	vst v63  }
0xa4: {  	s5 =	sadd.s32 @!p1 $0xC00, s6;
	p1 =	por p1, p1;
	_ =	swait.ge [sflag:s21], $0x800  }
.LBB2_2:
0xa5: {  	p6 =	seq.s32 s22, $0x0;
	s4 =	smul.u32 $0x3, s4;
	s7 =	simm.s32 @!p2 $0x2  }
0xa6: {  	s12 =	smov.u32 s22;
	p4 =	seq.s32 s22, $0x61;
	[sflag:s21] =	ssyncset.done $0x0  }
0xa7: {  	s13 =	rddreg [dreg:$0xa];
	s22 =	sadd.s32 $0x1, s22;
	[sflag:s21] =	ssyncadd.s32 $0xFFFFF800  }
0xa8: {  	[spmem:s2] =	stream.indirect.scatter.add.f32 [tilespmem:s13], [sflag:$0x9], $0x10, s0, s18, $0xb8;
	[tilespmem:$0x1F900] =	vst v63  }
0xa9: {  	p5 =	sne.s32 s11, $0x0;
	s4 =	ssub.s32 s11, s4;
	_ =	swait.ge @!p2 [sflag:s7], $0x800  }
0xaa: {  	s14 =	smul.u32 @!p4 $0xAB, s22;
	s4 =	sand.u32 $0xFF, s4;
	[sflag:s7] =	ssyncset.done @!p2 $0x0  }
0xab: {  	s13 =	simm.s32 @p5 $0x3;
	s24 =	sshll.u32 s4, $0xA;
	[sflag:s7] =	ssyncadd.s32 @!p2 $0xFFFFF800  }
0xac: {  	[tilespmem:s19], [sflag:$0x1] =	stream.indirect.gather [hbm4b:s10+s18], $0x10, s24, s18, $0xb8;
	[tilespmem:$0x1F900] =	vst v63  }
0xad: {  	s11 =	smov.u32 s12;
	s12 =	simm.s32 @p5 $0x4;
	_ =	swait.ge @p5 [sflag:s13], $0x800  }
0xae: {  	s0 =	sshrl.u32 @!p4 s14, $0x9;
	s14 =	simm.s32 @p5 $0x80;
	[sflag:s13] =	ssyncset.done @p5 $0x0  }
0xaf: {  	s7 =	simm.s32 @p5 $0x2000;
	s4 =	sor.u32 @p5 $0x80, s24;
	[sflag:s13] =	ssyncadd.s32 @p5 $0xFFFFF800  }
0xb0: {  	[tilespmem:s7], [sflag:$0x1] =	stream.indirect.gather @p5 [hbm4b:s10+s14], $0x10, s4, s14, $0xb8;
	[tilespmem:$0x1F900] =	vst v63  }
0xb1: {  	_ =	swait.ge @p5 [sflag:s12], $0x800  }
0xb2: {  	s25 =	sor.u32 @p5 $0x100, s24;
	[sflag:s12] =	ssyncset.done @p5 $0x0  }
0xb3: {  	s13 =	simm.s32 @p5 $0x5;
	s7 =	simm.s32 @p5 $0x2800;
	[sflag:s12] =	ssyncadd.s32 @p5 $0xFFFFF800  }
0xb4: {  	[tilespmem:s7], [sflag:$0x1] =	stream.indirect.gather @p5 [hbm4b:s10+s14], $0x10, s25, s14, $0xb8;
	[tilespmem:$0x1F900] =	vst v63  }
0xb5: {  	_ =	swait.ge @p5 [sflag:s13], $0x800  }
0xb6: {  	s16 =	simm.s32 @p5 $0x6;
	[sflag:s13] =	ssyncset.done @p5 $0x0  }
0xb7: {  	s26 =	sor.u32 @p5 $0x180, s24;
	s7 =	simm.s32 @p5 $0x3000;
	[sflag:s13] =	ssyncadd.s32 @p5 $0xFFFFF800  }
0xb8: {  	[tilespmem:s7], [sflag:$0x1] =	stream.indirect.gather @p5 [hbm4b:s10+s14], $0x10, s26, s14, $0xb8;
	[tilespmem:$0x1F900] =	vst v63  }
0xb9: {  	_ =	swait.ge @p5 [sflag:s16], $0x800  }
0xba: {  	s29 =	simm.s32 @p5 $0x7;
	[sflag:s16] =	ssyncset.done @p5 $0x0  }
0xbb: {  	s13 =	sor.u32 @p5 $0x200, s24;
	s7 =	simm.s32 @p5 $0x3800;
	[sflag:s16] =	ssyncadd.s32 @p5 $0xFFFFF800  }
0xbc: {  	[tilespmem:s7], [sflag:$0x1] =	stream.indirect.gather @p5 [hbm4b:s10+s14], $0x10, s13, s14, $0xb8;
	[tilespmem:$0x1F900] =	vst v63  }
0xbd: {  	_ =	swait.ge @p5 [sflag:s29], $0x800  }
0xbe: {  	s16 =	sor.u32 @p5 $0x280, s24;
	[sflag:s29] =	ssyncset.done @p5 $0x0  }
0xbf: {  	s7 =	simm.s32 @p5 $0x4000;
	[sflag:s29] =	ssyncadd.s32 @p5 $0xFFFFF800;
	s29 =	simm.s32 @p5 $0x8  }
0xc0: {  	[tilespmem:s7], [sflag:$0x1] =	stream.indirect.gather @p5 [hbm4b:s10+s14], $0x10, s16, s14, $0xb8;
	[tilespmem:$0x1F900] =	vst v63  }
0xc1: {  	_ =	swait.ge @p5 [sflag:s29], $0x800  }
0xc2: {  	s17 =	simm.s32 @p5 $0x9;
	[sflag:s29] =	ssyncset.done @p5 $0x0  }
0xc3: {  	s1 =	sor.u32 @p5 $0x300, s24;
	[sflag:s29] =	ssyncadd.s32 @p5 $0xFFFFF800;
	s29 =	simm.s32 @p5 $0x4800  }
0xc4: {  	[tilespmem:s29], [sflag:$0x1] =	stream.indirect.gather @p5 [hbm4b:s10+s14], $0x10, s1, s14, $0xb8;
	[tilespmem:$0x1F900] =	vst v63  }
0xc5: {  	_ =	swait.ge @p5 [sflag:s17], $0x800  }
0xc6: {  	s15 =	simm.s32 @p5 $0xA;
	[sflag:s17] =	ssyncset.done @p5 $0x0  }
0xc7: {  	s7 =	sor.u32 @p5 $0x380, s24;
	[sflag:s17] =	ssyncadd.s32 @p5 $0xFFFFF800;
	s17 =	simm.s32 @p5 $0x5000  }
0xc8: {  	[tilespmem:s17], [sflag:$0x1] =	stream.indirect.gather @p5 [hbm4b:s10+s14], $0x10, s7, s14, $0xb8;
	[tilespmem:$0x1F900] =	vst v63  }
0xc9: {  	_ =	swait.ge @p5 [sflag:s15], $0x80  }
0xca: {  	[sflag:s15] =	ssyncset.done @p5 $0x0  }
0xcb: {  	[sflag:s15] =	ssyncadd.s32 @p5 $0xFFFFFF80  }
0xcc: {  	_ =	swait.ge @p5 [sflag:s15], $0x80  }
0xcd: {  	[sflag:s15] =	ssyncset.done @p5 $0x0  }
0xce: {  	[sflag:s15] =	ssyncadd.s32 @p5 $0xFFFFFF80  }
0xcf: {  	_ =	swait.ge @p5 [sflag:s15], $0x80  }
0xd0: {  	s4 =	simm.s32 @!p5 $0x80;
	s25 =	simm.s32 @!p5 $0x100;
	[sflag:s15] =	ssyncset.done @p5 $0x0  }
0xd1: {  	s12 =	smov.u32 s13;
	s26 =	simm.s32 @!p5 $0x180;
	[sflag:s15] =	ssyncadd.s32 @p5 $0xFFFFFF80  }
0xd2: {  	s12 =	simm.s32 @!p5 $0x200;
	s13 =	smov.u32 s16;
	_ =	swait.ge @p5 [sflag:s15], $0x80  }
0xd3: {  	s16 =	smov.u32 s1;
	s1 =	smov.u32 s7;
	[sflag:s15] =	ssyncset.done @p5 $0x0  }
0xd4: {  	s7 =	simm.s32 @!p5 $0x80;
	s14 =	simm.s32 @!p5 $0x2000;
	[sflag:s15] =	ssyncadd.s32 @p5 $0xFFFFFF80  }
0xd5: {  	[tilespmem:s14], [sflag:$0x1] =	stream.indirect.gather @!p5 [hbm4b:s10+s7], $0x10, s7, s7, $0xb8;
	[tilespmem:$0x1F900] =	vst v63  }
0xd6: {  	s23 =	smov.u32 s12;
	s15 =	simm.s32 @!p5 $0x2800;
	s14 =	simm.s32 @!p5 $0x100  }
0xd7: {  	[tilespmem:s15], [sflag:$0x1] =	stream.indirect.gather @!p5 [hbm4b:s10+s7], $0x10, s14, s7, $0xb8;
	[tilespmem:$0x1F900] =	vst v63  }
0xd8: {  	s23 =	smov.u32 @p0 s24;
	s14 =	simm.s32 @!p5 $0x180;
	s15 =	simm.s32 @!p5 $0x3000  }
0xd9: {  	[tilespmem:s15], [sflag:$0x1] =	stream.indirect.gather @!p5 [hbm4b:s10+s7], $0x10, s14, s7, $0xb8;
	[tilespmem:$0x1F900] =	vst v63  }
0xda: {  	s13 =	simm.s32 @!p5 $0x280;
	s14 =	simm.s32 @!p5 $0x200;
	s15 =	simm.s32 @!p5 $0x3800  }
0xdb: {  	[tilespmem:s15], [sflag:$0x1] =	stream.indirect.gather @!p5 [hbm4b:s10+s7], $0x10, s14, s7, $0xb8;
	[tilespmem:$0x1F900] =	vst v63  }
0xdc: {  	s28 =	smov.u32 s13;
	s14 =	simm.s32 @!p5 $0x280;
	s15 =	simm.s32 @!p5 $0x4000  }
0xdd: {  	[tilespmem:s15], [sflag:$0x1] =	stream.indirect.gather @!p5 [hbm4b:s10+s7], $0x10, s14, s7, $0xb8;
	[tilespmem:$0x1F900] =	vst v63  }
0xde: {  	s28 =	smov.u32 @p0 s4;
	s14 =	simm.s32 @!p5 $0x300;
	s15 =	simm.s32 @!p5 $0x4800  }
0xdf: {  	[tilespmem:s15], [sflag:$0x1] =	stream.indirect.gather @!p5 [hbm4b:s10+s7], $0x10, s14, s7, $0xb8;
	[tilespmem:$0x1F900] =	vst v63  }
0xe0: {  	s16 =	simm.s32 @!p5 $0x300;
	s14 =	simm.s32 @!p5 $0x380;
	s15 =	simm.s32 @!p5 $0x5000  }
0xe1: {  	[tilespmem:s15], [sflag:$0x1] =	stream.indirect.gather @!p5 [hbm4b:s10+s7], $0x10, s14, s7, $0xb8;
	[tilespmem:$0x1F900] =	vst v63  }
0xe2: {  	s30 =	smov.u32 s16;
	s1 =	simm.s32 @!p5 $0x380;
	s17 =	sadd.s32 $0xC00, s23  }
0xe3: {  	[spmem:s3] =	stream.indirect.scatter.add.f32 [tilespmem:s20], [sflag:$0xA], $0x1, s17, s18, $0xb8;
	[tilespmem:$0x1F900] =	vst v63  }
0xe4: {  	s30 =	smov.u32 @p0 s25;
	s29 =	smov.u32 s1;
	s23 =	sadd.s32 $0xC00, s28  }
0xe5: {  	[spmem:s3] =	stream.indirect.scatter.add.f32 [tilespmem:s20], [sflag:$0xA], $0x1, s23, s18, $0xb8;
	[tilespmem:$0x1F900] =	vst v63  }
0xe6: {  	s29 =	smov.u32 @p0 s26;
	s28 =	sadd.s32 $0xC00, s30  }
0xe7: {  	[spmem:s3] =	stream.indirect.scatter.add.f32 [tilespmem:s20], [sflag:$0xA], $0x1, s28, s18, $0xb8;
	[tilespmem:$0x1F900] =	vst v63  }
0xe8: {  	s30 =	sadd.s32 $0xC00, s29  }
0xe9: {  	[spmem:s3] =	stream.indirect.scatter.add.f32 [tilespmem:s20], [sflag:$0xA], $0x1, s30, s18, $0xb8;
	[tilespmem:$0x1F900] =	vst v63  }
0xea: {  	s7 =	simm.s32 @!p1 $0x0;
	s14 =	simm.s32 @!p1 $0xB  }
0xeb: {  	[tilespmem:s6], [sflag:$0xB] =	stream.linear.gather @!p1 [hbm4b:s9+s7], $0x400, $0x38;
	[tilespmem:$0x1F900] =	vst v63  }
0xec: {  	_ =	swait.ge @!p1 [sflag:s14], $0x400  }
0xed: {  	s0 =	sand.u32 @!p4 $0x7F, s0;
	[sflag:s14] =	ssyncset.done @!p1 $0x0  }
0xee: {  	s0 =	smul.u32 @!p4 $0x3, s0;
	[sflag:s14] =	ssyncadd.s32 @!p1 $0xFFFFFC00  }
0xef: {  	[tilespmem:s5], [sflag:$0xB] =	stream.linear.gather @!p1 [hbm4b:s8+s7], $0x400, $0x38;
	[tilespmem:$0x1F900] =	vst v63  }
0xf0: {  	_ =	swait.ge @!p1 [sflag:s14], $0x400  }
0xf1: {  	s0 =	ssub.s32 @!p4 s22, s0;
	[sflag:s14] =	ssyncset.done @!p1 $0x0  }
0xf2: {  	s0 =	sand.u32 @!p4 $0xFF, s0;
	[sflag:s14] =	ssyncadd.s32 @!p1 $0xFFFFFC00  }
0xf3: {  	s31 =	sshll.u32 @!p4 s0, $0xA;
	_ =	swait.ge [sflag:s21], $0x800  }
0xf4: {  	s0 =	sadd.s32 @!p4 $0xC00, s31;
	[sflag:s21] =	ssyncset.done $0x0  }
0xf5: {  	s6 =	smov.u32 s31;
	s31 =	sadd.s32 $0xC00, s24;
	[sflag:s21] =	ssyncadd.s32 $0xFFFFF800  }
0xf6: {  	[spmem:s2] =	stream.indirect.scatter.add.f32 [tilespmem:s19], [sflag:$0x2], $0x10, s31, s18, $0xb8;
	[tilespmem:$0x1F900] =	vst v63  }
0xf7: {  	_ =	swait.ge [sflag:s21], $0x800  }
0xf8: {  	[sflag:s21] =	ssyncset.done $0x0  }
0xf9: {  	s4 =	sadd.s32 $0xC00, s4;
	s7 =	rddreg [dreg:$0x4];
	[sflag:s21] =	ssyncadd.s32 $0xFFFFF800  }
0xfa: {  	[spmem:s2] =	stream.indirect.scatter.add.f32 [tilespmem:s7], [sflag:$0x3], $0x10, s4, s18, $0xb8;
	[tilespmem:$0x1F900] =	vst v63  }
0xfb: {  	_ =	swait.ge [sflag:s21], $0x800  }
0xfc: {  	[sflag:s21] =	ssyncset.done $0x0  }
0xfd: {  	s14 =	sadd.s32 $0xC00, s25;
	s15 =	rddreg [dreg:$0x5];
	[sflag:s21] =	ssyncadd.s32 $0xFFFFF800  }
0xfe: {  	[spmem:s2] =	stream.indirect.scatter.add.f32 [tilespmem:s15], [sflag:$0x4], $0x10, s14, s18, $0xb8;
	[tilespmem:$0x1F900] =	vst v63  }
0xff: {  	_ =	swait.ge [sflag:s21], $0x800  }
0x100: {  	[sflag:s21] =	ssyncset.done $0x0  }
0x101: {  	s17 =	sadd.s32 $0xC00, s26;
	s23 =	rddreg [dreg:$0x6];
	[sflag:s21] =	ssyncadd.s32 $0xFFFFF800  }
0x102: {  	[spmem:s2] =	stream.indirect.scatter.add.f32 [tilespmem:s23], [sflag:$0x5], $0x10, s17, s18, $0xb8;
	[tilespmem:$0x1F900] =	vst v63  }
0x103: {  	_ =	swait.ge [sflag:s21], $0x800  }
0x104: {  	p3 =	sne.s32 s22, $0x62;
	[sflag:s21] =	ssyncset.done $0x0  }
0x105: {  	s24 =	sadd.s32 $0xC00, s12;
	s25 =	rddreg [dreg:$0x7];
	[sflag:s21] =	ssyncadd.s32 $0xFFFFF800  }
0x106: {  	[spmem:s2] =	stream.indirect.scatter.add.f32 [tilespmem:s25], [sflag:$0x6], $0x10, s24, s18, $0xb8;
	[tilespmem:$0x1F900] =	vst v63  }
0x107: {  	p2 =	por p6, p6;
	s29 =	sadd.s32 $0xC00, s16;
	_ =	swait.ge [sflag:s21], $0x800  }
0x108: {  	s26 =	sadd.s32 $0xC00, s13;
	s30 =	smul.u32 $0xAB, s11;
	[sflag:s21] =	ssyncset.done $0x0  }
0x109: {  	s9 =	sadd.s32 $0x80, s9;
	s28 =	rddreg [dreg:$0x8];
	[sflag:s21] =	ssyncadd.s32 $0xFFFFF800  }
0x10a: {  	[spmem:s2] =	stream.indirect.scatter.add.f32 [tilespmem:s28], [sflag:$0x7], $0x10, s26, s18, $0xb8;
	[tilespmem:$0x1F900] =	vst v63  }
.Ltmp0:
0x10b: {  	s5 =	smov.u32 s0;
	_ =	swait.ge [sflag:s21], $0x800;
	(pc) =	sbr.rel @p3 .LBB2_2-.Ltmp0, $4  }
0x10c: {  	s8 =	sadd.s32 $0x80, s8;
	s0 =	sadd.s32 $0xC00, s1;
	[sflag:s21] =	ssyncset.done $0x0  }
0x10d: {  	s4 =	sshrl.u32 s30, $0x9;
	s31 =	rddreg [dreg:$0x9];
	[sflag:s21] =	ssyncadd.s32 $0xFFFFF800  }
0x10e: {  	[spmem:s2] =	stream.indirect.scatter.add.f32 [tilespmem:s31], [sflag:$0x8], $0x10, s29, s18, $0xb8;
	[tilespmem:$0x1F900] =	vst v63  }
0x10f: {  	p1 =	por p4, p4;
	s4 =	sand.u32 $0x7F, s4;
	_ =	swait.ge [sflag:s21], $0x800  }
0x110: {  	s1 =	rddreg [dreg:$0xa];
	[sflag:s21] =	ssyncset.done $0x0  }
0x111: {  	s4 =	smul.u32 $0x3, s4;
	s7 =	simm.s32 @!p2 $0x2;
	[sflag:s21] =	ssyncadd.s32 $0xFFFFF800  }
0x112: {  	[spmem:s2] =	stream.indirect.scatter.add.f32 [tilespmem:s1], [sflag:$0x9], $0x10, s0, s18, $0xb8;
	[tilespmem:$0x1F900] =	vst v63  }
0x113: {  	s26 =	ssub.s32 s11, s4;
	_ =	swait.ge @!p2 [sflag:s7], $0x800  }
0x114: {  	p3 =	sne.s32 s11, $0x0;
	s0 =	sand.u32 $0xFF, s26;
	[sflag:s7] =	ssyncset.done @!p2 $0x0  }
0x115: {  	s1 =	simm.s32 @p3 $0x3;
	s0 =	sshll.u32 s0, $0xA;
	[sflag:s7] =	ssyncadd.s32 @!p2 $0xFFFFF800  }
0x116: {  	[tilespmem:s19], [sflag:$0x1] =	stream.indirect.gather [hbm4b:s10+s18], $0x10, s0, s18, $0xb8;
	[tilespmem:$0x1F900] =	vst v63  }
0x117: {  	_ =	swait.ge @p3 [sflag:s1], $0x800  }
0x118: {  	s11 =	simm.s32 @p3 $0x2000;
	s7 =	simm.s32 @p3 $0x80;
	[sflag:s1] =	ssyncset.done @p3 $0x0  }
0x119: {  	s4 =	sor.u32 @p3 $0x80, s0;
	[sflag:s1] =	ssyncadd.s32 @p3 $0xFFFFF800;
	s1 =	simm.s32 @p3 $0x4  }
0x11a: {  	[tilespmem:s11], [sflag:$0x1] =	stream.indirect.gather @p3 [hbm4b:s10+s7], $0x10, s4, s7, $0xb8;
	[tilespmem:$0x1F900] =	vst v63  }
0x11b: {  	_ =	swait.ge @p3 [sflag:s1], $0x800  }
0x11c: {  	s12 =	simm.s32 @p3 $0x2800;
	[sflag:s1] =	ssyncset.done @p3 $0x0  }
0x11d: {  	s13 =	simm.s32 @p3 $0x5;
	s11 =	sor.u32 @p3 $0x100, s0;
	[sflag:s1] =	ssyncadd.s32 @p3 $0xFFFFF800  }
0x11e: {  	[tilespmem:s12], [sflag:$0x1] =	stream.indirect.gather @p3 [hbm4b:s10+s7], $0x10, s11, s7, $0xb8;
	[tilespmem:$0x1F900] =	vst v63  }
0x11f: {  	_ =	swait.ge @p3 [sflag:s13], $0x800  }
0x120: {  	s22 =	sor.u32 @p3 $0x180, s0;
	[sflag:s13] =	ssyncset.done @p3 $0x0  }
0x121: {  	s1 =	simm.s32 @p3 $0x3000;
	s12 =	simm.s32 @p3 $0x6;
	[sflag:s13] =	ssyncadd.s32 @p3 $0xFFFFF800  }
0x122: {  	[tilespmem:s1], [sflag:$0x1] =	stream.indirect.gather @p3 [hbm4b:s10+s7], $0x10, s22, s7, $0xb8;
	[tilespmem:$0x1F900] =	vst v63  }
0x123: {  	_ =	swait.ge @p3 [sflag:s12], $0x800  }
0x124: {  	s14 =	simm.s32 @p3 $0x7;
	[sflag:s12] =	ssyncset.done @p3 $0x0  }
0x125: {  	s13 =	simm.s32 @p3 $0x3800;
	s1 =	sor.u32 @p3 $0x200, s0;
	[sflag:s12] =	ssyncadd.s32 @p3 $0xFFFFF800  }
0x126: {  	[tilespmem:s13], [sflag:$0x1] =	stream.indirect.gather @p3 [hbm4b:s10+s7], $0x10, s1, s7, $0xb8;
	[tilespmem:$0x1F900] =	vst v63  }
0x127: {  	_ =	swait.ge @p3 [sflag:s14], $0x800  }
0x128: {  	s12 =	sor.u32 @p3 $0x280, s0;
	[sflag:s14] =	ssyncset.done @p3 $0x0  }
0x129: {  	s13 =	simm.s32 @p3 $0x4000;
	[sflag:s14] =	ssyncadd.s32 @p3 $0xFFFFF800;
	s14 =	simm.s32 @p3 $0x8  }
0x12a: {  	[tilespmem:s13], [sflag:$0x1] =	stream.indirect.gather @p3 [hbm4b:s10+s7], $0x10, s12, s7, $0xb8;
	[tilespmem:$0x1F900] =	vst v63  }
0x12b: {  	_ =	swait.ge @p3 [sflag:s14], $0x800  }
0x12c: {  	s15 =	simm.s32 @p3 $0x9;
	[sflag:s14] =	ssyncset.done @p3 $0x0  }
0x12d: {  	s13 =	sor.u32 @p3 $0x300, s0;
	[sflag:s14] =	ssyncadd.s32 @p3 $0xFFFFF800;
	s14 =	simm.s32 @p3 $0x4800  }
0x12e: {  	[tilespmem:s14], [sflag:$0x1] =	stream.indirect.gather @p3 [hbm4b:s10+s7], $0x10, s13, s7, $0xb8;
	[tilespmem:$0x1F900] =	vst v63  }
0x12f: {  	_ =	swait.ge @p3 [sflag:s15], $0x800  }
0x130: {  	s16 =	simm.s32 @p3 $0xA;
	[sflag:s15] =	ssyncset.done @p3 $0x0  }
0x131: {  	s14 =	sor.u32 @p3 $0x380, s0;
	[sflag:s15] =	ssyncadd.s32 @p3 $0xFFFFF800;
	s15 =	simm.s32 @p3 $0x5000  }
0x132: {  	[tilespmem:s15], [sflag:$0x1] =	stream.indirect.gather @p3 [hbm4b:s10+s7], $0x10, s14, s7, $0xb8;
	[tilespmem:$0x1F900] =	vst v63  }
0x133: {  	_ =	swait.ge @p3 [sflag:s16], $0x80  }
0x134: {  	[sflag:s16] =	ssyncset.done @p3 $0x0  }
0x135: {  	[sflag:s16] =	ssyncadd.s32 @p3 $0xFFFFFF80  }
0x136: {  	_ =	swait.ge @p3 [sflag:s16], $0x80  }
0x137: {  	[sflag:s16] =	ssyncset.done @p3 $0x0  }
0x138: {  	[sflag:s16] =	ssyncadd.s32 @p3 $0xFFFFFF80  }
0x139: {  	_ =	swait.ge @p3 [sflag:s16], $0x80  }
0x13a: {  	[sflag:s16] =	ssyncset.done @p3 $0x0  }
0x13b: {  	[sflag:s16] =	ssyncadd.s32 @p3 $0xFFFFFF80  }
0x13c: {  	_ =	swait.ge @p3 [sflag:s16], $0x80  }
0x13d: {  	[sflag:s16] =	ssyncset.done @p3 $0x0  }
0x13e: {  	s15 =	simm.s32 @!p3 $0x80;
	s7 =	simm.s32 @!p3 $0x2000;
	[sflag:s16] =	ssyncadd.s32 @p3 $0xFFFFFF80  }
0x13f: {  	[tilespmem:s7], [sflag:$0x1] =	stream.indirect.gather @!p3 [hbm4b:s10+s15], $0x10, s15, s15, $0xb8;
	[tilespmem:$0x1F900] =	vst v63  }
0x140: {  	s16 =	simm.s32 @!p3 $0x2800;
	s7 =	simm.s32 @!p3 $0x100  }
0x141: {  	[tilespmem:s16], [sflag:$0x1] =	stream.indirect.gather @!p3 [hbm4b:s10+s15], $0x10, s7, s15, $0xb8;
	[tilespmem:$0x1F900] =	vst v63  }
0x142: {  	s7 =	simm.s32 @!p3 $0x180;
	s16 =	simm.s32 @!p3 $0x3000  }
0x143: {  	[tilespmem:s16], [sflag:$0x1] =	stream.indirect.gather @!p3 [hbm4b:s10+s15], $0x10, s7, s15, $0xb8;
	[tilespmem:$0x1F900] =	vst v63  }
0x144: {  	s7 =	simm.s32 @!p3 $0x200;
	s16 =	simm.s32 @!p3 $0x3800  }
0x145: {  	[tilespmem:s16], [sflag:$0x1] =	stream.indirect.gather @!p3 [hbm4b:s10+s15], $0x10, s7, s15, $0xb8;
	[tilespmem:$0x1F900] =	vst v63  }
0x146: {  	s7 =	simm.s32 @!p3 $0x280;
	s16 =	simm.s32 @!p3 $0x4000  }
0x147: {  	[tilespmem:s16], [sflag:$0x1] =	stream.indirect.gather @!p3 [hbm4b:s10+s15], $0x10, s7, s15, $0xb8;
	[tilespmem:$0x1F900] =	vst v63  }
0x148: {  	s17 =	simm.s32 @!p3 $0x4800;
	s16 =	simm.s32 @!p3 $0x300;
	s7 =	smov.u32 s1  }
0x149: {  	[tilespmem:s17], [sflag:$0x1] =	stream.indirect.gather @!p3 [hbm4b:s10+s15], $0x10, s16, s15, $0xb8;
	[tilespmem:$0x1F900] =	vst v63  }
0x14a: {  	s1 =	simm.s32 @!p3 $0x380;
	s7 =	simm.s32 @!p3 $0x200;
	s16 =	simm.s32 @!p3 $0x5000  }
0x14b: {  	[tilespmem:s16], [sflag:$0x1] =	stream.indirect.gather @!p3 [hbm4b:s10+s15], $0x10, s1, s15, $0xb8;
	[tilespmem:$0x1F900] =	vst v63  }
0x14c: {  	s1 =	smov.u32 s7  }
0x14d: {  	s1 =	smov.u32 @p0 s0  }
0x14e: {  	s12 =	simm.s32 @!p3 $0x280;
	s1 =	sadd.s32 $0xC00, s1  }
0x14f: {  	[spmem:s3] =	stream.indirect.scatter.add.f32 [tilespmem:s20], [sflag:$0xA], $0x1, s1, s18, $0xb8;
	[tilespmem:$0x1F900] =	vst v63  }
0x150: {  	s4 =	simm.s32 @!p3 $0x80;
	s1 =	smov.u32 s12  }
0x151: {  	s1 =	smov.u32 @p0 s4  }
0x152: {  	s13 =	simm.s32 @!p3 $0x300;
	s1 =	sadd.s32 $0xC00, s1  }
0x153: {  	[spmem:s3] =	stream.indirect.scatter.add.f32 [tilespmem:s20], [sflag:$0xA], $0x1, s1, s18, $0xb8;
	[tilespmem:$0x1F900] =	vst v63  }
0x154: {  	s11 =	simm.s32 @!p3 $0x100;
	s1 =	smov.u32 s13  }
0x155: {  	s1 =	smov.u32 @p0 s11  }
0x156: {  	s14 =	simm.s32 @!p3 $0x380;
	s1 =	sadd.s32 $0xC00, s1  }
0x157: {  	[spmem:s3] =	stream.indirect.scatter.add.f32 [tilespmem:s20], [sflag:$0xA], $0x1, s1, s18, $0xb8;
	[tilespmem:$0x1F900] =	vst v63  }
0x158: {  	s22 =	simm.s32 @!p3 $0x180;
	s1 =	smov.u32 s14  }
0x159: {  	s1 =	smov.u32 @p0 s22  }
0x15a: {  	s1 =	sadd.s32 $0xC00, s1  }
0x15b: {  	[spmem:s3] =	stream.indirect.scatter.add.f32 [tilespmem:s20], [sflag:$0xA], $0x1, s1, s18, $0xb8;
	[tilespmem:$0x1F900] =	vst v63  }
0x15c: {  	s1 =	simm.s32 @!p1 $0x0  }
0x15d: {  	[tilespmem:s6], [sflag:$0xB] =	stream.linear.gather @!p1 [hbm4b:s9+s1], $0x400, $0x38;
	[tilespmem:$0x1F900] =	vst v63  }
0x15e: {  	s6 =	simm.s32 @!p1 $0xB  }
0x15f: {  	_ =	swait.ge @!p1 [sflag:s6], $0x400  }
0x160: {  	[sflag:s6] =	ssyncset.done @!p1 $0x0  }
0x161: {  	[sflag:s6] =	ssyncadd.s32 @!p1 $0xFFFFFC00  }
0x162: {  	[tilespmem:s5], [sflag:$0xB] =	stream.linear.gather @!p1 [hbm4b:s8+s1], $0x400, $0x38;
	[tilespmem:$0x1F900] =	vst v63  }
0x163: {  	_ =	swait.ge @!p1 [sflag:s6], $0x400  }
0x164: {  	[sflag:s6] =	ssyncset.done @!p1 $0x0  }
0x165: {  	[sflag:s6] =	ssyncadd.s32 @!p1 $0xFFFFFC00  }
0x166: {  	_ =	swait.ge [sflag:s21], $0x800  }
0x167: {  	[sflag:s21] =	ssyncset.done $0x0  }
0x168: {  	s0 =	sadd.s32 $0xC00, s0;
	[sflag:s21] =	ssyncadd.s32 $0xFFFFF800  }
0x169: {  	[spmem:s2] =	stream.indirect.scatter.add.f32 [tilespmem:s19], [sflag:$0x2], $0x10, s0, s18, $0xb8;
	[tilespmem:$0x1F900] =	vst v63  }
0x16a: {  	_ =	swait.ge [sflag:s21], $0x800  }
0x16b: {  	[sflag:s21] =	ssyncset.done $0x0  }
0x16c: {  	s29 =	sadd.s32 $0xC00, s4;
	s28 =	rddreg [dreg:$0x4];
	[sflag:s21] =	ssyncadd.s32 $0xFFFFF800  }
0x16d: {  	[spmem:s2] =	stream.indirect.scatter.add.f32 [tilespmem:s28], [sflag:$0x3], $0x10, s29, s18, $0xb8;
	[tilespmem:$0x1F900] =	vst v63  }
0x16e: {  	_ =	swait.ge [sflag:s21], $0x800  }
0x16f: {  	[sflag:s21] =	ssyncset.done $0x0  }
0x170: {  	s31 =	sadd.s32 $0xC00, s11;
	s30 =	rddreg [dreg:$0x5];
	[sflag:s21] =	ssyncadd.s32 $0xFFFFF800  }
0x171: {  	[spmem:s2] =	stream.indirect.scatter.add.f32 [tilespmem:s30], [sflag:$0x4], $0x10, s31, s18, $0xb8;
	[tilespmem:$0x1F900] =	vst v63  }
0x172: {  	_ =	swait.ge [sflag:s21], $0x800  }
0x173: {  	[sflag:s21] =	ssyncset.done $0x0  }
0x174: {  	s4 =	sadd.s32 $0xC00, s22;
	s1 =	rddreg [dreg:$0x6];
	[sflag:s21] =	ssyncadd.s32 $0xFFFFF800  }
0x175: {  	[spmem:s2] =	stream.indirect.scatter.add.f32 [tilespmem:s1], [sflag:$0x5], $0x10, s4, s18, $0xb8;
	[tilespmem:$0x1F900] =	vst v63  }
0x176: {  	_ =	swait.ge [sflag:s21], $0x800  }
0x177: {  	[sflag:s21] =	ssyncset.done $0x0  }
0x178: {  	s6 =	sadd.s32 $0xC00, s7;
	s5 =	rddreg [dreg:$0x7];
	[sflag:s21] =	ssyncadd.s32 $0xFFFFF800  }
0x179: {  	[spmem:s2] =	stream.indirect.scatter.add.f32 [tilespmem:s5], [sflag:$0x6], $0x10, s6, s18, $0xb8;
	[tilespmem:$0x1F900] =	vst v63  }
0x17a: {  	_ =	swait.ge [sflag:s21], $0x800  }
0x17b: {  	[sflag:s21] =	ssyncset.done $0x0  }
0x17c: {  	s8 =	sadd.s32 $0xC00, s12;
	s7 =	rddreg [dreg:$0x8];
	[sflag:s21] =	ssyncadd.s32 $0xFFFFF800  }
0x17d: {  	[spmem:s2] =	stream.indirect.scatter.add.f32 [tilespmem:s7], [sflag:$0x7], $0x10, s8, s18, $0xb8;
	[tilespmem:$0x1F900] =	vst v63  }
0x17e: {  	_ =	swait.ge [sflag:s21], $0x800  }
0x17f: {  	[sflag:s21] =	ssyncset.done $0x0  }
0x180: {  	s11 =	sadd.s32 $0xC00, s13;
	s9 =	rddreg [dreg:$0x9];
	[sflag:s21] =	ssyncadd.s32 $0xFFFFF800  }
0x181: {  	[spmem:s2] =	stream.indirect.scatter.add.f32 [tilespmem:s9], [sflag:$0x8], $0x10, s11, s18, $0xb8;
	[tilespmem:$0x1F900] =	vst v63  }
0x182: {  	_ =	swait.ge [sflag:s21], $0x800  }
0x183: {  	s13 =	sadd.s32 $0xC00, s14;
	[sflag:s21] =	ssyncset.done $0x0  }
0x184: {  	s14 =	simm.s32 $0x2;
	s12 =	rddreg [dreg:$0xa];
	[sflag:s21] =	ssyncadd.s32 $0xFFFFF800  }
0x185: {  	[spmem:s2] =	stream.indirect.scatter.add.f32 [tilespmem:s12], [sflag:$0x9], $0x10, s13, s18, $0xb8;
	[tilespmem:$0x1F900] =	vst v63  }
0x186: {  	_ =	swait.ge [sflag:s14], $0x800  }
0x187: {  	[sflag:s14] =	ssyncset.done $0x0  }
0x188: {  	s15 =	simm.s32 $0x3;
	[sflag:s14] =	ssyncadd.s32 $0xFFFFF800  }
0x189: {  	_ =	swait.ge [sflag:s15], $0x800  }
0x18a: {  	[sflag:s15] =	ssyncset.done $0x0  }
0x18b: {  	s16 =	simm.s32 $0x4;
	[sflag:s15] =	ssyncadd.s32 $0xFFFFF800  }
0x18c: {  	_ =	swait.ge [sflag:s16], $0x800  }
0x18d: {  	[sflag:s16] =	ssyncset.done $0x0  }
0x18e: {  	s17 =	simm.s32 $0x5;
	[sflag:s16] =	ssyncadd.s32 $0xFFFFF800  }
0x18f: {  	_ =	swait.ge [sflag:s17], $0x800  }
0x190: {  	[sflag:s17] =	ssyncset.done $0x0  }
0x191: {  	s22 =	simm.s32 $0x6;
	[sflag:s17] =	ssyncadd.s32 $0xFFFFF800  }
0x192: {  	_ =	swait.ge [sflag:s22], $0x800  }
0x193: {  	[sflag:s22] =	ssyncset.done $0x0  }
0x194: {  	s23 =	simm.s32 $0x7;
	[sflag:s22] =	ssyncadd.s32 $0xFFFFF800  }
0x195: {  	_ =	swait.ge [sflag:s23], $0x800  }
0x196: {  	[sflag:s23] =	ssyncset.done $0x0  }
0x197: {  	s24 =	simm.s32 $0x8;
	[sflag:s23] =	ssyncadd.s32 $0xFFFFF800  }
0x198: {  	_ =	swait.ge [sflag:s24], $0x800  }
0x199: {  	[sflag:s24] =	ssyncset.done $0x0  }
0x19a: {  	s25 =	simm.s32 $0x9;
	[sflag:s24] =	ssyncadd.s32 $0xFFFFF800  }
0x19b: {  	_ =	swait.ge [sflag:s25], $0x800  }
0x19c: {  	[sflag:s25] =	ssyncset.done $0x0  }
0x19d: {  	s26 =	simm.s32 $0xA;
	[sflag:s25] =	ssyncadd.s32 $0xFFFFF800  }
0x19e: {  	_ =	swait.ge [sflag:s26], $0x80  }
0x19f: {  	[sflag:s26] =	ssyncset.done $0x0  }
0x1a0: {  	[sflag:s26] =	ssyncadd.s32 $0xFFFFFF80  }
0x1a1: {  	_ =	swait.ge [sflag:s26], $0x80  }
0x1a2: {  	[sflag:s26] =	ssyncset.done $0x0  }
0x1a3: {  	[sflag:s26] =	ssyncadd.s32 $0xFFFFFF80  }
0x1a4: {  	_ =	swait.ge [sflag:s26], $0x80  }
0x1a5: {  	[sflag:s26] =	ssyncset.done $0x0  }
0x1a6: {  	[sflag:s26] =	ssyncadd.s32 $0xFFFFFF80  }
0x1a7: {  	_ =	swait.ge [sflag:s26], $0x80  }
0x1a8: {  	[sflag:s26] =	ssyncset.done $0x0  }
0x1a9: {  	[sflag:s26] =	ssyncadd.s32 $0xFFFFFF80  }
0x1aa: {  	[bflag:$0x0] =	sbarrier.arrive $0xFFFF  }
0x1ab: {  	s12 =	rddreg [dreg:$0xd]  }
0x1ac: {  	s6 =	rddreg [dreg:$0x13]  }
0x1ad: {  	s9 =	simm.s32 $0xB;
	s28 =	rddreg [dreg:$0x15]  }
0x1ae: {  	[hbm:s28], [sflag:s12] =	dma.local [spmem:s6], $0x3100  }
0x1af: {  	_ =	swait.ge [sflag:s9], $0x3100  }
0x1b0: {  	[sflag:s9] =	ssyncset.done $0x0;
	s7 =	rddreg [dreg:$0x14]  }
0x1b1: {  	s29 =	rddreg [dreg:$0x16];
	[sflag:s9] =	ssyncadd.s32 $0xFFFFCF00  }
0x1b2: {  	[hbm:s29], [sflag:s12] =	dma.local [spmem:s7], $0x310  }
0x1b3: {  	_ =	swait.ge [sflag:s9], $0x310  }
0x1b4: {  	s30 =	rddreg [dreg:$0x17]  }
0x1b5: {  	s31 =	rddreg [dreg:$0x10];
	s1 =	sadd.s32 $0x1, s30  }
0x1b6: {  	p1 =	sne.s32 s1, s31  }
.Ltmp1:
0x1b7: {  	_ = 	snop;
	(pc) =	sbr.rel @p1 .LBB2_1-.Ltmp1, $3  }
0x1b8: {  	_ =	sdelay $0x1  }
0x1b9: {  	[sflag:s9] =	ssyncset.done $0x0  }
0x1ba: {  	[sflag:s9] =	ssyncadd.s32 $0xFFFFFCF0  }
0x1bb: {  	_ =	sfence.sel $0x180000  }
0x1bc: {  	[bflag:$0x0] =	sbarrier.arrive $0xFFFF  }
0x1bd: {  	_ =	strace $0x90000047  }
0x1be: {  	s0 =	stileid.u32;
	[bflag:$0x2] =	sbarrier.arrive $0xFFFF  }
0x1bf: {  	p0 =	sne.s32 s0, $0x0;
	s0 =	rddreg [dreg:$0x3]  }
0x1c0: {  	s0 =	sadd.s32 @!p0 $0x100000, s0  }
0x1c1: {  	[sflag:s0] =	ssyncadd.tile.s32 @!p0 $0x1;
	_ =	shalt  }
.Lfunc_end2:
_tile_overlayer_lowered:
.L_overlay_start_2:
0x1c2: {  	(tag) =	ssettag $0x2  }
0x1c3: {  	s0 =	rddreg [dreg:$0x0];
	s2 =	stileid.u32  }
0x1c4: {  	s1 =	rddreg [dreg:$0x1];
	p0 =	sne.s32 s2, $0x0  }
0x1c5: {  	s3 =	rddreg [dreg:$0x2];
	[bflag:$0x3] =	sbarrier.arrive $0xFFFF;
	s2 =	simm.s32 @!p0 $0x1C0B  }
0x1c6: {  	[timem:s3], [sflag:s2] =	dma.local @!p0 [hbm:s0], s1  }
0x1c7: {  	s0 =	simm.s32 @!p0 $0xB  }
0x1c8: {  	_ =	swait.ge @!p0 [sflag:s0], s1  }
0x1c9: {  	s1 =	ssub.s32 @!p0 $0x0, s1;
	[sflag:s0] =	ssyncset.done @!p0 $0x0  }
0x1ca: {  	[sflag:s0] =	ssyncadd.s32 @!p0 s1  }
0x1cb: {  	[bflag:$0x3] =	sbarrier.arrive $0xFFFF  }
0x1cc: {  	_ =	shalt  }

</sc_bundles>
